<compile_context>
chip_gen: v7x
topology: tpu7x:2x2x1
jax: 0.10.2.dev20260603
libtpu: 0.0.44.dev20260713+nightly
codegen_flags: <defaults>
</compile_context>

<pallas_src>
import functools

import jax
import jax.numpy as jnp
from jax import lax
from jax.experimental import pallas as pl
from jax.experimental.pallas import tpu as pltpu
from jax.experimental.pallas import tpu_sc as plsc

WINDOW = 5
LANES = 128


@functools.cache
def _make_prep_stage(B, L, V, D):
    def prep_body(ids_ref, tab_ref, b_ref, idsimg_ref, tabpad_ref, bt_ref):
        idsimg_ref[...] = jnp.concatenate(
            [jnp.transpose(ids_ref[...]),
             jnp.zeros((B, LANES - L), jnp.int32)], axis=1)
        tabpad_ref[...] = jnp.concatenate(
            [jnp.transpose(tab_ref[...]),
             jnp.zeros((V, LANES - D), jnp.float32)], axis=1)
        bt_ref[...] = jnp.transpose(
            jnp.broadcast_to(b_ref[...].reshape(1, V), (8, V)))

    return pl.pallas_call(
        prep_body,
        out_shape=[
            jax.ShapeDtypeStruct((B, LANES), jnp.int32),
            jax.ShapeDtypeStruct((V, LANES), jnp.float32),
            jax.ShapeDtypeStruct((V, 8), jnp.float32),
        ],
    )


@functools.cache
def _make_sc_stage(B, L, V, D):
    info = plsc.get_sparse_core_info()
    NC, NS = info.num_cores, info.num_subcores
    NW = NC * NS
    NL = info.num_lanes
    assert B % NW == 0 and D == NL and L >= NL
    seq_per_w = B // NW
    koffs = [i * NL for i in range(L // NL)]
    if L % NL:
        koffs.append(L - NL)

    mesh = plsc.VectorSubcoreMesh(core_axis_name="c", subcore_axis_name="s")

    @functools.partial(
        pl.kernel,
        mesh=mesh,
        compiler_params=pltpu.CompilerParams(use_tc_tiling_on_sc=False,
                                             needs_layout_passes=False),
        out_type=jax.ShapeDtypeStruct((L, D, B), jnp.float32),
        scratch_types=[
            pltpu.VMEM((seq_per_w, LANES), jnp.int32),
            pltpu.VMEM((V, D), jnp.float32),
            pltpu.VMEM((seq_per_w * L, D), jnp.float32),
            pltpu.VMEM((L * D, seq_per_w), jnp.float32),
            pltpu.SemaphoreType.DMA,
        ],
    )
    def sc_kernel(ids_hbm, table_hbm, out_hbm, idx_v, tab_v, rows_v,
                  gvt_v, sem):
        wid = lax.axis_index("s") * NC + lax.axis_index("c")

        pltpu.sync_copy(ids_hbm.at[pl.ds(wid * seq_per_w, seq_per_w)], idx_v)
        pltpu.sync_copy(table_hbm.at[pl.ds(0, V), pl.ds(0, D)], tab_v)

        lane_i = jnp.arange(NL, dtype=jnp.int32)
        zeros_i = jnp.zeros((NL,), jnp.int32)
        dvecs = [jnp.full((NL,), d, jnp.int32) for d in range(D)]
        zero = jnp.zeros((D,), jnp.float32)
        PAIR = 2

        def seq_body(i, carry):
            seqs = [i * PAIR + j for j in range(PAIR)]
            svecs = [zeros_i + s for s in seqs]

            for s in seqs:
                for koff in koffs:
                    v = idx_v[s, pl.ds(koff, NL)]
                    tokvec = lane_i + (s * L + koff)
                    vals = [plsc.load_gather(tab_v, [v, dvecs[d]])
                            for d in range(D)]
                    for d in range(D):
                        plsc.store_scatter(rows_v, [tokvec, dvecs[d]],
                                           vals[d])

            es = [{} for _ in seqs]
            cums = [{0: zero} for _ in seqs]

            def emit(j, p):
                c = cums[j]
                if p < WINDOW:
                    g = c[p + WINDOW] - c[1]
                elif p + WINDOW > L:
                    g = c[L - 1] - c[p - WINDOW]
                else:
                    g = c[p + WINDOW] - c[p - WINDOW] - es[j][p]
                rowvec = lane_i + p * D
                plsc.store_scatter(gvt_v, [rowvec, svecs[j]], g)

            lag = WINDOW + 4
            for t in range(L):
                for j, s in enumerate(seqs):
                    e = rows_v[s * L + t, :]
                    es[j][t] = e
                    cums[j][t + 1] = cums[j][t] + e
                for j in range(PAIR):
                    p = t - lag
                    if p >= 0:
                        emit(j, p)
            for p in range(L - lag, L):
                for j in range(PAIR):
                    emit(j, p)
            return carry

        lax.fori_loop(0, seq_per_w // PAIR, seq_body, 0)

        copies = []
        for l in range(L):
            copies.append(
                pltpu.async_copy(
                    gvt_v.at[pl.ds(l * D, D)],
                    out_hbm.at[l, pl.ds(0, D),
                               pl.ds(wid * seq_per_w, seq_per_w)],
                    sem,
                )
            )
        for cp in copies:
            cp.wait()

    return sc_kernel


@functools.cache
def _make_tc_stage(B, L, V, D, LB=2):
    assert L % LB == 0

    def mm_body(x_ref, w_ref, b_ref, o_ref):
        w = w_ref[...]
        bias = b_ref[...][:, 0:1]
        for j in range(LB):
            o_ref[j] = (
                lax.dot_general(
                    w, x_ref[j],
                    (((0,), (0,)), ((), ())),
                    preferred_element_type=jnp.float32,
                )
                + bias
            )

    return pl.pallas_call(
        mm_body,
        grid=(L // LB,),
        in_specs=[
            pl.BlockSpec((LB, D, B), lambda i: (i, 0, 0)),
            pl.BlockSpec((D, V), lambda i: (0, 0)),
            pl.BlockSpec((V, 8), lambda i: (0, 0)),
        ],
        out_specs=pl.BlockSpec((LB, V, B), lambda i: (i, 0, 0)),
        out_shape=jax.ShapeDtypeStruct((L, V, B), jnp.float32),
    )


def kernel(ids, emb_table, W, b):
    B, L = ids.shape
    V, D = emb_table.shape
    ids = ids.astype(jnp.int32)
    ids_img, tab_pad, b_t = _make_prep_stage(B, L, V, D)(
        jnp.transpose(ids), jnp.transpose(emb_table), b)
    grouped_t = _make_sc_stage(B, L, V, D)(ids_img, tab_pad)
    out_t = _make_tc_stage(B, L, V, D)(grouped_t, jnp.transpose(W), b_t)
    return jnp.transpose(out_t, (2, 0, 1))

# --- scband reference (transcript-rebuilt; emitter-appended) ---
"""Pipeline reference for scband-skip-gram-embedding-model-19679540150655 (READ-ONLY COPY).

The authoritative reference and input builder live on the scoring server;
editing this copy changes nothing except your own understanding.
"""

import jax, jax.numpy as jnp
import numpy as np

VOCAB = 1000
DIM = 16
PAD_ID = 0
WINDOW = 5
B = 1024
L = 50


def setup_inputs(seed: int = 0) -> dict:
    key = jax.random.key(seed)
    k1, k2, k3 = jax.random.split(key, 3)
    ids = jax.random.randint(k1, (B, L), 0, VOCAB)
    emb_table = jax.random.uniform(k2, (VOCAB, DIM), dtype=jnp.float32)
    emb_table = emb_table.at[PAD_ID].set(0.0)
    W = jax.random.normal(k3, (VOCAB, DIM), dtype=jnp.float32) * 0.02
    b = jnp.zeros((VOCAB,), dtype=jnp.float32)
    return {"ids": ids, "emb_table": emb_table, "W": W, "b": b}


def reference(ids, emb_table, W, b):
    # embedding lookup (gather)
    embedded = jnp.take(emb_table, ids, axis=0)  # [B, L, DIM]
    seq_len = ids.shape[1]
    grouped = []
    for i in range(seq_len):
        if i - WINDOW < 0:
            group = embedded[:, 1:i + WINDOW].sum(axis=1)
        elif i + WINDOW > seq_len:
            group = embedded[:, i - WINDOW:-1].sum(axis=1)
        else:
            group = embedded[:, i - WINDOW:i + WINDOW].sum(axis=1)
            group = group - embedded[:, i]
        grouped.append(group)
    grouped_emb = jnp.stack(grouped, axis=1)  # [B, L, DIM]
    out = jnp.einsum('bld,vd->blv', grouped_emb, W) + b  # [B, L, VOCAB]
    return out

if __name__ == "__main__":
    import jax
    _d = setup_inputs()
    print(jax.jit(kernel)(*tuple(_d.values())))

</pallas_src>

<mosaic_0001>
#map = affine_map<(d0, d1) -> (0, 0)>
#map1 = affine_map<(d0, d1) -> (0, 0, 0)>
module attributes {stable_mosaic.version = 14 : i64} {
  func.func @sc_kernel(%arg0: i32, %arg1: i32, %arg2: memref<1024x128xi32, #tpu.memory_space<hbm>>, %arg3: memref<1000x128xf32, #tpu.memory_space<hbm>>, %arg4: memref<50x16x1024xf32, #tpu.memory_space<hbm>>, %arg5: memref<32x128xi32, #tpu.memory_space<vmem>>, %arg6: memref<1000x16xf32, #tpu.memory_space<vmem>>, %arg7: memref<1600x16xf32, #tpu.memory_space<vmem>>, %arg8: memref<800x32xf32, #tpu.memory_space<vmem>>, %arg9: memref<!tpu.dma_semaphore, #tpu.memory_space<semaphore_mem>>) attributes {dimension_semantics = [#tpu.dimension_semantics<core_parallel>, #tpu.dimension_semantics<subcore_parallel>], iteration_bounds = array<i64: 2, 16>, scalar_prefetch = 0 : i64, scratch_operands = 5 : i64, tpu.core_type = #tpu.core_type<sc_vector_subcore>, window_params = [{transform_indices = #map}, {transform_indices = #map}, {transform_indices = #map1}]} {
    %mul3A = arith.constant 2 : i32
    %mul3A_0 = arith.muli %arg1, %mul3A : i32
    %add3A = arith.addi %mul3A_0, %arg0 : i32
    %mul3A_1 = arith.constant 32 : i32
    %mul3A_2 = arith.muli %add3A, %mul3A_1 : i32
    "tpu.region"() ({
      %run_scoped3A = tpu.sem_alloc : memref<!tpu.dma_semaphore, #tpu.memory_space<semaphore_mem>>
      %dma_start3A_1441 = arith.constant 0 : i32
      %dma_start3A_1442 = tpu.memref_slice %arg2[%mul3A_2, %dma_start3A_1441] : memref<1024x128xi32, #tpu.memory_space<hbm>> -> memref<32x128xi32, #tpu.memory_space<hbm>>
      %dma_start3A_1443 = arith.constant 0 : i32
      %dma_start3A_1444 = tpu.memref_slice %arg2[%mul3A_2, %dma_start3A_1443] : memref<1024x128xi32, #tpu.memory_space<hbm>> -> memref<32x128xi32, #tpu.memory_space<hbm>>
      tpu.enqueue_dma source(%dma_start3A_1444 : memref<32x128xi32, #tpu.memory_space<hbm>>) target(%arg5 : memref<32x128xi32, #tpu.memory_space<vmem>>) target_semaphore(%run_scoped3A : memref<!tpu.dma_semaphore, #tpu.memory_space<semaphore_mem>>)
      %dma_wait3A_1445 = arith.constant 0 : i32
      %dma_wait3A_1446 = tpu.memref_slice %arg2[%mul3A_2, %dma_wait3A_1445] : memref<1024x128xi32, #tpu.memory_space<hbm>> -> memref<32x128xi32, #tpu.memory_space<hbm>>
      %dma_wait3A_1447 = arith.constant 0 : i32
      %dma_wait3A_1448 = tpu.memref_slice %arg2[%mul3A_2, %dma_wait3A_1447] : memref<1024x128xi32, #tpu.memory_space<hbm>> -> memref<32x128xi32, #tpu.memory_space<hbm>>
      tpu.wait_dma2 semaphore(%run_scoped3A : memref<!tpu.dma_semaphore, #tpu.memory_space<semaphore_mem>>) src(%dma_wait3A_1448 : memref<32x128xi32, #tpu.memory_space<hbm>>) dst(%arg5 : memref<32x128xi32, #tpu.memory_space<vmem>>)
      tpu.yield
    }) : () -> ()
    "tpu.region"() ({
      %run_scoped3A = tpu.sem_alloc : memref<!tpu.dma_semaphore, #tpu.memory_space<semaphore_mem>>
      %dma_start3A_1441 = arith.constant 0 : i32
      %dma_start3A_1442 = arith.constant 0 : i32
      %dma_start3A_1443 = tpu.memref_slice %arg3[%dma_start3A_1441, %dma_start3A_1442] : memref<1000x128xf32, #tpu.memory_space<hbm>> -> memref<1000x16xf32, #tpu.memory_space<hbm>>
      %dma_start3A_1444 = arith.constant 0 : i32
      %dma_start3A_1445 = arith.constant 0 : i32
      %dma_start3A_1446 = tpu.memref_slice %arg3[%dma_start3A_1444, %dma_start3A_1445] : memref<1000x128xf32, #tpu.memory_space<hbm>> -> memref<1000x16xf32, #tpu.memory_space<hbm>>
      tpu.enqueue_dma source(%dma_start3A_1446 : memref<1000x16xf32, #tpu.memory_space<hbm>>) target(%arg6 : memref<1000x16xf32, #tpu.memory_space<vmem>>) target_semaphore(%run_scoped3A : memref<!tpu.dma_semaphore, #tpu.memory_space<semaphore_mem>>)
      %dma_wait3A_1447 = arith.constant 0 : i32
      %dma_wait3A_1448 = arith.constant 0 : i32
      %dma_wait3A_1449 = tpu.memref_slice %arg3[%dma_wait3A_1447, %dma_wait3A_1448] : memref<1000x128xf32, #tpu.memory_space<hbm>> -> memref<1000x16xf32, #tpu.memory_space<hbm>>
      %dma_wait3A_1450 = arith.constant 0 : i32
      %dma_wait3A_1451 = arith.constant 0 : i32
      %dma_wait3A_1452 = tpu.memref_slice %arg3[%dma_wait3A_1450, %dma_wait3A_1451] : memref<1000x128xf32, #tpu.memory_space<hbm>> -> memref<1000x16xf32, #tpu.memory_space<hbm>>
      tpu.wait_dma2 semaphore(%run_scoped3A : memref<!tpu.dma_semaphore, #tpu.memory_space<semaphore_mem>>) src(%dma_wait3A_1452 : memref<1000x16xf32, #tpu.memory_space<hbm>>) dst(%arg6 : memref<1000x16xf32, #tpu.memory_space<vmem>>)
      tpu.yield
    }) : () -> ()
    %iota3A = tpu.iota {dimensions = array<i32: 0>} : vector<16xi32>
    %broadcast_in_dim3A = arith.constant 0 : i32
    %broadcast_in_dim3A_3 = vector.broadcast %broadcast_in_dim3A : i32 to vector<16xi32>
    %broadcast_in_dim3A_4 = arith.constant 0 : i32
    %broadcast_in_dim3A_5 = vector.broadcast %broadcast_in_dim3A_4 : i32 to vector<16xi32>
    %broadcast_in_dim3A_6 = arith.constant 1 : i32
    %broadcast_in_dim3A_7 = vector.broadcast %broadcast_in_dim3A_6 : i32 to vector<16xi32>
    %broadcast_in_dim3A_8 = arith.constant 2 : i32
    %broadcast_in_dim3A_9 = vector.broadcast %broadcast_in_dim3A_8 : i32 to vector<16xi32>
    %broadcast_in_dim3A_10 = arith.constant 3 : i32
    %broadcast_in_dim3A_11 = vector.broadcast %broadcast_in_dim3A_10 : i32 to vector<16xi32>
    %broadcast_in_dim3A_12 = arith.constant 4 : i32
    %broadcast_in_dim3A_13 = vector.broadcast %broadcast_in_dim3A_12 : i32 to vector<16xi32>
    %broadcast_in_dim3A_14 = arith.constant 5 : i32
    %broadcast_in_dim3A_15 = vector.broadcast %broadcast_in_dim3A_14 : i32 to vector<16xi32>
    %broadcast_in_dim3A_16 = arith.constant 6 : i32
    %broadcast_in_dim3A_17 = vector.broadcast %broadcast_in_dim3A_16 : i32 to vector<16xi32>
    %broadcast_in_dim3A_18 = arith.constant 7 : i32
    %broadcast_in_dim3A_19 = vector.broadcast %broadcast_in_dim3A_18 : i32 to vector<16xi32>
    %broadcast_in_dim3A_20 = arith.constant 8 : i32
    %broadcast_in_dim3A_21 = vector.broadcast %broadcast_in_dim3A_20 : i32 to vector<16xi32>
    %broadcast_in_dim3A_22 = arith.constant 9 : i32
    %broadcast_in_dim3A_23 = vector.broadcast %broadcast_in_dim3A_22 : i32 to vector<16xi32>
    %broadcast_in_dim3A_24 = arith.constant 10 : i32
    %broadcast_in_dim3A_25 = vector.broadcast %broadcast_in_dim3A_24 : i32 to vector<16xi32>
    %broadcast_in_dim3A_26 = arith.constant 11 : i32
    %broadcast_in_dim3A_27 = vector.broadcast %broadcast_in_dim3A_26 : i32 to vector<16xi32>
    %broadcast_in_dim3A_28 = arith.constant 12 : i32
    %broadcast_in_dim3A_29 = vector.broadcast %broadcast_in_dim3A_28 : i32 to vector<16xi32>
    %broadcast_in_dim3A_30 = arith.constant 13 : i32
    %broadcast_in_dim3A_31 = vector.broadcast %broadcast_in_dim3A_30 : i32 to vector<16xi32>
    %broadcast_in_dim3A_32 = arith.constant 14 : i32
    %broadcast_in_dim3A_33 = vector.broadcast %broadcast_in_dim3A_32 : i32 to vector<16xi32>
    %broadcast_in_dim3A_34 = arith.constant 15 : i32
    %broadcast_in_dim3A_35 = vector.broadcast %broadcast_in_dim3A_34 : i32 to vector<16xi32>
    %broadcast_in_dim3A_36 = arith.constant 0.000000e+00 : f32
    %broadcast_in_dim3A_37 = vector.broadcast %broadcast_in_dim3A_36 : f32 to vector<16xf32>
    %scan3A = arith.constant 0 : i32
    %scan3A_38 = arith.constant 0 : i32
    %scan3A_39 = arith.constant 16 : i32
    %scan3A_40 = arith.addi %scan3A_38, %scan3A_39 : i32
    %scan3A_41 = arith.constant 1 : i32
    scf.for %scan3A_1441 = %scan3A_38 to %scan3A_40 step %scan3A_41  : i32 {
      %mul3A_1442 = arith.constant 2 : i32
      %mul3A_1443 = arith.muli %scan3A_1441, %mul3A_1442 : i32
      %add3A_1444 = arith.constant 0 : i32
      %add3A_1445 = arith.addi %mul3A_1443, %add3A_1444 : i32
      %mul3A_1446 = arith.constant 2 : i32
      %mul3A_1447 = arith.muli %scan3A_1441, %mul3A_1446 : i32
      %add3A_1448 = arith.constant 1 : i32
      %add3A_1449 = arith.addi %mul3A_1447, %add3A_1448 : i32
      %add3A_1450 = vector.broadcast %add3A_1445 : i32 to vector<16xi32>
      %add3A_1451 = arith.addi %broadcast_in_dim3A_3, %add3A_1450 : vector<16xi32>
      %add3A_1452 = vector.broadcast %add3A_1449 : i32 to vector<16xi32>
      %add3A_1453 = arith.addi %broadcast_in_dim3A_3, %add3A_1452 : vector<16xi32>
      %get3A = arith.index_cast %add3A_1445 : i32 to index
      %get3A_1454 = arith.constant 0 : index
      %get3A_1455 = tpu.vector_load %arg5[%get3A, %get3A_1454] {strides = array<i32>} : memref<32x128xi32, #tpu.memory_space<vmem>>, vector<16xi32>,
      %mul3A_1456 = arith.constant 50 : i32
      %mul3A_1457 = arith.muli %add3A_1445, %mul3A_1456 : i32
      %add3A_1458 = arith.constant 0 : i32
      %add3A_1459 = arith.addi %mul3A_1457, %add3A_1458 : i32
      %add3A_1460 = vector.broadcast %add3A_1459 : i32 to vector<16xi32>
      %add3A_1461 = arith.addi %iota3A, %add3A_1460 : vector<16xi32>
      %gather3A = tpu.vector_load_idx %arg6[%get3A_1455, %broadcast_in_dim3A_5] : memref<1000x16xf32, #tpu.memory_space<vmem>>[vector<16xi32>, vector<16xi32>], vector<16xf32>,
      %gather3A_1462 = tpu.vector_load_idx %arg6[%get3A_1455, %broadcast_in_dim3A_7] : memref<1000x16xf32, #tpu.memory_space<vmem>>[vector<16xi32>, vector<16xi32>], vector<16xf32>,
      %gather3A_1463 = tpu.vector_load_idx %arg6[%get3A_1455, %broadcast_in_dim3A_9] : memref<1000x16xf32, #tpu.memory_space<vmem>>[vector<16xi32>, vector<16xi32>], vector<16xf32>,
      %gather3A_1464 = tpu.vector_load_idx %arg6[%get3A_1455, %broadcast_in_dim3A_11] : memref<1000x16xf32, #tpu.memory_space<vmem>>[vector<16xi32>, vector<16xi32>], vector<16xf32>,
      %gather3A_1465 = tpu.vector_load_idx %arg6[%get3A_1455, %broadcast_in_dim3A_13] : memref<1000x16xf32, #tpu.memory_space<vmem>>[vector<16xi32>, vector<16xi32>], vector<16xf32>,
      %gather3A_1466 = tpu.vector_load_idx %arg6[%get3A_1455, %broadcast_in_dim3A_15] : memref<1000x16xf32, #tpu.memory_space<vmem>>[vector<16xi32>, vector<16xi32>], vector<16xf32>,
      %gather3A_1467 = tpu.vector_load_idx %arg6[%get3A_1455, %broadcast_in_dim3A_17] : memref<1000x16xf32, #tpu.memory_space<vmem>>[vector<16xi32>, vector<16xi32>], vector<16xf32>,
      %gather3A_1468 = tpu.vector_load_idx %arg6[%get3A_1455, %broadcast_in_dim3A_19] : memref<1000x16xf32, #tpu.memory_space<vmem>>[vector<16xi32>, vector<16xi32>], vector<16xf32>,
      %gather3A_1469 = tpu.vector_load_idx %arg6[%get3A_1455, %broadcast_in_dim3A_21] : memref<1000x16xf32, #tpu.memory_space<vmem>>[vector<16xi32>, vector<16xi32>], vector<16xf32>,
      %gather3A_1470 = tpu.vector_load_idx %arg6[%get3A_1455, %broadcast_in_dim3A_23] : memref<1000x16xf32, #tpu.memory_space<vmem>>[vector<16xi32>, vector<16xi32>], vector<16xf32>,
      %gather3A_1471 = tpu.vector_load_idx %arg6[%get3A_1455, %broadcast_in_dim3A_25] : memref<1000x16xf32, #tpu.memory_space<vmem>>[vector<16xi32>, vector<16xi32>], vector<16xf32>,
      %gather3A_1472 = tpu.vector_load_idx %arg6[%get3A_1455, %broadcast_in_dim3A_27] : memref<1000x16xf32, #tpu.memory_space<vmem>>[vector<16xi32>, vector<16xi32>], vector<16xf32>,
      %gather3A_1473 = tpu.vector_load_idx %arg6[%get3A_1455, %broadcast_in_dim3A_29] : memref<1000x16xf32, #tpu.memory_space<vmem>>[vector<16xi32>, vector<16xi32>], vector<16xf32>,
      %gather3A_1474 = tpu.vector_load_idx %arg6[%get3A_1455, %broadcast_in_dim3A_31] : memref<1000x16xf32, #tpu.memory_space<vmem>>[vector<16xi32>, vector<16xi32>], vector<16xf32>,
      %gather3A_1475 = tpu.vector_load_idx %arg6[%get3A_1455, %broadcast_in_dim3A_33] : memref<1000x16xf32, #tpu.memory_space<vmem>>[vector<16xi32>, vector<16xi32>], vector<16xf32>,
      %gather3A_1476 = tpu.vector_load_idx %arg6[%get3A_1455, %broadcast_in_dim3A_35] : memref<1000x16xf32, #tpu.memory_space<vmem>>[vector<16xi32>, vector<16xi32>], vector<16xf32>,
      tpu.vector_store_idx %arg7[%add3A_1461, %broadcast_in_dim3A_5], %gather3A : memref<1600x16xf32, #tpu.memory_space<vmem>>[vector<16xi32>, vector<16xi32>], vector<16xf32>,
      tpu.vector_store_idx %arg7[%add3A_1461, %broadcast_in_dim3A_7], %gather3A_1462 : memref<1600x16xf32, #tpu.memory_space<vmem>>[vector<16xi32>, vector<16xi32>], vector<16xf32>,
      tpu.vector_store_idx %arg7[%add3A_1461, %broadcast_in_dim3A_9], %gather3A_1463 : memref<1600x16xf32, #tpu.memory_space<vmem>>[vector<16xi32>, vector<16xi32>], vector<16xf32>,
      tpu.vector_store_idx %arg7[%add3A_1461, %broadcast_in_dim3A_11], %gather3A_1464 : memref<1600x16xf32, #tpu.memory_space<vmem>>[vector<16xi32>, vector<16xi32>], vector<16xf32>,
      tpu.vector_store_idx %arg7[%add3A_1461, %broadcast_in_dim3A_13], %gather3A_1465 : memref<1600x16xf32, #tpu.memory_space<vmem>>[vector<16xi32>, vector<16xi32>], vector<16xf32>,
      tpu.vector_store_idx %arg7[%add3A_1461, %broadcast_in_dim3A_15], %gather3A_1466 : memref<1600x16xf32, #tpu.memory_space<vmem>>[vector<16xi32>, vector<16xi32>], vector<16xf32>,
      tpu.vector_store_idx %arg7[%add3A_1461, %broadcast_in_dim3A_17], %gather3A_1467 : memref<1600x16xf32, #tpu.memory_space<vmem>>[vector<16xi32>, vector<16xi32>], vector<16xf32>,
      tpu.vector_store_idx %arg7[%add3A_1461, %broadcast_in_dim3A_19], %gather3A_1468 : memref<1600x16xf32, #tpu.memory_space<vmem>>[vector<16xi32>, vector<16xi32>], vector<16xf32>,
      tpu.vector_store_idx %arg7[%add3A_1461, %broadcast_in_dim3A_21], %gather3A_1469 : memref<1600x16xf32, #tpu.memory_space<vmem>>[vector<16xi32>, vector<16xi32>], vector<16xf32>,
      tpu.vector_store_idx %arg7[%add3A_1461, %broadcast_in_dim3A_23], %gather3A_1470 : memref<1600x16xf32, #tpu.memory_space<vmem>>[vector<16xi32>, vector<16xi32>], vector<16xf32>,
      tpu.vector_store_idx %arg7[%add3A_1461, %broadcast_in_dim3A_25], %gather3A_1471 : memref<1600x16xf32, #tpu.memory_space<vmem>>[vector<16xi32>, vector<16xi32>], vector<16xf32>,
      tpu.vector_store_idx %arg7[%add3A_1461, %broadcast_in_dim3A_27], %gather3A_1472 : memref<1600x16xf32, #tpu.memory_space<vmem>>[vector<16xi32>, vector<16xi32>], vector<16xf32>,
      tpu.vector_store_idx %arg7[%add3A_1461, %broadcast_in_dim3A_29], %gather3A_1473 : memref<1600x16xf32, #tpu.memory_space<vmem>>[vector<16xi32>, vector<16xi32>], vector<16xf32>,
      tpu.vector_store_idx %arg7[%add3A_1461, %broadcast_in_dim3A_31], %gather3A_1474 : memref<1600x16xf32, #tpu.memory_space<vmem>>[vector<16xi32>, vector<16xi32>], vector<16xf32>,
      tpu.vector_store_idx %arg7[%add3A_1461, %broadcast_in_dim3A_33], %gather3A_1475 : memref<1600x16xf32, #tpu.memory_space<vmem>>[vector<16xi32>, vector<16xi32>], vector<16xf32>,
      tpu.vector_store_idx %arg7[%add3A_1461, %broadcast_in_dim3A_35], %gather3A_1476 : memref<1600x16xf32, #tpu.memory_space<vmem>>[vector<16xi32>, vector<16xi32>], vector<16xf32>,
      %get3A_1477 = arith.index_cast %add3A_1445 : i32 to index
      %get3A_1478 = arith.constant 16 : index
      %get3A_1479 = tpu.vector_load %arg5[%get3A_1477, %get3A_1478] {strides = array<i32>} : memref<32x128xi32, #tpu.memory_space<vmem>>, vector<16xi32>,
      %mul3A_1480 = arith.constant 50 : i32
      %mul3A_1481 = arith.muli %add3A_1445, %mul3A_1480 : i32
      %add3A_1482 = arith.constant 16 : i32
      %add3A_1483 = arith.addi %mul3A_1481, %add3A_1482 : i32
      %add3A_1484 = vector.broadcast %add3A_1483 : i32 to vector<16xi32>
      %add3A_1485 = arith.addi %iota3A, %add3A_1484 : vector<16xi32>
      %gather3A_1486 = tpu.vector_load_idx %arg6[%get3A_1479, %broadcast_in_dim3A_5] : memref<1000x16xf32, #tpu.memory_space<vmem>>[vector<16xi32>, vector<16xi32>], vector<16xf32>,
      %gather3A_1487 = tpu.vector_load_idx %arg6[%get3A_1479, %broadcast_in_dim3A_7] : memref<1000x16xf32, #tpu.memory_space<vmem>>[vector<16xi32>, vector<16xi32>], vector<16xf32>,
      %gather3A_1488 = tpu.vector_load_idx %arg6[%get3A_1479, %broadcast_in_dim3A_9] : memref<1000x16xf32, #tpu.memory_space<vmem>>[vector<16xi32>, vector<16xi32>], vector<16xf32>,
      %gather3A_1489 = tpu.vector_load_idx %arg6[%get3A_1479, %broadcast_in_dim3A_11] : memref<1000x16xf32, #tpu.memory_space<vmem>>[vector<16xi32>, vector<16xi32>], vector<16xf32>,
      %gather3A_1490 = tpu.vector_load_idx %arg6[%get3A_1479, %broadcast_in_dim3A_13] : memref<1000x16xf32, #tpu.memory_space<vmem>>[vector<16xi32>, vector<16xi32>], vector<16xf32>,
      %gather3A_1491 = tpu.vector_load_idx %arg6[%get3A_1479, %broadcast_in_dim3A_15] : memref<1000x16xf32, #tpu.memory_space<vmem>>[vector<16xi32>, vector<16xi32>], vector<16xf32>,
      %gather3A_1492 = tpu.vector_load_idx %arg6[%get3A_1479, %broadcast_in_dim3A_17] : memref<1000x16xf32, #tpu.memory_space<vmem>>[vector<16xi32>, vector<16xi32>], vector<16xf32>,
      %gather3A_1493 = tpu.vector_load_idx %arg6[%get3A_1479, %broadcast_in_dim3A_19] : memref<1000x16xf32, #tpu.memory_space<vmem>>[vector<16xi32>, vector<16xi32>], vector<16xf32>,
      %gather3A_1494 = tpu.vector_load_idx %arg6[%get3A_1479, %broadcast_in_dim3A_21] : memref<1000x16xf32, #tpu.memory_space<vmem>>[vector<16xi32>, vector<16xi32>], vector<16xf32>,
      %gather3A_1495 = tpu.vector_load_idx %arg6[%get3A_1479, %broadcast_in_dim3A_23] : memref<1000x16xf32, #tpu.memory_space<vmem>>[vector<16xi32>, vector<16xi32>], vector<16xf32>,
      %gather3A_1496 = tpu.vector_load_idx %arg6[%get3A_1479, %broadcast_in_dim3A_25] : memref<1000x16xf32, #tpu.memory_space<vmem>>[vector<16xi32>, vector<16xi32>], vector<16xf32>,
      %gather3A_1497 = tpu.vector_load_idx %arg6[%get3A_1479, %broadcast_in_dim3A_27] : memref<1000x16xf32, #tpu.memory_space<vmem>>[vector<16xi32>, vector<16xi32>], vector<16xf32>,
      %gather3A_1498 = tpu.vector_load_idx %arg6[%get3A_1479, %broadcast_in_dim3A_29] : memref<1000x16xf32, #tpu.memory_space<vmem>>[vector<16xi32>, vector<16xi32>], vector<16xf32>,
      %gather3A_1499 = tpu.vector_load_idx %arg6[%get3A_1479, %broadcast_in_dim3A_31] : memref<1000x16xf32, #tpu.memory_space<vmem>>[vector<16xi32>, vector<16xi32>], vector<16xf32>,
      %gather3A_1500 = tpu.vector_load_idx %arg6[%get3A_1479, %broadcast_in_dim3A_33] : memref<1000x16xf32, #tpu.memory_space<vmem>>[vector<16xi32>, vector<16xi32>], vector<16xf32>,
      %gather3A_1501 = tpu.vector_load_idx %arg6[%get3A_1479, %broadcast_in_dim3A_35] : memref<1000x16xf32, #tpu.memory_space<vmem>>[vector<16xi32>, vector<16xi32>], vector<16xf32>,
      tpu.vector_store_idx %arg7[%add3A_1485, %broadcast_in_dim3A_5], %gather3A_1486 : memref<1600x16xf32, #tpu.memory_space<vmem>>[vector<16xi32>, vector<16xi32>], vector<16xf32>,
      tpu.vector_store_idx %arg7[%add3A_1485, %broadcast_in_dim3A_7], %gather3A_1487 : memref<1600x16xf32, #tpu.memory_space<vmem>>[vector<16xi32>, vector<16xi32>], vector<16xf32>,
      tpu.vector_store_idx %arg7[%add3A_1485, %broadcast_in_dim3A_9], %gather3A_1488 : memref<1600x16xf32, #tpu.memory_space<vmem>>[vector<16xi32>, vector<16xi32>], vector<16xf32>,
      tpu.vector_store_idx %arg7[%add3A_1485, %broadcast_in_dim3A_11], %gather3A_1489 : memref<1600x16xf32, #tpu.memory_space<vmem>>[vector<16xi32>, vector<16xi32>], vector<16xf32>,
      tpu.vector_store_idx %arg7[%add3A_1485, %broadcast_in_dim3A_13], %gather3A_1490 : memref<1600x16xf32, #tpu.memory_space<vmem>>[vector<16xi32>, vector<16xi32>], vector<16xf32>,
      tpu.vector_store_idx %arg7[%add3A_1485, %broadcast_in_dim3A_15], %gather3A_1491 : memref<1600x16xf32, #tpu.memory_space<vmem>>[vector<16xi32>, vector<16xi32>], vector<16xf32>,
      tpu.vector_store_idx %arg7[%add3A_1485, %broadcast_in_dim3A_17], %gather3A_1492 : memref<1600x16xf32, #tpu.memory_space<vmem>>[vector<16xi32>, vector<16xi32>], vector<16xf32>,
      tpu.vector_store_idx %arg7[%add3A_1485, %broadcast_in_dim3A_19], %gather3A_1493 : memref<1600x16xf32, #tpu.memory_space<vmem>>[vector<16xi32>, vector<16xi32>], vector<16xf32>,
      tpu.vector_store_idx %arg7[%add3A_1485, %broadcast_in_dim3A_21], %gather3A_1494 : memref<1600x16xf32, #tpu.memory_space<vmem>>[vector<16xi32>, vector<16xi32>], vector<16xf32>,
      tpu.vector_store_idx %arg7[%add3A_1485, %broadcast_in_dim3A_23], %gather3A_1495 : memref<1600x16xf32, #tpu.memory_space<vmem>>[vector<16xi32>, vector<16xi32>], vector<16xf32>,
      tpu.vector_store_idx %arg7[%add3A_1485, %broadcast_in_dim3A_25], %gather3A_1496 : memref<1600x16xf32, #tpu.memory_space<vmem>>[vector<16xi32>, vector<16xi32>], vector<16xf32>,
      tpu.vector_store_idx %arg7[%add3A_1485, %broadcast_in_dim3A_27], %gather3A_1497 : memref<1600x16xf32, #tpu.memory_space<vmem>>[vector<16xi32>, vector<16xi32>], vector<16xf32>,
      tpu.vector_store_idx %arg7[%add3A_1485, %broadcast_in_dim3A_29], %gather3A_1498 : memref<1600x16xf32, #tpu.memory_space<vmem>>[vector<16xi32>, vector<16xi32>], vector<16xf32>,
      tpu.vector_store_idx %arg7[%add3A_1485, %broadcast_in_dim3A_31], %gather3A_1499 : memref<1600x16xf32, #tpu.memory_space<vmem>>[vector<16xi32>, vector<16xi32>], vector<16xf32>,
      tpu.vector_store_idx %arg7[%add3A_1485, %broadcast_in_dim3A_33], %gather3A_1500 : memref<1600x16xf32, #tpu.memory_space<vmem>>[vector<16xi32>, vector<16xi32>], vector<16xf32>,
      tpu.vector_store_idx %arg7[%add3A_1485, %broadcast_in_dim3A_35], %gather3A_1501 : memref<1600x16xf32, #tpu.memory_space<vmem>>[vector<16xi32>, vector<16xi32>], vector<16xf32>,
      %get3A_1502 = arith.index_cast %add3A_1445 : i32 to index
      %get3A_1503 = arith.constant 32 : index
      %get3A_1504 = tpu.vector_load %arg5[%get3A_1502, %get3A_1503] {strides = array<i32>} : memref<32x128xi32, #tpu.memory_space<vmem>>, vector<16xi32>,
      %mul3A_1505 = arith.constant 50 : i32
      %mul3A_1506 = arith.muli %add3A_1445, %mul3A_1505 : i32
      %add3A_1507 = arith.constant 32 : i32
      %add3A_1508 = arith.addi %mul3A_1506, %add3A_1507 : i32
      %add3A_1509 = vector.broadcast %add3A_1508 : i32 to vector<16xi32>
      %add3A_1510 = arith.addi %iota3A, %add3A_1509 : vector<16xi32>
      %gather3A_1511 = tpu.vector_load_idx %arg6[%get3A_1504, %broadcast_in_dim3A_5] : memref<1000x16xf32, #tpu.memory_space<vmem>>[vector<16xi32>, vector<16xi32>], vector<16xf32>,
      %gather3A_1512 = tpu.vector_load_idx %arg6[%get3A_1504, %broadcast_in_dim3A_7] : memref<1000x16xf32, #tpu.memory_space<vmem>>[vector<16xi32>, vector<16xi32>], vector<16xf32>,
      %gather3A_1513 = tpu.vector_load_idx %arg6[%get3A_1504, %broadcast_in_dim3A_9] : memref<1000x16xf32, #tpu.memory_space<vmem>>[vector<16xi32>, vector<16xi32>], vector<16xf32>,
      %gather3A_1514 = tpu.vector_load_idx %arg6[%get3A_1504, %broadcast_in_dim3A_11] : memref<1000x16xf32, #tpu.memory_space<vmem>>[vector<16xi32>, vector<16xi32>], vector<16xf32>,
      %gather3A_1515 = tpu.vector_load_idx %arg6[%get3A_1504, %broadcast_in_dim3A_13] : memref<1000x16xf32, #tpu.memory_space<vmem>>[vector<16xi32>, vector<16xi32>], vector<16xf32>,
      %gather3A_1516 = tpu.vector_load_idx %arg6[%get3A_1504, %broadcast_in_dim3A_15] : memref<1000x16xf32, #tpu.memory_space<vmem>>[vector<16xi32>, vector<16xi32>], vector<16xf32>,
      %gather3A_1517 = tpu.vector_load_idx %arg6[%get3A_1504, %broadcast_in_dim3A_17] : memref<1000x16xf32, #tpu.memory_space<vmem>>[vector<16xi32>, vector<16xi32>], vector<16xf32>,
      %gather3A_1518 = tpu.vector_load_idx %arg6[%get3A_1504, %broadcast_in_dim3A_19] : memref<1000x16xf32, #tpu.memory_space<vmem>>[vector<16xi32>, vector<16xi32>], vector<16xf32>,
      %gather3A_1519 = tpu.vector_load_idx %arg6[%get3A_1504, %broadcast_in_dim3A_21] : memref<1000x16xf32, #tpu.memory_space<vmem>>[vector<16xi32>, vector<16xi32>], vector<16xf32>,
      %gather3A_1520 = tpu.vector_load_idx %arg6[%get3A_1504, %broadcast_in_dim3A_23] : memref<1000x16xf32, #tpu.memory_space<vmem>>[vector<16xi32>, vector<16xi32>], vector<16xf32>,
      %gather3A_1521 = tpu.vector_load_idx %arg6[%get3A_1504, %broadcast_in_dim3A_25] : memref<1000x16xf32, #tpu.memory_space<vmem>>[vector<16xi32>, vector<16xi32>], vector<16xf32>,
      %gather3A_1522 = tpu.vector_load_idx %arg6[%get3A_1504, %broadcast_in_dim3A_27] : memref<1000x16xf32, #tpu.memory_space<vmem>>[vector<16xi32>, vector<16xi32>], vector<16xf32>,
      %gather3A_1523 = tpu.vector_load_idx %arg6[%get3A_1504, %broadcast_in_dim3A_29] : memref<1000x16xf32, #tpu.memory_space<vmem>>[vector<16xi32>, vector<16xi32>], vector<16xf32>,
      %gather3A_1524 = tpu.vector_load_idx %arg6[%get3A_1504, %broadcast_in_dim3A_31] : memref<1000x16xf32, #tpu.memory_space<vmem>>[vector<16xi32>, vector<16xi32>], vector<16xf32>,
      %gather3A_1525 = tpu.vector_load_idx %arg6[%get3A_1504, %broadcast_in_dim3A_33] : memref<1000x16xf32, #tpu.memory_space<vmem>>[vector<16xi32>, vector<16xi32>], vector<16xf32>,
      %gather3A_1526 = tpu.vector_load_idx %arg6[%get3A_1504, %broadcast_in_dim3A_35] : memref<1000x16xf32, #tpu.memory_space<vmem>>[vector<16xi32>, vector<16xi32>], vector<16xf32>,
      tpu.vector_store_idx %arg7[%add3A_1510, %broadcast_in_dim3A_5], %gather3A_1511 : memref<1600x16xf32, #tpu.memory_space<vmem>>[vector<16xi32>, vector<16xi32>], vector<16xf32>,
      tpu.vector_store_idx %arg7[%add3A_1510, %broadcast_in_dim3A_7], %gather3A_1512 : memref<1600x16xf32, #tpu.memory_space<vmem>>[vector<16xi32>, vector<16xi32>], vector<16xf32>,
      tpu.vector_store_idx %arg7[%add3A_1510, %broadcast_in_dim3A_9], %gather3A_1513 : memref<1600x16xf32, #tpu.memory_space<vmem>>[vector<16xi32>, vector<16xi32>], vector<16xf32>,
      tpu.vector_store_idx %arg7[%add3A_1510, %broadcast_in_dim3A_11], %gather3A_1514 : memref<1600x16xf32, #tpu.memory_space<vmem>>[vector<16xi32>, vector<16xi32>], vector<16xf32>,
      tpu.vector_store_idx %arg7[%add3A_1510, %broadcast_in_dim3A_13], %gather3A_1515 : memref<1600x16xf32, #tpu.memory_space<vmem>>[vector<16xi32>, vector<16xi32>], vector<16xf32>,
      tpu.vector_store_idx %arg7[%add3A_1510, %broadcast_in_dim3A_15], %gather3A_1516 : memref<1600x16xf32, #tpu.memory_space<vmem>>[vector<16xi32>, vector<16xi32>], vector<16xf32>,
      tpu.vector_store_idx %arg7[%add3A_1510, %broadcast_in_dim3A_17], %gather3A_1517 : memref<1600x16xf32, #tpu.memory_space<vmem>>[vector<16xi32>, vector<16xi32>], vector<16xf32>,
      tpu.vector_store_idx %arg7[%add3A_1510, %broadcast_in_dim3A_19], %gather3A_1518 : memref<1600x16xf32, #tpu.memory_space<vmem>>[vector<16xi32>, vector<16xi32>], vector<16xf32>,
      tpu.vector_store_idx %arg7[%add3A_1510, %broadcast_in_dim3A_21], %gather3A_1519 : memref<1600x16xf32, #tpu.memory_space<vmem>>[vector<16xi32>, vector<16xi32>], vector<16xf32>,
      tpu.vector_store_idx %arg7[%add3A_1510, %broadcast_in_dim3A_23], %gather3A_1520 : memref<1600x16xf32, #tpu.memory_space<vmem>>[vector<16xi32>, vector<16xi32>], vector<16xf32>,
      tpu.vector_store_idx %arg7[%add3A_1510, %broadcast_in_dim3A_25], %gather3A_1521 : memref<1600x16xf32, #tpu.memory_space<vmem>>[vector<16xi32>, vector<16xi32>], vector<16xf32>,
      tpu.vector_store_idx %arg7[%add3A_1510, %broadcast_in_dim3A_27], %gather3A_1522 : memref<1600x16xf32, #tpu.memory_space<vmem>>[vector<16xi32>, vector<16xi32>], vector<16xf32>,
      tpu.vector_store_idx %arg7[%add3A_1510, %broadcast_in_dim3A_29], %gather3A_1523 : memref<1600x16xf32, #tpu.memory_space<vmem>>[vector<16xi32>, vector<16xi32>], vector<16xf32>,
      tpu.vector_store_idx %arg7[%add3A_1510, %broadcast_in_dim3A_31], %gather3A_1524 : memref<1600x16xf32, #tpu.memory_space<vmem>>[vector<16xi32>, vector<16xi32>], vector<16xf32>,
      tpu.vector_store_idx %arg7[%add3A_1510, %broadcast_in_dim3A_33], %gather3A_1525 : memref<1600x16xf32, #tpu.memory_space<vmem>>[vector<16xi32>, vector<16xi32>], vector<16xf32>,
      tpu.vector_store_idx %arg7[%add3A_1510, %broadcast_in_dim3A_35], %gather3A_1526 : memref<1600x16xf32, #tpu.memory_space<vmem>>[vector<16xi32>, vector<16xi32>], vector<16xf32>,
      %get3A_1527 = arith.index_cast %add3A_1445 : i32 to index
      %get3A_1528 = arith.constant 34 : index
      %get3A_1529 = tpu.vector_load %arg5[%get3A_1527, %get3A_1528] {strides = array<i32>} : memref<32x128xi32, #tpu.memory_space<vmem>>, vector<16xi32>,
      %mul3A_1530 = arith.constant 50 : i32
      %mul3A_1531 = arith.muli %add3A_1445, %mul3A_1530 : i32
      %add3A_1532 = arith.constant 34 : i32
      %add3A_1533 = arith.addi %mul3A_1531, %add3A_1532 : i32
      %add3A_1534 = vector.broadcast %add3A_1533 : i32 to vector<16xi32>
      %add3A_1535 = arith.addi %iota3A, %add3A_1534 : vector<16xi32>
      %gather3A_1536 = tpu.vector_load_idx %arg6[%get3A_1529, %broadcast_in_dim3A_5] : memref<1000x16xf32, #tpu.memory_space<vmem>>[vector<16xi32>, vector<16xi32>], vector<16xf32>,
      %gather3A_1537 = tpu.vector_load_idx %arg6[%get3A_1529, %broadcast_in_dim3A_7] : memref<1000x16xf32, #tpu.memory_space<vmem>>[vector<16xi32>, vector<16xi32>], vector<16xf32>,
      %gather3A_1538 = tpu.vector_load_idx %arg6[%get3A_1529, %broadcast_in_dim3A_9] : memref<1000x16xf32, #tpu.memory_space<vmem>>[vector<16xi32>, vector<16xi32>], vector<16xf32>,
      %gather3A_1539 = tpu.vector_load_idx %arg6[%get3A_1529, %broadcast_in_dim3A_11] : memref<1000x16xf32, #tpu.memory_space<vmem>>[vector<16xi32>, vector<16xi32>], vector<16xf32>,
      %gather3A_1540 = tpu.vector_load_idx %arg6[%get3A_1529, %broadcast_in_dim3A_13] : memref<1000x16xf32, #tpu.memory_space<vmem>>[vector<16xi32>, vector<16xi32>], vector<16xf32>,
      %gather3A_1541 = tpu.vector_load_idx %arg6[%get3A_1529, %broadcast_in_dim3A_15] : memref<1000x16xf32, #tpu.memory_space<vmem>>[vector<16xi32>, vector<16xi32>], vector<16xf32>,
      %gather3A_1542 = tpu.vector_load_idx %arg6[%get3A_1529, %broadcast_in_dim3A_17] : memref<1000x16xf32, #tpu.memory_space<vmem>>[vector<16xi32>, vector<16xi32>], vector<16xf32>,
      %gather3A_1543 = tpu.vector_load_idx %arg6[%get3A_1529, %broadcast_in_dim3A_19] : memref<1000x16xf32, #tpu.memory_space<vmem>>[vector<16xi32>, vector<16xi32>], vector<16xf32>,
      %gather3A_1544 = tpu.vector_load_idx %arg6[%get3A_1529, %broadcast_in_dim3A_21] : memref<1000x16xf32, #tpu.memory_space<vmem>>[vector<16xi32>, vector<16xi32>], vector<16xf32>,
      %gather3A_1545 = tpu.vector_load_idx %arg6[%get3A_1529, %broadcast_in_dim3A_23] : memref<1000x16xf32, #tpu.memory_space<vmem>>[vector<16xi32>, vector<16xi32>], vector<16xf32>,
      %gather3A_1546 = tpu.vector_load_idx %arg6[%get3A_1529, %broadcast_in_dim3A_25] : memref<1000x16xf32, #tpu.memory_space<vmem>>[vector<16xi32>, vector<16xi32>], vector<16xf32>,
      %gather3A_1547 = tpu.vector_load_idx %arg6[%get3A_1529, %broadcast_in_dim3A_27] : memref<1000x16xf32, #tpu.memory_space<vmem>>[vector<16xi32>, vector<16xi32>], vector<16xf32>,
      %gather3A_1548 = tpu.vector_load_idx %arg6[%get3A_1529, %broadcast_in_dim3A_29] : memref<1000x16xf32, #tpu.memory_space<vmem>>[vector<16xi32>, vector<16xi32>], vector<16xf32>,
      %gather3A_1549 = tpu.vector_load_idx %arg6[%get3A_1529, %broadcast_in_dim3A_31] : memref<1000x16xf32, #tpu.memory_space<vmem>>[vector<16xi32>, vector<16xi32>], vector<16xf32>,
      %gather3A_1550 = tpu.vector_load_idx %arg6[%get3A_1529, %broadcast_in_dim3A_33] : memref<1000x16xf32, #tpu.memory_space<vmem>>[vector<16xi32>, vector<16xi32>], vector<16xf32>,
      %gather3A_1551 = tpu.vector_load_idx %arg6[%get3A_1529, %broadcast_in_dim3A_35] : memref<1000x16xf32, #tpu.memory_space<vmem>>[vector<16xi32>, vector<16xi32>], vector<16xf32>,
      tpu.vector_store_idx %arg7[%add3A_1535, %broadcast_in_dim3A_5], %gather3A_1536 : memref<1600x16xf32, #tpu.memory_space<vmem>>[vector<16xi32>, vector<16xi32>], vector<16xf32>,
      tpu.vector_store_idx %arg7[%add3A_1535, %broadcast_in_dim3A_7], %gather3A_1537 : memref<1600x16xf32, #tpu.memory_space<vmem>>[vector<16xi32>, vector<16xi32>], vector<16xf32>,
      tpu.vector_store_idx %arg7[%add3A_1535, %broadcast_in_dim3A_9], %gather3A_1538 : memref<1600x16xf32, #tpu.memory_space<vmem>>[vector<16xi32>, vector<16xi32>], vector<16xf32>,
      tpu.vector_store_idx %arg7[%add3A_1535, %broadcast_in_dim3A_11], %gather3A_1539 : memref<1600x16xf32, #tpu.memory_space<vmem>>[vector<16xi32>, vector<16xi32>], vector<16xf32>,
      tpu.vector_store_idx %arg7[%add3A_1535, %broadcast_in_dim3A_13], %gather3A_1540 : memref<1600x16xf32, #tpu.memory_space<vmem>>[vector<16xi32>, vector<16xi32>], vector<16xf32>,
      tpu.vector_store_idx %arg7[%add3A_1535, %broadcast_in_dim3A_15], %gather3A_1541 : memref<1600x16xf32, #tpu.memory_space<vmem>>[vector<16xi32>, vector<16xi32>], vector<16xf32>,
      tpu.vector_store_idx %arg7[%add3A_1535, %broadcast_in_dim3A_17], %gather3A_1542 : memref<1600x16xf32, #tpu.memory_space<vmem>>[vector<16xi32>, vector<16xi32>], vector<16xf32>,
      tpu.vector_store_idx %arg7[%add3A_1535, %broadcast_in_dim3A_19], %gather3A_1543 : memref<1600x16xf32, #tpu.memory_space<vmem>>[vector<16xi32>, vector<16xi32>], vector<16xf32>,
      tpu.vector_store_idx %arg7[%add3A_1535, %broadcast_in_dim3A_21], %gather3A_1544 : memref<1600x16xf32, #tpu.memory_space<vmem>>[vector<16xi32>, vector<16xi32>], vector<16xf32>,
      tpu.vector_store_idx %arg7[%add3A_1535, %broadcast_in_dim3A_23], %gather3A_1545 : memref<1600x16xf32, #tpu.memory_space<vmem>>[vector<16xi32>, vector<16xi32>], vector<16xf32>,
      tpu.vector_store_idx %arg7[%add3A_1535, %broadcast_in_dim3A_25], %gather3A_1546 : memref<1600x16xf32, #tpu.memory_space<vmem>>[vector<16xi32>, vector<16xi32>], vector<16xf32>,
      tpu.vector_store_idx %arg7[%add3A_1535, %broadcast_in_dim3A_27], %gather3A_1547 : memref<1600x16xf32, #tpu.memory_space<vmem>>[vector<16xi32>, vector<16xi32>], vector<16xf32>,
      tpu.vector_store_idx %arg7[%add3A_1535, %broadcast_in_dim3A_29], %gather3A_1548 : memref<1600x16xf32, #tpu.memory_space<vmem>>[vector<16xi32>, vector<16xi32>], vector<16xf32>,
      tpu.vector_store_idx %arg7[%add3A_1535, %broadcast_in_dim3A_31], %gather3A_1549 : memref<1600x16xf32, #tpu.memory_space<vmem>>[vector<16xi32>, vector<16xi32>], vector<16xf32>,
      tpu.vector_store_idx %arg7[%add3A_1535, %broadcast_in_dim3A_33], %gather3A_1550 : memref<1600x16xf32, #tpu.memory_space<vmem>>[vector<16xi32>, vector<16xi32>], vector<16xf32>,
      tpu.vector_store_idx %arg7[%add3A_1535, %broadcast_in_dim3A_35], %gather3A_1551 : memref<1600x16xf32, #tpu.memory_space<vmem>>[vector<16xi32>, vector<16xi32>], vector<16xf32>,
      %get3A_1552 = arith.index_cast %add3A_1449 : i32 to index
      %get3A_1553 = arith.constant 0 : index
      %get3A_1554 = tpu.vector_load %arg5[%get3A_1552, %get3A_1553] {strides = array<i32>} : memref<32x128xi32, #tpu.memory_space<vmem>>, vector<16xi32>,
      %mul3A_1555 = arith.constant 50 : i32
      %mul3A_1556 = arith.muli %add3A_1449, %mul3A_1555 : i32
      %add3A_1557 = arith.constant 0 : i32
      %add3A_1558 = arith.addi %mul3A_1556, %add3A_1557 : i32
      %add3A_1559 = vector.broadcast %add3A_1558 : i32 to vector<16xi32>
      %add3A_1560 = arith.addi %iota3A, %add3A_1559 : vector<16xi32>
      %gather3A_1561 = tpu.vector_load_idx %arg6[%get3A_1554, %broadcast_in_dim3A_5] : memref<1000x16xf32, #tpu.memory_space<vmem>>[vector<16xi32>, vector<16xi32>], vector<16xf32>,
      %gather3A_1562 = tpu.vector_load_idx %arg6[%get3A_1554, %broadcast_in_dim3A_7] : memref<1000x16xf32, #tpu.memory_space<vmem>>[vector<16xi32>, vector<16xi32>], vector<16xf32>,
      %gather3A_1563 = tpu.vector_load_idx %arg6[%get3A_1554, %broadcast_in_dim3A_9] : memref<1000x16xf32, #tpu.memory_space<vmem>>[vector<16xi32>, vector<16xi32>], vector<16xf32>,
      %gather3A_1564 = tpu.vector_load_idx %arg6[%get3A_1554, %broadcast_in_dim3A_11] : memref<1000x16xf32, #tpu.memory_space<vmem>>[vector<16xi32>, vector<16xi32>], vector<16xf32>,
      %gather3A_1565 = tpu.vector_load_idx %arg6[%get3A_1554, %broadcast_in_dim3A_13] : memref<1000x16xf32, #tpu.memory_space<vmem>>[vector<16xi32>, vector<16xi32>], vector<16xf32>,
      %gather3A_1566 = tpu.vector_load_idx %arg6[%get3A_1554, %broadcast_in_dim3A_15] : memref<1000x16xf32, #tpu.memory_space<vmem>>[vector<16xi32>, vector<16xi32>], vector<16xf32>,
      %gather3A_1567 = tpu.vector_load_idx %arg6[%get3A_1554, %broadcast_in_dim3A_17] : memref<1000x16xf32, #tpu.memory_space<vmem>>[vector<16xi32>, vector<16xi32>], vector<16xf32>,
      %gather3A_1568 = tpu.vector_load_idx %arg6[%get3A_1554, %broadcast_in_dim3A_19] : memref<1000x16xf32, #tpu.memory_space<vmem>>[vector<16xi32>, vector<16xi32>], vector<16xf32>,
      %gather3A_1569 = tpu.vector_load_idx %arg6[%get3A_1554, %broadcast_in_dim3A_21] : memref<1000x16xf32, #tpu.memory_space<vmem>>[vector<16xi32>, vector<16xi32>], vector<16xf32>,
      %gather3A_1570 = tpu.vector_load_idx %arg6[%get3A_1554, %broadcast_in_dim3A_23] : memref<1000x16xf32, #tpu.memory_space<vmem>>[vector<16xi32>, vector<16xi32>], vector<16xf32>,
      %gather3A_1571 = tpu.vector_load_idx %arg6[%get3A_1554, %broadcast_in_dim3A_25] : memref<1000x16xf32, #tpu.memory_space<vmem>>[vector<16xi32>, vector<16xi32>], vector<16xf32>,
      %gather3A_1572 = tpu.vector_load_idx %arg6[%get3A_1554, %broadcast_in_dim3A_27] : memref<1000x16xf32, #tpu.memory_space<vmem>>[vector<16xi32>, vector<16xi32>], vector<16xf32>,
      %gather3A_1573 = tpu.vector_load_idx %arg6[%get3A_1554, %broadcast_in_dim3A_29] : memref<1000x16xf32, #tpu.memory_space<vmem>>[vector<16xi32>, vector<16xi32>], vector<16xf32>,
      %gather3A_1574 = tpu.vector_load_idx %arg6[%get3A_1554, %broadcast_in_dim3A_31] : memref<1000x16xf32, #tpu.memory_space<vmem>>[vector<16xi32>, vector<16xi32>], vector<16xf32>,
      %gather3A_1575 = tpu.vector_load_idx %arg6[%get3A_1554, %broadcast_in_dim3A_33] : memref<1000x16xf32, #tpu.memory_space<vmem>>[vector<16xi32>, vector<16xi32>], vector<16xf32>,
      %gather3A_1576 = tpu.vector_load_idx %arg6[%get3A_1554, %broadcast_in_dim3A_35] : memref<1000x16xf32, #tpu.memory_space<vmem>>[vector<16xi32>, vector<16xi32>], vector<16xf32>,
      tpu.vector_store_idx %arg7[%add3A_1560, %broadcast_in_dim3A_5], %gather3A_1561 : memref<1600x16xf32, #tpu.memory_space<vmem>>[vector<16xi32>, vector<16xi32>], vector<16xf32>,
      tpu.vector_store_idx %arg7[%add3A_1560, %broadcast_in_dim3A_7], %gather3A_1562 : memref<1600x16xf32, #tpu.memory_space<vmem>>[vector<16xi32>, vector<16xi32>], vector<16xf32>,
      tpu.vector_store_idx %arg7[%add3A_1560, %broadcast_in_dim3A_9], %gather3A_1563 : memref<1600x16xf32, #tpu.memory_space<vmem>>[vector<16xi32>, vector<16xi32>], vector<16xf32>,
      tpu.vector_store_idx %arg7[%add3A_1560, %broadcast_in_dim3A_11], %gather3A_1564 : memref<1600x16xf32, #tpu.memory_space<vmem>>[vector<16xi32>, vector<16xi32>], vector<16xf32>,
      tpu.vector_store_idx %arg7[%add3A_1560, %broadcast_in_dim3A_13], %gather3A_1565 : memref<1600x16xf32, #tpu.memory_space<vmem>>[vector<16xi32>, vector<16xi32>], vector<16xf32>,
      tpu.vector_store_idx %arg7[%add3A_1560, %broadcast_in_dim3A_15], %gather3A_1566 : memref<1600x16xf32, #tpu.memory_space<vmem>>[vector<16xi32>, vector<16xi32>], vector<16xf32>,
      tpu.vector_store_idx %arg7[%add3A_1560, %broadcast_in_dim3A_17], %gather3A_1567 : memref<1600x16xf32, #tpu.memory_space<vmem>>[vector<16xi32>, vector<16xi32>], vector<16xf32>,
      tpu.vector_store_idx %arg7[%add3A_1560, %broadcast_in_dim3A_19], %gather3A_1568 : memref<1600x16xf32, #tpu.memory_space<vmem>>[vector<16xi32>, vector<16xi32>], vector<16xf32>,
      tpu.vector_store_idx %arg7[%add3A_1560, %broadcast_in_dim3A_21], %gather3A_1569 : memref<1600x16xf32, #tpu.memory_space<vmem>>[vector<16xi32>, vector<16xi32>], vector<16xf32>,
      tpu.vector_store_idx %arg7[%add3A_1560, %broadcast_in_dim3A_23], %gather3A_1570 : memref<1600x16xf32, #tpu.memory_space<vmem>>[vector<16xi32>, vector<16xi32>], vector<16xf32>,
      tpu.vector_store_idx %arg7[%add3A_1560, %broadcast_in_dim3A_25], %gather3A_1571 : memref<1600x16xf32, #tpu.memory_space<vmem>>[vector<16xi32>, vector<16xi32>], vector<16xf32>,
      tpu.vector_store_idx %arg7[%add3A_1560, %broadcast_in_dim3A_27], %gather3A_1572 : memref<1600x16xf32, #tpu.memory_space<vmem>>[vector<16xi32>, vector<16xi32>], vector<16xf32>,
      tpu.vector_store_idx %arg7[%add3A_1560, %broadcast_in_dim3A_29], %gather3A_1573 : memref<1600x16xf32, #tpu.memory_space<vmem>>[vector<16xi32>, vector<16xi32>], vector<16xf32>,
      tpu.vector_store_idx %arg7[%add3A_1560, %broadcast_in_dim3A_31], %gather3A_1574 : memref<1600x16xf32, #tpu.memory_space<vmem>>[vector<16xi32>, vector<16xi32>], vector<16xf32>,
      tpu.vector_store_idx %arg7[%add3A_1560, %broadcast_in_dim3A_33], %gather3A_1575 : memref<1600x16xf32, #tpu.memory_space<vmem>>[vector<16xi32>, vector<16xi32>], vector<16xf32>,
      tpu.vector_store_idx %arg7[%add3A_1560, %broadcast_in_dim3A_35], %gather3A_1576 : memref<1600x16xf32, #tpu.memory_space<vmem>>[vector<16xi32>, vector<16xi32>], vector<16xf32>,
      %get3A_1577 = arith.index_cast %add3A_1449 : i32 to index
      %get3A_1578 = arith.constant 16 : index
      %get3A_1579 = tpu.vector_load %arg5[%get3A_1577, %get3A_1578] {strides = array<i32>} : memref<32x128xi32, #tpu.memory_space<vmem>>, vector<16xi32>,
      %mul3A_1580 = arith.constant 50 : i32
      %mul3A_1581 = arith.muli %add3A_1449, %mul3A_1580 : i32
      %add3A_1582 = arith.constant 16 : i32
      %add3A_1583 = arith.addi %mul3A_1581, %add3A_1582 : i32
      %add3A_1584 = vector.broadcast %add3A_1583 : i32 to vector<16xi32>
      %add3A_1585 = arith.addi %iota3A, %add3A_1584 : vector<16xi32>
      %gather3A_1586 = tpu.vector_load_idx %arg6[%get3A_1579, %broadcast_in_dim3A_5] : memref<1000x16xf32, #tpu.memory_space<vmem>>[vector<16xi32>, vector<16xi32>], vector<16xf32>,
      %gather3A_1587 = tpu.vector_load_idx %arg6[%get3A_1579, %broadcast_in_dim3A_7] : memref<1000x16xf32, #tpu.memory_space<vmem>>[vector<16xi32>, vector<16xi32>], vector<16xf32>,
      %gather3A_1588 = tpu.vector_load_idx %arg6[%get3A_1579, %broadcast_in_dim3A_9] : memref<1000x16xf32, #tpu.memory_space<vmem>>[vector<16xi32>, vector<16xi32>], vector<16xf32>,
      %gather3A_1589 = tpu.vector_load_idx %arg6[%get3A_1579, %broadcast_in_dim3A_11] : memref<1000x16xf32, #tpu.memory_space<vmem>>[vector<16xi32>, vector<16xi32>], vector<16xf32>,
      %gather3A_1590 = tpu.vector_load_idx %arg6[%get3A_1579, %broadcast_in_dim3A_13] : memref<1000x16xf32, #tpu.memory_space<vmem>>[vector<16xi32>, vector<16xi32>], vector<16xf32>,
      %gather3A_1591 = tpu.vector_load_idx %arg6[%get3A_1579, %broadcast_in_dim3A_15] : memref<1000x16xf32, #tpu.memory_space<vmem>>[vector<16xi32>, vector<16xi32>], vector<16xf32>,
      %gather3A_1592 = tpu.vector_load_idx %arg6[%get3A_1579, %broadcast_in_dim3A_17] : memref<1000x16xf32, #tpu.memory_space<vmem>>[vector<16xi32>, vector<16xi32>], vector<16xf32>,
      %gather3A_1593 = tpu.vector_load_idx %arg6[%get3A_1579, %broadcast_in_dim3A_19] : memref<1000x16xf32, #tpu.memory_space<vmem>>[vector<16xi32>, vector<16xi32>], vector<16xf32>,
      %gather3A_1594 = tpu.vector_load_idx %arg6[%get3A_1579, %broadcast_in_dim3A_21] : memref<1000x16xf32, #tpu.memory_space<vmem>>[vector<16xi32>, vector<16xi32>], vector<16xf32>,
      %gather3A_1595 = tpu.vector_load_idx %arg6[%get3A_1579, %broadcast_in_dim3A_23] : memref<1000x16xf32, #tpu.memory_space<vmem>>[vector<16xi32>, vector<16xi32>], vector<16xf32>,
      %gather3A_1596 = tpu.vector_load_idx %arg6[%get3A_1579, %broadcast_in_dim3A_25] : memref<1000x16xf32, #tpu.memory_space<vmem>>[vector<16xi32>, vector<16xi32>], vector<16xf32>,
      %gather3A_1597 = tpu.vector_load_idx %arg6[%get3A_1579, %broadcast_in_dim3A_27] : memref<1000x16xf32, #tpu.memory_space<vmem>>[vector<16xi32>, vector<16xi32>], vector<16xf32>,
      %gather3A_1598 = tpu.vector_load_idx %arg6[%get3A_1579, %broadcast_in_dim3A_29] : memref<1000x16xf32, #tpu.memory_space<vmem>>[vector<16xi32>, vector<16xi32>], vector<16xf32>,
      %gather3A_1599 = tpu.vector_load_idx %arg6[%get3A_1579, %broadcast_in_dim3A_31] : memref<1000x16xf32, #tpu.memory_space<vmem>>[vector<16xi32>, vector<16xi32>], vector<16xf32>,
      %gather3A_1600 = tpu.vector_load_idx %arg6[%get3A_1579, %broadcast_in_dim3A_33] : memref<1000x16xf32, #tpu.memory_space<vmem>>[vector<16xi32>, vector<16xi32>], vector<16xf32>,
      %gather3A_1601 = tpu.vector_load_idx %arg6[%get3A_1579, %broadcast_in_dim3A_35] : memref<1000x16xf32, #tpu.memory_space<vmem>>[vector<16xi32>, vector<16xi32>], vector<16xf32>,
      tpu.vector_store_idx %arg7[%add3A_1585, %broadcast_in_dim3A_5], %gather3A_1586 : memref<1600x16xf32, #tpu.memory_space<vmem>>[vector<16xi32>, vector<16xi32>], vector<16xf32>,
      tpu.vector_store_idx %arg7[%add3A_1585, %broadcast_in_dim3A_7], %gather3A_1587 : memref<1600x16xf32, #tpu.memory_space<vmem>>[vector<16xi32>, vector<16xi32>], vector<16xf32>,
      tpu.vector_store_idx %arg7[%add3A_1585, %broadcast_in_dim3A_9], %gather3A_1588 : memref<1600x16xf32, #tpu.memory_space<vmem>>[vector<16xi32>, vector<16xi32>], vector<16xf32>,
      tpu.vector_store_idx %arg7[%add3A_1585, %broadcast_in_dim3A_11], %gather3A_1589 : memref<1600x16xf32, #tpu.memory_space<vmem>>[vector<16xi32>, vector<16xi32>], vector<16xf32>,
      tpu.vector_store_idx %arg7[%add3A_1585, %broadcast_in_dim3A_13], %gather3A_1590 : memref<1600x16xf32, #tpu.memory_space<vmem>>[vector<16xi32>, vector<16xi32>], vector<16xf32>,
      tpu.vector_store_idx %arg7[%add3A_1585, %broadcast_in_dim3A_15], %gather3A_1591 : memref<1600x16xf32, #tpu.memory_space<vmem>>[vector<16xi32>, vector<16xi32>], vector<16xf32>,
      tpu.vector_store_idx %arg7[%add3A_1585, %broadcast_in_dim3A_17], %gather3A_1592 : memref<1600x16xf32, #tpu.memory_space<vmem>>[vector<16xi32>, vector<16xi32>], vector<16xf32>,
      tpu.vector_store_idx %arg7[%add3A_1585, %broadcast_in_dim3A_19], %gather3A_1593 : memref<1600x16xf32, #tpu.memory_space<vmem>>[vector<16xi32>, vector<16xi32>], vector<16xf32>,
      tpu.vector_store_idx %arg7[%add3A_1585, %broadcast_in_dim3A_21], %gather3A_1594 : memref<1600x16xf32, #tpu.memory_space<vmem>>[vector<16xi32>, vector<16xi32>], vector<16xf32>,
      tpu.vector_store_idx %arg7[%add3A_1585, %broadcast_in_dim3A_23], %gather3A_1595 : memref<1600x16xf32, #tpu.memory_space<vmem>>[vector<16xi32>, vector<16xi32>], vector<16xf32>,
      tpu.vector_store_idx %arg7[%add3A_1585, %broadcast_in_dim3A_25], %gather3A_1596 : memref<1600x16xf32, #tpu.memory_space<vmem>>[vector<16xi32>, vector<16xi32>], vector<16xf32>,
      tpu.vector_store_idx %arg7[%add3A_1585, %broadcast_in_dim3A_27], %gather3A_1597 : memref<1600x16xf32, #tpu.memory_space<vmem>>[vector<16xi32>, vector<16xi32>], vector<16xf32>,
      tpu.vector_store_idx %arg7[%add3A_1585, %broadcast_in_dim3A_29], %gather3A_1598 : memref<1600x16xf32, #tpu.memory_space<vmem>>[vector<16xi32>, vector<16xi32>], vector<16xf32>,
      tpu.vector_store_idx %arg7[%add3A_1585, %broadcast_in_dim3A_31], %gather3A_1599 : memref<1600x16xf32, #tpu.memory_space<vmem>>[vector<16xi32>, vector<16xi32>], vector<16xf32>,
      tpu.vector_store_idx %arg7[%add3A_1585, %broadcast_in_dim3A_33], %gather3A_1600 : memref<1600x16xf32, #tpu.memory_space<vmem>>[vector<16xi32>, vector<16xi32>], vector<16xf32>,
      tpu.vector_store_idx %arg7[%add3A_1585, %broadcast_in_dim3A_35], %gather3A_1601 : memref<1600x16xf32, #tpu.memory_space<vmem>>[vector<16xi32>, vector<16xi32>], vector<16xf32>,
      %get3A_1602 = arith.index_cast %add3A_1449 : i32 to index
      %get3A_1603 = arith.constant 32 : index
      %get3A_1604 = tpu.vector_load %arg5[%get3A_1602, %get3A_1603] {strides = array<i32>} : memref<32x128xi32, #tpu.memory_space<vmem>>, vector<16xi32>,
      %mul3A_1605 = arith.constant 50 : i32
      %mul3A_1606 = arith.muli %add3A_1449, %mul3A_1605 : i32
      %add3A_1607 = arith.constant 32 : i32
      %add3A_1608 = arith.addi %mul3A_1606, %add3A_1607 : i32
      %add3A_1609 = vector.broadcast %add3A_1608 : i32 to vector<16xi32>
      %add3A_1610 = arith.addi %iota3A, %add3A_1609 : vector<16xi32>
      %gather3A_1611 = tpu.vector_load_idx %arg6[%get3A_1604, %broadcast_in_dim3A_5] : memref<1000x16xf32, #tpu.memory_space<vmem>>[vector<16xi32>, vector<16xi32>], vector<16xf32>,
      %gather3A_1612 = tpu.vector_load_idx %arg6[%get3A_1604, %broadcast_in_dim3A_7] : memref<1000x16xf32, #tpu.memory_space<vmem>>[vector<16xi32>, vector<16xi32>], vector<16xf32>,
      %gather3A_1613 = tpu.vector_load_idx %arg6[%get3A_1604, %broadcast_in_dim3A_9] : memref<1000x16xf32, #tpu.memory_space<vmem>>[vector<16xi32>, vector<16xi32>], vector<16xf32>,
      %gather3A_1614 = tpu.vector_load_idx %arg6[%get3A_1604, %broadcast_in_dim3A_11] : memref<1000x16xf32, #tpu.memory_space<vmem>>[vector<16xi32>, vector<16xi32>], vector<16xf32>,
      %gather3A_1615 = tpu.vector_load_idx %arg6[%get3A_1604, %broadcast_in_dim3A_13] : memref<1000x16xf32, #tpu.memory_space<vmem>>[vector<16xi32>, vector<16xi32>], vector<16xf32>,
      %gather3A_1616 = tpu.vector_load_idx %arg6[%get3A_1604, %broadcast_in_dim3A_15] : memref<1000x16xf32, #tpu.memory_space<vmem>>[vector<16xi32>, vector<16xi32>], vector<16xf32>,
      %gather3A_1617 = tpu.vector_load_idx %arg6[%get3A_1604, %broadcast_in_dim3A_17] : memref<1000x16xf32, #tpu.memory_space<vmem>>[vector<16xi32>, vector<16xi32>], vector<16xf32>,
      %gather3A_1618 = tpu.vector_load_idx %arg6[%get3A_1604, %broadcast_in_dim3A_19] : memref<1000x16xf32, #tpu.memory_space<vmem>>[vector<16xi32>, vector<16xi32>], vector<16xf32>,
      %gather3A_1619 = tpu.vector_load_idx %arg6[%get3A_1604, %broadcast_in_dim3A_21] : memref<1000x16xf32, #tpu.memory_space<vmem>>[vector<16xi32>, vector<16xi32>], vector<16xf32>,
      %gather3A_1620 = tpu.vector_load_idx %arg6[%get3A_1604, %broadcast_in_dim3A_23] : memref<1000x16xf32, #tpu.memory_space<vmem>>[vector<16xi32>, vector<16xi32>], vector<16xf32>,
      %gather3A_1621 = tpu.vector_load_idx %arg6[%get3A_1604, %broadcast_in_dim3A_25] : memref<1000x16xf32, #tpu.memory_space<vmem>>[vector<16xi32>, vector<16xi32>], vector<16xf32>,
      %gather3A_1622 = tpu.vector_load_idx %arg6[%get3A_1604, %broadcast_in_dim3A_27] : memref<1000x16xf32, #tpu.memory_space<vmem>>[vector<16xi32>, vector<16xi32>], vector<16xf32>,
      %gather3A_1623 = tpu.vector_load_idx %arg6[%get3A_1604, %broadcast_in_dim3A_29] : memref<1000x16xf32, #tpu.memory_space<vmem>>[vector<16xi32>, vector<16xi32>], vector<16xf32>,
      %gather3A_1624 = tpu.vector_load_idx %arg6[%get3A_1604, %broadcast_in_dim3A_31] : memref<1000x16xf32, #tpu.memory_space<vmem>>[vector<16xi32>, vector<16xi32>], vector<16xf32>,
      %gather3A_1625 = tpu.vector_load_idx %arg6[%get3A_1604, %broadcast_in_dim3A_33] : memref<1000x16xf32, #tpu.memory_space<vmem>>[vector<16xi32>, vector<16xi32>], vector<16xf32>,
      %gather3A_1626 = tpu.vector_load_idx %arg6[%get3A_1604, %broadcast_in_dim3A_35] : memref<1000x16xf32, #tpu.memory_space<vmem>>[vector<16xi32>, vector<16xi32>], vector<16xf32>,
      tpu.vector_store_idx %arg7[%add3A_1610, %broadcast_in_dim3A_5], %gather3A_1611 : memref<1600x16xf32, #tpu.memory_space<vmem>>[vector<16xi32>, vector<16xi32>], vector<16xf32>,
      tpu.vector_store_idx %arg7[%add3A_1610, %broadcast_in_dim3A_7], %gather3A_1612 : memref<1600x16xf32, #tpu.memory_space<vmem>>[vector<16xi32>, vector<16xi32>], vector<16xf32>,
      tpu.vector_store_idx %arg7[%add3A_1610, %broadcast_in_dim3A_9], %gather3A_1613 : memref<1600x16xf32, #tpu.memory_space<vmem>>[vector<16xi32>, vector<16xi32>], vector<16xf32>,
      tpu.vector_store_idx %arg7[%add3A_1610, %broadcast_in_dim3A_11], %gather3A_1614 : memref<1600x16xf32, #tpu.memory_space<vmem>>[vector<16xi32>, vector<16xi32>], vector<16xf32>,
      tpu.vector_store_idx %arg7[%add3A_1610, %broadcast_in_dim3A_13], %gather3A_1615 : memref<1600x16xf32, #tpu.memory_space<vmem>>[vector<16xi32>, vector<16xi32>], vector<16xf32>,
      tpu.vector_store_idx %arg7[%add3A_1610, %broadcast_in_dim3A_15], %gather3A_1616 : memref<1600x16xf32, #tpu.memory_space<vmem>>[vector<16xi32>, vector<16xi32>], vector<16xf32>,
      tpu.vector_store_idx %arg7[%add3A_1610, %broadcast_in_dim3A_17], %gather3A_1617 : memref<1600x16xf32, #tpu.memory_space<vmem>>[vector<16xi32>, vector<16xi32>], vector<16xf32>,
      tpu.vector_store_idx %arg7[%add3A_1610, %broadcast_in_dim3A_19], %gather3A_1618 : memref<1600x16xf32, #tpu.memory_space<vmem>>[vector<16xi32>, vector<16xi32>], vector<16xf32>,
      tpu.vector_store_idx %arg7[%add3A_1610, %broadcast_in_dim3A_21], %gather3A_1619 : memref<1600x16xf32, #tpu.memory_space<vmem>>[vector<16xi32>, vector<16xi32>], vector<16xf32>,
      tpu.vector_store_idx %arg7[%add3A_1610, %broadcast_in_dim3A_23], %gather3A_1620 : memref<1600x16xf32, #tpu.memory_space<vmem>>[vector<16xi32>, vector<16xi32>], vector<16xf32>,
      tpu.vector_store_idx %arg7[%add3A_1610, %broadcast_in_dim3A_25], %gather3A_1621 : memref<1600x16xf32, #tpu.memory_space<vmem>>[vector<16xi32>, vector<16xi32>], vector<16xf32>,
      tpu.vector_store_idx %arg7[%add3A_1610, %broadcast_in_dim3A_27], %gather3A_1622 : memref<1600x16xf32, #tpu.memory_space<vmem>>[vector<16xi32>, vector<16xi32>], vector<16xf32>,
      tpu.vector_store_idx %arg7[%add3A_1610, %broadcast_in_dim3A_29], %gather3A_1623 : memref<1600x16xf32, #tpu.memory_space<vmem>>[vector<16xi32>, vector<16xi32>], vector<16xf32>,
      tpu.vector_store_idx %arg7[%add3A_1610, %broadcast_in_dim3A_31], %gather3A_1624 : memref<1600x16xf32, #tpu.memory_space<vmem>>[vector<16xi32>, vector<16xi32>], vector<16xf32>,
      tpu.vector_store_idx %arg7[%add3A_1610, %broadcast_in_dim3A_33], %gather3A_1625 : memref<1600x16xf32, #tpu.memory_space<vmem>>[vector<16xi32>, vector<16xi32>], vector<16xf32>,
      tpu.vector_store_idx %arg7[%add3A_1610, %broadcast_in_dim3A_35], %gather3A_1626 : memref<1600x16xf32, #tpu.memory_space<vmem>>[vector<16xi32>, vector<16xi32>], vector<16xf32>,
      %get3A_1627 = arith.index_cast %add3A_1449 : i32 to index
      %get3A_1628 = arith.constant 34 : index
      %get3A_1629 = tpu.vector_load %arg5[%get3A_1627, %get3A_1628] {strides = array<i32>} : memref<32x128xi32, #tpu.memory_space<vmem>>, vector<16xi32>,
      %mul3A_1630 = arith.constant 50 : i32
      %mul3A_1631 = arith.muli %add3A_1449, %mul3A_1630 : i32
      %add3A_1632 = arith.constant 34 : i32
      %add3A_1633 = arith.addi %mul3A_1631, %add3A_1632 : i32
      %add3A_1634 = vector.broadcast %add3A_1633 : i32 to vector<16xi32>
      %add3A_1635 = arith.addi %iota3A, %add3A_1634 : vector<16xi32>
      %gather3A_1636 = tpu.vector_load_idx %arg6[%get3A_1629, %broadcast_in_dim3A_5] : memref<1000x16xf32, #tpu.memory_space<vmem>>[vector<16xi32>, vector<16xi32>], vector<16xf32>,
      %gather3A_1637 = tpu.vector_load_idx %arg6[%get3A_1629, %broadcast_in_dim3A_7] : memref<1000x16xf32, #tpu.memory_space<vmem>>[vector<16xi32>, vector<16xi32>], vector<16xf32>,
      %gather3A_1638 = tpu.vector_load_idx %arg6[%get3A_1629, %broadcast_in_dim3A_9] : memref<1000x16xf32, #tpu.memory_space<vmem>>[vector<16xi32>, vector<16xi32>], vector<16xf32>,
      %gather3A_1639 = tpu.vector_load_idx %arg6[%get3A_1629, %broadcast_in_dim3A_11] : memref<1000x16xf32, #tpu.memory_space<vmem>>[vector<16xi32>, vector<16xi32>], vector<16xf32>,
      %gather3A_1640 = tpu.vector_load_idx %arg6[%get3A_1629, %broadcast_in_dim3A_13] : memref<1000x16xf32, #tpu.memory_space<vmem>>[vector<16xi32>, vector<16xi32>], vector<16xf32>,
      %gather3A_1641 = tpu.vector_load_idx %arg6[%get3A_1629, %broadcast_in_dim3A_15] : memref<1000x16xf32, #tpu.memory_space<vmem>>[vector<16xi32>, vector<16xi32>], vector<16xf32>,
      %gather3A_1642 = tpu.vector_load_idx %arg6[%get3A_1629, %broadcast_in_dim3A_17] : memref<1000x16xf32, #tpu.memory_space<vmem>>[vector<16xi32>, vector<16xi32>], vector<16xf32>,
      %gather3A_1643 = tpu.vector_load_idx %arg6[%get3A_1629, %broadcast_in_dim3A_19] : memref<1000x16xf32, #tpu.memory_space<vmem>>[vector<16xi32>, vector<16xi32>], vector<16xf32>,
      %gather3A_1644 = tpu.vector_load_idx %arg6[%get3A_1629, %broadcast_in_dim3A_21] : memref<1000x16xf32, #tpu.memory_space<vmem>>[vector<16xi32>, vector<16xi32>], vector<16xf32>,
      %gather3A_1645 = tpu.vector_load_idx %arg6[%get3A_1629, %broadcast_in_dim3A_23] : memref<1000x16xf32, #tpu.memory_space<vmem>>[vector<16xi32>, vector<16xi32>], vector<16xf32>,
      %gather3A_1646 = tpu.vector_load_idx %arg6[%get3A_1629, %broadcast_in_dim3A_25] : memref<1000x16xf32, #tpu.memory_space<vmem>>[vector<16xi32>, vector<16xi32>], vector<16xf32>,
      %gather3A_1647 = tpu.vector_load_idx %arg6[%get3A_1629, %broadcast_in_dim3A_27] : memref<1000x16xf32, #tpu.memory_space<vmem>>[vector<16xi32>, vector<16xi32>], vector<16xf32>,
      %gather3A_1648 = tpu.vector_load_idx %arg6[%get3A_1629, %broadcast_in_dim3A_29] : memref<1000x16xf32, #tpu.memory_space<vmem>>[vector<16xi32>, vector<16xi32>], vector<16xf32>,
      %gather3A_1649 = tpu.vector_load_idx %arg6[%get3A_1629, %broadcast_in_dim3A_31] : memref<1000x16xf32, #tpu.memory_space<vmem>>[vector<16xi32>, vector<16xi32>], vector<16xf32>,
      %gather3A_1650 = tpu.vector_load_idx %arg6[%get3A_1629, %broadcast_in_dim3A_33] : memref<1000x16xf32, #tpu.memory_space<vmem>>[vector<16xi32>, vector<16xi32>], vector<16xf32>,
      %gather3A_1651 = tpu.vector_load_idx %arg6[%get3A_1629, %broadcast_in_dim3A_35] : memref<1000x16xf32, #tpu.memory_space<vmem>>[vector<16xi32>, vector<16xi32>], vector<16xf32>,
      tpu.vector_store_idx %arg7[%add3A_1635, %broadcast_in_dim3A_5], %gather3A_1636 : memref<1600x16xf32, #tpu.memory_space<vmem>>[vector<16xi32>, vector<16xi32>], vector<16xf32>,
      tpu.vector_store_idx %arg7[%add3A_1635, %broadcast_in_dim3A_7], %gather3A_1637 : memref<1600x16xf32, #tpu.memory_space<vmem>>[vector<16xi32>, vector<16xi32>], vector<16xf32>,
      tpu.vector_store_idx %arg7[%add3A_1635, %broadcast_in_dim3A_9], %gather3A_1638 : memref<1600x16xf32, #tpu.memory_space<vmem>>[vector<16xi32>, vector<16xi32>], vector<16xf32>,
      tpu.vector_store_idx %arg7[%add3A_1635, %broadcast_in_dim3A_11], %gather3A_1639 : memref<1600x16xf32, #tpu.memory_space<vmem>>[vector<16xi32>, vector<16xi32>], vector<16xf32>,
      tpu.vector_store_idx %arg7[%add3A_1635, %broadcast_in_dim3A_13], %gather3A_1640 : memref<1600x16xf32, #tpu.memory_space<vmem>>[vector<16xi32>, vector<16xi32>], vector<16xf32>,
      tpu.vector_store_idx %arg7[%add3A_1635, %broadcast_in_dim3A_15], %gather3A_1641 : memref<1600x16xf32, #tpu.memory_space<vmem>>[vector<16xi32>, vector<16xi32>], vector<16xf32>,
      tpu.vector_store_idx %arg7[%add3A_1635, %broadcast_in_dim3A_17], %gather3A_1642 : memref<1600x16xf32, #tpu.memory_space<vmem>>[vector<16xi32>, vector<16xi32>], vector<16xf32>,
      tpu.vector_store_idx %arg7[%add3A_1635, %broadcast_in_dim3A_19], %gather3A_1643 : memref<1600x16xf32, #tpu.memory_space<vmem>>[vector<16xi32>, vector<16xi32>], vector<16xf32>,
      tpu.vector_store_idx %arg7[%add3A_1635, %broadcast_in_dim3A_21], %gather3A_1644 : memref<1600x16xf32, #tpu.memory_space<vmem>>[vector<16xi32>, vector<16xi32>], vector<16xf32>,
      tpu.vector_store_idx %arg7[%add3A_1635, %broadcast_in_dim3A_23], %gather3A_1645 : memref<1600x16xf32, #tpu.memory_space<vmem>>[vector<16xi32>, vector<16xi32>], vector<16xf32>,
      tpu.vector_store_idx %arg7[%add3A_1635, %broadcast_in_dim3A_25], %gather3A_1646 : memref<1600x16xf32, #tpu.memory_space<vmem>>[vector<16xi32>, vector<16xi32>], vector<16xf32>,
      tpu.vector_store_idx %arg7[%add3A_1635, %broadcast_in_dim3A_27], %gather3A_1647 : memref<1600x16xf32, #tpu.memory_space<vmem>>[vector<16xi32>, vector<16xi32>], vector<16xf32>,
      tpu.vector_store_idx %arg7[%add3A_1635, %broadcast_in_dim3A_29], %gather3A_1648 : memref<1600x16xf32, #tpu.memory_space<vmem>>[vector<16xi32>, vector<16xi32>], vector<16xf32>,
      tpu.vector_store_idx %arg7[%add3A_1635, %broadcast_in_dim3A_31], %gather3A_1649 : memref<1600x16xf32, #tpu.memory_space<vmem>>[vector<16xi32>, vector<16xi32>], vector<16xf32>,
      tpu.vector_store_idx %arg7[%add3A_1635, %broadcast_in_dim3A_33], %gather3A_1650 : memref<1600x16xf32, #tpu.memory_space<vmem>>[vector<16xi32>, vector<16xi32>], vector<16xf32>,
      tpu.vector_store_idx %arg7[%add3A_1635, %broadcast_in_dim3A_35], %gather3A_1651 : memref<1600x16xf32, #tpu.memory_space<vmem>>[vector<16xi32>, vector<16xi32>], vector<16xf32>,
      %mul3A_1652 = arith.constant 50 : i32
      %mul3A_1653 = arith.muli %add3A_1445, %mul3A_1652 : i32
      %add3A_1654 = arith.constant 0 : i32
      %add3A_1655 = arith.addi %mul3A_1653, %add3A_1654 : i32
      %get3A_1656 = arith.index_cast %add3A_1655 : i32 to index
      %get3A_1657 = arith.constant 0 : index
      %get3A_1658 = tpu.vector_load %arg7[%get3A_1656, %get3A_1657] {strides = array<i32>} : memref<1600x16xf32, #tpu.memory_space<vmem>>, vector<16xf32>,
      %add3A_1659 = arith.addf %broadcast_in_dim3A_37, %get3A_1658 : vector<16xf32>
      %mul3A_1660 = arith.constant 50 : i32
      %mul3A_1661 = arith.muli %add3A_1449, %mul3A_1660 : i32
      %add3A_1662 = arith.constant 0 : i32
      %add3A_1663 = arith.addi %mul3A_1661, %add3A_1662 : i32
      %get3A_1664 = arith.index_cast %add3A_1663 : i32 to index
      %get3A_1665 = arith.constant 0 : index
      %get3A_1666 = tpu.vector_load %arg7[%get3A_1664, %get3A_1665] {strides = array<i32>} : memref<1600x16xf32, #tpu.memory_space<vmem>>, vector<16xf32>,
      %add3A_1667 = arith.addf %broadcast_in_dim3A_37, %get3A_1666 : vector<16xf32>
      %mul3A_1668 = arith.constant 50 : i32
      %mul3A_1669 = arith.muli %add3A_1445, %mul3A_1668 : i32
      %add3A_1670 = arith.constant 1 : i32
      %add3A_1671 = arith.addi %mul3A_1669, %add3A_1670 : i32
      %get3A_1672 = arith.index_cast %add3A_1671 : i32 to index
      %get3A_1673 = arith.constant 0 : index
      %get3A_1674 = tpu.vector_load %arg7[%get3A_1672, %get3A_1673] {strides = array<i32>} : memref<1600x16xf32, #tpu.memory_space<vmem>>, vector<16xf32>,
      %add3A_1675 = arith.addf %add3A_1659, %get3A_1674 : vector<16xf32>
      %mul3A_1676 = arith.constant 50 : i32
      %mul3A_1677 = arith.muli %add3A_1449, %mul3A_1676 : i32
      %add3A_1678 = arith.constant 1 : i32
      %add3A_1679 = arith.addi %mul3A_1677, %add3A_1678 : i32
      %get3A_1680 = arith.index_cast %add3A_1679 : i32 to index
      %get3A_1681 = arith.constant 0 : index
      %get3A_1682 = tpu.vector_load %arg7[%get3A_1680, %get3A_1681] {strides = array<i32>} : memref<1600x16xf32, #tpu.memory_space<vmem>>, vector<16xf32>,
      %add3A_1683 = arith.addf %add3A_1667, %get3A_1682 : vector<16xf32>
      %mul3A_1684 = arith.constant 50 : i32
      %mul3A_1685 = arith.muli %add3A_1445, %mul3A_1684 : i32
      %add3A_1686 = arith.constant 2 : i32
      %add3A_1687 = arith.addi %mul3A_1685, %add3A_1686 : i32
      %get3A_1688 = arith.index_cast %add3A_1687 : i32 to index
      %get3A_1689 = arith.constant 0 : index
      %get3A_1690 = tpu.vector_load %arg7[%get3A_1688, %get3A_1689] {strides = array<i32>} : memref<1600x16xf32, #tpu.memory_space<vmem>>, vector<16xf32>,
      %add3A_1691 = arith.addf %add3A_1675, %get3A_1690 : vector<16xf32>
      %mul3A_1692 = arith.constant 50 : i32
      %mul3A_1693 = arith.muli %add3A_1449, %mul3A_1692 : i32
      %add3A_1694 = arith.constant 2 : i32
      %add3A_1695 = arith.addi %mul3A_1693, %add3A_1694 : i32
      %get3A_1696 = arith.index_cast %add3A_1695 : i32 to index
      %get3A_1697 = arith.constant 0 : index
      %get3A_1698 = tpu.vector_load %arg7[%get3A_1696, %get3A_1697] {strides = array<i32>} : memref<1600x16xf32, #tpu.memory_space<vmem>>, vector<16xf32>,
      %add3A_1699 = arith.addf %add3A_1683, %get3A_1698 : vector<16xf32>
      %mul3A_1700 = arith.constant 50 : i32
      %mul3A_1701 = arith.muli %add3A_1445, %mul3A_1700 : i32
      %add3A_1702 = arith.constant 3 : i32
      %add3A_1703 = arith.addi %mul3A_1701, %add3A_1702 : i32
      %get3A_1704 = arith.index_cast %add3A_1703 : i32 to index
      %get3A_1705 = arith.constant 0 : index
      %get3A_1706 = tpu.vector_load %arg7[%get3A_1704, %get3A_1705] {strides = array<i32>} : memref<1600x16xf32, #tpu.memory_space<vmem>>, vector<16xf32>,
      %add3A_1707 = arith.addf %add3A_1691, %get3A_1706 : vector<16xf32>
      %mul3A_1708 = arith.constant 50 : i32
      %mul3A_1709 = arith.muli %add3A_1449, %mul3A_1708 : i32
      %add3A_1710 = arith.constant 3 : i32
      %add3A_1711 = arith.addi %mul3A_1709, %add3A_1710 : i32
      %get3A_1712 = arith.index_cast %add3A_1711 : i32 to index
      %get3A_1713 = arith.constant 0 : index
      %get3A_1714 = tpu.vector_load %arg7[%get3A_1712, %get3A_1713] {strides = array<i32>} : memref<1600x16xf32, #tpu.memory_space<vmem>>, vector<16xf32>,
      %add3A_1715 = arith.addf %add3A_1699, %get3A_1714 : vector<16xf32>
      %mul3A_1716 = arith.constant 50 : i32
      %mul3A_1717 = arith.muli %add3A_1445, %mul3A_1716 : i32
      %add3A_1718 = arith.constant 4 : i32
      %add3A_1719 = arith.addi %mul3A_1717, %add3A_1718 : i32
      %get3A_1720 = arith.index_cast %add3A_1719 : i32 to index
      %get3A_1721 = arith.constant 0 : index
      %get3A_1722 = tpu.vector_load %arg7[%get3A_1720, %get3A_1721] {strides = array<i32>} : memref<1600x16xf32, #tpu.memory_space<vmem>>, vector<16xf32>,
      %add3A_1723 = arith.addf %add3A_1707, %get3A_1722 : vector<16xf32>
      %mul3A_1724 = arith.constant 50 : i32
      %mul3A_1725 = arith.muli %add3A_1449, %mul3A_1724 : i32
      %add3A_1726 = arith.constant 4 : i32
      %add3A_1727 = arith.addi %mul3A_1725, %add3A_1726 : i32
      %get3A_1728 = arith.index_cast %add3A_1727 : i32 to index
      %get3A_1729 = arith.constant 0 : index
      %get3A_1730 = tpu.vector_load %arg7[%get3A_1728, %get3A_1729] {strides = array<i32>} : memref<1600x16xf32, #tpu.memory_space<vmem>>, vector<16xf32>,
      %add3A_1731 = arith.addf %add3A_1715, %get3A_1730 : vector<16xf32>
      %mul3A_1732 = arith.constant 50 : i32
      %mul3A_1733 = arith.muli %add3A_1445, %mul3A_1732 : i32
      %add3A_1734 = arith.constant 5 : i32
      %add3A_1735 = arith.addi %mul3A_1733, %add3A_1734 : i32
      %get3A_1736 = arith.index_cast %add3A_1735 : i32 to index
      %get3A_1737 = arith.constant 0 : index
      %get3A_1738 = tpu.vector_load %arg7[%get3A_1736, %get3A_1737] {strides = array<i32>} : memref<1600x16xf32, #tpu.memory_space<vmem>>, vector<16xf32>,
      %add3A_1739 = arith.addf %add3A_1723, %get3A_1738 : vector<16xf32>
      %mul3A_1740 = arith.constant 50 : i32
      %mul3A_1741 = arith.muli %add3A_1449, %mul3A_1740 : i32
      %add3A_1742 = arith.constant 5 : i32
      %add3A_1743 = arith.addi %mul3A_1741, %add3A_1742 : i32
      %get3A_1744 = arith.index_cast %add3A_1743 : i32 to index
      %get3A_1745 = arith.constant 0 : index
      %get3A_1746 = tpu.vector_load %arg7[%get3A_1744, %get3A_1745] {strides = array<i32>} : memref<1600x16xf32, #tpu.memory_space<vmem>>, vector<16xf32>,
      %add3A_1747 = arith.addf %add3A_1731, %get3A_1746 : vector<16xf32>
      %mul3A_1748 = arith.constant 50 : i32
      %mul3A_1749 = arith.muli %add3A_1445, %mul3A_1748 : i32
      %add3A_1750 = arith.constant 6 : i32
      %add3A_1751 = arith.addi %mul3A_1749, %add3A_1750 : i32
      %get3A_1752 = arith.index_cast %add3A_1751 : i32 to index
      %get3A_1753 = arith.constant 0 : index
      %get3A_1754 = tpu.vector_load %arg7[%get3A_1752, %get3A_1753] {strides = array<i32>} : memref<1600x16xf32, #tpu.memory_space<vmem>>, vector<16xf32>,
      %add3A_1755 = arith.addf %add3A_1739, %get3A_1754 : vector<16xf32>
      %mul3A_1756 = arith.constant 50 : i32
      %mul3A_1757 = arith.muli %add3A_1449, %mul3A_1756 : i32
      %add3A_1758 = arith.constant 6 : i32
      %add3A_1759 = arith.addi %mul3A_1757, %add3A_1758 : i32
      %get3A_1760 = arith.index_cast %add3A_1759 : i32 to index
      %get3A_1761 = arith.constant 0 : index
      %get3A_1762 = tpu.vector_load %arg7[%get3A_1760, %get3A_1761] {strides = array<i32>} : memref<1600x16xf32, #tpu.memory_space<vmem>>, vector<16xf32>,
      %add3A_1763 = arith.addf %add3A_1747, %get3A_1762 : vector<16xf32>
      %mul3A_1764 = arith.constant 50 : i32
      %mul3A_1765 = arith.muli %add3A_1445, %mul3A_1764 : i32
      %add3A_1766 = arith.constant 7 : i32
      %add3A_1767 = arith.addi %mul3A_1765, %add3A_1766 : i32
      %get3A_1768 = arith.index_cast %add3A_1767 : i32 to index
      %get3A_1769 = arith.constant 0 : index
      %get3A_1770 = tpu.vector_load %arg7[%get3A_1768, %get3A_1769] {strides = array<i32>} : memref<1600x16xf32, #tpu.memory_space<vmem>>, vector<16xf32>,
      %add3A_1771 = arith.addf %add3A_1755, %get3A_1770 : vector<16xf32>
      %mul3A_1772 = arith.constant 50 : i32
      %mul3A_1773 = arith.muli %add3A_1449, %mul3A_1772 : i32
      %add3A_1774 = arith.constant 7 : i32
      %add3A_1775 = arith.addi %mul3A_1773, %add3A_1774 : i32
      %get3A_1776 = arith.index_cast %add3A_1775 : i32 to index
      %get3A_1777 = arith.constant 0 : index
      %get3A_1778 = tpu.vector_load %arg7[%get3A_1776, %get3A_1777] {strides = array<i32>} : memref<1600x16xf32, #tpu.memory_space<vmem>>, vector<16xf32>,
      %add3A_1779 = arith.addf %add3A_1763, %get3A_1778 : vector<16xf32>
      %mul3A_1780 = arith.constant 50 : i32
      %mul3A_1781 = arith.muli %add3A_1445, %mul3A_1780 : i32
      %add3A_1782 = arith.constant 8 : i32
      %add3A_1783 = arith.addi %mul3A_1781, %add3A_1782 : i32
      %get3A_1784 = arith.index_cast %add3A_1783 : i32 to index
      %get3A_1785 = arith.constant 0 : index
      %get3A_1786 = tpu.vector_load %arg7[%get3A_1784, %get3A_1785] {strides = array<i32>} : memref<1600x16xf32, #tpu.memory_space<vmem>>, vector<16xf32>,
      %add3A_1787 = arith.addf %add3A_1771, %get3A_1786 : vector<16xf32>
      %mul3A_1788 = arith.constant 50 : i32
      %mul3A_1789 = arith.muli %add3A_1449, %mul3A_1788 : i32
      %add3A_1790 = arith.constant 8 : i32
      %add3A_1791 = arith.addi %mul3A_1789, %add3A_1790 : i32
      %get3A_1792 = arith.index_cast %add3A_1791 : i32 to index
      %get3A_1793 = arith.constant 0 : index
      %get3A_1794 = tpu.vector_load %arg7[%get3A_1792, %get3A_1793] {strides = array<i32>} : memref<1600x16xf32, #tpu.memory_space<vmem>>, vector<16xf32>,
      %add3A_1795 = arith.addf %add3A_1779, %get3A_1794 : vector<16xf32>
      %mul3A_1796 = arith.constant 50 : i32
      %mul3A_1797 = arith.muli %add3A_1445, %mul3A_1796 : i32
      %add3A_1798 = arith.constant 9 : i32
      %add3A_1799 = arith.addi %mul3A_1797, %add3A_1798 : i32
      %get3A_1800 = arith.index_cast %add3A_1799 : i32 to index
      %get3A_1801 = arith.constant 0 : index
      %get3A_1802 = tpu.vector_load %arg7[%get3A_1800, %get3A_1801] {strides = array<i32>} : memref<1600x16xf32, #tpu.memory_space<vmem>>, vector<16xf32>,
      %add3A_1803 = arith.addf %add3A_1787, %get3A_1802 : vector<16xf32>
      %mul3A_1804 = arith.constant 50 : i32
      %mul3A_1805 = arith.muli %add3A_1449, %mul3A_1804 : i32
      %add3A_1806 = arith.constant 9 : i32
      %add3A_1807 = arith.addi %mul3A_1805, %add3A_1806 : i32
      %get3A_1808 = arith.index_cast %add3A_1807 : i32 to index
      %get3A_1809 = arith.constant 0 : index
      %get3A_1810 = tpu.vector_load %arg7[%get3A_1808, %get3A_1809] {strides = array<i32>} : memref<1600x16xf32, #tpu.memory_space<vmem>>, vector<16xf32>,
      %add3A_1811 = arith.addf %add3A_1795, %get3A_1810 : vector<16xf32>
      %sub3A = arith.subf %add3A_1723, %add3A_1659 : vector<16xf32>
      %add3A_1812 = arith.constant 0 : i32
      %add3A_1813 = vector.broadcast %add3A_1812 : i32 to vector<16xi32>
      %add3A_1814 = arith.addi %iota3A, %add3A_1813 : vector<16xi32>
      tpu.vector_store_idx %arg8[%add3A_1814, %add3A_1451], %sub3A : memref<800x32xf32, #tpu.memory_space<vmem>>[vector<16xi32>, vector<16xi32>], vector<16xf32>,
      %sub3A_1815 = arith.subf %add3A_1731, %add3A_1667 : vector<16xf32>
      %add3A_1816 = arith.constant 0 : i32
      %add3A_1817 = vector.broadcast %add3A_1816 : i32 to vector<16xi32>
      %add3A_1818 = arith.addi %iota3A, %add3A_1817 : vector<16xi32>
      tpu.vector_store_idx %arg8[%add3A_1818, %add3A_1453], %sub3A_1815 : memref<800x32xf32, #tpu.memory_space<vmem>>[vector<16xi32>, vector<16xi32>], vector<16xf32>,
      %mul3A_1819 = arith.constant 50 : i32
      %mul3A_1820 = arith.muli %add3A_1445, %mul3A_1819 : i32
      %add3A_1821 = arith.constant 10 : i32
      %add3A_1822 = arith.addi %mul3A_1820, %add3A_1821 : i32
      %get3A_1823 = arith.index_cast %add3A_1822 : i32 to index
      %get3A_1824 = arith.constant 0 : index
      %get3A_1825 = tpu.vector_load %arg7[%get3A_1823, %get3A_1824] {strides = array<i32>} : memref<1600x16xf32, #tpu.memory_space<vmem>>, vector<16xf32>,
      %add3A_1826 = arith.addf %add3A_1803, %get3A_1825 : vector<16xf32>
      %mul3A_1827 = arith.constant 50 : i32
      %mul3A_1828 = arith.muli %add3A_1449, %mul3A_1827 : i32
      %add3A_1829 = arith.constant 10 : i32
      %add3A_1830 = arith.addi %mul3A_1828, %add3A_1829 : i32
      %get3A_1831 = arith.index_cast %add3A_1830 : i32 to index
      %get3A_1832 = arith.constant 0 : index
      %get3A_1833 = tpu.vector_load %arg7[%get3A_1831, %get3A_1832] {strides = array<i32>} : memref<1600x16xf32, #tpu.memory_space<vmem>>, vector<16xf32>,
      %add3A_1834 = arith.addf %add3A_1811, %get3A_1833 : vector<16xf32>
      %sub3A_1835 = arith.subf %add3A_1739, %add3A_1659 : vector<16xf32>
      %add3A_1836 = arith.constant 16 : i32
      %add3A_1837 = vector.broadcast %add3A_1836 : i32 to vector<16xi32>
      %add3A_1838 = arith.addi %iota3A, %add3A_1837 : vector<16xi32>
      tpu.vector_store_idx %arg8[%add3A_1838, %add3A_1451], %sub3A_1835 : memref<800x32xf32, #tpu.memory_space<vmem>>[vector<16xi32>, vector<16xi32>], vector<16xf32>,
      %sub3A_1839 = arith.subf %add3A_1747, %add3A_1667 : vector<16xf32>
      %add3A_1840 = arith.constant 16 : i32
      %add3A_1841 = vector.broadcast %add3A_1840 : i32 to vector<16xi32>
      %add3A_1842 = arith.addi %iota3A, %add3A_1841 : vector<16xi32>
      tpu.vector_store_idx %arg8[%add3A_1842, %add3A_1453], %sub3A_1839 : memref<800x32xf32, #tpu.memory_space<vmem>>[vector<16xi32>, vector<16xi32>], vector<16xf32>,
      %mul3A_1843 = arith.constant 50 : i32
      %mul3A_1844 = arith.muli %add3A_1445, %mul3A_1843 : i32
      %add3A_1845 = arith.constant 11 : i32
      %add3A_1846 = arith.addi %mul3A_1844, %add3A_1845 : i32
      %get3A_1847 = arith.index_cast %add3A_1846 : i32 to index
      %get3A_1848 = arith.constant 0 : index
      %get3A_1849 = tpu.vector_load %arg7[%get3A_1847, %get3A_1848] {strides = array<i32>} : memref<1600x16xf32, #tpu.memory_space<vmem>>, vector<16xf32>,
      %add3A_1850 = arith.addf %add3A_1826, %get3A_1849 : vector<16xf32>
      %mul3A_1851 = arith.constant 50 : i32
      %mul3A_1852 = arith.muli %add3A_1449, %mul3A_1851 : i32
      %add3A_1853 = arith.constant 11 : i32
      %add3A_1854 = arith.addi %mul3A_1852, %add3A_1853 : i32
      %get3A_1855 = arith.index_cast %add3A_1854 : i32 to index
      %get3A_1856 = arith.constant 0 : index
      %get3A_1857 = tpu.vector_load %arg7[%get3A_1855, %get3A_1856] {strides = array<i32>} : memref<1600x16xf32, #tpu.memory_space<vmem>>, vector<16xf32>,
      %add3A_1858 = arith.addf %add3A_1834, %get3A_1857 : vector<16xf32>
      %sub3A_1859 = arith.subf %add3A_1755, %add3A_1659 : vector<16xf32>
      %add3A_1860 = arith.constant 32 : i32
      %add3A_1861 = vector.broadcast %add3A_1860 : i32 to vector<16xi32>
      %add3A_1862 = arith.addi %iota3A, %add3A_1861 : vector<16xi32>
      tpu.vector_store_idx %arg8[%add3A_1862, %add3A_1451], %sub3A_1859 : memref<800x32xf32, #tpu.memory_space<vmem>>[vector<16xi32>, vector<16xi32>], vector<16xf32>,
      %sub3A_1863 = arith.subf %add3A_1763, %add3A_1667 : vector<16xf32>
      %add3A_1864 = arith.constant 32 : i32
      %add3A_1865 = vector.broadcast %add3A_1864 : i32 to vector<16xi32>
      %add3A_1866 = arith.addi %iota3A, %add3A_1865 : vector<16xi32>
      tpu.vector_store_idx %arg8[%add3A_1866, %add3A_1453], %sub3A_1863 : memref<800x32xf32, #tpu.memory_space<vmem>>[vector<16xi32>, vector<16xi32>], vector<16xf32>,
      %mul3A_1867 = arith.constant 50 : i32
      %mul3A_1868 = arith.muli %add3A_1445, %mul3A_1867 : i32
      %add3A_1869 = arith.constant 12 : i32
      %add3A_1870 = arith.addi %mul3A_1868, %add3A_1869 : i32
      %get3A_1871 = arith.index_cast %add3A_1870 : i32 to index
      %get3A_1872 = arith.constant 0 : index
      %get3A_1873 = tpu.vector_load %arg7[%get3A_1871, %get3A_1872] {strides = array<i32>} : memref<1600x16xf32, #tpu.memory_space<vmem>>, vector<16xf32>,
      %add3A_1874 = arith.addf %add3A_1850, %get3A_1873 : vector<16xf32>
      %mul3A_1875 = arith.constant 50 : i32
      %mul3A_1876 = arith.muli %add3A_1449, %mul3A_1875 : i32
      %add3A_1877 = arith.constant 12 : i32
      %add3A_1878 = arith.addi %mul3A_1876, %add3A_1877 : i32
      %get3A_1879 = arith.index_cast %add3A_1878 : i32 to index
      %get3A_1880 = arith.constant 0 : index
      %get3A_1881 = tpu.vector_load %arg7[%get3A_1879, %get3A_1880] {strides = array<i32>} : memref<1600x16xf32, #tpu.memory_space<vmem>>, vector<16xf32>,
      %add3A_1882 = arith.addf %add3A_1858, %get3A_1881 : vector<16xf32>
      %sub3A_1883 = arith.subf %add3A_1771, %add3A_1659 : vector<16xf32>
      %add3A_1884 = arith.constant 48 : i32
      %add3A_1885 = vector.broadcast %add3A_1884 : i32 to vector<16xi32>
      %add3A_1886 = arith.addi %iota3A, %add3A_1885 : vector<16xi32>
      tpu.vector_store_idx %arg8[%add3A_1886, %add3A_1451], %sub3A_1883 : memref<800x32xf32, #tpu.memory_space<vmem>>[vector<16xi32>, vector<16xi32>], vector<16xf32>,
      %sub3A_1887 = arith.subf %add3A_1779, %add3A_1667 : vector<16xf32>
      %add3A_1888 = arith.constant 48 : i32
      %add3A_1889 = vector.broadcast %add3A_1888 : i32 to vector<16xi32>
      %add3A_1890 = arith.addi %iota3A, %add3A_1889 : vector<16xi32>
      tpu.vector_store_idx %arg8[%add3A_1890, %add3A_1453], %sub3A_1887 : memref<800x32xf32, #tpu.memory_space<vmem>>[vector<16xi32>, vector<16xi32>], vector<16xf32>,
      %mul3A_1891 = arith.constant 50 : i32
      %mul3A_1892 = arith.muli %add3A_1445, %mul3A_1891 : i32
      %add3A_1893 = arith.constant 13 : i32
      %add3A_1894 = arith.addi %mul3A_1892, %add3A_1893 : i32
      %get3A_1895 = arith.index_cast %add3A_1894 : i32 to index
      %get3A_1896 = arith.constant 0 : index
      %get3A_1897 = tpu.vector_load %arg7[%get3A_1895, %get3A_1896] {strides = array<i32>} : memref<1600x16xf32, #tpu.memory_space<vmem>>, vector<16xf32>,
      %add3A_1898 = arith.addf %add3A_1874, %get3A_1897 : vector<16xf32>
      %mul3A_1899 = arith.constant 50 : i32
      %mul3A_1900 = arith.muli %add3A_1449, %mul3A_1899 : i32
      %add3A_1901 = arith.constant 13 : i32
      %add3A_1902 = arith.addi %mul3A_1900, %add3A_1901 : i32
      %get3A_1903 = arith.index_cast %add3A_1902 : i32 to index
      %get3A_1904 = arith.constant 0 : index
      %get3A_1905 = tpu.vector_load %arg7[%get3A_1903, %get3A_1904] {strides = array<i32>} : memref<1600x16xf32, #tpu.memory_space<vmem>>, vector<16xf32>,
      %add3A_1906 = arith.addf %add3A_1882, %get3A_1905 : vector<16xf32>
      %sub3A_1907 = arith.subf %add3A_1787, %add3A_1659 : vector<16xf32>
      %add3A_1908 = arith.constant 64 : i32
      %add3A_1909 = vector.broadcast %add3A_1908 : i32 to vector<16xi32>
      %add3A_1910 = arith.addi %iota3A, %add3A_1909 : vector<16xi32>
      tpu.vector_store_idx %arg8[%add3A_1910, %add3A_1451], %sub3A_1907 : memref<800x32xf32, #tpu.memory_space<vmem>>[vector<16xi32>, vector<16xi32>], vector<16xf32>,
      %sub3A_1911 = arith.subf %add3A_1795, %add3A_1667 : vector<16xf32>
      %add3A_1912 = arith.constant 64 : i32
      %add3A_1913 = vector.broadcast %add3A_1912 : i32 to vector<16xi32>
      %add3A_1914 = arith.addi %iota3A, %add3A_1913 : vector<16xi32>
      tpu.vector_store_idx %arg8[%add3A_1914, %add3A_1453], %sub3A_1911 : memref<800x32xf32, #tpu.memory_space<vmem>>[vector<16xi32>, vector<16xi32>], vector<16xf32>,
      %mul3A_1915 = arith.constant 50 : i32
      %mul3A_1916 = arith.muli %add3A_1445, %mul3A_1915 : i32
      %add3A_1917 = arith.constant 14 : i32
      %add3A_1918 = arith.addi %mul3A_1916, %add3A_1917 : i32
      %get3A_1919 = arith.index_cast %add3A_1918 : i32 to index
      %get3A_1920 = arith.constant 0 : index
      %get3A_1921 = tpu.vector_load %arg7[%get3A_1919, %get3A_1920] {strides = array<i32>} : memref<1600x16xf32, #tpu.memory_space<vmem>>, vector<16xf32>,
      %add3A_1922 = arith.addf %add3A_1898, %get3A_1921 : vector<16xf32>
      %mul3A_1923 = arith.constant 50 : i32
      %mul3A_1924 = arith.muli %add3A_1449, %mul3A_1923 : i32
      %add3A_1925 = arith.constant 14 : i32
      %add3A_1926 = arith.addi %mul3A_1924, %add3A_1925 : i32
      %get3A_1927 = arith.index_cast %add3A_1926 : i32 to index
      %get3A_1928 = arith.constant 0 : index
      %get3A_1929 = tpu.vector_load %arg7[%get3A_1927, %get3A_1928] {strides = array<i32>} : memref<1600x16xf32, #tpu.memory_space<vmem>>, vector<16xf32>,
      %add3A_1930 = arith.addf %add3A_1906, %get3A_1929 : vector<16xf32>
      %sub3A_1931 = arith.subf %add3A_1803, %broadcast_in_dim3A_37 : vector<16xf32>
      %sub3A_1932 = arith.subf %sub3A_1931, %get3A_1738 : vector<16xf32>
      %add3A_1933 = arith.constant 80 : i32
      %add3A_1934 = vector.broadcast %add3A_1933 : i32 to vector<16xi32>
      %add3A_1935 = arith.addi %iota3A, %add3A_1934 : vector<16xi32>
      tpu.vector_store_idx %arg8[%add3A_1935, %add3A_1451], %sub3A_1932 : memref<800x32xf32, #tpu.memory_space<vmem>>[vector<16xi32>, vector<16xi32>], vector<16xf32>,
      %sub3A_1936 = arith.subf %add3A_1811, %broadcast_in_dim3A_37 : vector<16xf32>
      %sub3A_1937 = arith.subf %sub3A_1936, %get3A_1746 : vector<16xf32>
      %add3A_1938 = arith.constant 80 : i32
      %add3A_1939 = vector.broadcast %add3A_1938 : i32 to vector<16xi32>
      %add3A_1940 = arith.addi %iota3A, %add3A_1939 : vector<16xi32>
      tpu.vector_store_idx %arg8[%add3A_1940, %add3A_1453], %sub3A_1937 : memref<800x32xf32, #tpu.memory_space<vmem>>[vector<16xi32>, vector<16xi32>], vector<16xf32>,
      %mul3A_1941 = arith.constant 50 : i32
      %mul3A_1942 = arith.muli %add3A_1445, %mul3A_1941 : i32
      %add3A_1943 = arith.constant 15 : i32
      %add3A_1944 = arith.addi %mul3A_1942, %add3A_1943 : i32
      %get3A_1945 = arith.index_cast %add3A_1944 : i32 to index
      %get3A_1946 = arith.constant 0 : index
      %get3A_1947 = tpu.vector_load %arg7[%get3A_1945, %get3A_1946] {strides = array<i32>} : memref<1600x16xf32, #tpu.memory_space<vmem>>, vector<16xf32>,
      %add3A_1948 = arith.addf %add3A_1922, %get3A_1947 : vector<16xf32>
      %mul3A_1949 = arith.constant 50 : i32
      %mul3A_1950 = arith.muli %add3A_1449, %mul3A_1949 : i32
      %add3A_1951 = arith.constant 15 : i32
      %add3A_1952 = arith.addi %mul3A_1950, %add3A_1951 : i32
      %get3A_1953 = arith.index_cast %add3A_1952 : i32 to index
      %get3A_1954 = arith.constant 0 : index
      %get3A_1955 = tpu.vector_load %arg7[%get3A_1953, %get3A_1954] {strides = array<i32>} : memref<1600x16xf32, #tpu.memory_space<vmem>>, vector<16xf32>,
      %add3A_1956 = arith.addf %add3A_1930, %get3A_1955 : vector<16xf32>
      %sub3A_1957 = arith.subf %add3A_1826, %add3A_1659 : vector<16xf32>
      %sub3A_1958 = arith.subf %sub3A_1957, %get3A_1754 : vector<16xf32>
      %add3A_1959 = arith.constant 96 : i32
      %add3A_1960 = vector.broadcast %add3A_1959 : i32 to vector<16xi32>
      %add3A_1961 = arith.addi %iota3A, %add3A_1960 : vector<16xi32>
      tpu.vector_store_idx %arg8[%add3A_1961, %add3A_1451], %sub3A_1958 : memref<800x32xf32, #tpu.memory_space<vmem>>[vector<16xi32>, vector<16xi32>], vector<16xf32>,
      %sub3A_1962 = arith.subf %add3A_1834, %add3A_1667 : vector<16xf32>
      %sub3A_1963 = arith.subf %sub3A_1962, %get3A_1762 : vector<16xf32>
      %add3A_1964 = arith.constant 96 : i32
      %add3A_1965 = vector.broadcast %add3A_1964 : i32 to vector<16xi32>
      %add3A_1966 = arith.addi %iota3A, %add3A_1965 : vector<16xi32>
      tpu.vector_store_idx %arg8[%add3A_1966, %add3A_1453], %sub3A_1963 : memref<800x32xf32, #tpu.memory_space<vmem>>[vector<16xi32>, vector<16xi32>], vector<16xf32>,
      %mul3A_1967 = arith.constant 50 : i32
      %mul3A_1968 = arith.muli %add3A_1445, %mul3A_1967 : i32
      %add3A_1969 = arith.constant 16 : i32
      %add3A_1970 = arith.addi %mul3A_1968, %add3A_1969 : i32
      %get3A_1971 = arith.index_cast %add3A_1970 : i32 to index
      %get3A_1972 = arith.constant 0 : index
      %get3A_1973 = tpu.vector_load %arg7[%get3A_1971, %get3A_1972] {strides = array<i32>} : memref<1600x16xf32, #tpu.memory_space<vmem>>, vector<16xf32>,
      %add3A_1974 = arith.addf %add3A_1948, %get3A_1973 : vector<16xf32>
      %mul3A_1975 = arith.constant 50 : i32
      %mul3A_1976 = arith.muli %add3A_1449, %mul3A_1975 : i32
      %add3A_1977 = arith.constant 16 : i32
      %add3A_1978 = arith.addi %mul3A_1976, %add3A_1977 : i32
      %get3A_1979 = arith.index_cast %add3A_1978 : i32 to index
      %get3A_1980 = arith.constant 0 : index
      %get3A_1981 = tpu.vector_load %arg7[%get3A_1979, %get3A_1980] {strides = array<i32>} : memref<1600x16xf32, #tpu.memory_space<vmem>>, vector<16xf32>,
      %add3A_1982 = arith.addf %add3A_1956, %get3A_1981 : vector<16xf32>
      %sub3A_1983 = arith.subf %add3A_1850, %add3A_1675 : vector<16xf32>
      %sub3A_1984 = arith.subf %sub3A_1983, %get3A_1770 : vector<16xf32>
      %add3A_1985 = arith.constant 112 : i32
      %add3A_1986 = vector.broadcast %add3A_1985 : i32 to vector<16xi32>
      %add3A_1987 = arith.addi %iota3A, %add3A_1986 : vector<16xi32>
      tpu.vector_store_idx %arg8[%add3A_1987, %add3A_1451], %sub3A_1984 : memref<800x32xf32, #tpu.memory_space<vmem>>[vector<16xi32>, vector<16xi32>], vector<16xf32>,
      %sub3A_1988 = arith.subf %add3A_1858, %add3A_1683 : vector<16xf32>
      %sub3A_1989 = arith.subf %sub3A_1988, %get3A_1778 : vector<16xf32>
      %add3A_1990 = arith.constant 112 : i32
      %add3A_1991 = vector.broadcast %add3A_1990 : i32 to vector<16xi32>
      %add3A_1992 = arith.addi %iota3A, %add3A_1991 : vector<16xi32>
      tpu.vector_store_idx %arg8[%add3A_1992, %add3A_1453], %sub3A_1989 : memref<800x32xf32, #tpu.memory_space<vmem>>[vector<16xi32>, vector<16xi32>], vector<16xf32>,
      %mul3A_1993 = arith.constant 50 : i32
      %mul3A_1994 = arith.muli %add3A_1445, %mul3A_1993 : i32
      %add3A_1995 = arith.constant 17 : i32
      %add3A_1996 = arith.addi %mul3A_1994, %add3A_1995 : i32
      %get3A_1997 = arith.index_cast %add3A_1996 : i32 to index
      %get3A_1998 = arith.constant 0 : index
      %get3A_1999 = tpu.vector_load %arg7[%get3A_1997, %get3A_1998] {strides = array<i32>} : memref<1600x16xf32, #tpu.memory_space<vmem>>, vector<16xf32>,
      %add3A_2000 = arith.addf %add3A_1974, %get3A_1999 : vector<16xf32>
      %mul3A_2001 = arith.constant 50 : i32
      %mul3A_2002 = arith.muli %add3A_1449, %mul3A_2001 : i32
      %add3A_2003 = arith.constant 17 : i32
      %add3A_2004 = arith.addi %mul3A_2002, %add3A_2003 : i32
      %get3A_2005 = arith.index_cast %add3A_2004 : i32 to index
      %get3A_2006 = arith.constant 0 : index
      %get3A_2007 = tpu.vector_load %arg7[%get3A_2005, %get3A_2006] {strides = array<i32>} : memref<1600x16xf32, #tpu.memory_space<vmem>>, vector<16xf32>,
      %add3A_2008 = arith.addf %add3A_1982, %get3A_2007 : vector<16xf32>
      %sub3A_2009 = arith.subf %add3A_1874, %add3A_1691 : vector<16xf32>
      %sub3A_2010 = arith.subf %sub3A_2009, %get3A_1786 : vector<16xf32>
      %add3A_2011 = arith.constant 128 : i32
      %add3A_2012 = vector.broadcast %add3A_2011 : i32 to vector<16xi32>
      %add3A_2013 = arith.addi %iota3A, %add3A_2012 : vector<16xi32>
      tpu.vector_store_idx %arg8[%add3A_2013, %add3A_1451], %sub3A_2010 : memref<800x32xf32, #tpu.memory_space<vmem>>[vector<16xi32>, vector<16xi32>], vector<16xf32>,
      %sub3A_2014 = arith.subf %add3A_1882, %add3A_1699 : vector<16xf32>
      %sub3A_2015 = arith.subf %sub3A_2014, %get3A_1794 : vector<16xf32>
      %add3A_2016 = arith.constant 128 : i32
      %add3A_2017 = vector.broadcast %add3A_2016 : i32 to vector<16xi32>
      %add3A_2018 = arith.addi %iota3A, %add3A_2017 : vector<16xi32>
      tpu.vector_store_idx %arg8[%add3A_2018, %add3A_1453], %sub3A_2015 : memref<800x32xf32, #tpu.memory_space<vmem>>[vector<16xi32>, vector<16xi32>], vector<16xf32>,
      %mul3A_2019 = arith.constant 50 : i32
      %mul3A_2020 = arith.muli %add3A_1445, %mul3A_2019 : i32
      %add3A_2021 = arith.constant 18 : i32
      %add3A_2022 = arith.addi %mul3A_2020, %add3A_2021 : i32
      %get3A_2023 = arith.index_cast %add3A_2022 : i32 to index
      %get3A_2024 = arith.constant 0 : index
      %get3A_2025 = tpu.vector_load %arg7[%get3A_2023, %get3A_2024] {strides = array<i32>} : memref<1600x16xf32, #tpu.memory_space<vmem>>, vector<16xf32>,
      %add3A_2026 = arith.addf %add3A_2000, %get3A_2025 : vector<16xf32>
      %mul3A_2027 = arith.constant 50 : i32
      %mul3A_2028 = arith.muli %add3A_1449, %mul3A_2027 : i32
      %add3A_2029 = arith.constant 18 : i32
      %add3A_2030 = arith.addi %mul3A_2028, %add3A_2029 : i32
      %get3A_2031 = arith.index_cast %add3A_2030 : i32 to index
      %get3A_2032 = arith.constant 0 : index
      %get3A_2033 = tpu.vector_load %arg7[%get3A_2031, %get3A_2032] {strides = array<i32>} : memref<1600x16xf32, #tpu.memory_space<vmem>>, vector<16xf32>,
      %add3A_2034 = arith.addf %add3A_2008, %get3A_2033 : vector<16xf32>
      %sub3A_2035 = arith.subf %add3A_1898, %add3A_1707 : vector<16xf32>
      %sub3A_2036 = arith.subf %sub3A_2035, %get3A_1802 : vector<16xf32>
      %add3A_2037 = arith.constant 144 : i32
      %add3A_2038 = vector.broadcast %add3A_2037 : i32 to vector<16xi32>
      %add3A_2039 = arith.addi %iota3A, %add3A_2038 : vector<16xi32>
      tpu.vector_store_idx %arg8[%add3A_2039, %add3A_1451], %sub3A_2036 : memref<800x32xf32, #tpu.memory_space<vmem>>[vector<16xi32>, vector<16xi32>], vector<16xf32>,
      %sub3A_2040 = arith.subf %add3A_1906, %add3A_1715 : vector<16xf32>
      %sub3A_2041 = arith.subf %sub3A_2040, %get3A_1810 : vector<16xf32>
      %add3A_2042 = arith.constant 144 : i32
      %add3A_2043 = vector.broadcast %add3A_2042 : i32 to vector<16xi32>
      %add3A_2044 = arith.addi %iota3A, %add3A_2043 : vector<16xi32>
      tpu.vector_store_idx %arg8[%add3A_2044, %add3A_1453], %sub3A_2041 : memref<800x32xf32, #tpu.memory_space<vmem>>[vector<16xi32>, vector<16xi32>], vector<16xf32>,
      %mul3A_2045 = arith.constant 50 : i32
      %mul3A_2046 = arith.muli %add3A_1445, %mul3A_2045 : i32
      %add3A_2047 = arith.constant 19 : i32
      %add3A_2048 = arith.addi %mul3A_2046, %add3A_2047 : i32
      %get3A_2049 = arith.index_cast %add3A_2048 : i32 to index
      %get3A_2050 = arith.constant 0 : index
      %get3A_2051 = tpu.vector_load %arg7[%get3A_2049, %get3A_2050] {strides = array<i32>} : memref<1600x16xf32, #tpu.memory_space<vmem>>, vector<16xf32>,
      %add3A_2052 = arith.addf %add3A_2026, %get3A_2051 : vector<16xf32>
      %mul3A_2053 = arith.constant 50 : i32
      %mul3A_2054 = arith.muli %add3A_1449, %mul3A_2053 : i32
      %add3A_2055 = arith.constant 19 : i32
      %add3A_2056 = arith.addi %mul3A_2054, %add3A_2055 : i32
      %get3A_2057 = arith.index_cast %add3A_2056 : i32 to index
      %get3A_2058 = arith.constant 0 : index
      %get3A_2059 = tpu.vector_load %arg7[%get3A_2057, %get3A_2058] {strides = array<i32>} : memref<1600x16xf32, #tpu.memory_space<vmem>>, vector<16xf32>,
      %add3A_2060 = arith.addf %add3A_2034, %get3A_2059 : vector<16xf32>
      %sub3A_2061 = arith.subf %add3A_1922, %add3A_1723 : vector<16xf32>
      %sub3A_2062 = arith.subf %sub3A_2061, %get3A_1825 : vector<16xf32>
      %add3A_2063 = arith.constant 160 : i32
      %add3A_2064 = vector.broadcast %add3A_2063 : i32 to vector<16xi32>
      %add3A_2065 = arith.addi %iota3A, %add3A_2064 : vector<16xi32>
      tpu.vector_store_idx %arg8[%add3A_2065, %add3A_1451], %sub3A_2062 : memref<800x32xf32, #tpu.memory_space<vmem>>[vector<16xi32>, vector<16xi32>], vector<16xf32>,
      %sub3A_2066 = arith.subf %add3A_1930, %add3A_1731 : vector<16xf32>
      %sub3A_2067 = arith.subf %sub3A_2066, %get3A_1833 : vector<16xf32>
      %add3A_2068 = arith.constant 160 : i32
      %add3A_2069 = vector.broadcast %add3A_2068 : i32 to vector<16xi32>
      %add3A_2070 = arith.addi %iota3A, %add3A_2069 : vector<16xi32>
      tpu.vector_store_idx %arg8[%add3A_2070, %add3A_1453], %sub3A_2067 : memref<800x32xf32, #tpu.memory_space<vmem>>[vector<16xi32>, vector<16xi32>], vector<16xf32>,
      %mul3A_2071 = arith.constant 50 : i32
      %mul3A_2072 = arith.muli %add3A_1445, %mul3A_2071 : i32
      %add3A_2073 = arith.constant 20 : i32
      %add3A_2074 = arith.addi %mul3A_2072, %add3A_2073 : i32
      %get3A_2075 = arith.index_cast %add3A_2074 : i32 to index
      %get3A_2076 = arith.constant 0 : index
      %get3A_2077 = tpu.vector_load %arg7[%get3A_2075, %get3A_2076] {strides = array<i32>} : memref<1600x16xf32, #tpu.memory_space<vmem>>, vector<16xf32>,
      %add3A_2078 = arith.addf %add3A_2052, %get3A_2077 : vector<16xf32>
      %mul3A_2079 = arith.constant 50 : i32
      %mul3A_2080 = arith.muli %add3A_1449, %mul3A_2079 : i32
      %add3A_2081 = arith.constant 20 : i32
      %add3A_2082 = arith.addi %mul3A_2080, %add3A_2081 : i32
      %get3A_2083 = arith.index_cast %add3A_2082 : i32 to index
      %get3A_2084 = arith.constant 0 : index
      %get3A_2085 = tpu.vector_load %arg7[%get3A_2083, %get3A_2084] {strides = array<i32>} : memref<1600x16xf32, #tpu.memory_space<vmem>>, vector<16xf32>,
      %add3A_2086 = arith.addf %add3A_2060, %get3A_2085 : vector<16xf32>
      %sub3A_2087 = arith.subf %add3A_1948, %add3A_1739 : vector<16xf32>
      %sub3A_2088 = arith.subf %sub3A_2087, %get3A_1849 : vector<16xf32>
      %add3A_2089 = arith.constant 176 : i32
      %add3A_2090 = vector.broadcast %add3A_2089 : i32 to vector<16xi32>
      %add3A_2091 = arith.addi %iota3A, %add3A_2090 : vector<16xi32>
      tpu.vector_store_idx %arg8[%add3A_2091, %add3A_1451], %sub3A_2088 : memref<800x32xf32, #tpu.memory_space<vmem>>[vector<16xi32>, vector<16xi32>], vector<16xf32>,
      %sub3A_2092 = arith.subf %add3A_1956, %add3A_1747 : vector<16xf32>
      %sub3A_2093 = arith.subf %sub3A_2092, %get3A_1857 : vector<16xf32>
      %add3A_2094 = arith.constant 176 : i32
      %add3A_2095 = vector.broadcast %add3A_2094 : i32 to vector<16xi32>
      %add3A_2096 = arith.addi %iota3A, %add3A_2095 : vector<16xi32>
      tpu.vector_store_idx %arg8[%add3A_2096, %add3A_1453], %sub3A_2093 : memref<800x32xf32, #tpu.memory_space<vmem>>[vector<16xi32>, vector<16xi32>], vector<16xf32>,
      %mul3A_2097 = arith.constant 50 : i32
      %mul3A_2098 = arith.muli %add3A_1445, %mul3A_2097 : i32
      %add3A_2099 = arith.constant 21 : i32
      %add3A_2100 = arith.addi %mul3A_2098, %add3A_2099 : i32
      %get3A_2101 = arith.index_cast %add3A_2100 : i32 to index
      %get3A_2102 = arith.constant 0 : index
      %get3A_2103 = tpu.vector_load %arg7[%get3A_2101, %get3A_2102] {strides = array<i32>} : memref<1600x16xf32, #tpu.memory_space<vmem>>, vector<16xf32>,
      %add3A_2104 = arith.addf %add3A_2078, %get3A_2103 : vector<16xf32>
      %mul3A_2105 = arith.constant 50 : i32
      %mul3A_2106 = arith.muli %add3A_1449, %mul3A_2105 : i32
      %add3A_2107 = arith.constant 21 : i32
      %add3A_2108 = arith.addi %mul3A_2106, %add3A_2107 : i32
      %get3A_2109 = arith.index_cast %add3A_2108 : i32 to index
      %get3A_2110 = arith.constant 0 : index
      %get3A_2111 = tpu.vector_load %arg7[%get3A_2109, %get3A_2110] {strides = array<i32>} : memref<1600x16xf32, #tpu.memory_space<vmem>>, vector<16xf32>,
      %add3A_2112 = arith.addf %add3A_2086, %get3A_2111 : vector<16xf32>
      %sub3A_2113 = arith.subf %add3A_1974, %add3A_1755 : vector<16xf32>
      %sub3A_2114 = arith.subf %sub3A_2113, %get3A_1873 : vector<16xf32>
      %add3A_2115 = arith.constant 192 : i32
      %add3A_2116 = vector.broadcast %add3A_2115 : i32 to vector<16xi32>
      %add3A_2117 = arith.addi %iota3A, %add3A_2116 : vector<16xi32>
      tpu.vector_store_idx %arg8[%add3A_2117, %add3A_1451], %sub3A_2114 : memref<800x32xf32, #tpu.memory_space<vmem>>[vector<16xi32>, vector<16xi32>], vector<16xf32>,
      %sub3A_2118 = arith.subf %add3A_1982, %add3A_1763 : vector<16xf32>
      %sub3A_2119 = arith.subf %sub3A_2118, %get3A_1881 : vector<16xf32>
      %add3A_2120 = arith.constant 192 : i32
      %add3A_2121 = vector.broadcast %add3A_2120 : i32 to vector<16xi32>
      %add3A_2122 = arith.addi %iota3A, %add3A_2121 : vector<16xi32>
      tpu.vector_store_idx %arg8[%add3A_2122, %add3A_1453], %sub3A_2119 : memref<800x32xf32, #tpu.memory_space<vmem>>[vector<16xi32>, vector<16xi32>], vector<16xf32>,
      %mul3A_2123 = arith.constant 50 : i32
      %mul3A_2124 = arith.muli %add3A_1445, %mul3A_2123 : i32
      %add3A_2125 = arith.constant 22 : i32
      %add3A_2126 = arith.addi %mul3A_2124, %add3A_2125 : i32
      %get3A_2127 = arith.index_cast %add3A_2126 : i32 to index
      %get3A_2128 = arith.constant 0 : index
      %get3A_2129 = tpu.vector_load %arg7[%get3A_2127, %get3A_2128] {strides = array<i32>} : memref<1600x16xf32, #tpu.memory_space<vmem>>, vector<16xf32>,
      %add3A_2130 = arith.addf %add3A_2104, %get3A_2129 : vector<16xf32>
      %mul3A_2131 = arith.constant 50 : i32
      %mul3A_2132 = arith.muli %add3A_1449, %mul3A_2131 : i32
      %add3A_2133 = arith.constant 22 : i32
      %add3A_2134 = arith.addi %mul3A_2132, %add3A_2133 : i32
      %get3A_2135 = arith.index_cast %add3A_2134 : i32 to index
      %get3A_2136 = arith.constant 0 : index
      %get3A_2137 = tpu.vector_load %arg7[%get3A_2135, %get3A_2136] {strides = array<i32>} : memref<1600x16xf32, #tpu.memory_space<vmem>>, vector<16xf32>,
      %add3A_2138 = arith.addf %add3A_2112, %get3A_2137 : vector<16xf32>
      %sub3A_2139 = arith.subf %add3A_2000, %add3A_1771 : vector<16xf32>
      %sub3A_2140 = arith.subf %sub3A_2139, %get3A_1897 : vector<16xf32>
      %add3A_2141 = arith.constant 208 : i32
      %add3A_2142 = vector.broadcast %add3A_2141 : i32 to vector<16xi32>
      %add3A_2143 = arith.addi %iota3A, %add3A_2142 : vector<16xi32>
      tpu.vector_store_idx %arg8[%add3A_2143, %add3A_1451], %sub3A_2140 : memref<800x32xf32, #tpu.memory_space<vmem>>[vector<16xi32>, vector<16xi32>], vector<16xf32>,
      %sub3A_2144 = arith.subf %add3A_2008, %add3A_1779 : vector<16xf32>
      %sub3A_2145 = arith.subf %sub3A_2144, %get3A_1905 : vector<16xf32>
      %add3A_2146 = arith.constant 208 : i32
      %add3A_2147 = vector.broadcast %add3A_2146 : i32 to vector<16xi32>
      %add3A_2148 = arith.addi %iota3A, %add3A_2147 : vector<16xi32>
      tpu.vector_store_idx %arg8[%add3A_2148, %add3A_1453], %sub3A_2145 : memref<800x32xf32, #tpu.memory_space<vmem>>[vector<16xi32>, vector<16xi32>], vector<16xf32>,
      %mul3A_2149 = arith.constant 50 : i32
      %mul3A_2150 = arith.muli %add3A_1445, %mul3A_2149 : i32
      %add3A_2151 = arith.constant 23 : i32
      %add3A_2152 = arith.addi %mul3A_2150, %add3A_2151 : i32
      %get3A_2153 = arith.index_cast %add3A_2152 : i32 to index
      %get3A_2154 = arith.constant 0 : index
      %get3A_2155 = tpu.vector_load %arg7[%get3A_2153, %get3A_2154] {strides = array<i32>} : memref<1600x16xf32, #tpu.memory_space<vmem>>, vector<16xf32>,
      %add3A_2156 = arith.addf %add3A_2130, %get3A_2155 : vector<16xf32>
      %mul3A_2157 = arith.constant 50 : i32
      %mul3A_2158 = arith.muli %add3A_1449, %mul3A_2157 : i32
      %add3A_2159 = arith.constant 23 : i32
      %add3A_2160 = arith.addi %mul3A_2158, %add3A_2159 : i32
      %get3A_2161 = arith.index_cast %add3A_2160 : i32 to index
      %get3A_2162 = arith.constant 0 : index
      %get3A_2163 = tpu.vector_load %arg7[%get3A_2161, %get3A_2162] {strides = array<i32>} : memref<1600x16xf32, #tpu.memory_space<vmem>>, vector<16xf32>,
      %add3A_2164 = arith.addf %add3A_2138, %get3A_2163 : vector<16xf32>
      %sub3A_2165 = arith.subf %add3A_2026, %add3A_1787 : vector<16xf32>
      %sub3A_2166 = arith.subf %sub3A_2165, %get3A_1921 : vector<16xf32>
      %add3A_2167 = arith.constant 224 : i32
      %add3A_2168 = vector.broadcast %add3A_2167 : i32 to vector<16xi32>
      %add3A_2169 = arith.addi %iota3A, %add3A_2168 : vector<16xi32>
      tpu.vector_store_idx %arg8[%add3A_2169, %add3A_1451], %sub3A_2166 : memref<800x32xf32, #tpu.memory_space<vmem>>[vector<16xi32>, vector<16xi32>], vector<16xf32>,
      %sub3A_2170 = arith.subf %add3A_2034, %add3A_1795 : vector<16xf32>
      %sub3A_2171 = arith.subf %sub3A_2170, %get3A_1929 : vector<16xf32>
      %add3A_2172 = arith.constant 224 : i32
      %add3A_2173 = vector.broadcast %add3A_2172 : i32 to vector<16xi32>
      %add3A_2174 = arith.addi %iota3A, %add3A_2173 : vector<16xi32>
      tpu.vector_store_idx %arg8[%add3A_2174, %add3A_1453], %sub3A_2171 : memref<800x32xf32, #tpu.memory_space<vmem>>[vector<16xi32>, vector<16xi32>], vector<16xf32>,
      %mul3A_2175 = arith.constant 50 : i32
      %mul3A_2176 = arith.muli %add3A_1445, %mul3A_2175 : i32
      %add3A_2177 = arith.constant 24 : i32
      %add3A_2178 = arith.addi %mul3A_2176, %add3A_2177 : i32
      %get3A_2179 = arith.index_cast %add3A_2178 : i32 to index
      %get3A_2180 = arith.constant 0 : index
      %get3A_2181 = tpu.vector_load %arg7[%get3A_2179, %get3A_2180] {strides = array<i32>} : memref<1600x16xf32, #tpu.memory_space<vmem>>, vector<16xf32>,
      %add3A_2182 = arith.addf %add3A_2156, %get3A_2181 : vector<16xf32>
      %mul3A_2183 = arith.constant 50 : i32
      %mul3A_2184 = arith.muli %add3A_1449, %mul3A_2183 : i32
      %add3A_2185 = arith.constant 24 : i32
      %add3A_2186 = arith.addi %mul3A_2184, %add3A_2185 : i32
      %get3A_2187 = arith.index_cast %add3A_2186 : i32 to index
      %get3A_2188 = arith.constant 0 : index
      %get3A_2189 = tpu.vector_load %arg7[%get3A_2187, %get3A_2188] {strides = array<i32>} : memref<1600x16xf32, #tpu.memory_space<vmem>>, vector<16xf32>,
      %add3A_2190 = arith.addf %add3A_2164, %get3A_2189 : vector<16xf32>
      %sub3A_2191 = arith.subf %add3A_2052, %add3A_1803 : vector<16xf32>
      %sub3A_2192 = arith.subf %sub3A_2191, %get3A_1947 : vector<16xf32>
      %add3A_2193 = arith.constant 240 : i32
      %add3A_2194 = vector.broadcast %add3A_2193 : i32 to vector<16xi32>
      %add3A_2195 = arith.addi %iota3A, %add3A_2194 : vector<16xi32>
      tpu.vector_store_idx %arg8[%add3A_2195, %add3A_1451], %sub3A_2192 : memref<800x32xf32, #tpu.memory_space<vmem>>[vector<16xi32>, vector<16xi32>], vector<16xf32>,
      %sub3A_2196 = arith.subf %add3A_2060, %add3A_1811 : vector<16xf32>
      %sub3A_2197 = arith.subf %sub3A_2196, %get3A_1955 : vector<16xf32>
      %add3A_2198 = arith.constant 240 : i32
      %add3A_2199 = vector.broadcast %add3A_2198 : i32 to vector<16xi32>
      %add3A_2200 = arith.addi %iota3A, %add3A_2199 : vector<16xi32>
      tpu.vector_store_idx %arg8[%add3A_2200, %add3A_1453], %sub3A_2197 : memref<800x32xf32, #tpu.memory_space<vmem>>[vector<16xi32>, vector<16xi32>], vector<16xf32>,
      %mul3A_2201 = arith.constant 50 : i32
      %mul3A_2202 = arith.muli %add3A_1445, %mul3A_2201 : i32
      %add3A_2203 = arith.constant 25 : i32
      %add3A_2204 = arith.addi %mul3A_2202, %add3A_2203 : i32
      %get3A_2205 = arith.index_cast %add3A_2204 : i32 to index
      %get3A_2206 = arith.constant 0 : index
      %get3A_2207 = tpu.vector_load %arg7[%get3A_2205, %get3A_2206] {strides = array<i32>} : memref<1600x16xf32, #tpu.memory_space<vmem>>, vector<16xf32>,
      %add3A_2208 = arith.addf %add3A_2182, %get3A_2207 : vector<16xf32>
      %mul3A_2209 = arith.constant 50 : i32
      %mul3A_2210 = arith.muli %add3A_1449, %mul3A_2209 : i32
      %add3A_2211 = arith.constant 25 : i32
      %add3A_2212 = arith.addi %mul3A_2210, %add3A_2211 : i32
      %get3A_2213 = arith.index_cast %add3A_2212 : i32 to index
      %get3A_2214 = arith.constant 0 : index
      %get3A_2215 = tpu.vector_load %arg7[%get3A_2213, %get3A_2214] {strides = array<i32>} : memref<1600x16xf32, #tpu.memory_space<vmem>>, vector<16xf32>,
      %add3A_2216 = arith.addf %add3A_2190, %get3A_2215 : vector<16xf32>
      %sub3A_2217 = arith.subf %add3A_2078, %add3A_1826 : vector<16xf32>
      %sub3A_2218 = arith.subf %sub3A_2217, %get3A_1973 : vector<16xf32>
      %add3A_2219 = arith.constant 256 : i32
      %add3A_2220 = vector.broadcast %add3A_2219 : i32 to vector<16xi32>
      %add3A_2221 = arith.addi %iota3A, %add3A_2220 : vector<16xi32>
      tpu.vector_store_idx %arg8[%add3A_2221, %add3A_1451], %sub3A_2218 : memref<800x32xf32, #tpu.memory_space<vmem>>[vector<16xi32>, vector<16xi32>], vector<16xf32>,
      %sub3A_2222 = arith.subf %add3A_2086, %add3A_1834 : vector<16xf32>
      %sub3A_2223 = arith.subf %sub3A_2222, %get3A_1981 : vector<16xf32>
      %add3A_2224 = arith.constant 256 : i32
      %add3A_2225 = vector.broadcast %add3A_2224 : i32 to vector<16xi32>
      %add3A_2226 = arith.addi %iota3A, %add3A_2225 : vector<16xi32>
      tpu.vector_store_idx %arg8[%add3A_2226, %add3A_1453], %sub3A_2223 : memref<800x32xf32, #tpu.memory_space<vmem>>[vector<16xi32>, vector<16xi32>], vector<16xf32>,
      %mul3A_2227 = arith.constant 50 : i32
      %mul3A_2228 = arith.muli %add3A_1445, %mul3A_2227 : i32
      %add3A_2229 = arith.constant 26 : i32
      %add3A_2230 = arith.addi %mul3A_2228, %add3A_2229 : i32
      %get3A_2231 = arith.index_cast %add3A_2230 : i32 to index
      %get3A_2232 = arith.constant 0 : index
      %get3A_2233 = tpu.vector_load %arg7[%get3A_2231, %get3A_2232] {strides = array<i32>} : memref<1600x16xf32, #tpu.memory_space<vmem>>, vector<16xf32>,
      %add3A_2234 = arith.addf %add3A_2208, %get3A_2233 : vector<16xf32>
      %mul3A_2235 = arith.constant 50 : i32
      %mul3A_2236 = arith.muli %add3A_1449, %mul3A_2235 : i32
      %add3A_2237 = arith.constant 26 : i32
      %add3A_2238 = arith.addi %mul3A_2236, %add3A_2237 : i32
      %get3A_2239 = arith.index_cast %add3A_2238 : i32 to index
      %get3A_2240 = arith.constant 0 : index
      %get3A_2241 = tpu.vector_load %arg7[%get3A_2239, %get3A_2240] {strides = array<i32>} : memref<1600x16xf32, #tpu.memory_space<vmem>>, vector<16xf32>,
      %add3A_2242 = arith.addf %add3A_2216, %get3A_2241 : vector<16xf32>
      %sub3A_2243 = arith.subf %add3A_2104, %add3A_1850 : vector<16xf32>
      %sub3A_2244 = arith.subf %sub3A_2243, %get3A_1999 : vector<16xf32>
      %add3A_2245 = arith.constant 272 : i32
      %add3A_2246 = vector.broadcast %add3A_2245 : i32 to vector<16xi32>
      %add3A_2247 = arith.addi %iota3A, %add3A_2246 : vector<16xi32>
      tpu.vector_store_idx %arg8[%add3A_2247, %add3A_1451], %sub3A_2244 : memref<800x32xf32, #tpu.memory_space<vmem>>[vector<16xi32>, vector<16xi32>], vector<16xf32>,
      %sub3A_2248 = arith.subf %add3A_2112, %add3A_1858 : vector<16xf32>
      %sub3A_2249 = arith.subf %sub3A_2248, %get3A_2007 : vector<16xf32>
      %add3A_2250 = arith.constant 272 : i32
      %add3A_2251 = vector.broadcast %add3A_2250 : i32 to vector<16xi32>
      %add3A_2252 = arith.addi %iota3A, %add3A_2251 : vector<16xi32>
      tpu.vector_store_idx %arg8[%add3A_2252, %add3A_1453], %sub3A_2249 : memref<800x32xf32, #tpu.memory_space<vmem>>[vector<16xi32>, vector<16xi32>], vector<16xf32>,
      %mul3A_2253 = arith.constant 50 : i32
      %mul3A_2254 = arith.muli %add3A_1445, %mul3A_2253 : i32
      %add3A_2255 = arith.constant 27 : i32
      %add3A_2256 = arith.addi %mul3A_2254, %add3A_2255 : i32
      %get3A_2257 = arith.index_cast %add3A_2256 : i32 to index
      %get3A_2258 = arith.constant 0 : index
      %get3A_2259 = tpu.vector_load %arg7[%get3A_2257, %get3A_2258] {strides = array<i32>} : memref<1600x16xf32, #tpu.memory_space<vmem>>, vector<16xf32>,
      %add3A_2260 = arith.addf %add3A_2234, %get3A_2259 : vector<16xf32>
      %mul3A_2261 = arith.constant 50 : i32
      %mul3A_2262 = arith.muli %add3A_1449, %mul3A_2261 : i32
      %add3A_2263 = arith.constant 27 : i32
      %add3A_2264 = arith.addi %mul3A_2262, %add3A_2263 : i32
      %get3A_2265 = arith.index_cast %add3A_2264 : i32 to index
      %get3A_2266 = arith.constant 0 : index
      %get3A_2267 = tpu.vector_load %arg7[%get3A_2265, %get3A_2266] {strides = array<i32>} : memref<1600x16xf32, #tpu.memory_space<vmem>>, vector<16xf32>,
      %add3A_2268 = arith.addf %add3A_2242, %get3A_2267 : vector<16xf32>
      %sub3A_2269 = arith.subf %add3A_2130, %add3A_1874 : vector<16xf32>
      %sub3A_2270 = arith.subf %sub3A_2269, %get3A_2025 : vector<16xf32>
      %add3A_2271 = arith.constant 288 : i32
      %add3A_2272 = vector.broadcast %add3A_2271 : i32 to vector<16xi32>
      %add3A_2273 = arith.addi %iota3A, %add3A_2272 : vector<16xi32>
      tpu.vector_store_idx %arg8[%add3A_2273, %add3A_1451], %sub3A_2270 : memref<800x32xf32, #tpu.memory_space<vmem>>[vector<16xi32>, vector<16xi32>], vector<16xf32>,
      %sub3A_2274 = arith.subf %add3A_2138, %add3A_1882 : vector<16xf32>
      %sub3A_2275 = arith.subf %sub3A_2274, %get3A_2033 : vector<16xf32>
      %add3A_2276 = arith.constant 288 : i32
      %add3A_2277 = vector.broadcast %add3A_2276 : i32 to vector<16xi32>
      %add3A_2278 = arith.addi %iota3A, %add3A_2277 : vector<16xi32>
      tpu.vector_store_idx %arg8[%add3A_2278, %add3A_1453], %sub3A_2275 : memref<800x32xf32, #tpu.memory_space<vmem>>[vector<16xi32>, vector<16xi32>], vector<16xf32>,
      %mul3A_2279 = arith.constant 50 : i32
      %mul3A_2280 = arith.muli %add3A_1445, %mul3A_2279 : i32
      %add3A_2281 = arith.constant 28 : i32
      %add3A_2282 = arith.addi %mul3A_2280, %add3A_2281 : i32
      %get3A_2283 = arith.index_cast %add3A_2282 : i32 to index
      %get3A_2284 = arith.constant 0 : index
      %get3A_2285 = tpu.vector_load %arg7[%get3A_2283, %get3A_2284] {strides = array<i32>} : memref<1600x16xf32, #tpu.memory_space<vmem>>, vector<16xf32>,
      %add3A_2286 = arith.addf %add3A_2260, %get3A_2285 : vector<16xf32>
      %mul3A_2287 = arith.constant 50 : i32
      %mul3A_2288 = arith.muli %add3A_1449, %mul3A_2287 : i32
      %add3A_2289 = arith.constant 28 : i32
      %add3A_2290 = arith.addi %mul3A_2288, %add3A_2289 : i32
      %get3A_2291 = arith.index_cast %add3A_2290 : i32 to index
      %get3A_2292 = arith.constant 0 : index
      %get3A_2293 = tpu.vector_load %arg7[%get3A_2291, %get3A_2292] {strides = array<i32>} : memref<1600x16xf32, #tpu.memory_space<vmem>>, vector<16xf32>,
      %add3A_2294 = arith.addf %add3A_2268, %get3A_2293 : vector<16xf32>
      %sub3A_2295 = arith.subf %add3A_2156, %add3A_1898 : vector<16xf32>
      %sub3A_2296 = arith.subf %sub3A_2295, %get3A_2051 : vector<16xf32>
      %add3A_2297 = arith.constant 304 : i32
      %add3A_2298 = vector.broadcast %add3A_2297 : i32 to vector<16xi32>
      %add3A_2299 = arith.addi %iota3A, %add3A_2298 : vector<16xi32>
      tpu.vector_store_idx %arg8[%add3A_2299, %add3A_1451], %sub3A_2296 : memref<800x32xf32, #tpu.memory_space<vmem>>[vector<16xi32>, vector<16xi32>], vector<16xf32>,
      %sub3A_2300 = arith.subf %add3A_2164, %add3A_1906 : vector<16xf32>
      %sub3A_2301 = arith.subf %sub3A_2300, %get3A_2059 : vector<16xf32>
      %add3A_2302 = arith.constant 304 : i32
      %add3A_2303 = vector.broadcast %add3A_2302 : i32 to vector<16xi32>
      %add3A_2304 = arith.addi %iota3A, %add3A_2303 : vector<16xi32>
      tpu.vector_store_idx %arg8[%add3A_2304, %add3A_1453], %sub3A_2301 : memref<800x32xf32, #tpu.memory_space<vmem>>[vector<16xi32>, vector<16xi32>], vector<16xf32>,
      %mul3A_2305 = arith.constant 50 : i32
      %mul3A_2306 = arith.muli %add3A_1445, %mul3A_2305 : i32
      %add3A_2307 = arith.constant 29 : i32
      %add3A_2308 = arith.addi %mul3A_2306, %add3A_2307 : i32
      %get3A_2309 = arith.index_cast %add3A_2308 : i32 to index
      %get3A_2310 = arith.constant 0 : index
      %get3A_2311 = tpu.vector_load %arg7[%get3A_2309, %get3A_2310] {strides = array<i32>} : memref<1600x16xf32, #tpu.memory_space<vmem>>, vector<16xf32>,
      %add3A_2312 = arith.addf %add3A_2286, %get3A_2311 : vector<16xf32>
      %mul3A_2313 = arith.constant 50 : i32
      %mul3A_2314 = arith.muli %add3A_1449, %mul3A_2313 : i32
      %add3A_2315 = arith.constant 29 : i32
      %add3A_2316 = arith.addi %mul3A_2314, %add3A_2315 : i32
      %get3A_2317 = arith.index_cast %add3A_2316 : i32 to index
      %get3A_2318 = arith.constant 0 : index
      %get3A_2319 = tpu.vector_load %arg7[%get3A_2317, %get3A_2318] {strides = array<i32>} : memref<1600x16xf32, #tpu.memory_space<vmem>>, vector<16xf32>,
      %add3A_2320 = arith.addf %add3A_2294, %get3A_2319 : vector<16xf32>
      %sub3A_2321 = arith.subf %add3A_2182, %add3A_1922 : vector<16xf32>
      %sub3A_2322 = arith.subf %sub3A_2321, %get3A_2077 : vector<16xf32>
      %add3A_2323 = arith.constant 320 : i32
      %add3A_2324 = vector.broadcast %add3A_2323 : i32 to vector<16xi32>
      %add3A_2325 = arith.addi %iota3A, %add3A_2324 : vector<16xi32>
      tpu.vector_store_idx %arg8[%add3A_2325, %add3A_1451], %sub3A_2322 : memref<800x32xf32, #tpu.memory_space<vmem>>[vector<16xi32>, vector<16xi32>], vector<16xf32>,
      %sub3A_2326 = arith.subf %add3A_2190, %add3A_1930 : vector<16xf32>
      %sub3A_2327 = arith.subf %sub3A_2326, %get3A_2085 : vector<16xf32>
      %add3A_2328 = arith.constant 320 : i32
      %add3A_2329 = vector.broadcast %add3A_2328 : i32 to vector<16xi32>
      %add3A_2330 = arith.addi %iota3A, %add3A_2329 : vector<16xi32>
      tpu.vector_store_idx %arg8[%add3A_2330, %add3A_1453], %sub3A_2327 : memref<800x32xf32, #tpu.memory_space<vmem>>[vector<16xi32>, vector<16xi32>], vector<16xf32>,
      %mul3A_2331 = arith.constant 50 : i32
      %mul3A_2332 = arith.muli %add3A_1445, %mul3A_2331 : i32
      %add3A_2333 = arith.constant 30 : i32
      %add3A_2334 = arith.addi %mul3A_2332, %add3A_2333 : i32
      %get3A_2335 = arith.index_cast %add3A_2334 : i32 to index
      %get3A_2336 = arith.constant 0 : index
      %get3A_2337 = tpu.vector_load %arg7[%get3A_2335, %get3A_2336] {strides = array<i32>} : memref<1600x16xf32, #tpu.memory_space<vmem>>, vector<16xf32>,
      %add3A_2338 = arith.addf %add3A_2312, %get3A_2337 : vector<16xf32>
      %mul3A_2339 = arith.constant 50 : i32
      %mul3A_2340 = arith.muli %add3A_1449, %mul3A_2339 : i32
      %add3A_2341 = arith.constant 30 : i32
      %add3A_2342 = arith.addi %mul3A_2340, %add3A_2341 : i32
      %get3A_2343 = arith.index_cast %add3A_2342 : i32 to index
      %get3A_2344 = arith.constant 0 : index
      %get3A_2345 = tpu.vector_load %arg7[%get3A_2343, %get3A_2344] {strides = array<i32>} : memref<1600x16xf32, #tpu.memory_space<vmem>>, vector<16xf32>,
      %add3A_2346 = arith.addf %add3A_2320, %get3A_2345 : vector<16xf32>
      %sub3A_2347 = arith.subf %add3A_2208, %add3A_1948 : vector<16xf32>
      %sub3A_2348 = arith.subf %sub3A_2347, %get3A_2103 : vector<16xf32>
      %add3A_2349 = arith.constant 336 : i32
      %add3A_2350 = vector.broadcast %add3A_2349 : i32 to vector<16xi32>
      %add3A_2351 = arith.addi %iota3A, %add3A_2350 : vector<16xi32>
      tpu.vector_store_idx %arg8[%add3A_2351, %add3A_1451], %sub3A_2348 : memref<800x32xf32, #tpu.memory_space<vmem>>[vector<16xi32>, vector<16xi32>], vector<16xf32>,
      %sub3A_2352 = arith.subf %add3A_2216, %add3A_1956 : vector<16xf32>
      %sub3A_2353 = arith.subf %sub3A_2352, %get3A_2111 : vector<16xf32>
      %add3A_2354 = arith.constant 336 : i32
      %add3A_2355 = vector.broadcast %add3A_2354 : i32 to vector<16xi32>
      %add3A_2356 = arith.addi %iota3A, %add3A_2355 : vector<16xi32>
      tpu.vector_store_idx %arg8[%add3A_2356, %add3A_1453], %sub3A_2353 : memref<800x32xf32, #tpu.memory_space<vmem>>[vector<16xi32>, vector<16xi32>], vector<16xf32>,
      %mul3A_2357 = arith.constant 50 : i32
      %mul3A_2358 = arith.muli %add3A_1445, %mul3A_2357 : i32
      %add3A_2359 = arith.constant 31 : i32
      %add3A_2360 = arith.addi %mul3A_2358, %add3A_2359 : i32
      %get3A_2361 = arith.index_cast %add3A_2360 : i32 to index
      %get3A_2362 = arith.constant 0 : index
      %get3A_2363 = tpu.vector_load %arg7[%get3A_2361, %get3A_2362] {strides = array<i32>} : memref<1600x16xf32, #tpu.memory_space<vmem>>, vector<16xf32>,
      %add3A_2364 = arith.addf %add3A_2338, %get3A_2363 : vector<16xf32>
      %mul3A_2365 = arith.constant 50 : i32
      %mul3A_2366 = arith.muli %add3A_1449, %mul3A_2365 : i32
      %add3A_2367 = arith.constant 31 : i32
      %add3A_2368 = arith.addi %mul3A_2366, %add3A_2367 : i32
      %get3A_2369 = arith.index_cast %add3A_2368 : i32 to index
      %get3A_2370 = arith.constant 0 : index
      %get3A_2371 = tpu.vector_load %arg7[%get3A_2369, %get3A_2370] {strides = array<i32>} : memref<1600x16xf32, #tpu.memory_space<vmem>>, vector<16xf32>,
      %add3A_2372 = arith.addf %add3A_2346, %get3A_2371 : vector<16xf32>
      %sub3A_2373 = arith.subf %add3A_2234, %add3A_1974 : vector<16xf32>
      %sub3A_2374 = arith.subf %sub3A_2373, %get3A_2129 : vector<16xf32>
      %add3A_2375 = arith.constant 352 : i32
      %add3A_2376 = vector.broadcast %add3A_2375 : i32 to vector<16xi32>
      %add3A_2377 = arith.addi %iota3A, %add3A_2376 : vector<16xi32>
      tpu.vector_store_idx %arg8[%add3A_2377, %add3A_1451], %sub3A_2374 : memref<800x32xf32, #tpu.memory_space<vmem>>[vector<16xi32>, vector<16xi32>], vector<16xf32>,
      %sub3A_2378 = arith.subf %add3A_2242, %add3A_1982 : vector<16xf32>
      %sub3A_2379 = arith.subf %sub3A_2378, %get3A_2137 : vector<16xf32>
      %add3A_2380 = arith.constant 352 : i32
      %add3A_2381 = vector.broadcast %add3A_2380 : i32 to vector<16xi32>
      %add3A_2382 = arith.addi %iota3A, %add3A_2381 : vector<16xi32>
      tpu.vector_store_idx %arg8[%add3A_2382, %add3A_1453], %sub3A_2379 : memref<800x32xf32, #tpu.memory_space<vmem>>[vector<16xi32>, vector<16xi32>], vector<16xf32>,
      %mul3A_2383 = arith.constant 50 : i32
      %mul3A_2384 = arith.muli %add3A_1445, %mul3A_2383 : i32
      %add3A_2385 = arith.constant 32 : i32
      %add3A_2386 = arith.addi %mul3A_2384, %add3A_2385 : i32
      %get3A_2387 = arith.index_cast %add3A_2386 : i32 to index
      %get3A_2388 = arith.constant 0 : index
      %get3A_2389 = tpu.vector_load %arg7[%get3A_2387, %get3A_2388] {strides = array<i32>} : memref<1600x16xf32, #tpu.memory_space<vmem>>, vector<16xf32>,
      %add3A_2390 = arith.addf %add3A_2364, %get3A_2389 : vector<16xf32>
      %mul3A_2391 = arith.constant 50 : i32
      %mul3A_2392 = arith.muli %add3A_1449, %mul3A_2391 : i32
      %add3A_2393 = arith.constant 32 : i32
      %add3A_2394 = arith.addi %mul3A_2392, %add3A_2393 : i32
      %get3A_2395 = arith.index_cast %add3A_2394 : i32 to index
      %get3A_2396 = arith.constant 0 : index
      %get3A_2397 = tpu.vector_load %arg7[%get3A_2395, %get3A_2396] {strides = array<i32>} : memref<1600x16xf32, #tpu.memory_space<vmem>>, vector<16xf32>,
      %add3A_2398 = arith.addf %add3A_2372, %get3A_2397 : vector<16xf32>
      %sub3A_2399 = arith.subf %add3A_2260, %add3A_2000 : vector<16xf32>
      %sub3A_2400 = arith.subf %sub3A_2399, %get3A_2155 : vector<16xf32>
      %add3A_2401 = arith.constant 368 : i32
      %add3A_2402 = vector.broadcast %add3A_2401 : i32 to vector<16xi32>
      %add3A_2403 = arith.addi %iota3A, %add3A_2402 : vector<16xi32>
      tpu.vector_store_idx %arg8[%add3A_2403, %add3A_1451], %sub3A_2400 : memref<800x32xf32, #tpu.memory_space<vmem>>[vector<16xi32>, vector<16xi32>], vector<16xf32>,
      %sub3A_2404 = arith.subf %add3A_2268, %add3A_2008 : vector<16xf32>
      %sub3A_2405 = arith.subf %sub3A_2404, %get3A_2163 : vector<16xf32>
      %add3A_2406 = arith.constant 368 : i32
      %add3A_2407 = vector.broadcast %add3A_2406 : i32 to vector<16xi32>
      %add3A_2408 = arith.addi %iota3A, %add3A_2407 : vector<16xi32>
      tpu.vector_store_idx %arg8[%add3A_2408, %add3A_1453], %sub3A_2405 : memref<800x32xf32, #tpu.memory_space<vmem>>[vector<16xi32>, vector<16xi32>], vector<16xf32>,
      %mul3A_2409 = arith.constant 50 : i32
      %mul3A_2410 = arith.muli %add3A_1445, %mul3A_2409 : i32
      %add3A_2411 = arith.constant 33 : i32
      %add3A_2412 = arith.addi %mul3A_2410, %add3A_2411 : i32
      %get3A_2413 = arith.index_cast %add3A_2412 : i32 to index
      %get3A_2414 = arith.constant 0 : index
      %get3A_2415 = tpu.vector_load %arg7[%get3A_2413, %get3A_2414] {strides = array<i32>} : memref<1600x16xf32, #tpu.memory_space<vmem>>, vector<16xf32>,
      %add3A_2416 = arith.addf %add3A_2390, %get3A_2415 : vector<16xf32>
      %mul3A_2417 = arith.constant 50 : i32
      %mul3A_2418 = arith.muli %add3A_1449, %mul3A_2417 : i32
      %add3A_2419 = arith.constant 33 : i32
      %add3A_2420 = arith.addi %mul3A_2418, %add3A_2419 : i32
      %get3A_2421 = arith.index_cast %add3A_2420 : i32 to index
      %get3A_2422 = arith.constant 0 : index
      %get3A_2423 = tpu.vector_load %arg7[%get3A_2421, %get3A_2422] {strides = array<i32>} : memref<1600x16xf32, #tpu.memory_space<vmem>>, vector<16xf32>,
      %add3A_2424 = arith.addf %add3A_2398, %get3A_2423 : vector<16xf32>
      %sub3A_2425 = arith.subf %add3A_2286, %add3A_2026 : vector<16xf32>
      %sub3A_2426 = arith.subf %sub3A_2425, %get3A_2181 : vector<16xf32>
      %add3A_2427 = arith.constant 384 : i32
      %add3A_2428 = vector.broadcast %add3A_2427 : i32 to vector<16xi32>
      %add3A_2429 = arith.addi %iota3A, %add3A_2428 : vector<16xi32>
      tpu.vector_store_idx %arg8[%add3A_2429, %add3A_1451], %sub3A_2426 : memref<800x32xf32, #tpu.memory_space<vmem>>[vector<16xi32>, vector<16xi32>], vector<16xf32>,
      %sub3A_2430 = arith.subf %add3A_2294, %add3A_2034 : vector<16xf32>
      %sub3A_2431 = arith.subf %sub3A_2430, %get3A_2189 : vector<16xf32>
      %add3A_2432 = arith.constant 384 : i32
      %add3A_2433 = vector.broadcast %add3A_2432 : i32 to vector<16xi32>
      %add3A_2434 = arith.addi %iota3A, %add3A_2433 : vector<16xi32>
      tpu.vector_store_idx %arg8[%add3A_2434, %add3A_1453], %sub3A_2431 : memref<800x32xf32, #tpu.memory_space<vmem>>[vector<16xi32>, vector<16xi32>], vector<16xf32>,
      %mul3A_2435 = arith.constant 50 : i32
      %mul3A_2436 = arith.muli %add3A_1445, %mul3A_2435 : i32
      %add3A_2437 = arith.constant 34 : i32
      %add3A_2438 = arith.addi %mul3A_2436, %add3A_2437 : i32
      %get3A_2439 = arith.index_cast %add3A_2438 : i32 to index
      %get3A_2440 = arith.constant 0 : index
      %get3A_2441 = tpu.vector_load %arg7[%get3A_2439, %get3A_2440] {strides = array<i32>} : memref<1600x16xf32, #tpu.memory_space<vmem>>, vector<16xf32>,
      %add3A_2442 = arith.addf %add3A_2416, %get3A_2441 : vector<16xf32>
      %mul3A_2443 = arith.constant 50 : i32
      %mul3A_2444 = arith.muli %add3A_1449, %mul3A_2443 : i32
      %add3A_2445 = arith.constant 34 : i32
      %add3A_2446 = arith.addi %mul3A_2444, %add3A_2445 : i32
      %get3A_2447 = arith.index_cast %add3A_2446 : i32 to index
      %get3A_2448 = arith.constant 0 : index
      %get3A_2449 = tpu.vector_load %arg7[%get3A_2447, %get3A_2448] {strides = array<i32>} : memref<1600x16xf32, #tpu.memory_space<vmem>>, vector<16xf32>,
      %add3A_2450 = arith.addf %add3A_2424, %get3A_2449 : vector<16xf32>
      %sub3A_2451 = arith.subf %add3A_2312, %add3A_2052 : vector<16xf32>
      %sub3A_2452 = arith.subf %sub3A_2451, %get3A_2207 : vector<16xf32>
      %add3A_2453 = arith.constant 400 : i32
      %add3A_2454 = vector.broadcast %add3A_2453 : i32 to vector<16xi32>
      %add3A_2455 = arith.addi %iota3A, %add3A_2454 : vector<16xi32>
      tpu.vector_store_idx %arg8[%add3A_2455, %add3A_1451], %sub3A_2452 : memref<800x32xf32, #tpu.memory_space<vmem>>[vector<16xi32>, vector<16xi32>], vector<16xf32>,
      %sub3A_2456 = arith.subf %add3A_2320, %add3A_2060 : vector<16xf32>
      %sub3A_2457 = arith.subf %sub3A_2456, %get3A_2215 : vector<16xf32>
      %add3A_2458 = arith.constant 400 : i32
      %add3A_2459 = vector.broadcast %add3A_2458 : i32 to vector<16xi32>
      %add3A_2460 = arith.addi %iota3A, %add3A_2459 : vector<16xi32>
      tpu.vector_store_idx %arg8[%add3A_2460, %add3A_1453], %sub3A_2457 : memref<800x32xf32, #tpu.memory_space<vmem>>[vector<16xi32>, vector<16xi32>], vector<16xf32>,
      %mul3A_2461 = arith.constant 50 : i32
      %mul3A_2462 = arith.muli %add3A_1445, %mul3A_2461 : i32
      %add3A_2463 = arith.constant 35 : i32
      %add3A_2464 = arith.addi %mul3A_2462, %add3A_2463 : i32
      %get3A_2465 = arith.index_cast %add3A_2464 : i32 to index
      %get3A_2466 = arith.constant 0 : index
      %get3A_2467 = tpu.vector_load %arg7[%get3A_2465, %get3A_2466] {strides = array<i32>} : memref<1600x16xf32, #tpu.memory_space<vmem>>, vector<16xf32>,
      %add3A_2468 = arith.addf %add3A_2442, %get3A_2467 : vector<16xf32>
      %mul3A_2469 = arith.constant 50 : i32
      %mul3A_2470 = arith.muli %add3A_1449, %mul3A_2469 : i32
      %add3A_2471 = arith.constant 35 : i32
      %add3A_2472 = arith.addi %mul3A_2470, %add3A_2471 : i32
      %get3A_2473 = arith.index_cast %add3A_2472 : i32 to index
      %get3A_2474 = arith.constant 0 : index
      %get3A_2475 = tpu.vector_load %arg7[%get3A_2473, %get3A_2474] {strides = array<i32>} : memref<1600x16xf32, #tpu.memory_space<vmem>>, vector<16xf32>,
      %add3A_2476 = arith.addf %add3A_2450, %get3A_2475 : vector<16xf32>
      %sub3A_2477 = arith.subf %add3A_2338, %add3A_2078 : vector<16xf32>
      %sub3A_2478 = arith.subf %sub3A_2477, %get3A_2233 : vector<16xf32>
      %add3A_2479 = arith.constant 416 : i32
      %add3A_2480 = vector.broadcast %add3A_2479 : i32 to vector<16xi32>
      %add3A_2481 = arith.addi %iota3A, %add3A_2480 : vector<16xi32>
      tpu.vector_store_idx %arg8[%add3A_2481, %add3A_1451], %sub3A_2478 : memref<800x32xf32, #tpu.memory_space<vmem>>[vector<16xi32>, vector<16xi32>], vector<16xf32>,
      %sub3A_2482 = arith.subf %add3A_2346, %add3A_2086 : vector<16xf32>
      %sub3A_2483 = arith.subf %sub3A_2482, %get3A_2241 : vector<16xf32>
      %add3A_2484 = arith.constant 416 : i32
      %add3A_2485 = vector.broadcast %add3A_2484 : i32 to vector<16xi32>
      %add3A_2486 = arith.addi %iota3A, %add3A_2485 : vector<16xi32>
      tpu.vector_store_idx %arg8[%add3A_2486, %add3A_1453], %sub3A_2483 : memref<800x32xf32, #tpu.memory_space<vmem>>[vector<16xi32>, vector<16xi32>], vector<16xf32>,
      %mul3A_2487 = arith.constant 50 : i32
      %mul3A_2488 = arith.muli %add3A_1445, %mul3A_2487 : i32
      %add3A_2489 = arith.constant 36 : i32
      %add3A_2490 = arith.addi %mul3A_2488, %add3A_2489 : i32
      %get3A_2491 = arith.index_cast %add3A_2490 : i32 to index
      %get3A_2492 = arith.constant 0 : index
      %get3A_2493 = tpu.vector_load %arg7[%get3A_2491, %get3A_2492] {strides = array<i32>} : memref<1600x16xf32, #tpu.memory_space<vmem>>, vector<16xf32>,
      %add3A_2494 = arith.addf %add3A_2468, %get3A_2493 : vector<16xf32>
      %mul3A_2495 = arith.constant 50 : i32
      %mul3A_2496 = arith.muli %add3A_1449, %mul3A_2495 : i32
      %add3A_2497 = arith.constant 36 : i32
      %add3A_2498 = arith.addi %mul3A_2496, %add3A_2497 : i32
      %get3A_2499 = arith.index_cast %add3A_2498 : i32 to index
      %get3A_2500 = arith.constant 0 : index
      %get3A_2501 = tpu.vector_load %arg7[%get3A_2499, %get3A_2500] {strides = array<i32>} : memref<1600x16xf32, #tpu.memory_space<vmem>>, vector<16xf32>,
      %add3A_2502 = arith.addf %add3A_2476, %get3A_2501 : vector<16xf32>
      %sub3A_2503 = arith.subf %add3A_2364, %add3A_2104 : vector<16xf32>
      %sub3A_2504 = arith.subf %sub3A_2503, %get3A_2259 : vector<16xf32>
      %add3A_2505 = arith.constant 432 : i32
      %add3A_2506 = vector.broadcast %add3A_2505 : i32 to vector<16xi32>
      %add3A_2507 = arith.addi %iota3A, %add3A_2506 : vector<16xi32>
      tpu.vector_store_idx %arg8[%add3A_2507, %add3A_1451], %sub3A_2504 : memref<800x32xf32, #tpu.memory_space<vmem>>[vector<16xi32>, vector<16xi32>], vector<16xf32>,
      %sub3A_2508 = arith.subf %add3A_2372, %add3A_2112 : vector<16xf32>
      %sub3A_2509 = arith.subf %sub3A_2508, %get3A_2267 : vector<16xf32>
      %add3A_2510 = arith.constant 432 : i32
      %add3A_2511 = vector.broadcast %add3A_2510 : i32 to vector<16xi32>
      %add3A_2512 = arith.addi %iota3A, %add3A_2511 : vector<16xi32>
      tpu.vector_store_idx %arg8[%add3A_2512, %add3A_1453], %sub3A_2509 : memref<800x32xf32, #tpu.memory_space<vmem>>[vector<16xi32>, vector<16xi32>], vector<16xf32>,
      %mul3A_2513 = arith.constant 50 : i32
      %mul3A_2514 = arith.muli %add3A_1445, %mul3A_2513 : i32
      %add3A_2515 = arith.constant 37 : i32
      %add3A_2516 = arith.addi %mul3A_2514, %add3A_2515 : i32
      %get3A_2517 = arith.index_cast %add3A_2516 : i32 to index
      %get3A_2518 = arith.constant 0 : index
      %get3A_2519 = tpu.vector_load %arg7[%get3A_2517, %get3A_2518] {strides = array<i32>} : memref<1600x16xf32, #tpu.memory_space<vmem>>, vector<16xf32>,
      %add3A_2520 = arith.addf %add3A_2494, %get3A_2519 : vector<16xf32>
      %mul3A_2521 = arith.constant 50 : i32
      %mul3A_2522 = arith.muli %add3A_1449, %mul3A_2521 : i32
      %add3A_2523 = arith.constant 37 : i32
      %add3A_2524 = arith.addi %mul3A_2522, %add3A_2523 : i32
      %get3A_2525 = arith.index_cast %add3A_2524 : i32 to index
      %get3A_2526 = arith.constant 0 : index
      %get3A_2527 = tpu.vector_load %arg7[%get3A_2525, %get3A_2526] {strides = array<i32>} : memref<1600x16xf32, #tpu.memory_space<vmem>>, vector<16xf32>,
      %add3A_2528 = arith.addf %add3A_2502, %get3A_2527 : vector<16xf32>
      %sub3A_2529 = arith.subf %add3A_2390, %add3A_2130 : vector<16xf32>
      %sub3A_2530 = arith.subf %sub3A_2529, %get3A_2285 : vector<16xf32>
      %add3A_2531 = arith.constant 448 : i32
      %add3A_2532 = vector.broadcast %add3A_2531 : i32 to vector<16xi32>
      %add3A_2533 = arith.addi %iota3A, %add3A_2532 : vector<16xi32>
      tpu.vector_store_idx %arg8[%add3A_2533, %add3A_1451], %sub3A_2530 : memref<800x32xf32, #tpu.memory_space<vmem>>[vector<16xi32>, vector<16xi32>], vector<16xf32>,
      %sub3A_2534 = arith.subf %add3A_2398, %add3A_2138 : vector<16xf32>
      %sub3A_2535 = arith.subf %sub3A_2534, %get3A_2293 : vector<16xf32>
      %add3A_2536 = arith.constant 448 : i32
      %add3A_2537 = vector.broadcast %add3A_2536 : i32 to vector<16xi32>
      %add3A_2538 = arith.addi %iota3A, %add3A_2537 : vector<16xi32>
      tpu.vector_store_idx %arg8[%add3A_2538, %add3A_1453], %sub3A_2535 : memref<800x32xf32, #tpu.memory_space<vmem>>[vector<16xi32>, vector<16xi32>], vector<16xf32>,
      %mul3A_2539 = arith.constant 50 : i32
      %mul3A_2540 = arith.muli %add3A_1445, %mul3A_2539 : i32
      %add3A_2541 = arith.constant 38 : i32
      %add3A_2542 = arith.addi %mul3A_2540, %add3A_2541 : i32
      %get3A_2543 = arith.index_cast %add3A_2542 : i32 to index
      %get3A_2544 = arith.constant 0 : index
      %get3A_2545 = tpu.vector_load %arg7[%get3A_2543, %get3A_2544] {strides = array<i32>} : memref<1600x16xf32, #tpu.memory_space<vmem>>, vector<16xf32>,
      %add3A_2546 = arith.addf %add3A_2520, %get3A_2545 : vector<16xf32>
      %mul3A_2547 = arith.constant 50 : i32
      %mul3A_2548 = arith.muli %add3A_1449, %mul3A_2547 : i32
      %add3A_2549 = arith.constant 38 : i32
      %add3A_2550 = arith.addi %mul3A_2548, %add3A_2549 : i32
      %get3A_2551 = arith.index_cast %add3A_2550 : i32 to index
      %get3A_2552 = arith.constant 0 : index
      %get3A_2553 = tpu.vector_load %arg7[%get3A_2551, %get3A_2552] {strides = array<i32>} : memref<1600x16xf32, #tpu.memory_space<vmem>>, vector<16xf32>,
      %add3A_2554 = arith.addf %add3A_2528, %get3A_2553 : vector<16xf32>
      %sub3A_2555 = arith.subf %add3A_2416, %add3A_2156 : vector<16xf32>
      %sub3A_2556 = arith.subf %sub3A_2555, %get3A_2311 : vector<16xf32>
      %add3A_2557 = arith.constant 464 : i32
      %add3A_2558 = vector.broadcast %add3A_2557 : i32 to vector<16xi32>
      %add3A_2559 = arith.addi %iota3A, %add3A_2558 : vector<16xi32>
      tpu.vector_store_idx %arg8[%add3A_2559, %add3A_1451], %sub3A_2556 : memref<800x32xf32, #tpu.memory_space<vmem>>[vector<16xi32>, vector<16xi32>], vector<16xf32>,
      %sub3A_2560 = arith.subf %add3A_2424, %add3A_2164 : vector<16xf32>
      %sub3A_2561 = arith.subf %sub3A_2560, %get3A_2319 : vector<16xf32>
      %add3A_2562 = arith.constant 464 : i32
      %add3A_2563 = vector.broadcast %add3A_2562 : i32 to vector<16xi32>
      %add3A_2564 = arith.addi %iota3A, %add3A_2563 : vector<16xi32>
      tpu.vector_store_idx %arg8[%add3A_2564, %add3A_1453], %sub3A_2561 : memref<800x32xf32, #tpu.memory_space<vmem>>[vector<16xi32>, vector<16xi32>], vector<16xf32>,
      %mul3A_2565 = arith.constant 50 : i32
      %mul3A_2566 = arith.muli %add3A_1445, %mul3A_2565 : i32
      %add3A_2567 = arith.constant 39 : i32
      %add3A_2568 = arith.addi %mul3A_2566, %add3A_2567 : i32
      %get3A_2569 = arith.index_cast %add3A_2568 : i32 to index
      %get3A_2570 = arith.constant 0 : index
      %get3A_2571 = tpu.vector_load %arg7[%get3A_2569, %get3A_2570] {strides = array<i32>} : memref<1600x16xf32, #tpu.memory_space<vmem>>, vector<16xf32>,
      %add3A_2572 = arith.addf %add3A_2546, %get3A_2571 : vector<16xf32>
      %mul3A_2573 = arith.constant 50 : i32
      %mul3A_2574 = arith.muli %add3A_1449, %mul3A_2573 : i32
      %add3A_2575 = arith.constant 39 : i32
      %add3A_2576 = arith.addi %mul3A_2574, %add3A_2575 : i32
      %get3A_2577 = arith.index_cast %add3A_2576 : i32 to index
      %get3A_2578 = arith.constant 0 : index
      %get3A_2579 = tpu.vector_load %arg7[%get3A_2577, %get3A_2578] {strides = array<i32>} : memref<1600x16xf32, #tpu.memory_space<vmem>>, vector<16xf32>,
      %add3A_2580 = arith.addf %add3A_2554, %get3A_2579 : vector<16xf32>
      %sub3A_2581 = arith.subf %add3A_2442, %add3A_2182 : vector<16xf32>
      %sub3A_2582 = arith.subf %sub3A_2581, %get3A_2337 : vector<16xf32>
      %add3A_2583 = arith.constant 480 : i32
      %add3A_2584 = vector.broadcast %add3A_2583 : i32 to vector<16xi32>
      %add3A_2585 = arith.addi %iota3A, %add3A_2584 : vector<16xi32>
      tpu.vector_store_idx %arg8[%add3A_2585, %add3A_1451], %sub3A_2582 : memref<800x32xf32, #tpu.memory_space<vmem>>[vector<16xi32>, vector<16xi32>], vector<16xf32>,
      %sub3A_2586 = arith.subf %add3A_2450, %add3A_2190 : vector<16xf32>
      %sub3A_2587 = arith.subf %sub3A_2586, %get3A_2345 : vector<16xf32>
      %add3A_2588 = arith.constant 480 : i32
      %add3A_2589 = vector.broadcast %add3A_2588 : i32 to vector<16xi32>
      %add3A_2590 = arith.addi %iota3A, %add3A_2589 : vector<16xi32>
      tpu.vector_store_idx %arg8[%add3A_2590, %add3A_1453], %sub3A_2587 : memref<800x32xf32, #tpu.memory_space<vmem>>[vector<16xi32>, vector<16xi32>], vector<16xf32>,
      %mul3A_2591 = arith.constant 50 : i32
      %mul3A_2592 = arith.muli %add3A_1445, %mul3A_2591 : i32
      %add3A_2593 = arith.constant 40 : i32
      %add3A_2594 = arith.addi %mul3A_2592, %add3A_2593 : i32
      %get3A_2595 = arith.index_cast %add3A_2594 : i32 to index
      %get3A_2596 = arith.constant 0 : index
      %get3A_2597 = tpu.vector_load %arg7[%get3A_2595, %get3A_2596] {strides = array<i32>} : memref<1600x16xf32, #tpu.memory_space<vmem>>, vector<16xf32>,
      %add3A_2598 = arith.addf %add3A_2572, %get3A_2597 : vector<16xf32>
      %mul3A_2599 = arith.constant 50 : i32
      %mul3A_2600 = arith.muli %add3A_1449, %mul3A_2599 : i32
      %add3A_2601 = arith.constant 40 : i32
      %add3A_2602 = arith.addi %mul3A_2600, %add3A_2601 : i32
      %get3A_2603 = arith.index_cast %add3A_2602 : i32 to index
      %get3A_2604 = arith.constant 0 : index
      %get3A_2605 = tpu.vector_load %arg7[%get3A_2603, %get3A_2604] {strides = array<i32>} : memref<1600x16xf32, #tpu.memory_space<vmem>>, vector<16xf32>,
      %add3A_2606 = arith.addf %add3A_2580, %get3A_2605 : vector<16xf32>
      %sub3A_2607 = arith.subf %add3A_2468, %add3A_2208 : vector<16xf32>
      %sub3A_2608 = arith.subf %sub3A_2607, %get3A_2363 : vector<16xf32>
      %add3A_2609 = arith.constant 496 : i32
      %add3A_2610 = vector.broadcast %add3A_2609 : i32 to vector<16xi32>
      %add3A_2611 = arith.addi %iota3A, %add3A_2610 : vector<16xi32>
      tpu.vector_store_idx %arg8[%add3A_2611, %add3A_1451], %sub3A_2608 : memref<800x32xf32, #tpu.memory_space<vmem>>[vector<16xi32>, vector<16xi32>], vector<16xf32>,
      %sub3A_2612 = arith.subf %add3A_2476, %add3A_2216 : vector<16xf32>
      %sub3A_2613 = arith.subf %sub3A_2612, %get3A_2371 : vector<16xf32>
      %add3A_2614 = arith.constant 496 : i32
      %add3A_2615 = vector.broadcast %add3A_2614 : i32 to vector<16xi32>
      %add3A_2616 = arith.addi %iota3A, %add3A_2615 : vector<16xi32>
      tpu.vector_store_idx %arg8[%add3A_2616, %add3A_1453], %sub3A_2613 : memref<800x32xf32, #tpu.memory_space<vmem>>[vector<16xi32>, vector<16xi32>], vector<16xf32>,
      %mul3A_2617 = arith.constant 50 : i32
      %mul3A_2618 = arith.muli %add3A_1445, %mul3A_2617 : i32
      %add3A_2619 = arith.constant 41 : i32
      %add3A_2620 = arith.addi %mul3A_2618, %add3A_2619 : i32
      %get3A_2621 = arith.index_cast %add3A_2620 : i32 to index
      %get3A_2622 = arith.constant 0 : index
      %get3A_2623 = tpu.vector_load %arg7[%get3A_2621, %get3A_2622] {strides = array<i32>} : memref<1600x16xf32, #tpu.memory_space<vmem>>, vector<16xf32>,
      %add3A_2624 = arith.addf %add3A_2598, %get3A_2623 : vector<16xf32>
      %mul3A_2625 = arith.constant 50 : i32
      %mul3A_2626 = arith.muli %add3A_1449, %mul3A_2625 : i32
      %add3A_2627 = arith.constant 41 : i32
      %add3A_2628 = arith.addi %mul3A_2626, %add3A_2627 : i32
      %get3A_2629 = arith.index_cast %add3A_2628 : i32 to index
      %get3A_2630 = arith.constant 0 : index
      %get3A_2631 = tpu.vector_load %arg7[%get3A_2629, %get3A_2630] {strides = array<i32>} : memref<1600x16xf32, #tpu.memory_space<vmem>>, vector<16xf32>,
      %add3A_2632 = arith.addf %add3A_2606, %get3A_2631 : vector<16xf32>
      %sub3A_2633 = arith.subf %add3A_2494, %add3A_2234 : vector<16xf32>
      %sub3A_2634 = arith.subf %sub3A_2633, %get3A_2389 : vector<16xf32>
      %add3A_2635 = arith.constant 512 : i32
      %add3A_2636 = vector.broadcast %add3A_2635 : i32 to vector<16xi32>
      %add3A_2637 = arith.addi %iota3A, %add3A_2636 : vector<16xi32>
      tpu.vector_store_idx %arg8[%add3A_2637, %add3A_1451], %sub3A_2634 : memref<800x32xf32, #tpu.memory_space<vmem>>[vector<16xi32>, vector<16xi32>], vector<16xf32>,
      %sub3A_2638 = arith.subf %add3A_2502, %add3A_2242 : vector<16xf32>
      %sub3A_2639 = arith.subf %sub3A_2638, %get3A_2397 : vector<16xf32>
      %add3A_2640 = arith.constant 512 : i32
      %add3A_2641 = vector.broadcast %add3A_2640 : i32 to vector<16xi32>
      %add3A_2642 = arith.addi %iota3A, %add3A_2641 : vector<16xi32>
      tpu.vector_store_idx %arg8[%add3A_2642, %add3A_1453], %sub3A_2639 : memref<800x32xf32, #tpu.memory_space<vmem>>[vector<16xi32>, vector<16xi32>], vector<16xf32>,
      %mul3A_2643 = arith.constant 50 : i32
      %mul3A_2644 = arith.muli %add3A_1445, %mul3A_2643 : i32
      %add3A_2645 = arith.constant 42 : i32
      %add3A_2646 = arith.addi %mul3A_2644, %add3A_2645 : i32
      %get3A_2647 = arith.index_cast %add3A_2646 : i32 to index
      %get3A_2648 = arith.constant 0 : index
      %get3A_2649 = tpu.vector_load %arg7[%get3A_2647, %get3A_2648] {strides = array<i32>} : memref<1600x16xf32, #tpu.memory_space<vmem>>, vector<16xf32>,
      %add3A_2650 = arith.addf %add3A_2624, %get3A_2649 : vector<16xf32>
      %mul3A_2651 = arith.constant 50 : i32
      %mul3A_2652 = arith.muli %add3A_1449, %mul3A_2651 : i32
      %add3A_2653 = arith.constant 42 : i32
      %add3A_2654 = arith.addi %mul3A_2652, %add3A_2653 : i32
      %get3A_2655 = arith.index_cast %add3A_2654 : i32 to index
      %get3A_2656 = arith.constant 0 : index
      %get3A_2657 = tpu.vector_load %arg7[%get3A_2655, %get3A_2656] {strides = array<i32>} : memref<1600x16xf32, #tpu.memory_space<vmem>>, vector<16xf32>,
      %add3A_2658 = arith.addf %add3A_2632, %get3A_2657 : vector<16xf32>
      %sub3A_2659 = arith.subf %add3A_2520, %add3A_2260 : vector<16xf32>
      %sub3A_2660 = arith.subf %sub3A_2659, %get3A_2415 : vector<16xf32>
      %add3A_2661 = arith.constant 528 : i32
      %add3A_2662 = vector.broadcast %add3A_2661 : i32 to vector<16xi32>
      %add3A_2663 = arith.addi %iota3A, %add3A_2662 : vector<16xi32>
      tpu.vector_store_idx %arg8[%add3A_2663, %add3A_1451], %sub3A_2660 : memref<800x32xf32, #tpu.memory_space<vmem>>[vector<16xi32>, vector<16xi32>], vector<16xf32>,
      %sub3A_2664 = arith.subf %add3A_2528, %add3A_2268 : vector<16xf32>
      %sub3A_2665 = arith.subf %sub3A_2664, %get3A_2423 : vector<16xf32>
      %add3A_2666 = arith.constant 528 : i32
      %add3A_2667 = vector.broadcast %add3A_2666 : i32 to vector<16xi32>
      %add3A_2668 = arith.addi %iota3A, %add3A_2667 : vector<16xi32>
      tpu.vector_store_idx %arg8[%add3A_2668, %add3A_1453], %sub3A_2665 : memref<800x32xf32, #tpu.memory_space<vmem>>[vector<16xi32>, vector<16xi32>], vector<16xf32>,
      %mul3A_2669 = arith.constant 50 : i32
      %mul3A_2670 = arith.muli %add3A_1445, %mul3A_2669 : i32
      %add3A_2671 = arith.constant 43 : i32
      %add3A_2672 = arith.addi %mul3A_2670, %add3A_2671 : i32
      %get3A_2673 = arith.index_cast %add3A_2672 : i32 to index
      %get3A_2674 = arith.constant 0 : index
      %get3A_2675 = tpu.vector_load %arg7[%get3A_2673, %get3A_2674] {strides = array<i32>} : memref<1600x16xf32, #tpu.memory_space<vmem>>, vector<16xf32>,
      %add3A_2676 = arith.addf %add3A_2650, %get3A_2675 : vector<16xf32>
      %mul3A_2677 = arith.constant 50 : i32
      %mul3A_2678 = arith.muli %add3A_1449, %mul3A_2677 : i32
      %add3A_2679 = arith.constant 43 : i32
      %add3A_2680 = arith.addi %mul3A_2678, %add3A_2679 : i32
      %get3A_2681 = arith.index_cast %add3A_2680 : i32 to index
      %get3A_2682 = arith.constant 0 : index
      %get3A_2683 = tpu.vector_load %arg7[%get3A_2681, %get3A_2682] {strides = array<i32>} : memref<1600x16xf32, #tpu.memory_space<vmem>>, vector<16xf32>,
      %add3A_2684 = arith.addf %add3A_2658, %get3A_2683 : vector<16xf32>
      %sub3A_2685 = arith.subf %add3A_2546, %add3A_2286 : vector<16xf32>
      %sub3A_2686 = arith.subf %sub3A_2685, %get3A_2441 : vector<16xf32>
      %add3A_2687 = arith.constant 544 : i32
      %add3A_2688 = vector.broadcast %add3A_2687 : i32 to vector<16xi32>
      %add3A_2689 = arith.addi %iota3A, %add3A_2688 : vector<16xi32>
      tpu.vector_store_idx %arg8[%add3A_2689, %add3A_1451], %sub3A_2686 : memref<800x32xf32, #tpu.memory_space<vmem>>[vector<16xi32>, vector<16xi32>], vector<16xf32>,
      %sub3A_2690 = arith.subf %add3A_2554, %add3A_2294 : vector<16xf32>
      %sub3A_2691 = arith.subf %sub3A_2690, %get3A_2449 : vector<16xf32>
      %add3A_2692 = arith.constant 544 : i32
      %add3A_2693 = vector.broadcast %add3A_2692 : i32 to vector<16xi32>
      %add3A_2694 = arith.addi %iota3A, %add3A_2693 : vector<16xi32>
      tpu.vector_store_idx %arg8[%add3A_2694, %add3A_1453], %sub3A_2691 : memref<800x32xf32, #tpu.memory_space<vmem>>[vector<16xi32>, vector<16xi32>], vector<16xf32>,
      %mul3A_2695 = arith.constant 50 : i32
      %mul3A_2696 = arith.muli %add3A_1445, %mul3A_2695 : i32
      %add3A_2697 = arith.constant 44 : i32
      %add3A_2698 = arith.addi %mul3A_2696, %add3A_2697 : i32
      %get3A_2699 = arith.index_cast %add3A_2698 : i32 to index
      %get3A_2700 = arith.constant 0 : index
      %get3A_2701 = tpu.vector_load %arg7[%get3A_2699, %get3A_2700] {strides = array<i32>} : memref<1600x16xf32, #tpu.memory_space<vmem>>, vector<16xf32>,
      %add3A_2702 = arith.addf %add3A_2676, %get3A_2701 : vector<16xf32>
      %mul3A_2703 = arith.constant 50 : i32
      %mul3A_2704 = arith.muli %add3A_1449, %mul3A_2703 : i32
      %add3A_2705 = arith.constant 44 : i32
      %add3A_2706 = arith.addi %mul3A_2704, %add3A_2705 : i32
      %get3A_2707 = arith.index_cast %add3A_2706 : i32 to index
      %get3A_2708 = arith.constant 0 : index
      %get3A_2709 = tpu.vector_load %arg7[%get3A_2707, %get3A_2708] {strides = array<i32>} : memref<1600x16xf32, #tpu.memory_space<vmem>>, vector<16xf32>,
      %add3A_2710 = arith.addf %add3A_2684, %get3A_2709 : vector<16xf32>
      %sub3A_2711 = arith.subf %add3A_2572, %add3A_2312 : vector<16xf32>
      %sub3A_2712 = arith.subf %sub3A_2711, %get3A_2467 : vector<16xf32>
      %add3A_2713 = arith.constant 560 : i32
      %add3A_2714 = vector.broadcast %add3A_2713 : i32 to vector<16xi32>
      %add3A_2715 = arith.addi %iota3A, %add3A_2714 : vector<16xi32>
      tpu.vector_store_idx %arg8[%add3A_2715, %add3A_1451], %sub3A_2712 : memref<800x32xf32, #tpu.memory_space<vmem>>[vector<16xi32>, vector<16xi32>], vector<16xf32>,
      %sub3A_2716 = arith.subf %add3A_2580, %add3A_2320 : vector<16xf32>
      %sub3A_2717 = arith.subf %sub3A_2716, %get3A_2475 : vector<16xf32>
      %add3A_2718 = arith.constant 560 : i32
      %add3A_2719 = vector.broadcast %add3A_2718 : i32 to vector<16xi32>
      %add3A_2720 = arith.addi %iota3A, %add3A_2719 : vector<16xi32>
      tpu.vector_store_idx %arg8[%add3A_2720, %add3A_1453], %sub3A_2717 : memref<800x32xf32, #tpu.memory_space<vmem>>[vector<16xi32>, vector<16xi32>], vector<16xf32>,
      %mul3A_2721 = arith.constant 50 : i32
      %mul3A_2722 = arith.muli %add3A_1445, %mul3A_2721 : i32
      %add3A_2723 = arith.constant 45 : i32
      %add3A_2724 = arith.addi %mul3A_2722, %add3A_2723 : i32
      %get3A_2725 = arith.index_cast %add3A_2724 : i32 to index
      %get3A_2726 = arith.constant 0 : index
      %get3A_2727 = tpu.vector_load %arg7[%get3A_2725, %get3A_2726] {strides = array<i32>} : memref<1600x16xf32, #tpu.memory_space<vmem>>, vector<16xf32>,
      %add3A_2728 = arith.addf %add3A_2702, %get3A_2727 : vector<16xf32>
      %mul3A_2729 = arith.constant 50 : i32
      %mul3A_2730 = arith.muli %add3A_1449, %mul3A_2729 : i32
      %add3A_2731 = arith.constant 45 : i32
      %add3A_2732 = arith.addi %mul3A_2730, %add3A_2731 : i32
      %get3A_2733 = arith.index_cast %add3A_2732 : i32 to index
      %get3A_2734 = arith.constant 0 : index
      %get3A_2735 = tpu.vector_load %arg7[%get3A_2733, %get3A_2734] {strides = array<i32>} : memref<1600x16xf32, #tpu.memory_space<vmem>>, vector<16xf32>,
      %add3A_2736 = arith.addf %add3A_2710, %get3A_2735 : vector<16xf32>
      %sub3A_2737 = arith.subf %add3A_2598, %add3A_2338 : vector<16xf32>
      %sub3A_2738 = arith.subf %sub3A_2737, %get3A_2493 : vector<16xf32>
      %add3A_2739 = arith.constant 576 : i32
      %add3A_2740 = vector.broadcast %add3A_2739 : i32 to vector<16xi32>
      %add3A_2741 = arith.addi %iota3A, %add3A_2740 : vector<16xi32>
      tpu.vector_store_idx %arg8[%add3A_2741, %add3A_1451], %sub3A_2738 : memref<800x32xf32, #tpu.memory_space<vmem>>[vector<16xi32>, vector<16xi32>], vector<16xf32>,
      %sub3A_2742 = arith.subf %add3A_2606, %add3A_2346 : vector<16xf32>
      %sub3A_2743 = arith.subf %sub3A_2742, %get3A_2501 : vector<16xf32>
      %add3A_2744 = arith.constant 576 : i32
      %add3A_2745 = vector.broadcast %add3A_2744 : i32 to vector<16xi32>
      %add3A_2746 = arith.addi %iota3A, %add3A_2745 : vector<16xi32>
      tpu.vector_store_idx %arg8[%add3A_2746, %add3A_1453], %sub3A_2743 : memref<800x32xf32, #tpu.memory_space<vmem>>[vector<16xi32>, vector<16xi32>], vector<16xf32>,
      %mul3A_2747 = arith.constant 50 : i32
      %mul3A_2748 = arith.muli %add3A_1445, %mul3A_2747 : i32
      %add3A_2749 = arith.constant 46 : i32
      %add3A_2750 = arith.addi %mul3A_2748, %add3A_2749 : i32
      %get3A_2751 = arith.index_cast %add3A_2750 : i32 to index
      %get3A_2752 = arith.constant 0 : index
      %get3A_2753 = tpu.vector_load %arg7[%get3A_2751, %get3A_2752] {strides = array<i32>} : memref<1600x16xf32, #tpu.memory_space<vmem>>, vector<16xf32>,
      %add3A_2754 = arith.addf %add3A_2728, %get3A_2753 : vector<16xf32>
      %mul3A_2755 = arith.constant 50 : i32
      %mul3A_2756 = arith.muli %add3A_1449, %mul3A_2755 : i32
      %add3A_2757 = arith.constant 46 : i32
      %add3A_2758 = arith.addi %mul3A_2756, %add3A_2757 : i32
      %get3A_2759 = arith.index_cast %add3A_2758 : i32 to index
      %get3A_2760 = arith.constant 0 : index
      %get3A_2761 = tpu.vector_load %arg7[%get3A_2759, %get3A_2760] {strides = array<i32>} : memref<1600x16xf32, #tpu.memory_space<vmem>>, vector<16xf32>,
      %add3A_2762 = arith.addf %add3A_2736, %get3A_2761 : vector<16xf32>
      %sub3A_2763 = arith.subf %add3A_2624, %add3A_2364 : vector<16xf32>
      %sub3A_2764 = arith.subf %sub3A_2763, %get3A_2519 : vector<16xf32>
      %add3A_2765 = arith.constant 592 : i32
      %add3A_2766 = vector.broadcast %add3A_2765 : i32 to vector<16xi32>
      %add3A_2767 = arith.addi %iota3A, %add3A_2766 : vector<16xi32>
      tpu.vector_store_idx %arg8[%add3A_2767, %add3A_1451], %sub3A_2764 : memref<800x32xf32, #tpu.memory_space<vmem>>[vector<16xi32>, vector<16xi32>], vector<16xf32>,
      %sub3A_2768 = arith.subf %add3A_2632, %add3A_2372 : vector<16xf32>
      %sub3A_2769 = arith.subf %sub3A_2768, %get3A_2527 : vector<16xf32>
      %add3A_2770 = arith.constant 592 : i32
      %add3A_2771 = vector.broadcast %add3A_2770 : i32 to vector<16xi32>
      %add3A_2772 = arith.addi %iota3A, %add3A_2771 : vector<16xi32>
      tpu.vector_store_idx %arg8[%add3A_2772, %add3A_1453], %sub3A_2769 : memref<800x32xf32, #tpu.memory_space<vmem>>[vector<16xi32>, vector<16xi32>], vector<16xf32>,
      %mul3A_2773 = arith.constant 50 : i32
      %mul3A_2774 = arith.muli %add3A_1445, %mul3A_2773 : i32
      %add3A_2775 = arith.constant 47 : i32
      %add3A_2776 = arith.addi %mul3A_2774, %add3A_2775 : i32
      %get3A_2777 = arith.index_cast %add3A_2776 : i32 to index
      %get3A_2778 = arith.constant 0 : index
      %get3A_2779 = tpu.vector_load %arg7[%get3A_2777, %get3A_2778] {strides = array<i32>} : memref<1600x16xf32, #tpu.memory_space<vmem>>, vector<16xf32>,
      %add3A_2780 = arith.addf %add3A_2754, %get3A_2779 : vector<16xf32>
      %mul3A_2781 = arith.constant 50 : i32
      %mul3A_2782 = arith.muli %add3A_1449, %mul3A_2781 : i32
      %add3A_2783 = arith.constant 47 : i32
      %add3A_2784 = arith.addi %mul3A_2782, %add3A_2783 : i32
      %get3A_2785 = arith.index_cast %add3A_2784 : i32 to index
      %get3A_2786 = arith.constant 0 : index
      %get3A_2787 = tpu.vector_load %arg7[%get3A_2785, %get3A_2786] {strides = array<i32>} : memref<1600x16xf32, #tpu.memory_space<vmem>>, vector<16xf32>,
      %add3A_2788 = arith.addf %add3A_2762, %get3A_2787 : vector<16xf32>
      %sub3A_2789 = arith.subf %add3A_2650, %add3A_2390 : vector<16xf32>
      %sub3A_2790 = arith.subf %sub3A_2789, %get3A_2545 : vector<16xf32>
      %add3A_2791 = arith.constant 608 : i32
      %add3A_2792 = vector.broadcast %add3A_2791 : i32 to vector<16xi32>
      %add3A_2793 = arith.addi %iota3A, %add3A_2792 : vector<16xi32>
      tpu.vector_store_idx %arg8[%add3A_2793, %add3A_1451], %sub3A_2790 : memref<800x32xf32, #tpu.memory_space<vmem>>[vector<16xi32>, vector<16xi32>], vector<16xf32>,
      %sub3A_2794 = arith.subf %add3A_2658, %add3A_2398 : vector<16xf32>
      %sub3A_2795 = arith.subf %sub3A_2794, %get3A_2553 : vector<16xf32>
      %add3A_2796 = arith.constant 608 : i32
      %add3A_2797 = vector.broadcast %add3A_2796 : i32 to vector<16xi32>
      %add3A_2798 = arith.addi %iota3A, %add3A_2797 : vector<16xi32>
      tpu.vector_store_idx %arg8[%add3A_2798, %add3A_1453], %sub3A_2795 : memref<800x32xf32, #tpu.memory_space<vmem>>[vector<16xi32>, vector<16xi32>], vector<16xf32>,
      %mul3A_2799 = arith.constant 50 : i32
      %mul3A_2800 = arith.muli %add3A_1445, %mul3A_2799 : i32
      %add3A_2801 = arith.constant 48 : i32
      %add3A_2802 = arith.addi %mul3A_2800, %add3A_2801 : i32
      %get3A_2803 = arith.index_cast %add3A_2802 : i32 to index
      %get3A_2804 = arith.constant 0 : index
      %get3A_2805 = tpu.vector_load %arg7[%get3A_2803, %get3A_2804] {strides = array<i32>} : memref<1600x16xf32, #tpu.memory_space<vmem>>, vector<16xf32>,
      %add3A_2806 = arith.addf %add3A_2780, %get3A_2805 : vector<16xf32>
      %mul3A_2807 = arith.constant 50 : i32
      %mul3A_2808 = arith.muli %add3A_1449, %mul3A_2807 : i32
      %add3A_2809 = arith.constant 48 : i32
      %add3A_2810 = arith.addi %mul3A_2808, %add3A_2809 : i32
      %get3A_2811 = arith.index_cast %add3A_2810 : i32 to index
      %get3A_2812 = arith.constant 0 : index
      %get3A_2813 = tpu.vector_load %arg7[%get3A_2811, %get3A_2812] {strides = array<i32>} : memref<1600x16xf32, #tpu.memory_space<vmem>>, vector<16xf32>,
      %add3A_2814 = arith.addf %add3A_2788, %get3A_2813 : vector<16xf32>
      %sub3A_2815 = arith.subf %add3A_2676, %add3A_2416 : vector<16xf32>
      %sub3A_2816 = arith.subf %sub3A_2815, %get3A_2571 : vector<16xf32>
      %add3A_2817 = arith.constant 624 : i32
      %add3A_2818 = vector.broadcast %add3A_2817 : i32 to vector<16xi32>
      %add3A_2819 = arith.addi %iota3A, %add3A_2818 : vector<16xi32>
      tpu.vector_store_idx %arg8[%add3A_2819, %add3A_1451], %sub3A_2816 : memref<800x32xf32, #tpu.memory_space<vmem>>[vector<16xi32>, vector<16xi32>], vector<16xf32>,
      %sub3A_2820 = arith.subf %add3A_2684, %add3A_2424 : vector<16xf32>
      %sub3A_2821 = arith.subf %sub3A_2820, %get3A_2579 : vector<16xf32>
      %add3A_2822 = arith.constant 624 : i32
      %add3A_2823 = vector.broadcast %add3A_2822 : i32 to vector<16xi32>
      %add3A_2824 = arith.addi %iota3A, %add3A_2823 : vector<16xi32>
      tpu.vector_store_idx %arg8[%add3A_2824, %add3A_1453], %sub3A_2821 : memref<800x32xf32, #tpu.memory_space<vmem>>[vector<16xi32>, vector<16xi32>], vector<16xf32>,
      %mul3A_2825 = arith.constant 50 : i32
      %mul3A_2826 = arith.muli %add3A_1445, %mul3A_2825 : i32
      %add3A_2827 = arith.constant 49 : i32
      %add3A_2828 = arith.addi %mul3A_2826, %add3A_2827 : i32
      %get3A_2829 = arith.index_cast %add3A_2828 : i32 to index
      %get3A_2830 = arith.constant 0 : index
      %get3A_2831 = tpu.vector_load %arg7[%get3A_2829, %get3A_2830] {strides = array<i32>} : memref<1600x16xf32, #tpu.memory_space<vmem>>, vector<16xf32>,
      %add3A_2832 = arith.addf %add3A_2806, %get3A_2831 : vector<16xf32>
      %mul3A_2833 = arith.constant 50 : i32
      %mul3A_2834 = arith.muli %add3A_1449, %mul3A_2833 : i32
      %add3A_2835 = arith.constant 49 : i32
      %add3A_2836 = arith.addi %mul3A_2834, %add3A_2835 : i32
      %get3A_2837 = arith.index_cast %add3A_2836 : i32 to index
      %get3A_2838 = arith.constant 0 : index
      %get3A_2839 = tpu.vector_load %arg7[%get3A_2837, %get3A_2838] {strides = array<i32>} : memref<1600x16xf32, #tpu.memory_space<vmem>>, vector<16xf32>,
      %add3A_2840 = arith.addf %add3A_2814, %get3A_2839 : vector<16xf32>
      %sub3A_2841 = arith.subf %add3A_2702, %add3A_2442 : vector<16xf32>
      %sub3A_2842 = arith.subf %sub3A_2841, %get3A_2597 : vector<16xf32>
      %add3A_2843 = arith.constant 640 : i32
      %add3A_2844 = vector.broadcast %add3A_2843 : i32 to vector<16xi32>
      %add3A_2845 = arith.addi %iota3A, %add3A_2844 : vector<16xi32>
      tpu.vector_store_idx %arg8[%add3A_2845, %add3A_1451], %sub3A_2842 : memref<800x32xf32, #tpu.memory_space<vmem>>[vector<16xi32>, vector<16xi32>], vector<16xf32>,
      %sub3A_2846 = arith.subf %add3A_2710, %add3A_2450 : vector<16xf32>
      %sub3A_2847 = arith.subf %sub3A_2846, %get3A_2605 : vector<16xf32>
      %add3A_2848 = arith.constant 640 : i32
      %add3A_2849 = vector.broadcast %add3A_2848 : i32 to vector<16xi32>
      %add3A_2850 = arith.addi %iota3A, %add3A_2849 : vector<16xi32>
      tpu.vector_store_idx %arg8[%add3A_2850, %add3A_1453], %sub3A_2847 : memref<800x32xf32, #tpu.memory_space<vmem>>[vector<16xi32>, vector<16xi32>], vector<16xf32>,
      %sub3A_2851 = arith.subf %add3A_2728, %add3A_2468 : vector<16xf32>
      %sub3A_2852 = arith.subf %sub3A_2851, %get3A_2623 : vector<16xf32>
      %add3A_2853 = arith.constant 656 : i32
      %add3A_2854 = vector.broadcast %add3A_2853 : i32 to vector<16xi32>
      %add3A_2855 = arith.addi %iota3A, %add3A_2854 : vector<16xi32>
      tpu.vector_store_idx %arg8[%add3A_2855, %add3A_1451], %sub3A_2852 : memref<800x32xf32, #tpu.memory_space<vmem>>[vector<16xi32>, vector<16xi32>], vector<16xf32>,
      %sub3A_2856 = arith.subf %add3A_2736, %add3A_2476 : vector<16xf32>
      %sub3A_2857 = arith.subf %sub3A_2856, %get3A_2631 : vector<16xf32>
      %add3A_2858 = arith.constant 656 : i32
      %add3A_2859 = vector.broadcast %add3A_2858 : i32 to vector<16xi32>
      %add3A_2860 = arith.addi %iota3A, %add3A_2859 : vector<16xi32>
      tpu.vector_store_idx %arg8[%add3A_2860, %add3A_1453], %sub3A_2857 : memref<800x32xf32, #tpu.memory_space<vmem>>[vector<16xi32>, vector<16xi32>], vector<16xf32>,
      %sub3A_2861 = arith.subf %add3A_2754, %add3A_2494 : vector<16xf32>
      %sub3A_2862 = arith.subf %sub3A_2861, %get3A_2649 : vector<16xf32>
      %add3A_2863 = arith.constant 672 : i32
      %add3A_2864 = vector.broadcast %add3A_2863 : i32 to vector<16xi32>
      %add3A_2865 = arith.addi %iota3A, %add3A_2864 : vector<16xi32>
      tpu.vector_store_idx %arg8[%add3A_2865, %add3A_1451], %sub3A_2862 : memref<800x32xf32, #tpu.memory_space<vmem>>[vector<16xi32>, vector<16xi32>], vector<16xf32>,
      %sub3A_2866 = arith.subf %add3A_2762, %add3A_2502 : vector<16xf32>
      %sub3A_2867 = arith.subf %sub3A_2866, %get3A_2657 : vector<16xf32>
      %add3A_2868 = arith.constant 672 : i32
      %add3A_2869 = vector.broadcast %add3A_2868 : i32 to vector<16xi32>
      %add3A_2870 = arith.addi %iota3A, %add3A_2869 : vector<16xi32>
      tpu.vector_store_idx %arg8[%add3A_2870, %add3A_1453], %sub3A_2867 : memref<800x32xf32, #tpu.memory_space<vmem>>[vector<16xi32>, vector<16xi32>], vector<16xf32>,
      %sub3A_2871 = arith.subf %add3A_2780, %add3A_2520 : vector<16xf32>
      %sub3A_2872 = arith.subf %sub3A_2871, %get3A_2675 : vector<16xf32>
      %add3A_2873 = arith.constant 688 : i32
      %add3A_2874 = vector.broadcast %add3A_2873 : i32 to vector<16xi32>
      %add3A_2875 = arith.addi %iota3A, %add3A_2874 : vector<16xi32>
      tpu.vector_store_idx %arg8[%add3A_2875, %add3A_1451], %sub3A_2872 : memref<800x32xf32, #tpu.memory_space<vmem>>[vector<16xi32>, vector<16xi32>], vector<16xf32>,
      %sub3A_2876 = arith.subf %add3A_2788, %add3A_2528 : vector<16xf32>
      %sub3A_2877 = arith.subf %sub3A_2876, %get3A_2683 : vector<16xf32>
      %add3A_2878 = arith.constant 688 : i32
      %add3A_2879 = vector.broadcast %add3A_2878 : i32 to vector<16xi32>
      %add3A_2880 = arith.addi %iota3A, %add3A_2879 : vector<16xi32>
      tpu.vector_store_idx %arg8[%add3A_2880, %add3A_1453], %sub3A_2877 : memref<800x32xf32, #tpu.memory_space<vmem>>[vector<16xi32>, vector<16xi32>], vector<16xf32>,
      %sub3A_2881 = arith.subf %add3A_2806, %add3A_2546 : vector<16xf32>
      %sub3A_2882 = arith.subf %sub3A_2881, %get3A_2701 : vector<16xf32>
      %add3A_2883 = arith.constant 704 : i32
      %add3A_2884 = vector.broadcast %add3A_2883 : i32 to vector<16xi32>
      %add3A_2885 = arith.addi %iota3A, %add3A_2884 : vector<16xi32>
      tpu.vector_store_idx %arg8[%add3A_2885, %add3A_1451], %sub3A_2882 : memref<800x32xf32, #tpu.memory_space<vmem>>[vector<16xi32>, vector<16xi32>], vector<16xf32>,
      %sub3A_2886 = arith.subf %add3A_2814, %add3A_2554 : vector<16xf32>
      %sub3A_2887 = arith.subf %sub3A_2886, %get3A_2709 : vector<16xf32>
      %add3A_2888 = arith.constant 704 : i32
      %add3A_2889 = vector.broadcast %add3A_2888 : i32 to vector<16xi32>
      %add3A_2890 = arith.addi %iota3A, %add3A_2889 : vector<16xi32>
      tpu.vector_store_idx %arg8[%add3A_2890, %add3A_1453], %sub3A_2887 : memref<800x32xf32, #tpu.memory_space<vmem>>[vector<16xi32>, vector<16xi32>], vector<16xf32>,
      %sub3A_2891 = arith.subf %add3A_2832, %add3A_2572 : vector<16xf32>
      %sub3A_2892 = arith.subf %sub3A_2891, %get3A_2727 : vector<16xf32>
      %add3A_2893 = arith.constant 720 : i32
      %add3A_2894 = vector.broadcast %add3A_2893 : i32 to vector<16xi32>
      %add3A_2895 = arith.addi %iota3A, %add3A_2894 : vector<16xi32>
      tpu.vector_store_idx %arg8[%add3A_2895, %add3A_1451], %sub3A_2892 : memref<800x32xf32, #tpu.memory_space<vmem>>[vector<16xi32>, vector<16xi32>], vector<16xf32>,
      %sub3A_2896 = arith.subf %add3A_2840, %add3A_2580 : vector<16xf32>
      %sub3A_2897 = arith.subf %sub3A_2896, %get3A_2735 : vector<16xf32>
      %add3A_2898 = arith.constant 720 : i32
      %add3A_2899 = vector.broadcast %add3A_2898 : i32 to vector<16xi32>
      %add3A_2900 = arith.addi %iota3A, %add3A_2899 : vector<16xi32>
      tpu.vector_store_idx %arg8[%add3A_2900, %add3A_1453], %sub3A_2897 : memref<800x32xf32, #tpu.memory_space<vmem>>[vector<16xi32>, vector<16xi32>], vector<16xf32>,
      %sub3A_2901 = arith.subf %add3A_2806, %add3A_2598 : vector<16xf32>
      %add3A_2902 = arith.constant 736 : i32
      %add3A_2903 = vector.broadcast %add3A_2902 : i32 to vector<16xi32>
      %add3A_2904 = arith.addi %iota3A, %add3A_2903 : vector<16xi32>
      tpu.vector_store_idx %arg8[%add3A_2904, %add3A_1451], %sub3A_2901 : memref<800x32xf32, #tpu.memory_space<vmem>>[vector<16xi32>, vector<16xi32>], vector<16xf32>,
      %sub3A_2905 = arith.subf %add3A_2814, %add3A_2606 : vector<16xf32>
      %add3A_2906 = arith.constant 736 : i32
      %add3A_2907 = vector.broadcast %add3A_2906 : i32 to vector<16xi32>
      %add3A_2908 = arith.addi %iota3A, %add3A_2907 : vector<16xi32>
      tpu.vector_store_idx %arg8[%add3A_2908, %add3A_1453], %sub3A_2905 : memref<800x32xf32, #tpu.memory_space<vmem>>[vector<16xi32>, vector<16xi32>], vector<16xf32>,
      %sub3A_2909 = arith.subf %add3A_2806, %add3A_2624 : vector<16xf32>
      %add3A_2910 = arith.constant 752 : i32
      %add3A_2911 = vector.broadcast %add3A_2910 : i32 to vector<16xi32>
      %add3A_2912 = arith.addi %iota3A, %add3A_2911 : vector<16xi32>
      tpu.vector_store_idx %arg8[%add3A_2912, %add3A_1451], %sub3A_2909 : memref<800x32xf32, #tpu.memory_space<vmem>>[vector<16xi32>, vector<16xi32>], vector<16xf32>,
      %sub3A_2913 = arith.subf %add3A_2814, %add3A_2632 : vector<16xf32>
      %add3A_2914 = arith.constant 752 : i32
      %add3A_2915 = vector.broadcast %add3A_2914 : i32 to vector<16xi32>
      %add3A_2916 = arith.addi %iota3A, %add3A_2915 : vector<16xi32>
      tpu.vector_store_idx %arg8[%add3A_2916, %add3A_1453], %sub3A_2913 : memref<800x32xf32, #tpu.memory_space<vmem>>[vector<16xi32>, vector<16xi32>], vector<16xf32>,
      %sub3A_2917 = arith.subf %add3A_2806, %add3A_2650 : vector<16xf32>
      %add3A_2918 = arith.constant 768 : i32
      %add3A_2919 = vector.broadcast %add3A_2918 : i32 to vector<16xi32>
      %add3A_2920 = arith.addi %iota3A, %add3A_2919 : vector<16xi32>
      tpu.vector_store_idx %arg8[%add3A_2920, %add3A_1451], %sub3A_2917 : memref<800x32xf32, #tpu.memory_space<vmem>>[vector<16xi32>, vector<16xi32>], vector<16xf32>,
      %sub3A_2921 = arith.subf %add3A_2814, %add3A_2658 : vector<16xf32>
      %add3A_2922 = arith.constant 768 : i32
      %add3A_2923 = vector.broadcast %add3A_2922 : i32 to vector<16xi32>
      %add3A_2924 = arith.addi %iota3A, %add3A_2923 : vector<16xi32>
      tpu.vector_store_idx %arg8[%add3A_2924, %add3A_1453], %sub3A_2921 : memref<800x32xf32, #tpu.memory_space<vmem>>[vector<16xi32>, vector<16xi32>], vector<16xf32>,
      %sub3A_2925 = arith.subf %add3A_2806, %add3A_2676 : vector<16xf32>
      %add3A_2926 = arith.constant 784 : i32
      %add3A_2927 = vector.broadcast %add3A_2926 : i32 to vector<16xi32>
      %add3A_2928 = arith.addi %iota3A, %add3A_2927 : vector<16xi32>
      tpu.vector_store_idx %arg8[%add3A_2928, %add3A_1451], %sub3A_2925 : memref<800x32xf32, #tpu.memory_space<vmem>>[vector<16xi32>, vector<16xi32>], vector<16xf32>,
      %sub3A_2929 = arith.subf %add3A_2814, %add3A_2684 : vector<16xf32>
      %add3A_2930 = arith.constant 784 : i32
      %add3A_2931 = vector.broadcast %add3A_2930 : i32 to vector<16xi32>
      %add3A_2932 = arith.addi %iota3A, %add3A_2931 : vector<16xi32>
      tpu.vector_store_idx %arg8[%add3A_2932, %add3A_1453], %sub3A_2929 : memref<800x32xf32, #tpu.memory_space<vmem>>[vector<16xi32>, vector<16xi32>], vector<16xf32>,
    }
    %scan3A_42 = arith.constant 16 : i32
    %mul3A_43 = arith.constant 32 : i32
    %mul3A_44 = arith.muli %add3A, %mul3A_43 : i32
    %dma_start3A = arith.constant 0 : i32
    %dma_start3A_45 = arith.constant 0 : i32
    %dma_start3A_46 = arith.constant 0 : i32
    %dma_start3A_47 = tpu.memref_slice %arg8[%dma_start3A_45, %dma_start3A_46] : memref<800x32xf32, #tpu.memory_space<vmem>> -> memref<16x32xf32, #tpu.memory_space<vmem>>
    %dma_start3A_48 = arith.constant 0 : i32
    %dma_start3A_49 = tpu.memref_slice %arg4[%dma_start3A, %dma_start3A_48, %mul3A_44] : memref<50x16x1024xf32, #tpu.memory_space<hbm>> -> memref<1x16x32xf32, #tpu.memory_space<hbm>>
    %dma_start3A_50 = tpu.memref_squeeze %dma_start3A_49 : memref<1x16x32xf32, #tpu.memory_space<hbm>> -> memref<16x32xf32, #tpu.memory_space<hbm>>
    %dma_start3A_51 = arith.constant 0 : i32
    %dma_start3A_52 = tpu.memref_slice %arg4[%dma_start3A, %dma_start3A_51, %mul3A_44] : memref<50x16x1024xf32, #tpu.memory_space<hbm>> -> memref<1x16x32xf32, #tpu.memory_space<hbm>>
    %dma_start3A_53 = tpu.memref_squeeze %dma_start3A_52 : memref<1x16x32xf32, #tpu.memory_space<hbm>> -> memref<16x32xf32, #tpu.memory_space<hbm>>
    %dma_start3A_54 = arith.constant 0 : i32
    %dma_start3A_55 = arith.constant 0 : i32
    %dma_start3A_56 = tpu.memref_slice %arg8[%dma_start3A_54, %dma_start3A_55] : memref<800x32xf32, #tpu.memory_space<vmem>> -> memref<16x32xf32, #tpu.memory_space<vmem>>
    tpu.enqueue_dma source(%dma_start3A_56 : memref<16x32xf32, #tpu.memory_space<vmem>>) target(%dma_start3A_53 : memref<16x32xf32, #tpu.memory_space<hbm>>) target_semaphore(%arg9 : memref<!tpu.dma_semaphore, #tpu.memory_space<semaphore_mem>>)
    %mul3A_57 = arith.constant 32 : i32
    %mul3A_58 = arith.muli %add3A, %mul3A_57 : i32
    %dma_start3A_59 = arith.constant 1 : i32
    %dma_start3A_60 = arith.constant 16 : i32
    %dma_start3A_61 = arith.constant 0 : i32
    %dma_start3A_62 = tpu.memref_slice %arg8[%dma_start3A_60, %dma_start3A_61] : memref<800x32xf32, #tpu.memory_space<vmem>> -> memref<16x32xf32, #tpu.memory_space<vmem>>
    %dma_start3A_63 = arith.constant 0 : i32
    %dma_start3A_64 = tpu.memref_slice %arg4[%dma_start3A_59, %dma_start3A_63, %mul3A_58] : memref<50x16x1024xf32, #tpu.memory_space<hbm>> -> memref<1x16x32xf32, #tpu.memory_space<hbm>>
    %dma_start3A_65 = tpu.memref_squeeze %dma_start3A_64 : memref<1x16x32xf32, #tpu.memory_space<hbm>> -> memref<16x32xf32, #tpu.memory_space<hbm>>
    %dma_start3A_66 = arith.constant 0 : i32
    %dma_start3A_67 = tpu.memref_slice %arg4[%dma_start3A_59, %dma_start3A_66, %mul3A_58] : memref<50x16x1024xf32, #tpu.memory_space<hbm>> -> memref<1x16x32xf32, #tpu.memory_space<hbm>>
    %dma_start3A_68 = tpu.memref_squeeze %dma_start3A_67 : memref<1x16x32xf32, #tpu.memory_space<hbm>> -> memref<16x32xf32, #tpu.memory_space<hbm>>
    %dma_start3A_69 = arith.constant 16 : i32
    %dma_start3A_70 = arith.constant 0 : i32
    %dma_start3A_71 = tpu.memref_slice %arg8[%dma_start3A_69, %dma_start3A_70] : memref<800x32xf32, #tpu.memory_space<vmem>> -> memref<16x32xf32, #tpu.memory_space<vmem>>
    tpu.enqueue_dma source(%dma_start3A_71 : memref<16x32xf32, #tpu.memory_space<vmem>>) target(%dma_start3A_68 : memref<16x32xf32, #tpu.memory_space<hbm>>) target_semaphore(%arg9 : memref<!tpu.dma_semaphore, #tpu.memory_space<semaphore_mem>>)
    %mul3A_72 = arith.constant 32 : i32
    %mul3A_73 = arith.muli %add3A, %mul3A_72 : i32
    %dma_start3A_74 = arith.constant 2 : i32
    %dma_start3A_75 = arith.constant 32 : i32
    %dma_start3A_76 = arith.constant 0 : i32
    %dma_start3A_77 = tpu.memref_slice %arg8[%dma_start3A_75, %dma_start3A_76] : memref<800x32xf32, #tpu.memory_space<vmem>> -> memref<16x32xf32, #tpu.memory_space<vmem>>
    %dma_start3A_78 = arith.constant 0 : i32
    %dma_start3A_79 = tpu.memref_slice %arg4[%dma_start3A_74, %dma_start3A_78, %mul3A_73] : memref<50x16x1024xf32, #tpu.memory_space<hbm>> -> memref<1x16x32xf32, #tpu.memory_space<hbm>>
    %dma_start3A_80 = tpu.memref_squeeze %dma_start3A_79 : memref<1x16x32xf32, #tpu.memory_space<hbm>> -> memref<16x32xf32, #tpu.memory_space<hbm>>
    %dma_start3A_81 = arith.constant 0 : i32
    %dma_start3A_82 = tpu.memref_slice %arg4[%dma_start3A_74, %dma_start3A_81, %mul3A_73] : memref<50x16x1024xf32, #tpu.memory_space<hbm>> -> memref<1x16x32xf32, #tpu.memory_space<hbm>>
    %dma_start3A_83 = tpu.memref_squeeze %dma_start3A_82 : memref<1x16x32xf32, #tpu.memory_space<hbm>> -> memref<16x32xf32, #tpu.memory_space<hbm>>
    %dma_start3A_84 = arith.constant 32 : i32
    %dma_start3A_85 = arith.constant 0 : i32
    %dma_start3A_86 = tpu.memref_slice %arg8[%dma_start3A_84, %dma_start3A_85] : memref<800x32xf32, #tpu.memory_space<vmem>> -> memref<16x32xf32, #tpu.memory_space<vmem>>
    tpu.enqueue_dma source(%dma_start3A_86 : memref<16x32xf32, #tpu.memory_space<vmem>>) target(%dma_start3A_83 : memref<16x32xf32, #tpu.memory_space<hbm>>) target_semaphore(%arg9 : memref<!tpu.dma_semaphore, #tpu.memory_space<semaphore_mem>>)
    %mul3A_87 = arith.constant 32 : i32
    %mul3A_88 = arith.muli %add3A, %mul3A_87 : i32
    %dma_start3A_89 = arith.constant 3 : i32
    %dma_start3A_90 = arith.constant 48 : i32
    %dma_start3A_91 = arith.constant 0 : i32
    %dma_start3A_92 = tpu.memref_slice %arg8[%dma_start3A_90, %dma_start3A_91] : memref<800x32xf32, #tpu.memory_space<vmem>> -> memref<16x32xf32, #tpu.memory_space<vmem>>
    %dma_start3A_93 = arith.constant 0 : i32
    %dma_start3A_94 = tpu.memref_slice %arg4[%dma_start3A_89, %dma_start3A_93, %mul3A_88] : memref<50x16x1024xf32, #tpu.memory_space<hbm>> -> memref<1x16x32xf32, #tpu.memory_space<hbm>>
    %dma_start3A_95 = tpu.memref_squeeze %dma_start3A_94 : memref<1x16x32xf32, #tpu.memory_space<hbm>> -> memref<16x32xf32, #tpu.memory_space<hbm>>
    %dma_start3A_96 = arith.constant 0 : i32
    %dma_start3A_97 = tpu.memref_slice %arg4[%dma_start3A_89, %dma_start3A_96, %mul3A_88] : memref<50x16x1024xf32, #tpu.memory_space<hbm>> -> memref<1x16x32xf32, #tpu.memory_space<hbm>>
    %dma_start3A_98 = tpu.memref_squeeze %dma_start3A_97 : memref<1x16x32xf32, #tpu.memory_space<hbm>> -> memref<16x32xf32, #tpu.memory_space<hbm>>
    %dma_start3A_99 = arith.constant 48 : i32
    %dma_start3A_100 = arith.constant 0 : i32
    %dma_start3A_101 = tpu.memref_slice %arg8[%dma_start3A_99, %dma_start3A_100] : memref<800x32xf32, #tpu.memory_space<vmem>> -> memref<16x32xf32, #tpu.memory_space<vmem>>
    tpu.enqueue_dma source(%dma_start3A_101 : memref<16x32xf32, #tpu.memory_space<vmem>>) target(%dma_start3A_98 : memref<16x32xf32, #tpu.memory_space<hbm>>) target_semaphore(%arg9 : memref<!tpu.dma_semaphore, #tpu.memory_space<semaphore_mem>>)
    %mul3A_102 = arith.constant 32 : i32
    %mul3A_103 = arith.muli %add3A, %mul3A_102 : i32
    %dma_start3A_104 = arith.constant 4 : i32
    %dma_start3A_105 = arith.constant 64 : i32
    %dma_start3A_106 = arith.constant 0 : i32
    %dma_start3A_107 = tpu.memref_slice %arg8[%dma_start3A_105, %dma_start3A_106] : memref<800x32xf32, #tpu.memory_space<vmem>> -> memref<16x32xf32, #tpu.memory_space<vmem>>
    %dma_start3A_108 = arith.constant 0 : i32
    %dma_start3A_109 = tpu.memref_slice %arg4[%dma_start3A_104, %dma_start3A_108, %mul3A_103] : memref<50x16x1024xf32, #tpu.memory_space<hbm>> -> memref<1x16x32xf32, #tpu.memory_space<hbm>>
    %dma_start3A_110 = tpu.memref_squeeze %dma_start3A_109 : memref<1x16x32xf32, #tpu.memory_space<hbm>> -> memref<16x32xf32, #tpu.memory_space<hbm>>
    %dma_start3A_111 = arith.constant 0 : i32
    %dma_start3A_112 = tpu.memref_slice %arg4[%dma_start3A_104, %dma_start3A_111, %mul3A_103] : memref<50x16x1024xf32, #tpu.memory_space<hbm>> -> memref<1x16x32xf32, #tpu.memory_space<hbm>>
    %dma_start3A_113 = tpu.memref_squeeze %dma_start3A_112 : memref<1x16x32xf32, #tpu.memory_space<hbm>> -> memref<16x32xf32, #tpu.memory_space<hbm>>
    %dma_start3A_114 = arith.constant 64 : i32
    %dma_start3A_115 = arith.constant 0 : i32
    %dma_start3A_116 = tpu.memref_slice %arg8[%dma_start3A_114, %dma_start3A_115] : memref<800x32xf32, #tpu.memory_space<vmem>> -> memref<16x32xf32, #tpu.memory_space<vmem>>
    tpu.enqueue_dma source(%dma_start3A_116 : memref<16x32xf32, #tpu.memory_space<vmem>>) target(%dma_start3A_113 : memref<16x32xf32, #tpu.memory_space<hbm>>) target_semaphore(%arg9 : memref<!tpu.dma_semaphore, #tpu.memory_space<semaphore_mem>>)
    %mul3A_117 = arith.constant 32 : i32
    %mul3A_118 = arith.muli %add3A, %mul3A_117 : i32
    %dma_start3A_119 = arith.constant 5 : i32
    %dma_start3A_120 = arith.constant 80 : i32
    %dma_start3A_121 = arith.constant 0 : i32
    %dma_start3A_122 = tpu.memref_slice %arg8[%dma_start3A_120, %dma_start3A_121] : memref<800x32xf32, #tpu.memory_space<vmem>> -> memref<16x32xf32, #tpu.memory_space<vmem>>
    %dma_start3A_123 = arith.constant 0 : i32
    %dma_start3A_124 = tpu.memref_slice %arg4[%dma_start3A_119, %dma_start3A_123, %mul3A_118] : memref<50x16x1024xf32, #tpu.memory_space<hbm>> -> memref<1x16x32xf32, #tpu.memory_space<hbm>>
    %dma_start3A_125 = tpu.memref_squeeze %dma_start3A_124 : memref<1x16x32xf32, #tpu.memory_space<hbm>> -> memref<16x32xf32, #tpu.memory_space<hbm>>
    %dma_start3A_126 = arith.constant 0 : i32
    %dma_start3A_127 = tpu.memref_slice %arg4[%dma_start3A_119, %dma_start3A_126, %mul3A_118] : memref<50x16x1024xf32, #tpu.memory_space<hbm>> -> memref<1x16x32xf32, #tpu.memory_space<hbm>>
    %dma_start3A_128 = tpu.memref_squeeze %dma_start3A_127 : memref<1x16x32xf32, #tpu.memory_space<hbm>> -> memref<16x32xf32, #tpu.memory_space<hbm>>
    %dma_start3A_129 = arith.constant 80 : i32
    %dma_start3A_130 = arith.constant 0 : i32
    %dma_start3A_131 = tpu.memref_slice %arg8[%dma_start3A_129, %dma_start3A_130] : memref<800x32xf32, #tpu.memory_space<vmem>> -> memref<16x32xf32, #tpu.memory_space<vmem>>
    tpu.enqueue_dma source(%dma_start3A_131 : memref<16x32xf32, #tpu.memory_space<vmem>>) target(%dma_start3A_128 : memref<16x32xf32, #tpu.memory_space<hbm>>) target_semaphore(%arg9 : memref<!tpu.dma_semaphore, #tpu.memory_space<semaphore_mem>>)
    %mul3A_132 = arith.constant 32 : i32
    %mul3A_133 = arith.muli %add3A, %mul3A_132 : i32
    %dma_start3A_134 = arith.constant 6 : i32
    %dma_start3A_135 = arith.constant 96 : i32
    %dma_start3A_136 = arith.constant 0 : i32
    %dma_start3A_137 = tpu.memref_slice %arg8[%dma_start3A_135, %dma_start3A_136] : memref<800x32xf32, #tpu.memory_space<vmem>> -> memref<16x32xf32, #tpu.memory_space<vmem>>
    %dma_start3A_138 = arith.constant 0 : i32
    %dma_start3A_139 = tpu.memref_slice %arg4[%dma_start3A_134, %dma_start3A_138, %mul3A_133] : memref<50x16x1024xf32, #tpu.memory_space<hbm>> -> memref<1x16x32xf32, #tpu.memory_space<hbm>>
    %dma_start3A_140 = tpu.memref_squeeze %dma_start3A_139 : memref<1x16x32xf32, #tpu.memory_space<hbm>> -> memref<16x32xf32, #tpu.memory_space<hbm>>
    %dma_start3A_141 = arith.constant 0 : i32
    %dma_start3A_142 = tpu.memref_slice %arg4[%dma_start3A_134, %dma_start3A_141, %mul3A_133] : memref<50x16x1024xf32, #tpu.memory_space<hbm>> -> memref<1x16x32xf32, #tpu.memory_space<hbm>>
    %dma_start3A_143 = tpu.memref_squeeze %dma_start3A_142 : memref<1x16x32xf32, #tpu.memory_space<hbm>> -> memref<16x32xf32, #tpu.memory_space<hbm>>
    %dma_start3A_144 = arith.constant 96 : i32
    %dma_start3A_145 = arith.constant 0 : i32
    %dma_start3A_146 = tpu.memref_slice %arg8[%dma_start3A_144, %dma_start3A_145] : memref<800x32xf32, #tpu.memory_space<vmem>> -> memref<16x32xf32, #tpu.memory_space<vmem>>
    tpu.enqueue_dma source(%dma_start3A_146 : memref<16x32xf32, #tpu.memory_space<vmem>>) target(%dma_start3A_143 : memref<16x32xf32, #tpu.memory_space<hbm>>) target_semaphore(%arg9 : memref<!tpu.dma_semaphore, #tpu.memory_space<semaphore_mem>>)
    %mul3A_147 = arith.constant 32 : i32
    %mul3A_148 = arith.muli %add3A, %mul3A_147 : i32
    %dma_start3A_149 = arith.constant 7 : i32
    %dma_start3A_150 = arith.constant 112 : i32
    %dma_start3A_151 = arith.constant 0 : i32
    %dma_start3A_152 = tpu.memref_slice %arg8[%dma_start3A_150, %dma_start3A_151] : memref<800x32xf32, #tpu.memory_space<vmem>> -> memref<16x32xf32, #tpu.memory_space<vmem>>
    %dma_start3A_153 = arith.constant 0 : i32
    %dma_start3A_154 = tpu.memref_slice %arg4[%dma_start3A_149, %dma_start3A_153, %mul3A_148] : memref<50x16x1024xf32, #tpu.memory_space<hbm>> -> memref<1x16x32xf32, #tpu.memory_space<hbm>>
    %dma_start3A_155 = tpu.memref_squeeze %dma_start3A_154 : memref<1x16x32xf32, #tpu.memory_space<hbm>> -> memref<16x32xf32, #tpu.memory_space<hbm>>
    %dma_start3A_156 = arith.constant 0 : i32
    %dma_start3A_157 = tpu.memref_slice %arg4[%dma_start3A_149, %dma_start3A_156, %mul3A_148] : memref<50x16x1024xf32, #tpu.memory_space<hbm>> -> memref<1x16x32xf32, #tpu.memory_space<hbm>>
    %dma_start3A_158 = tpu.memref_squeeze %dma_start3A_157 : memref<1x16x32xf32, #tpu.memory_space<hbm>> -> memref<16x32xf32, #tpu.memory_space<hbm>>
    %dma_start3A_159 = arith.constant 112 : i32
    %dma_start3A_160 = arith.constant 0 : i32
    %dma_start3A_161 = tpu.memref_slice %arg8[%dma_start3A_159, %dma_start3A_160] : memref<800x32xf32, #tpu.memory_space<vmem>> -> memref<16x32xf32, #tpu.memory_space<vmem>>
    tpu.enqueue_dma source(%dma_start3A_161 : memref<16x32xf32, #tpu.memory_space<vmem>>) target(%dma_start3A_158 : memref<16x32xf32, #tpu.memory_space<hbm>>) target_semaphore(%arg9 : memref<!tpu.dma_semaphore, #tpu.memory_space<semaphore_mem>>)
    %mul3A_162 = arith.constant 32 : i32
    %mul3A_163 = arith.muli %add3A, %mul3A_162 : i32
    %dma_start3A_164 = arith.constant 8 : i32
    %dma_start3A_165 = arith.constant 128 : i32
    %dma_start3A_166 = arith.constant 0 : i32
    %dma_start3A_167 = tpu.memref_slice %arg8[%dma_start3A_165, %dma_start3A_166] : memref<800x32xf32, #tpu.memory_space<vmem>> -> memref<16x32xf32, #tpu.memory_space<vmem>>
    %dma_start3A_168 = arith.constant 0 : i32
    %dma_start3A_169 = tpu.memref_slice %arg4[%dma_start3A_164, %dma_start3A_168, %mul3A_163] : memref<50x16x1024xf32, #tpu.memory_space<hbm>> -> memref<1x16x32xf32, #tpu.memory_space<hbm>>
    %dma_start3A_170 = tpu.memref_squeeze %dma_start3A_169 : memref<1x16x32xf32, #tpu.memory_space<hbm>> -> memref<16x32xf32, #tpu.memory_space<hbm>>
    %dma_start3A_171 = arith.constant 0 : i32
    %dma_start3A_172 = tpu.memref_slice %arg4[%dma_start3A_164, %dma_start3A_171, %mul3A_163] : memref<50x16x1024xf32, #tpu.memory_space<hbm>> -> memref<1x16x32xf32, #tpu.memory_space<hbm>>
    %dma_start3A_173 = tpu.memref_squeeze %dma_start3A_172 : memref<1x16x32xf32, #tpu.memory_space<hbm>> -> memref<16x32xf32, #tpu.memory_space<hbm>>
    %dma_start3A_174 = arith.constant 128 : i32
    %dma_start3A_175 = arith.constant 0 : i32
    %dma_start3A_176 = tpu.memref_slice %arg8[%dma_start3A_174, %dma_start3A_175] : memref<800x32xf32, #tpu.memory_space<vmem>> -> memref<16x32xf32, #tpu.memory_space<vmem>>
    tpu.enqueue_dma source(%dma_start3A_176 : memref<16x32xf32, #tpu.memory_space<vmem>>) target(%dma_start3A_173 : memref<16x32xf32, #tpu.memory_space<hbm>>) target_semaphore(%arg9 : memref<!tpu.dma_semaphore, #tpu.memory_space<semaphore_mem>>)
    %mul3A_177 = arith.constant 32 : i32
    %mul3A_178 = arith.muli %add3A, %mul3A_177 : i32
    %dma_start3A_179 = arith.constant 9 : i32
    %dma_start3A_180 = arith.constant 144 : i32
    %dma_start3A_181 = arith.constant 0 : i32
    %dma_start3A_182 = tpu.memref_slice %arg8[%dma_start3A_180, %dma_start3A_181] : memref<800x32xf32, #tpu.memory_space<vmem>> -> memref<16x32xf32, #tpu.memory_space<vmem>>
    %dma_start3A_183 = arith.constant 0 : i32
    %dma_start3A_184 = tpu.memref_slice %arg4[%dma_start3A_179, %dma_start3A_183, %mul3A_178] : memref<50x16x1024xf32, #tpu.memory_space<hbm>> -> memref<1x16x32xf32, #tpu.memory_space<hbm>>
    %dma_start3A_185 = tpu.memref_squeeze %dma_start3A_184 : memref<1x16x32xf32, #tpu.memory_space<hbm>> -> memref<16x32xf32, #tpu.memory_space<hbm>>
    %dma_start3A_186 = arith.constant 0 : i32
    %dma_start3A_187 = tpu.memref_slice %arg4[%dma_start3A_179, %dma_start3A_186, %mul3A_178] : memref<50x16x1024xf32, #tpu.memory_space<hbm>> -> memref<1x16x32xf32, #tpu.memory_space<hbm>>
    %dma_start3A_188 = tpu.memref_squeeze %dma_start3A_187 : memref<1x16x32xf32, #tpu.memory_space<hbm>> -> memref<16x32xf32, #tpu.memory_space<hbm>>
    %dma_start3A_189 = arith.constant 144 : i32
    %dma_start3A_190 = arith.constant 0 : i32
    %dma_start3A_191 = tpu.memref_slice %arg8[%dma_start3A_189, %dma_start3A_190] : memref<800x32xf32, #tpu.memory_space<vmem>> -> memref<16x32xf32, #tpu.memory_space<vmem>>
    tpu.enqueue_dma source(%dma_start3A_191 : memref<16x32xf32, #tpu.memory_space<vmem>>) target(%dma_start3A_188 : memref<16x32xf32, #tpu.memory_space<hbm>>) target_semaphore(%arg9 : memref<!tpu.dma_semaphore, #tpu.memory_space<semaphore_mem>>)
    %mul3A_192 = arith.constant 32 : i32
    %mul3A_193 = arith.muli %add3A, %mul3A_192 : i32
    %dma_start3A_194 = arith.constant 10 : i32
    %dma_start3A_195 = arith.constant 160 : i32
    %dma_start3A_196 = arith.constant 0 : i32
    %dma_start3A_197 = tpu.memref_slice %arg8[%dma_start3A_195, %dma_start3A_196] : memref<800x32xf32, #tpu.memory_space<vmem>> -> memref<16x32xf32, #tpu.memory_space<vmem>>
    %dma_start3A_198 = arith.constant 0 : i32
    %dma_start3A_199 = tpu.memref_slice %arg4[%dma_start3A_194, %dma_start3A_198, %mul3A_193] : memref<50x16x1024xf32, #tpu.memory_space<hbm>> -> memref<1x16x32xf32, #tpu.memory_space<hbm>>
    %dma_start3A_200 = tpu.memref_squeeze %dma_start3A_199 : memref<1x16x32xf32, #tpu.memory_space<hbm>> -> memref<16x32xf32, #tpu.memory_space<hbm>>
    %dma_start3A_201 = arith.constant 0 : i32
    %dma_start3A_202 = tpu.memref_slice %arg4[%dma_start3A_194, %dma_start3A_201, %mul3A_193] : memref<50x16x1024xf32, #tpu.memory_space<hbm>> -> memref<1x16x32xf32, #tpu.memory_space<hbm>>
    %dma_start3A_203 = tpu.memref_squeeze %dma_start3A_202 : memref<1x16x32xf32, #tpu.memory_space<hbm>> -> memref<16x32xf32, #tpu.memory_space<hbm>>
    %dma_start3A_204 = arith.constant 160 : i32
    %dma_start3A_205 = arith.constant 0 : i32
    %dma_start3A_206 = tpu.memref_slice %arg8[%dma_start3A_204, %dma_start3A_205] : memref<800x32xf32, #tpu.memory_space<vmem>> -> memref<16x32xf32, #tpu.memory_space<vmem>>
    tpu.enqueue_dma source(%dma_start3A_206 : memref<16x32xf32, #tpu.memory_space<vmem>>) target(%dma_start3A_203 : memref<16x32xf32, #tpu.memory_space<hbm>>) target_semaphore(%arg9 : memref<!tpu.dma_semaphore, #tpu.memory_space<semaphore_mem>>)
    %mul3A_207 = arith.constant 32 : i32
    %mul3A_208 = arith.muli %add3A, %mul3A_207 : i32
    %dma_start3A_209 = arith.constant 11 : i32
    %dma_start3A_210 = arith.constant 176 : i32
    %dma_start3A_211 = arith.constant 0 : i32
    %dma_start3A_212 = tpu.memref_slice %arg8[%dma_start3A_210, %dma_start3A_211] : memref<800x32xf32, #tpu.memory_space<vmem>> -> memref<16x32xf32, #tpu.memory_space<vmem>>
    %dma_start3A_213 = arith.constant 0 : i32
    %dma_start3A_214 = tpu.memref_slice %arg4[%dma_start3A_209, %dma_start3A_213, %mul3A_208] : memref<50x16x1024xf32, #tpu.memory_space<hbm>> -> memref<1x16x32xf32, #tpu.memory_space<hbm>>
    %dma_start3A_215 = tpu.memref_squeeze %dma_start3A_214 : memref<1x16x32xf32, #tpu.memory_space<hbm>> -> memref<16x32xf32, #tpu.memory_space<hbm>>
    %dma_start3A_216 = arith.constant 0 : i32
    %dma_start3A_217 = tpu.memref_slice %arg4[%dma_start3A_209, %dma_start3A_216, %mul3A_208] : memref<50x16x1024xf32, #tpu.memory_space<hbm>> -> memref<1x16x32xf32, #tpu.memory_space<hbm>>
    %dma_start3A_218 = tpu.memref_squeeze %dma_start3A_217 : memref<1x16x32xf32, #tpu.memory_space<hbm>> -> memref<16x32xf32, #tpu.memory_space<hbm>>
    %dma_start3A_219 = arith.constant 176 : i32
    %dma_start3A_220 = arith.constant 0 : i32
    %dma_start3A_221 = tpu.memref_slice %arg8[%dma_start3A_219, %dma_start3A_220] : memref<800x32xf32, #tpu.memory_space<vmem>> -> memref<16x32xf32, #tpu.memory_space<vmem>>
    tpu.enqueue_dma source(%dma_start3A_221 : memref<16x32xf32, #tpu.memory_space<vmem>>) target(%dma_start3A_218 : memref<16x32xf32, #tpu.memory_space<hbm>>) target_semaphore(%arg9 : memref<!tpu.dma_semaphore, #tpu.memory_space<semaphore_mem>>)
    %mul3A_222 = arith.constant 32 : i32
    %mul3A_223 = arith.muli %add3A, %mul3A_222 : i32
    %dma_start3A_224 = arith.constant 12 : i32
    %dma_start3A_225 = arith.constant 192 : i32
    %dma_start3A_226 = arith.constant 0 : i32
    %dma_start3A_227 = tpu.memref_slice %arg8[%dma_start3A_225, %dma_start3A_226] : memref<800x32xf32, #tpu.memory_space<vmem>> -> memref<16x32xf32, #tpu.memory_space<vmem>>
    %dma_start3A_228 = arith.constant 0 : i32
    %dma_start3A_229 = tpu.memref_slice %arg4[%dma_start3A_224, %dma_start3A_228, %mul3A_223] : memref<50x16x1024xf32, #tpu.memory_space<hbm>> -> memref<1x16x32xf32, #tpu.memory_space<hbm>>
    %dma_start3A_230 = tpu.memref_squeeze %dma_start3A_229 : memref<1x16x32xf32, #tpu.memory_space<hbm>> -> memref<16x32xf32, #tpu.memory_space<hbm>>
    %dma_start3A_231 = arith.constant 0 : i32
    %dma_start3A_232 = tpu.memref_slice %arg4[%dma_start3A_224, %dma_start3A_231, %mul3A_223] : memref<50x16x1024xf32, #tpu.memory_space<hbm>> -> memref<1x16x32xf32, #tpu.memory_space<hbm>>
    %dma_start3A_233 = tpu.memref_squeeze %dma_start3A_232 : memref<1x16x32xf32, #tpu.memory_space<hbm>> -> memref<16x32xf32, #tpu.memory_space<hbm>>
    %dma_start3A_234 = arith.constant 192 : i32
    %dma_start3A_235 = arith.constant 0 : i32
    %dma_start3A_236 = tpu.memref_slice %arg8[%dma_start3A_234, %dma_start3A_235] : memref<800x32xf32, #tpu.memory_space<vmem>> -> memref<16x32xf32, #tpu.memory_space<vmem>>
    tpu.enqueue_dma source(%dma_start3A_236 : memref<16x32xf32, #tpu.memory_space<vmem>>) target(%dma_start3A_233 : memref<16x32xf32, #tpu.memory_space<hbm>>) target_semaphore(%arg9 : memref<!tpu.dma_semaphore, #tpu.memory_space<semaphore_mem>>)
    %mul3A_237 = arith.constant 32 : i32
    %mul3A_238 = arith.muli %add3A, %mul3A_237 : i32
    %dma_start3A_239 = arith.constant 13 : i32
    %dma_start3A_240 = arith.constant 208 : i32
    %dma_start3A_241 = arith.constant 0 : i32
    %dma_start3A_242 = tpu.memref_slice %arg8[%dma_start3A_240, %dma_start3A_241] : memref<800x32xf32, #tpu.memory_space<vmem>> -> memref<16x32xf32, #tpu.memory_space<vmem>>
    %dma_start3A_243 = arith.constant 0 : i32
    %dma_start3A_244 = tpu.memref_slice %arg4[%dma_start3A_239, %dma_start3A_243, %mul3A_238] : memref<50x16x1024xf32, #tpu.memory_space<hbm>> -> memref<1x16x32xf32, #tpu.memory_space<hbm>>
    %dma_start3A_245 = tpu.memref_squeeze %dma_start3A_244 : memref<1x16x32xf32, #tpu.memory_space<hbm>> -> memref<16x32xf32, #tpu.memory_space<hbm>>
    %dma_start3A_246 = arith.constant 0 : i32
    %dma_start3A_247 = tpu.memref_slice %arg4[%dma_start3A_239, %dma_start3A_246, %mul3A_238] : memref<50x16x1024xf32, #tpu.memory_space<hbm>> -> memref<1x16x32xf32, #tpu.memory_space<hbm>>
    %dma_start3A_248 = tpu.memref_squeeze %dma_start3A_247 : memref<1x16x32xf32, #tpu.memory_space<hbm>> -> memref<16x32xf32, #tpu.memory_space<hbm>>
    %dma_start3A_249 = arith.constant 208 : i32
    %dma_start3A_250 = arith.constant 0 : i32
    %dma_start3A_251 = tpu.memref_slice %arg8[%dma_start3A_249, %dma_start3A_250] : memref<800x32xf32, #tpu.memory_space<vmem>> -> memref<16x32xf32, #tpu.memory_space<vmem>>
    tpu.enqueue_dma source(%dma_start3A_251 : memref<16x32xf32, #tpu.memory_space<vmem>>) target(%dma_start3A_248 : memref<16x32xf32, #tpu.memory_space<hbm>>) target_semaphore(%arg9 : memref<!tpu.dma_semaphore, #tpu.memory_space<semaphore_mem>>)
    %mul3A_252 = arith.constant 32 : i32
    %mul3A_253 = arith.muli %add3A, %mul3A_252 : i32
    %dma_start3A_254 = arith.constant 14 : i32
    %dma_start3A_255 = arith.constant 224 : i32
    %dma_start3A_256 = arith.constant 0 : i32
    %dma_start3A_257 = tpu.memref_slice %arg8[%dma_start3A_255, %dma_start3A_256] : memref<800x32xf32, #tpu.memory_space<vmem>> -> memref<16x32xf32, #tpu.memory_space<vmem>>
    %dma_start3A_258 = arith.constant 0 : i32
    %dma_start3A_259 = tpu.memref_slice %arg4[%dma_start3A_254, %dma_start3A_258, %mul3A_253] : memref<50x16x1024xf32, #tpu.memory_space<hbm>> -> memref<1x16x32xf32, #tpu.memory_space<hbm>>
    %dma_start3A_260 = tpu.memref_squeeze %dma_start3A_259 : memref<1x16x32xf32, #tpu.memory_space<hbm>> -> memref<16x32xf32, #tpu.memory_space<hbm>>
    %dma_start3A_261 = arith.constant 0 : i32
    %dma_start3A_262 = tpu.memref_slice %arg4[%dma_start3A_254, %dma_start3A_261, %mul3A_253] : memref<50x16x1024xf32, #tpu.memory_space<hbm>> -> memref<1x16x32xf32, #tpu.memory_space<hbm>>
    %dma_start3A_263 = tpu.memref_squeeze %dma_start3A_262 : memref<1x16x32xf32, #tpu.memory_space<hbm>> -> memref<16x32xf32, #tpu.memory_space<hbm>>
    %dma_start3A_264 = arith.constant 224 : i32
    %dma_start3A_265 = arith.constant 0 : i32
    %dma_start3A_266 = tpu.memref_slice %arg8[%dma_start3A_264, %dma_start3A_265] : memref<800x32xf32, #tpu.memory_space<vmem>> -> memref<16x32xf32, #tpu.memory_space<vmem>>
    tpu.enqueue_dma source(%dma_start3A_266 : memref<16x32xf32, #tpu.memory_space<vmem>>) target(%dma_start3A_263 : memref<16x32xf32, #tpu.memory_space<hbm>>) target_semaphore(%arg9 : memref<!tpu.dma_semaphore, #tpu.memory_space<semaphore_mem>>)
    %mul3A_267 = arith.constant 32 : i32
    %mul3A_268 = arith.muli %add3A, %mul3A_267 : i32
    %dma_start3A_269 = arith.constant 15 : i32
    %dma_start3A_270 = arith.constant 240 : i32
    %dma_start3A_271 = arith.constant 0 : i32
    %dma_start3A_272 = tpu.memref_slice %arg8[%dma_start3A_270, %dma_start3A_271] : memref<800x32xf32, #tpu.memory_space<vmem>> -> memref<16x32xf32, #tpu.memory_space<vmem>>
    %dma_start3A_273 = arith.constant 0 : i32
    %dma_start3A_274 = tpu.memref_slice %arg4[%dma_start3A_269, %dma_start3A_273, %mul3A_268] : memref<50x16x1024xf32, #tpu.memory_space<hbm>> -> memref<1x16x32xf32, #tpu.memory_space<hbm>>
    %dma_start3A_275 = tpu.memref_squeeze %dma_start3A_274 : memref<1x16x32xf32, #tpu.memory_space<hbm>> -> memref<16x32xf32, #tpu.memory_space<hbm>>
    %dma_start3A_276 = arith.constant 0 : i32
    %dma_start3A_277 = tpu.memref_slice %arg4[%dma_start3A_269, %dma_start3A_276, %mul3A_268] : memref<50x16x1024xf32, #tpu.memory_space<hbm>> -> memref<1x16x32xf32, #tpu.memory_space<hbm>>
    %dma_start3A_278 = tpu.memref_squeeze %dma_start3A_277 : memref<1x16x32xf32, #tpu.memory_space<hbm>> -> memref<16x32xf32, #tpu.memory_space<hbm>>
    %dma_start3A_279 = arith.constant 240 : i32
    %dma_start3A_280 = arith.constant 0 : i32
    %dma_start3A_281 = tpu.memref_slice %arg8[%dma_start3A_279, %dma_start3A_280] : memref<800x32xf32, #tpu.memory_space<vmem>> -> memref<16x32xf32, #tpu.memory_space<vmem>>
    tpu.enqueue_dma source(%dma_start3A_281 : memref<16x32xf32, #tpu.memory_space<vmem>>) target(%dma_start3A_278 : memref<16x32xf32, #tpu.memory_space<hbm>>) target_semaphore(%arg9 : memref<!tpu.dma_semaphore, #tpu.memory_space<semaphore_mem>>)
    %mul3A_282 = arith.constant 32 : i32
    %mul3A_283 = arith.muli %add3A, %mul3A_282 : i32
    %dma_start3A_284 = arith.constant 16 : i32
    %dma_start3A_285 = arith.constant 256 : i32
    %dma_start3A_286 = arith.constant 0 : i32
    %dma_start3A_287 = tpu.memref_slice %arg8[%dma_start3A_285, %dma_start3A_286] : memref<800x32xf32, #tpu.memory_space<vmem>> -> memref<16x32xf32, #tpu.memory_space<vmem>>
    %dma_start3A_288 = arith.constant 0 : i32
    %dma_start3A_289 = tpu.memref_slice %arg4[%dma_start3A_284, %dma_start3A_288, %mul3A_283] : memref<50x16x1024xf32, #tpu.memory_space<hbm>> -> memref<1x16x32xf32, #tpu.memory_space<hbm>>
    %dma_start3A_290 = tpu.memref_squeeze %dma_start3A_289 : memref<1x16x32xf32, #tpu.memory_space<hbm>> -> memref<16x32xf32, #tpu.memory_space<hbm>>
    %dma_start3A_291 = arith.constant 0 : i32
    %dma_start3A_292 = tpu.memref_slice %arg4[%dma_start3A_284, %dma_start3A_291, %mul3A_283] : memref<50x16x1024xf32, #tpu.memory_space<hbm>> -> memref<1x16x32xf32, #tpu.memory_space<hbm>>
    %dma_start3A_293 = tpu.memref_squeeze %dma_start3A_292 : memref<1x16x32xf32, #tpu.memory_space<hbm>> -> memref<16x32xf32, #tpu.memory_space<hbm>>
    %dma_start3A_294 = arith.constant 256 : i32
    %dma_start3A_295 = arith.constant 0 : i32
    %dma_start3A_296 = tpu.memref_slice %arg8[%dma_start3A_294, %dma_start3A_295] : memref<800x32xf32, #tpu.memory_space<vmem>> -> memref<16x32xf32, #tpu.memory_space<vmem>>
    tpu.enqueue_dma source(%dma_start3A_296 : memref<16x32xf32, #tpu.memory_space<vmem>>) target(%dma_start3A_293 : memref<16x32xf32, #tpu.memory_space<hbm>>) target_semaphore(%arg9 : memref<!tpu.dma_semaphore, #tpu.memory_space<semaphore_mem>>)
    %mul3A_297 = arith.constant 32 : i32
    %mul3A_298 = arith.muli %add3A, %mul3A_297 : i32
    %dma_start3A_299 = arith.constant 17 : i32
    %dma_start3A_300 = arith.constant 272 : i32
    %dma_start3A_301 = arith.constant 0 : i32
    %dma_start3A_302 = tpu.memref_slice %arg8[%dma_start3A_300, %dma_start3A_301] : memref<800x32xf32, #tpu.memory_space<vmem>> -> memref<16x32xf32, #tpu.memory_space<vmem>>
    %dma_start3A_303 = arith.constant 0 : i32
    %dma_start3A_304 = tpu.memref_slice %arg4[%dma_start3A_299, %dma_start3A_303, %mul3A_298] : memref<50x16x1024xf32, #tpu.memory_space<hbm>> -> memref<1x16x32xf32, #tpu.memory_space<hbm>>
    %dma_start3A_305 = tpu.memref_squeeze %dma_start3A_304 : memref<1x16x32xf32, #tpu.memory_space<hbm>> -> memref<16x32xf32, #tpu.memory_space<hbm>>
    %dma_start3A_306 = arith.constant 0 : i32
    %dma_start3A_307 = tpu.memref_slice %arg4[%dma_start3A_299, %dma_start3A_306, %mul3A_298] : memref<50x16x1024xf32, #tpu.memory_space<hbm>> -> memref<1x16x32xf32, #tpu.memory_space<hbm>>
    %dma_start3A_308 = tpu.memref_squeeze %dma_start3A_307 : memref<1x16x32xf32, #tpu.memory_space<hbm>> -> memref<16x32xf32, #tpu.memory_space<hbm>>
    %dma_start3A_309 = arith.constant 272 : i32
    %dma_start3A_310 = arith.constant 0 : i32
    %dma_start3A_311 = tpu.memref_slice %arg8[%dma_start3A_309, %dma_start3A_310] : memref<800x32xf32, #tpu.memory_space<vmem>> -> memref<16x32xf32, #tpu.memory_space<vmem>>
    tpu.enqueue_dma source(%dma_start3A_311 : memref<16x32xf32, #tpu.memory_space<vmem>>) target(%dma_start3A_308 : memref<16x32xf32, #tpu.memory_space<hbm>>) target_semaphore(%arg9 : memref<!tpu.dma_semaphore, #tpu.memory_space<semaphore_mem>>)
    %mul3A_312 = arith.constant 32 : i32
    %mul3A_313 = arith.muli %add3A, %mul3A_312 : i32
    %dma_start3A_314 = arith.constant 18 : i32
    %dma_start3A_315 = arith.constant 288 : i32
    %dma_start3A_316 = arith.constant 0 : i32
    %dma_start3A_317 = tpu.memref_slice %arg8[%dma_start3A_315, %dma_start3A_316] : memref<800x32xf32, #tpu.memory_space<vmem>> -> memref<16x32xf32, #tpu.memory_space<vmem>>
    %dma_start3A_318 = arith.constant 0 : i32
    %dma_start3A_319 = tpu.memref_slice %arg4[%dma_start3A_314, %dma_start3A_318, %mul3A_313] : memref<50x16x1024xf32, #tpu.memory_space<hbm>> -> memref<1x16x32xf32, #tpu.memory_space<hbm>>
    %dma_start3A_320 = tpu.memref_squeeze %dma_start3A_319 : memref<1x16x32xf32, #tpu.memory_space<hbm>> -> memref<16x32xf32, #tpu.memory_space<hbm>>
    %dma_start3A_321 = arith.constant 0 : i32
    %dma_start3A_322 = tpu.memref_slice %arg4[%dma_start3A_314, %dma_start3A_321, %mul3A_313] : memref<50x16x1024xf32, #tpu.memory_space<hbm>> -> memref<1x16x32xf32, #tpu.memory_space<hbm>>
    %dma_start3A_323 = tpu.memref_squeeze %dma_start3A_322 : memref<1x16x32xf32, #tpu.memory_space<hbm>> -> memref<16x32xf32, #tpu.memory_space<hbm>>
    %dma_start3A_324 = arith.constant 288 : i32
    %dma_start3A_325 = arith.constant 0 : i32
    %dma_start3A_326 = tpu.memref_slice %arg8[%dma_start3A_324, %dma_start3A_325] : memref<800x32xf32, #tpu.memory_space<vmem>> -> memref<16x32xf32, #tpu.memory_space<vmem>>
    tpu.enqueue_dma source(%dma_start3A_326 : memref<16x32xf32, #tpu.memory_space<vmem>>) target(%dma_start3A_323 : memref<16x32xf32, #tpu.memory_space<hbm>>) target_semaphore(%arg9 : memref<!tpu.dma_semaphore, #tpu.memory_space<semaphore_mem>>)
    %mul3A_327 = arith.constant 32 : i32
    %mul3A_328 = arith.muli %add3A, %mul3A_327 : i32
    %dma_start3A_329 = arith.constant 19 : i32
    %dma_start3A_330 = arith.constant 304 : i32
    %dma_start3A_331 = arith.constant 0 : i32
    %dma_start3A_332 = tpu.memref_slice %arg8[%dma_start3A_330, %dma_start3A_331] : memref<800x32xf32, #tpu.memory_space<vmem>> -> memref<16x32xf32, #tpu.memory_space<vmem>>
    %dma_start3A_333 = arith.constant 0 : i32
    %dma_start3A_334 = tpu.memref_slice %arg4[%dma_start3A_329, %dma_start3A_333, %mul3A_328] : memref<50x16x1024xf32, #tpu.memory_space<hbm>> -> memref<1x16x32xf32, #tpu.memory_space<hbm>>
    %dma_start3A_335 = tpu.memref_squeeze %dma_start3A_334 : memref<1x16x32xf32, #tpu.memory_space<hbm>> -> memref<16x32xf32, #tpu.memory_space<hbm>>
    %dma_start3A_336 = arith.constant 0 : i32
    %dma_start3A_337 = tpu.memref_slice %arg4[%dma_start3A_329, %dma_start3A_336, %mul3A_328] : memref<50x16x1024xf32, #tpu.memory_space<hbm>> -> memref<1x16x32xf32, #tpu.memory_space<hbm>>
    %dma_start3A_338 = tpu.memref_squeeze %dma_start3A_337 : memref<1x16x32xf32, #tpu.memory_space<hbm>> -> memref<16x32xf32, #tpu.memory_space<hbm>>
    %dma_start3A_339 = arith.constant 304 : i32
    %dma_start3A_340 = arith.constant 0 : i32
    %dma_start3A_341 = tpu.memref_slice %arg8[%dma_start3A_339, %dma_start3A_340] : memref<800x32xf32, #tpu.memory_space<vmem>> -> memref<16x32xf32, #tpu.memory_space<vmem>>
    tpu.enqueue_dma source(%dma_start3A_341 : memref<16x32xf32, #tpu.memory_space<vmem>>) target(%dma_start3A_338 : memref<16x32xf32, #tpu.memory_space<hbm>>) target_semaphore(%arg9 : memref<!tpu.dma_semaphore, #tpu.memory_space<semaphore_mem>>)
    %mul3A_342 = arith.constant 32 : i32
    %mul3A_343 = arith.muli %add3A, %mul3A_342 : i32
    %dma_start3A_344 = arith.constant 20 : i32
    %dma_start3A_345 = arith.constant 320 : i32
    %dma_start3A_346 = arith.constant 0 : i32
    %dma_start3A_347 = tpu.memref_slice %arg8[%dma_start3A_345, %dma_start3A_346] : memref<800x32xf32, #tpu.memory_space<vmem>> -> memref<16x32xf32, #tpu.memory_space<vmem>>
    %dma_start3A_348 = arith.constant 0 : i32
    %dma_start3A_349 = tpu.memref_slice %arg4[%dma_start3A_344, %dma_start3A_348, %mul3A_343] : memref<50x16x1024xf32, #tpu.memory_space<hbm>> -> memref<1x16x32xf32, #tpu.memory_space<hbm>>
    %dma_start3A_350 = tpu.memref_squeeze %dma_start3A_349 : memref<1x16x32xf32, #tpu.memory_space<hbm>> -> memref<16x32xf32, #tpu.memory_space<hbm>>
    %dma_start3A_351 = arith.constant 0 : i32
    %dma_start3A_352 = tpu.memref_slice %arg4[%dma_start3A_344, %dma_start3A_351, %mul3A_343] : memref<50x16x1024xf32, #tpu.memory_space<hbm>> -> memref<1x16x32xf32, #tpu.memory_space<hbm>>
    %dma_start3A_353 = tpu.memref_squeeze %dma_start3A_352 : memref<1x16x32xf32, #tpu.memory_space<hbm>> -> memref<16x32xf32, #tpu.memory_space<hbm>>
    %dma_start3A_354 = arith.constant 320 : i32
    %dma_start3A_355 = arith.constant 0 : i32
    %dma_start3A_356 = tpu.memref_slice %arg8[%dma_start3A_354, %dma_start3A_355] : memref<800x32xf32, #tpu.memory_space<vmem>> -> memref<16x32xf32, #tpu.memory_space<vmem>>
    tpu.enqueue_dma source(%dma_start3A_356 : memref<16x32xf32, #tpu.memory_space<vmem>>) target(%dma_start3A_353 : memref<16x32xf32, #tpu.memory_space<hbm>>) target_semaphore(%arg9 : memref<!tpu.dma_semaphore, #tpu.memory_space<semaphore_mem>>)
    %mul3A_357 = arith.constant 32 : i32
    %mul3A_358 = arith.muli %add3A, %mul3A_357 : i32
    %dma_start3A_359 = arith.constant 21 : i32
    %dma_start3A_360 = arith.constant 336 : i32
    %dma_start3A_361 = arith.constant 0 : i32
    %dma_start3A_362 = tpu.memref_slice %arg8[%dma_start3A_360, %dma_start3A_361] : memref<800x32xf32, #tpu.memory_space<vmem>> -> memref<16x32xf32, #tpu.memory_space<vmem>>
    %dma_start3A_363 = arith.constant 0 : i32
    %dma_start3A_364 = tpu.memref_slice %arg4[%dma_start3A_359, %dma_start3A_363, %mul3A_358] : memref<50x16x1024xf32, #tpu.memory_space<hbm>> -> memref<1x16x32xf32, #tpu.memory_space<hbm>>
    %dma_start3A_365 = tpu.memref_squeeze %dma_start3A_364 : memref<1x16x32xf32, #tpu.memory_space<hbm>> -> memref<16x32xf32, #tpu.memory_space<hbm>>
    %dma_start3A_366 = arith.constant 0 : i32
    %dma_start3A_367 = tpu.memref_slice %arg4[%dma_start3A_359, %dma_start3A_366, %mul3A_358] : memref<50x16x1024xf32, #tpu.memory_space<hbm>> -> memref<1x16x32xf32, #tpu.memory_space<hbm>>
    %dma_start3A_368 = tpu.memref_squeeze %dma_start3A_367 : memref<1x16x32xf32, #tpu.memory_space<hbm>> -> memref<16x32xf32, #tpu.memory_space<hbm>>
    %dma_start3A_369 = arith.constant 336 : i32
    %dma_start3A_370 = arith.constant 0 : i32
    %dma_start3A_371 = tpu.memref_slice %arg8[%dma_start3A_369, %dma_start3A_370] : memref<800x32xf32, #tpu.memory_space<vmem>> -> memref<16x32xf32, #tpu.memory_space<vmem>>
    tpu.enqueue_dma source(%dma_start3A_371 : memref<16x32xf32, #tpu.memory_space<vmem>>) target(%dma_start3A_368 : memref<16x32xf32, #tpu.memory_space<hbm>>) target_semaphore(%arg9 : memref<!tpu.dma_semaphore, #tpu.memory_space<semaphore_mem>>)
    %mul3A_372 = arith.constant 32 : i32
    %mul3A_373 = arith.muli %add3A, %mul3A_372 : i32
    %dma_start3A_374 = arith.constant 22 : i32
    %dma_start3A_375 = arith.constant 352 : i32
    %dma_start3A_376 = arith.constant 0 : i32
    %dma_start3A_377 = tpu.memref_slice %arg8[%dma_start3A_375, %dma_start3A_376] : memref<800x32xf32, #tpu.memory_space<vmem>> -> memref<16x32xf32, #tpu.memory_space<vmem>>
    %dma_start3A_378 = arith.constant 0 : i32
    %dma_start3A_379 = tpu.memref_slice %arg4[%dma_start3A_374, %dma_start3A_378, %mul3A_373] : memref<50x16x1024xf32, #tpu.memory_space<hbm>> -> memref<1x16x32xf32, #tpu.memory_space<hbm>>
    %dma_start3A_380 = tpu.memref_squeeze %dma_start3A_379 : memref<1x16x32xf32, #tpu.memory_space<hbm>> -> memref<16x32xf32, #tpu.memory_space<hbm>>
    %dma_start3A_381 = arith.constant 0 : i32
    %dma_start3A_382 = tpu.memref_slice %arg4[%dma_start3A_374, %dma_start3A_381, %mul3A_373] : memref<50x16x1024xf32, #tpu.memory_space<hbm>> -> memref<1x16x32xf32, #tpu.memory_space<hbm>>
    %dma_start3A_383 = tpu.memref_squeeze %dma_start3A_382 : memref<1x16x32xf32, #tpu.memory_space<hbm>> -> memref<16x32xf32, #tpu.memory_space<hbm>>
    %dma_start3A_384 = arith.constant 352 : i32
    %dma_start3A_385 = arith.constant 0 : i32
    %dma_start3A_386 = tpu.memref_slice %arg8[%dma_start3A_384, %dma_start3A_385] : memref<800x32xf32, #tpu.memory_space<vmem>> -> memref<16x32xf32, #tpu.memory_space<vmem>>
    tpu.enqueue_dma source(%dma_start3A_386 : memref<16x32xf32, #tpu.memory_space<vmem>>) target(%dma_start3A_383 : memref<16x32xf32, #tpu.memory_space<hbm>>) target_semaphore(%arg9 : memref<!tpu.dma_semaphore, #tpu.memory_space<semaphore_mem>>)
    %mul3A_387 = arith.constant 32 : i32
    %mul3A_388 = arith.muli %add3A, %mul3A_387 : i32
    %dma_start3A_389 = arith.constant 23 : i32
    %dma_start3A_390 = arith.constant 368 : i32
    %dma_start3A_391 = arith.constant 0 : i32
    %dma_start3A_392 = tpu.memref_slice %arg8[%dma_start3A_390, %dma_start3A_391] : memref<800x32xf32, #tpu.memory_space<vmem>> -> memref<16x32xf32, #tpu.memory_space<vmem>>
    %dma_start3A_393 = arith.constant 0 : i32
    %dma_start3A_394 = tpu.memref_slice %arg4[%dma_start3A_389, %dma_start3A_393, %mul3A_388] : memref<50x16x1024xf32, #tpu.memory_space<hbm>> -> memref<1x16x32xf32, #tpu.memory_space<hbm>>
    %dma_start3A_395 = tpu.memref_squeeze %dma_start3A_394 : memref<1x16x32xf32, #tpu.memory_space<hbm>> -> memref<16x32xf32, #tpu.memory_space<hbm>>
    %dma_start3A_396 = arith.constant 0 : i32
    %dma_start3A_397 = tpu.memref_slice %arg4[%dma_start3A_389, %dma_start3A_396, %mul3A_388] : memref<50x16x1024xf32, #tpu.memory_space<hbm>> -> memref<1x16x32xf32, #tpu.memory_space<hbm>>
    %dma_start3A_398 = tpu.memref_squeeze %dma_start3A_397 : memref<1x16x32xf32, #tpu.memory_space<hbm>> -> memref<16x32xf32, #tpu.memory_space<hbm>>
    %dma_start3A_399 = arith.constant 368 : i32
    %dma_start3A_400 = arith.constant 0 : i32
    %dma_start3A_401 = tpu.memref_slice %arg8[%dma_start3A_399, %dma_start3A_400] : memref<800x32xf32, #tpu.memory_space<vmem>> -> memref<16x32xf32, #tpu.memory_space<vmem>>
    tpu.enqueue_dma source(%dma_start3A_401 : memref<16x32xf32, #tpu.memory_space<vmem>>) target(%dma_start3A_398 : memref<16x32xf32, #tpu.memory_space<hbm>>) target_semaphore(%arg9 : memref<!tpu.dma_semaphore, #tpu.memory_space<semaphore_mem>>)
    %mul3A_402 = arith.constant 32 : i32
    %mul3A_403 = arith.muli %add3A, %mul3A_402 : i32
    %dma_start3A_404 = arith.constant 24 : i32
    %dma_start3A_405 = arith.constant 384 : i32
    %dma_start3A_406 = arith.constant 0 : i32
    %dma_start3A_407 = tpu.memref_slice %arg8[%dma_start3A_405, %dma_start3A_406] : memref<800x32xf32, #tpu.memory_space<vmem>> -> memref<16x32xf32, #tpu.memory_space<vmem>>
    %dma_start3A_408 = arith.constant 0 : i32
    %dma_start3A_409 = tpu.memref_slice %arg4[%dma_start3A_404, %dma_start3A_408, %mul3A_403] : memref<50x16x1024xf32, #tpu.memory_space<hbm>> -> memref<1x16x32xf32, #tpu.memory_space<hbm>>
    %dma_start3A_410 = tpu.memref_squeeze %dma_start3A_409 : memref<1x16x32xf32, #tpu.memory_space<hbm>> -> memref<16x32xf32, #tpu.memory_space<hbm>>
    %dma_start3A_411 = arith.constant 0 : i32
    %dma_start3A_412 = tpu.memref_slice %arg4[%dma_start3A_404, %dma_start3A_411, %mul3A_403] : memref<50x16x1024xf32, #tpu.memory_space<hbm>> -> memref<1x16x32xf32, #tpu.memory_space<hbm>>
    %dma_start3A_413 = tpu.memref_squeeze %dma_start3A_412 : memref<1x16x32xf32, #tpu.memory_space<hbm>> -> memref<16x32xf32, #tpu.memory_space<hbm>>
    %dma_start3A_414 = arith.constant 384 : i32
    %dma_start3A_415 = arith.constant 0 : i32
    %dma_start3A_416 = tpu.memref_slice %arg8[%dma_start3A_414, %dma_start3A_415] : memref<800x32xf32, #tpu.memory_space<vmem>> -> memref<16x32xf32, #tpu.memory_space<vmem>>
    tpu.enqueue_dma source(%dma_start3A_416 : memref<16x32xf32, #tpu.memory_space<vmem>>) target(%dma_start3A_413 : memref<16x32xf32, #tpu.memory_space<hbm>>) target_semaphore(%arg9 : memref<!tpu.dma_semaphore, #tpu.memory_space<semaphore_mem>>)
    %mul3A_417 = arith.constant 32 : i32
    %mul3A_418 = arith.muli %add3A, %mul3A_417 : i32
    %dma_start3A_419 = arith.constant 25 : i32
    %dma_start3A_420 = arith.constant 400 : i32
    %dma_start3A_421 = arith.constant 0 : i32
    %dma_start3A_422 = tpu.memref_slice %arg8[%dma_start3A_420, %dma_start3A_421] : memref<800x32xf32, #tpu.memory_space<vmem>> -> memref<16x32xf32, #tpu.memory_space<vmem>>
    %dma_start3A_423 = arith.constant 0 : i32
    %dma_start3A_424 = tpu.memref_slice %arg4[%dma_start3A_419, %dma_start3A_423, %mul3A_418] : memref<50x16x1024xf32, #tpu.memory_space<hbm>> -> memref<1x16x32xf32, #tpu.memory_space<hbm>>
    %dma_start3A_425 = tpu.memref_squeeze %dma_start3A_424 : memref<1x16x32xf32, #tpu.memory_space<hbm>> -> memref<16x32xf32, #tpu.memory_space<hbm>>
    %dma_start3A_426 = arith.constant 0 : i32
    %dma_start3A_427 = tpu.memref_slice %arg4[%dma_start3A_419, %dma_start3A_426, %mul3A_418] : memref<50x16x1024xf32, #tpu.memory_space<hbm>> -> memref<1x16x32xf32, #tpu.memory_space<hbm>>
    %dma_start3A_428 = tpu.memref_squeeze %dma_start3A_427 : memref<1x16x32xf32, #tpu.memory_space<hbm>> -> memref<16x32xf32, #tpu.memory_space<hbm>>
    %dma_start3A_429 = arith.constant 400 : i32
    %dma_start3A_430 = arith.constant 0 : i32
    %dma_start3A_431 = tpu.memref_slice %arg8[%dma_start3A_429, %dma_start3A_430] : memref<800x32xf32, #tpu.memory_space<vmem>> -> memref<16x32xf32, #tpu.memory_space<vmem>>
    tpu.enqueue_dma source(%dma_start3A_431 : memref<16x32xf32, #tpu.memory_space<vmem>>) target(%dma_start3A_428 : memref<16x32xf32, #tpu.memory_space<hbm>>) target_semaphore(%arg9 : memref<!tpu.dma_semaphore, #tpu.memory_space<semaphore_mem>>)
    %mul3A_432 = arith.constant 32 : i32
    %mul3A_433 = arith.muli %add3A, %mul3A_432 : i32
    %dma_start3A_434 = arith.constant 26 : i32
    %dma_start3A_435 = arith.constant 416 : i32
    %dma_start3A_436 = arith.constant 0 : i32
    %dma_start3A_437 = tpu.memref_slice %arg8[%dma_start3A_435, %dma_start3A_436] : memref<800x32xf32, #tpu.memory_space<vmem>> -> memref<16x32xf32, #tpu.memory_space<vmem>>
    %dma_start3A_438 = arith.constant 0 : i32
    %dma_start3A_439 = tpu.memref_slice %arg4[%dma_start3A_434, %dma_start3A_438, %mul3A_433] : memref<50x16x1024xf32, #tpu.memory_space<hbm>> -> memref<1x16x32xf32, #tpu.memory_space<hbm>>
    %dma_start3A_440 = tpu.memref_squeeze %dma_start3A_439 : memref<1x16x32xf32, #tpu.memory_space<hbm>> -> memref<16x32xf32, #tpu.memory_space<hbm>>
    %dma_start3A_441 = arith.constant 0 : i32
    %dma_start3A_442 = tpu.memref_slice %arg4[%dma_start3A_434, %dma_start3A_441, %mul3A_433] : memref<50x16x1024xf32, #tpu.memory_space<hbm>> -> memref<1x16x32xf32, #tpu.memory_space<hbm>>
    %dma_start3A_443 = tpu.memref_squeeze %dma_start3A_442 : memref<1x16x32xf32, #tpu.memory_space<hbm>> -> memref<16x32xf32, #tpu.memory_space<hbm>>
    %dma_start3A_444 = arith.constant 416 : i32
    %dma_start3A_445 = arith.constant 0 : i32
    %dma_start3A_446 = tpu.memref_slice %arg8[%dma_start3A_444, %dma_start3A_445] : memref<800x32xf32, #tpu.memory_space<vmem>> -> memref<16x32xf32, #tpu.memory_space<vmem>>
    tpu.enqueue_dma source(%dma_start3A_446 : memref<16x32xf32, #tpu.memory_space<vmem>>) target(%dma_start3A_443 : memref<16x32xf32, #tpu.memory_space<hbm>>) target_semaphore(%arg9 : memref<!tpu.dma_semaphore, #tpu.memory_space<semaphore_mem>>)
    %mul3A_447 = arith.constant 32 : i32
    %mul3A_448 = arith.muli %add3A, %mul3A_447 : i32
    %dma_start3A_449 = arith.constant 27 : i32
    %dma_start3A_450 = arith.constant 432 : i32
    %dma_start3A_451 = arith.constant 0 : i32
    %dma_start3A_452 = tpu.memref_slice %arg8[%dma_start3A_450, %dma_start3A_451] : memref<800x32xf32, #tpu.memory_space<vmem>> -> memref<16x32xf32, #tpu.memory_space<vmem>>
    %dma_start3A_453 = arith.constant 0 : i32
    %dma_start3A_454 = tpu.memref_slice %arg4[%dma_start3A_449, %dma_start3A_453, %mul3A_448] : memref<50x16x1024xf32, #tpu.memory_space<hbm>> -> memref<1x16x32xf32, #tpu.memory_space<hbm>>
    %dma_start3A_455 = tpu.memref_squeeze %dma_start3A_454 : memref<1x16x32xf32, #tpu.memory_space<hbm>> -> memref<16x32xf32, #tpu.memory_space<hbm>>
    %dma_start3A_456 = arith.constant 0 : i32
    %dma_start3A_457 = tpu.memref_slice %arg4[%dma_start3A_449, %dma_start3A_456, %mul3A_448] : memref<50x16x1024xf32, #tpu.memory_space<hbm>> -> memref<1x16x32xf32, #tpu.memory_space<hbm>>
    %dma_start3A_458 = tpu.memref_squeeze %dma_start3A_457 : memref<1x16x32xf32, #tpu.memory_space<hbm>> -> memref<16x32xf32, #tpu.memory_space<hbm>>
    %dma_start3A_459 = arith.constant 432 : i32
    %dma_start3A_460 = arith.constant 0 : i32
    %dma_start3A_461 = tpu.memref_slice %arg8[%dma_start3A_459, %dma_start3A_460] : memref<800x32xf32, #tpu.memory_space<vmem>> -> memref<16x32xf32, #tpu.memory_space<vmem>>
    tpu.enqueue_dma source(%dma_start3A_461 : memref<16x32xf32, #tpu.memory_space<vmem>>) target(%dma_start3A_458 : memref<16x32xf32, #tpu.memory_space<hbm>>) target_semaphore(%arg9 : memref<!tpu.dma_semaphore, #tpu.memory_space<semaphore_mem>>)
    %mul3A_462 = arith.constant 32 : i32
    %mul3A_463 = arith.muli %add3A, %mul3A_462 : i32
    %dma_start3A_464 = arith.constant 28 : i32
    %dma_start3A_465 = arith.constant 448 : i32
    %dma_start3A_466 = arith.constant 0 : i32
    %dma_start3A_467 = tpu.memref_slice %arg8[%dma_start3A_465, %dma_start3A_466] : memref<800x32xf32, #tpu.memory_space<vmem>> -> memref<16x32xf32, #tpu.memory_space<vmem>>
    %dma_start3A_468 = arith.constant 0 : i32
    %dma_start3A_469 = tpu.memref_slice %arg4[%dma_start3A_464, %dma_start3A_468, %mul3A_463] : memref<50x16x1024xf32, #tpu.memory_space<hbm>> -> memref<1x16x32xf32, #tpu.memory_space<hbm>>
    %dma_start3A_470 = tpu.memref_squeeze %dma_start3A_469 : memref<1x16x32xf32, #tpu.memory_space<hbm>> -> memref<16x32xf32, #tpu.memory_space<hbm>>
    %dma_start3A_471 = arith.constant 0 : i32
    %dma_start3A_472 = tpu.memref_slice %arg4[%dma_start3A_464, %dma_start3A_471, %mul3A_463] : memref<50x16x1024xf32, #tpu.memory_space<hbm>> -> memref<1x16x32xf32, #tpu.memory_space<hbm>>
    %dma_start3A_473 = tpu.memref_squeeze %dma_start3A_472 : memref<1x16x32xf32, #tpu.memory_space<hbm>> -> memref<16x32xf32, #tpu.memory_space<hbm>>
    %dma_start3A_474 = arith.constant 448 : i32
    %dma_start3A_475 = arith.constant 0 : i32
    %dma_start3A_476 = tpu.memref_slice %arg8[%dma_start3A_474, %dma_start3A_475] : memref<800x32xf32, #tpu.memory_space<vmem>> -> memref<16x32xf32, #tpu.memory_space<vmem>>
    tpu.enqueue_dma source(%dma_start3A_476 : memref<16x32xf32, #tpu.memory_space<vmem>>) target(%dma_start3A_473 : memref<16x32xf32, #tpu.memory_space<hbm>>) target_semaphore(%arg9 : memref<!tpu.dma_semaphore, #tpu.memory_space<semaphore_mem>>)
    %mul3A_477 = arith.constant 32 : i32
    %mul3A_478 = arith.muli %add3A, %mul3A_477 : i32
    %dma_start3A_479 = arith.constant 29 : i32
    %dma_start3A_480 = arith.constant 464 : i32
    %dma_start3A_481 = arith.constant 0 : i32
    %dma_start3A_482 = tpu.memref_slice %arg8[%dma_start3A_480, %dma_start3A_481] : memref<800x32xf32, #tpu.memory_space<vmem>> -> memref<16x32xf32, #tpu.memory_space<vmem>>
    %dma_start3A_483 = arith.constant 0 : i32
    %dma_start3A_484 = tpu.memref_slice %arg4[%dma_start3A_479, %dma_start3A_483, %mul3A_478] : memref<50x16x1024xf32, #tpu.memory_space<hbm>> -> memref<1x16x32xf32, #tpu.memory_space<hbm>>
    %dma_start3A_485 = tpu.memref_squeeze %dma_start3A_484 : memref<1x16x32xf32, #tpu.memory_space<hbm>> -> memref<16x32xf32, #tpu.memory_space<hbm>>
    %dma_start3A_486 = arith.constant 0 : i32
    %dma_start3A_487 = tpu.memref_slice %arg4[%dma_start3A_479, %dma_start3A_486, %mul3A_478] : memref<50x16x1024xf32, #tpu.memory_space<hbm>> -> memref<1x16x32xf32, #tpu.memory_space<hbm>>
    %dma_start3A_488 = tpu.memref_squeeze %dma_start3A_487 : memref<1x16x32xf32, #tpu.memory_space<hbm>> -> memref<16x32xf32, #tpu.memory_space<hbm>>
    %dma_start3A_489 = arith.constant 464 : i32
    %dma_start3A_490 = arith.constant 0 : i32
    %dma_start3A_491 = tpu.memref_slice %arg8[%dma_start3A_489, %dma_start3A_490] : memref<800x32xf32, #tpu.memory_space<vmem>> -> memref<16x32xf32, #tpu.memory_space<vmem>>
    tpu.enqueue_dma source(%dma_start3A_491 : memref<16x32xf32, #tpu.memory_space<vmem>>) target(%dma_start3A_488 : memref<16x32xf32, #tpu.memory_space<hbm>>) target_semaphore(%arg9 : memref<!tpu.dma_semaphore, #tpu.memory_space<semaphore_mem>>)
    %mul3A_492 = arith.constant 32 : i32
    %mul3A_493 = arith.muli %add3A, %mul3A_492 : i32
    %dma_start3A_494 = arith.constant 30 : i32
    %dma_start3A_495 = arith.constant 480 : i32
    %dma_start3A_496 = arith.constant 0 : i32
    %dma_start3A_497 = tpu.memref_slice %arg8[%dma_start3A_495, %dma_start3A_496] : memref<800x32xf32, #tpu.memory_space<vmem>> -> memref<16x32xf32, #tpu.memory_space<vmem>>
    %dma_start3A_498 = arith.constant 0 : i32
    %dma_start3A_499 = tpu.memref_slice %arg4[%dma_start3A_494, %dma_start3A_498, %mul3A_493] : memref<50x16x1024xf32, #tpu.memory_space<hbm>> -> memref<1x16x32xf32, #tpu.memory_space<hbm>>
    %dma_start3A_500 = tpu.memref_squeeze %dma_start3A_499 : memref<1x16x32xf32, #tpu.memory_space<hbm>> -> memref<16x32xf32, #tpu.memory_space<hbm>>
    %dma_start3A_501 = arith.constant 0 : i32
    %dma_start3A_502 = tpu.memref_slice %arg4[%dma_start3A_494, %dma_start3A_501, %mul3A_493] : memref<50x16x1024xf32, #tpu.memory_space<hbm>> -> memref<1x16x32xf32, #tpu.memory_space<hbm>>
    %dma_start3A_503 = tpu.memref_squeeze %dma_start3A_502 : memref<1x16x32xf32, #tpu.memory_space<hbm>> -> memref<16x32xf32, #tpu.memory_space<hbm>>
    %dma_start3A_504 = arith.constant 480 : i32
    %dma_start3A_505 = arith.constant 0 : i32
    %dma_start3A_506 = tpu.memref_slice %arg8[%dma_start3A_504, %dma_start3A_505] : memref<800x32xf32, #tpu.memory_space<vmem>> -> memref<16x32xf32, #tpu.memory_space<vmem>>
    tpu.enqueue_dma source(%dma_start3A_506 : memref<16x32xf32, #tpu.memory_space<vmem>>) target(%dma_start3A_503 : memref<16x32xf32, #tpu.memory_space<hbm>>) target_semaphore(%arg9 : memref<!tpu.dma_semaphore, #tpu.memory_space<semaphore_mem>>)
    %mul3A_507 = arith.constant 32 : i32
    %mul3A_508 = arith.muli %add3A, %mul3A_507 : i32
    %dma_start3A_509 = arith.constant 31 : i32
    %dma_start3A_510 = arith.constant 496 : i32
    %dma_start3A_511 = arith.constant 0 : i32
    %dma_start3A_512 = tpu.memref_slice %arg8[%dma_start3A_510, %dma_start3A_511] : memref<800x32xf32, #tpu.memory_space<vmem>> -> memref<16x32xf32, #tpu.memory_space<vmem>>
    %dma_start3A_513 = arith.constant 0 : i32
    %dma_start3A_514 = tpu.memref_slice %arg4[%dma_start3A_509, %dma_start3A_513, %mul3A_508] : memref<50x16x1024xf32, #tpu.memory_space<hbm>> -> memref<1x16x32xf32, #tpu.memory_space<hbm>>
    %dma_start3A_515 = tpu.memref_squeeze %dma_start3A_514 : memref<1x16x32xf32, #tpu.memory_space<hbm>> -> memref<16x32xf32, #tpu.memory_space<hbm>>
    %dma_start3A_516 = arith.constant 0 : i32
    %dma_start3A_517 = tpu.memref_slice %arg4[%dma_start3A_509, %dma_start3A_516, %mul3A_508] : memref<50x16x1024xf32, #tpu.memory_space<hbm>> -> memref<1x16x32xf32, #tpu.memory_space<hbm>>
    %dma_start3A_518 = tpu.memref_squeeze %dma_start3A_517 : memref<1x16x32xf32, #tpu.memory_space<hbm>> -> memref<16x32xf32, #tpu.memory_space<hbm>>
    %dma_start3A_519 = arith.constant 496 : i32
    %dma_start3A_520 = arith.constant 0 : i32
    %dma_start3A_521 = tpu.memref_slice %arg8[%dma_start3A_519, %dma_start3A_520] : memref<800x32xf32, #tpu.memory_space<vmem>> -> memref<16x32xf32, #tpu.memory_space<vmem>>
    tpu.enqueue_dma source(%dma_start3A_521 : memref<16x32xf32, #tpu.memory_space<vmem>>) target(%dma_start3A_518 : memref<16x32xf32, #tpu.memory_space<hbm>>) target_semaphore(%arg9 : memref<!tpu.dma_semaphore, #tpu.memory_space<semaphore_mem>>)
    %mul3A_522 = arith.constant 32 : i32
    %mul3A_523 = arith.muli %add3A, %mul3A_522 : i32
    %dma_start3A_524 = arith.constant 32 : i32
    %dma_start3A_525 = arith.constant 512 : i32
    %dma_start3A_526 = arith.constant 0 : i32
    %dma_start3A_527 = tpu.memref_slice %arg8[%dma_start3A_525, %dma_start3A_526] : memref<800x32xf32, #tpu.memory_space<vmem>> -> memref<16x32xf32, #tpu.memory_space<vmem>>
    %dma_start3A_528 = arith.constant 0 : i32
    %dma_start3A_529 = tpu.memref_slice %arg4[%dma_start3A_524, %dma_start3A_528, %mul3A_523] : memref<50x16x1024xf32, #tpu.memory_space<hbm>> -> memref<1x16x32xf32, #tpu.memory_space<hbm>>
    %dma_start3A_530 = tpu.memref_squeeze %dma_start3A_529 : memref<1x16x32xf32, #tpu.memory_space<hbm>> -> memref<16x32xf32, #tpu.memory_space<hbm>>
    %dma_start3A_531 = arith.constant 0 : i32
    %dma_start3A_532 = tpu.memref_slice %arg4[%dma_start3A_524, %dma_start3A_531, %mul3A_523] : memref<50x16x1024xf32, #tpu.memory_space<hbm>> -> memref<1x16x32xf32, #tpu.memory_space<hbm>>
    %dma_start3A_533 = tpu.memref_squeeze %dma_start3A_532 : memref<1x16x32xf32, #tpu.memory_space<hbm>> -> memref<16x32xf32, #tpu.memory_space<hbm>>
    %dma_start3A_534 = arith.constant 512 : i32
    %dma_start3A_535 = arith.constant 0 : i32
    %dma_start3A_536 = tpu.memref_slice %arg8[%dma_start3A_534, %dma_start3A_535] : memref<800x32xf32, #tpu.memory_space<vmem>> -> memref<16x32xf32, #tpu.memory_space<vmem>>
    tpu.enqueue_dma source(%dma_start3A_536 : memref<16x32xf32, #tpu.memory_space<vmem>>) target(%dma_start3A_533 : memref<16x32xf32, #tpu.memory_space<hbm>>) target_semaphore(%arg9 : memref<!tpu.dma_semaphore, #tpu.memory_space<semaphore_mem>>)
    %mul3A_537 = arith.constant 32 : i32
    %mul3A_538 = arith.muli %add3A, %mul3A_537 : i32
    %dma_start3A_539 = arith.constant 33 : i32
    %dma_start3A_540 = arith.constant 528 : i32
    %dma_start3A_541 = arith.constant 0 : i32
    %dma_start3A_542 = tpu.memref_slice %arg8[%dma_start3A_540, %dma_start3A_541] : memref<800x32xf32, #tpu.memory_space<vmem>> -> memref<16x32xf32, #tpu.memory_space<vmem>>
    %dma_start3A_543 = arith.constant 0 : i32
    %dma_start3A_544 = tpu.memref_slice %arg4[%dma_start3A_539, %dma_start3A_543, %mul3A_538] : memref<50x16x1024xf32, #tpu.memory_space<hbm>> -> memref<1x16x32xf32, #tpu.memory_space<hbm>>
    %dma_start3A_545 = tpu.memref_squeeze %dma_start3A_544 : memref<1x16x32xf32, #tpu.memory_space<hbm>> -> memref<16x32xf32, #tpu.memory_space<hbm>>
    %dma_start3A_546 = arith.constant 0 : i32
    %dma_start3A_547 = tpu.memref_slice %arg4[%dma_start3A_539, %dma_start3A_546, %mul3A_538] : memref<50x16x1024xf32, #tpu.memory_space<hbm>> -> memref<1x16x32xf32, #tpu.memory_space<hbm>>
    %dma_start3A_548 = tpu.memref_squeeze %dma_start3A_547 : memref<1x16x32xf32, #tpu.memory_space<hbm>> -> memref<16x32xf32, #tpu.memory_space<hbm>>
    %dma_start3A_549 = arith.constant 528 : i32
    %dma_start3A_550 = arith.constant 0 : i32
    %dma_start3A_551 = tpu.memref_slice %arg8[%dma_start3A_549, %dma_start3A_550] : memref<800x32xf32, #tpu.memory_space<vmem>> -> memref<16x32xf32, #tpu.memory_space<vmem>>
    tpu.enqueue_dma source(%dma_start3A_551 : memref<16x32xf32, #tpu.memory_space<vmem>>) target(%dma_start3A_548 : memref<16x32xf32, #tpu.memory_space<hbm>>) target_semaphore(%arg9 : memref<!tpu.dma_semaphore, #tpu.memory_space<semaphore_mem>>)
    %mul3A_552 = arith.constant 32 : i32
    %mul3A_553 = arith.muli %add3A, %mul3A_552 : i32
    %dma_start3A_554 = arith.constant 34 : i32
    %dma_start3A_555 = arith.constant 544 : i32
    %dma_start3A_556 = arith.constant 0 : i32
    %dma_start3A_557 = tpu.memref_slice %arg8[%dma_start3A_555, %dma_start3A_556] : memref<800x32xf32, #tpu.memory_space<vmem>> -> memref<16x32xf32, #tpu.memory_space<vmem>>
    %dma_start3A_558 = arith.constant 0 : i32
    %dma_start3A_559 = tpu.memref_slice %arg4[%dma_start3A_554, %dma_start3A_558, %mul3A_553] : memref<50x16x1024xf32, #tpu.memory_space<hbm>> -> memref<1x16x32xf32, #tpu.memory_space<hbm>>
    %dma_start3A_560 = tpu.memref_squeeze %dma_start3A_559 : memref<1x16x32xf32, #tpu.memory_space<hbm>> -> memref<16x32xf32, #tpu.memory_space<hbm>>
    %dma_start3A_561 = arith.constant 0 : i32
    %dma_start3A_562 = tpu.memref_slice %arg4[%dma_start3A_554, %dma_start3A_561, %mul3A_553] : memref<50x16x1024xf32, #tpu.memory_space<hbm>> -> memref<1x16x32xf32, #tpu.memory_space<hbm>>
    %dma_start3A_563 = tpu.memref_squeeze %dma_start3A_562 : memref<1x16x32xf32, #tpu.memory_space<hbm>> -> memref<16x32xf32, #tpu.memory_space<hbm>>
    %dma_start3A_564 = arith.constant 544 : i32
    %dma_start3A_565 = arith.constant 0 : i32
    %dma_start3A_566 = tpu.memref_slice %arg8[%dma_start3A_564, %dma_start3A_565] : memref<800x32xf32, #tpu.memory_space<vmem>> -> memref<16x32xf32, #tpu.memory_space<vmem>>
    tpu.enqueue_dma source(%dma_start3A_566 : memref<16x32xf32, #tpu.memory_space<vmem>>) target(%dma_start3A_563 : memref<16x32xf32, #tpu.memory_space<hbm>>) target_semaphore(%arg9 : memref<!tpu.dma_semaphore, #tpu.memory_space<semaphore_mem>>)
    %mul3A_567 = arith.constant 32 : i32
    %mul3A_568 = arith.muli %add3A, %mul3A_567 : i32
    %dma_start3A_569 = arith.constant 35 : i32
    %dma_start3A_570 = arith.constant 560 : i32
    %dma_start3A_571 = arith.constant 0 : i32
    %dma_start3A_572 = tpu.memref_slice %arg8[%dma_start3A_570, %dma_start3A_571] : memref<800x32xf32, #tpu.memory_space<vmem>> -> memref<16x32xf32, #tpu.memory_space<vmem>>
    %dma_start3A_573 = arith.constant 0 : i32
    %dma_start3A_574 = tpu.memref_slice %arg4[%dma_start3A_569, %dma_start3A_573, %mul3A_568] : memref<50x16x1024xf32, #tpu.memory_space<hbm>> -> memref<1x16x32xf32, #tpu.memory_space<hbm>>
    %dma_start3A_575 = tpu.memref_squeeze %dma_start3A_574 : memref<1x16x32xf32, #tpu.memory_space<hbm>> -> memref<16x32xf32, #tpu.memory_space<hbm>>
    %dma_start3A_576 = arith.constant 0 : i32
    %dma_start3A_577 = tpu.memref_slice %arg4[%dma_start3A_569, %dma_start3A_576, %mul3A_568] : memref<50x16x1024xf32, #tpu.memory_space<hbm>> -> memref<1x16x32xf32, #tpu.memory_space<hbm>>
    %dma_start3A_578 = tpu.memref_squeeze %dma_start3A_577 : memref<1x16x32xf32, #tpu.memory_space<hbm>> -> memref<16x32xf32, #tpu.memory_space<hbm>>
    %dma_start3A_579 = arith.constant 560 : i32
    %dma_start3A_580 = arith.constant 0 : i32
    %dma_start3A_581 = tpu.memref_slice %arg8[%dma_start3A_579, %dma_start3A_580] : memref<800x32xf32, #tpu.memory_space<vmem>> -> memref<16x32xf32, #tpu.memory_space<vmem>>
    tpu.enqueue_dma source(%dma_start3A_581 : memref<16x32xf32, #tpu.memory_space<vmem>>) target(%dma_start3A_578 : memref<16x32xf32, #tpu.memory_space<hbm>>) target_semaphore(%arg9 : memref<!tpu.dma_semaphore, #tpu.memory_space<semaphore_mem>>)
    %mul3A_582 = arith.constant 32 : i32
    %mul3A_583 = arith.muli %add3A, %mul3A_582 : i32
    %dma_start3A_584 = arith.constant 36 : i32
    %dma_start3A_585 = arith.constant 576 : i32
    %dma_start3A_586 = arith.constant 0 : i32
    %dma_start3A_587 = tpu.memref_slice %arg8[%dma_start3A_585, %dma_start3A_586] : memref<800x32xf32, #tpu.memory_space<vmem>> -> memref<16x32xf32, #tpu.memory_space<vmem>>
    %dma_start3A_588 = arith.constant 0 : i32
    %dma_start3A_589 = tpu.memref_slice %arg4[%dma_start3A_584, %dma_start3A_588, %mul3A_583] : memref<50x16x1024xf32, #tpu.memory_space<hbm>> -> memref<1x16x32xf32, #tpu.memory_space<hbm>>
    %dma_start3A_590 = tpu.memref_squeeze %dma_start3A_589 : memref<1x16x32xf32, #tpu.memory_space<hbm>> -> memref<16x32xf32, #tpu.memory_space<hbm>>
    %dma_start3A_591 = arith.constant 0 : i32
    %dma_start3A_592 = tpu.memref_slice %arg4[%dma_start3A_584, %dma_start3A_591, %mul3A_583] : memref<50x16x1024xf32, #tpu.memory_space<hbm>> -> memref<1x16x32xf32, #tpu.memory_space<hbm>>
    %dma_start3A_593 = tpu.memref_squeeze %dma_start3A_592 : memref<1x16x32xf32, #tpu.memory_space<hbm>> -> memref<16x32xf32, #tpu.memory_space<hbm>>
    %dma_start3A_594 = arith.constant 576 : i32
    %dma_start3A_595 = arith.constant 0 : i32
    %dma_start3A_596 = tpu.memref_slice %arg8[%dma_start3A_594, %dma_start3A_595] : memref<800x32xf32, #tpu.memory_space<vmem>> -> memref<16x32xf32, #tpu.memory_space<vmem>>
    tpu.enqueue_dma source(%dma_start3A_596 : memref<16x32xf32, #tpu.memory_space<vmem>>) target(%dma_start3A_593 : memref<16x32xf32, #tpu.memory_space<hbm>>) target_semaphore(%arg9 : memref<!tpu.dma_semaphore, #tpu.memory_space<semaphore_mem>>)
    %mul3A_597 = arith.constant 32 : i32
    %mul3A_598 = arith.muli %add3A, %mul3A_597 : i32
    %dma_start3A_599 = arith.constant 37 : i32
    %dma_start3A_600 = arith.constant 592 : i32
    %dma_start3A_601 = arith.constant 0 : i32
    %dma_start3A_602 = tpu.memref_slice %arg8[%dma_start3A_600, %dma_start3A_601] : memref<800x32xf32, #tpu.memory_space<vmem>> -> memref<16x32xf32, #tpu.memory_space<vmem>>
    %dma_start3A_603 = arith.constant 0 : i32
    %dma_start3A_604 = tpu.memref_slice %arg4[%dma_start3A_599, %dma_start3A_603, %mul3A_598] : memref<50x16x1024xf32, #tpu.memory_space<hbm>> -> memref<1x16x32xf32, #tpu.memory_space<hbm>>
    %dma_start3A_605 = tpu.memref_squeeze %dma_start3A_604 : memref<1x16x32xf32, #tpu.memory_space<hbm>> -> memref<16x32xf32, #tpu.memory_space<hbm>>
    %dma_start3A_606 = arith.constant 0 : i32
    %dma_start3A_607 = tpu.memref_slice %arg4[%dma_start3A_599, %dma_start3A_606, %mul3A_598] : memref<50x16x1024xf32, #tpu.memory_space<hbm>> -> memref<1x16x32xf32, #tpu.memory_space<hbm>>
    %dma_start3A_608 = tpu.memref_squeeze %dma_start3A_607 : memref<1x16x32xf32, #tpu.memory_space<hbm>> -> memref<16x32xf32, #tpu.memory_space<hbm>>
    %dma_start3A_609 = arith.constant 592 : i32
    %dma_start3A_610 = arith.constant 0 : i32
    %dma_start3A_611 = tpu.memref_slice %arg8[%dma_start3A_609, %dma_start3A_610] : memref<800x32xf32, #tpu.memory_space<vmem>> -> memref<16x32xf32, #tpu.memory_space<vmem>>
    tpu.enqueue_dma source(%dma_start3A_611 : memref<16x32xf32, #tpu.memory_space<vmem>>) target(%dma_start3A_608 : memref<16x32xf32, #tpu.memory_space<hbm>>) target_semaphore(%arg9 : memref<!tpu.dma_semaphore, #tpu.memory_space<semaphore_mem>>)
    %mul3A_612 = arith.constant 32 : i32
    %mul3A_613 = arith.muli %add3A, %mul3A_612 : i32
    %dma_start3A_614 = arith.constant 38 : i32
    %dma_start3A_615 = arith.constant 608 : i32
    %dma_start3A_616 = arith.constant 0 : i32
    %dma_start3A_617 = tpu.memref_slice %arg8[%dma_start3A_615, %dma_start3A_616] : memref<800x32xf32, #tpu.memory_space<vmem>> -> memref<16x32xf32, #tpu.memory_space<vmem>>
    %dma_start3A_618 = arith.constant 0 : i32
    %dma_start3A_619 = tpu.memref_slice %arg4[%dma_start3A_614, %dma_start3A_618, %mul3A_613] : memref<50x16x1024xf32, #tpu.memory_space<hbm>> -> memref<1x16x32xf32, #tpu.memory_space<hbm>>
    %dma_start3A_620 = tpu.memref_squeeze %dma_start3A_619 : memref<1x16x32xf32, #tpu.memory_space<hbm>> -> memref<16x32xf32, #tpu.memory_space<hbm>>
    %dma_start3A_621 = arith.constant 0 : i32
    %dma_start3A_622 = tpu.memref_slice %arg4[%dma_start3A_614, %dma_start3A_621, %mul3A_613] : memref<50x16x1024xf32, #tpu.memory_space<hbm>> -> memref<1x16x32xf32, #tpu.memory_space<hbm>>
    %dma_start3A_623 = tpu.memref_squeeze %dma_start3A_622 : memref<1x16x32xf32, #tpu.memory_space<hbm>> -> memref<16x32xf32, #tpu.memory_space<hbm>>
    %dma_start3A_624 = arith.constant 608 : i32
    %dma_start3A_625 = arith.constant 0 : i32
    %dma_start3A_626 = tpu.memref_slice %arg8[%dma_start3A_624, %dma_start3A_625] : memref<800x32xf32, #tpu.memory_space<vmem>> -> memref<16x32xf32, #tpu.memory_space<vmem>>
    tpu.enqueue_dma source(%dma_start3A_626 : memref<16x32xf32, #tpu.memory_space<vmem>>) target(%dma_start3A_623 : memref<16x32xf32, #tpu.memory_space<hbm>>) target_semaphore(%arg9 : memref<!tpu.dma_semaphore, #tpu.memory_space<semaphore_mem>>)
    %mul3A_627 = arith.constant 32 : i32
    %mul3A_628 = arith.muli %add3A, %mul3A_627 : i32
    %dma_start3A_629 = arith.constant 39 : i32
    %dma_start3A_630 = arith.constant 624 : i32
    %dma_start3A_631 = arith.constant 0 : i32
    %dma_start3A_632 = tpu.memref_slice %arg8[%dma_start3A_630, %dma_start3A_631] : memref<800x32xf32, #tpu.memory_space<vmem>> -> memref<16x32xf32, #tpu.memory_space<vmem>>
    %dma_start3A_633 = arith.constant 0 : i32
    %dma_start3A_634 = tpu.memref_slice %arg4[%dma_start3A_629, %dma_start3A_633, %mul3A_628] : memref<50x16x1024xf32, #tpu.memory_space<hbm>> -> memref<1x16x32xf32, #tpu.memory_space<hbm>>
    %dma_start3A_635 = tpu.memref_squeeze %dma_start3A_634 : memref<1x16x32xf32, #tpu.memory_space<hbm>> -> memref<16x32xf32, #tpu.memory_space<hbm>>
    %dma_start3A_636 = arith.constant 0 : i32
    %dma_start3A_637 = tpu.memref_slice %arg4[%dma_start3A_629, %dma_start3A_636, %mul3A_628] : memref<50x16x1024xf32, #tpu.memory_space<hbm>> -> memref<1x16x32xf32, #tpu.memory_space<hbm>>
    %dma_start3A_638 = tpu.memref_squeeze %dma_start3A_637 : memref<1x16x32xf32, #tpu.memory_space<hbm>> -> memref<16x32xf32, #tpu.memory_space<hbm>>
    %dma_start3A_639 = arith.constant 624 : i32
    %dma_start3A_640 = arith.constant 0 : i32
    %dma_start3A_641 = tpu.memref_slice %arg8[%dma_start3A_639, %dma_start3A_640] : memref<800x32xf32, #tpu.memory_space<vmem>> -> memref<16x32xf32, #tpu.memory_space<vmem>>
    tpu.enqueue_dma source(%dma_start3A_641 : memref<16x32xf32, #tpu.memory_space<vmem>>) target(%dma_start3A_638 : memref<16x32xf32, #tpu.memory_space<hbm>>) target_semaphore(%arg9 : memref<!tpu.dma_semaphore, #tpu.memory_space<semaphore_mem>>)
    %mul3A_642 = arith.constant 32 : i32
    %mul3A_643 = arith.muli %add3A, %mul3A_642 : i32
    %dma_start3A_644 = arith.constant 40 : i32
    %dma_start3A_645 = arith.constant 640 : i32
    %dma_start3A_646 = arith.constant 0 : i32
    %dma_start3A_647 = tpu.memref_slice %arg8[%dma_start3A_645, %dma_start3A_646] : memref<800x32xf32, #tpu.memory_space<vmem>> -> memref<16x32xf32, #tpu.memory_space<vmem>>
    %dma_start3A_648 = arith.constant 0 : i32
    %dma_start3A_649 = tpu.memref_slice %arg4[%dma_start3A_644, %dma_start3A_648, %mul3A_643] : memref<50x16x1024xf32, #tpu.memory_space<hbm>> -> memref<1x16x32xf32, #tpu.memory_space<hbm>>
    %dma_start3A_650 = tpu.memref_squeeze %dma_start3A_649 : memref<1x16x32xf32, #tpu.memory_space<hbm>> -> memref<16x32xf32, #tpu.memory_space<hbm>>
    %dma_start3A_651 = arith.constant 0 : i32
    %dma_start3A_652 = tpu.memref_slice %arg4[%dma_start3A_644, %dma_start3A_651, %mul3A_643] : memref<50x16x1024xf32, #tpu.memory_space<hbm>> -> memref<1x16x32xf32, #tpu.memory_space<hbm>>
    %dma_start3A_653 = tpu.memref_squeeze %dma_start3A_652 : memref<1x16x32xf32, #tpu.memory_space<hbm>> -> memref<16x32xf32, #tpu.memory_space<hbm>>
    %dma_start3A_654 = arith.constant 640 : i32
    %dma_start3A_655 = arith.constant 0 : i32
    %dma_start3A_656 = tpu.memref_slice %arg8[%dma_start3A_654, %dma_start3A_655] : memref<800x32xf32, #tpu.memory_space<vmem>> -> memref<16x32xf32, #tpu.memory_space<vmem>>
    tpu.enqueue_dma source(%dma_start3A_656 : memref<16x32xf32, #tpu.memory_space<vmem>>) target(%dma_start3A_653 : memref<16x32xf32, #tpu.memory_space<hbm>>) target_semaphore(%arg9 : memref<!tpu.dma_semaphore, #tpu.memory_space<semaphore_mem>>)
    %mul3A_657 = arith.constant 32 : i32
    %mul3A_658 = arith.muli %add3A, %mul3A_657 : i32
    %dma_start3A_659 = arith.constant 41 : i32
    %dma_start3A_660 = arith.constant 656 : i32
    %dma_start3A_661 = arith.constant 0 : i32
    %dma_start3A_662 = tpu.memref_slice %arg8[%dma_start3A_660, %dma_start3A_661] : memref<800x32xf32, #tpu.memory_space<vmem>> -> memref<16x32xf32, #tpu.memory_space<vmem>>
    %dma_start3A_663 = arith.constant 0 : i32
    %dma_start3A_664 = tpu.memref_slice %arg4[%dma_start3A_659, %dma_start3A_663, %mul3A_658] : memref<50x16x1024xf32, #tpu.memory_space<hbm>> -> memref<1x16x32xf32, #tpu.memory_space<hbm>>
    %dma_start3A_665 = tpu.memref_squeeze %dma_start3A_664 : memref<1x16x32xf32, #tpu.memory_space<hbm>> -> memref<16x32xf32, #tpu.memory_space<hbm>>
    %dma_start3A_666 = arith.constant 0 : i32
    %dma_start3A_667 = tpu.memref_slice %arg4[%dma_start3A_659, %dma_start3A_666, %mul3A_658] : memref<50x16x1024xf32, #tpu.memory_space<hbm>> -> memref<1x16x32xf32, #tpu.memory_space<hbm>>
    %dma_start3A_668 = tpu.memref_squeeze %dma_start3A_667 : memref<1x16x32xf32, #tpu.memory_space<hbm>> -> memref<16x32xf32, #tpu.memory_space<hbm>>
    %dma_start3A_669 = arith.constant 656 : i32
    %dma_start3A_670 = arith.constant 0 : i32
    %dma_start3A_671 = tpu.memref_slice %arg8[%dma_start3A_669, %dma_start3A_670] : memref<800x32xf32, #tpu.memory_space<vmem>> -> memref<16x32xf32, #tpu.memory_space<vmem>>
    tpu.enqueue_dma source(%dma_start3A_671 : memref<16x32xf32, #tpu.memory_space<vmem>>) target(%dma_start3A_668 : memref<16x32xf32, #tpu.memory_space<hbm>>) target_semaphore(%arg9 : memref<!tpu.dma_semaphore, #tpu.memory_space<semaphore_mem>>)
    %mul3A_672 = arith.constant 32 : i32
    %mul3A_673 = arith.muli %add3A, %mul3A_672 : i32
    %dma_start3A_674 = arith.constant 42 : i32
    %dma_start3A_675 = arith.constant 672 : i32
    %dma_start3A_676 = arith.constant 0 : i32
    %dma_start3A_677 = tpu.memref_slice %arg8[%dma_start3A_675, %dma_start3A_676] : memref<800x32xf32, #tpu.memory_space<vmem>> -> memref<16x32xf32, #tpu.memory_space<vmem>>
    %dma_start3A_678 = arith.constant 0 : i32
    %dma_start3A_679 = tpu.memref_slice %arg4[%dma_start3A_674, %dma_start3A_678, %mul3A_673] : memref<50x16x1024xf32, #tpu.memory_space<hbm>> -> memref<1x16x32xf32, #tpu.memory_space<hbm>>
    %dma_start3A_680 = tpu.memref_squeeze %dma_start3A_679 : memref<1x16x32xf32, #tpu.memory_space<hbm>> -> memref<16x32xf32, #tpu.memory_space<hbm>>
    %dma_start3A_681 = arith.constant 0 : i32
    %dma_start3A_682 = tpu.memref_slice %arg4[%dma_start3A_674, %dma_start3A_681, %mul3A_673] : memref<50x16x1024xf32, #tpu.memory_space<hbm>> -> memref<1x16x32xf32, #tpu.memory_space<hbm>>
    %dma_start3A_683 = tpu.memref_squeeze %dma_start3A_682 : memref<1x16x32xf32, #tpu.memory_space<hbm>> -> memref<16x32xf32, #tpu.memory_space<hbm>>
    %dma_start3A_684 = arith.constant 672 : i32
    %dma_start3A_685 = arith.constant 0 : i32
    %dma_start3A_686 = tpu.memref_slice %arg8[%dma_start3A_684, %dma_start3A_685] : memref<800x32xf32, #tpu.memory_space<vmem>> -> memref<16x32xf32, #tpu.memory_space<vmem>>
    tpu.enqueue_dma source(%dma_start3A_686 : memref<16x32xf32, #tpu.memory_space<vmem>>) target(%dma_start3A_683 : memref<16x32xf32, #tpu.memory_space<hbm>>) target_semaphore(%arg9 : memref<!tpu.dma_semaphore, #tpu.memory_space<semaphore_mem>>)
    %mul3A_687 = arith.constant 32 : i32
    %mul3A_688 = arith.muli %add3A, %mul3A_687 : i32
    %dma_start3A_689 = arith.constant 43 : i32
    %dma_start3A_690 = arith.constant 688 : i32
    %dma_start3A_691 = arith.constant 0 : i32
    %dma_start3A_692 = tpu.memref_slice %arg8[%dma_start3A_690, %dma_start3A_691] : memref<800x32xf32, #tpu.memory_space<vmem>> -> memref<16x32xf32, #tpu.memory_space<vmem>>
    %dma_start3A_693 = arith.constant 0 : i32
    %dma_start3A_694 = tpu.memref_slice %arg4[%dma_start3A_689, %dma_start3A_693, %mul3A_688] : memref<50x16x1024xf32, #tpu.memory_space<hbm>> -> memref<1x16x32xf32, #tpu.memory_space<hbm>>
    %dma_start3A_695 = tpu.memref_squeeze %dma_start3A_694 : memref<1x16x32xf32, #tpu.memory_space<hbm>> -> memref<16x32xf32, #tpu.memory_space<hbm>>
    %dma_start3A_696 = arith.constant 0 : i32
    %dma_start3A_697 = tpu.memref_slice %arg4[%dma_start3A_689, %dma_start3A_696, %mul3A_688] : memref<50x16x1024xf32, #tpu.memory_space<hbm>> -> memref<1x16x32xf32, #tpu.memory_space<hbm>>
    %dma_start3A_698 = tpu.memref_squeeze %dma_start3A_697 : memref<1x16x32xf32, #tpu.memory_space<hbm>> -> memref<16x32xf32, #tpu.memory_space<hbm>>
    %dma_start3A_699 = arith.constant 688 : i32
    %dma_start3A_700 = arith.constant 0 : i32
    %dma_start3A_701 = tpu.memref_slice %arg8[%dma_start3A_699, %dma_start3A_700] : memref<800x32xf32, #tpu.memory_space<vmem>> -> memref<16x32xf32, #tpu.memory_space<vmem>>
    tpu.enqueue_dma source(%dma_start3A_701 : memref<16x32xf32, #tpu.memory_space<vmem>>) target(%dma_start3A_698 : memref<16x32xf32, #tpu.memory_space<hbm>>) target_semaphore(%arg9 : memref<!tpu.dma_semaphore, #tpu.memory_space<semaphore_mem>>)
    %mul3A_702 = arith.constant 32 : i32
    %mul3A_703 = arith.muli %add3A, %mul3A_702 : i32
    %dma_start3A_704 = arith.constant 44 : i32
    %dma_start3A_705 = arith.constant 704 : i32
    %dma_start3A_706 = arith.constant 0 : i32
    %dma_start3A_707 = tpu.memref_slice %arg8[%dma_start3A_705, %dma_start3A_706] : memref<800x32xf32, #tpu.memory_space<vmem>> -> memref<16x32xf32, #tpu.memory_space<vmem>>
    %dma_start3A_708 = arith.constant 0 : i32
    %dma_start3A_709 = tpu.memref_slice %arg4[%dma_start3A_704, %dma_start3A_708, %mul3A_703] : memref<50x16x1024xf32, #tpu.memory_space<hbm>> -> memref<1x16x32xf32, #tpu.memory_space<hbm>>
    %dma_start3A_710 = tpu.memref_squeeze %dma_start3A_709 : memref<1x16x32xf32, #tpu.memory_space<hbm>> -> memref<16x32xf32, #tpu.memory_space<hbm>>
    %dma_start3A_711 = arith.constant 0 : i32
    %dma_start3A_712 = tpu.memref_slice %arg4[%dma_start3A_704, %dma_start3A_711, %mul3A_703] : memref<50x16x1024xf32, #tpu.memory_space<hbm>> -> memref<1x16x32xf32, #tpu.memory_space<hbm>>
    %dma_start3A_713 = tpu.memref_squeeze %dma_start3A_712 : memref<1x16x32xf32, #tpu.memory_space<hbm>> -> memref<16x32xf32, #tpu.memory_space<hbm>>
    %dma_start3A_714 = arith.constant 704 : i32
    %dma_start3A_715 = arith.constant 0 : i32
    %dma_start3A_716 = tpu.memref_slice %arg8[%dma_start3A_714, %dma_start3A_715] : memref<800x32xf32, #tpu.memory_space<vmem>> -> memref<16x32xf32, #tpu.memory_space<vmem>>
    tpu.enqueue_dma source(%dma_start3A_716 : memref<16x32xf32, #tpu.memory_space<vmem>>) target(%dma_start3A_713 : memref<16x32xf32, #tpu.memory_space<hbm>>) target_semaphore(%arg9 : memref<!tpu.dma_semaphore, #tpu.memory_space<semaphore_mem>>)
    %mul3A_717 = arith.constant 32 : i32
    %mul3A_718 = arith.muli %add3A, %mul3A_717 : i32
    %dma_start3A_719 = arith.constant 45 : i32
    %dma_start3A_720 = arith.constant 720 : i32
    %dma_start3A_721 = arith.constant 0 : i32
    %dma_start3A_722 = tpu.memref_slice %arg8[%dma_start3A_720, %dma_start3A_721] : memref<800x32xf32, #tpu.memory_space<vmem>> -> memref<16x32xf32, #tpu.memory_space<vmem>>
    %dma_start3A_723 = arith.constant 0 : i32
    %dma_start3A_724 = tpu.memref_slice %arg4[%dma_start3A_719, %dma_start3A_723, %mul3A_718] : memref<50x16x1024xf32, #tpu.memory_space<hbm>> -> memref<1x16x32xf32, #tpu.memory_space<hbm>>
    %dma_start3A_725 = tpu.memref_squeeze %dma_start3A_724 : memref<1x16x32xf32, #tpu.memory_space<hbm>> -> memref<16x32xf32, #tpu.memory_space<hbm>>
    %dma_start3A_726 = arith.constant 0 : i32
    %dma_start3A_727 = tpu.memref_slice %arg4[%dma_start3A_719, %dma_start3A_726, %mul3A_718] : memref<50x16x1024xf32, #tpu.memory_space<hbm>> -> memref<1x16x32xf32, #tpu.memory_space<hbm>>
    %dma_start3A_728 = tpu.memref_squeeze %dma_start3A_727 : memref<1x16x32xf32, #tpu.memory_space<hbm>> -> memref<16x32xf32, #tpu.memory_space<hbm>>
    %dma_start3A_729 = arith.constant 720 : i32
    %dma_start3A_730 = arith.constant 0 : i32
    %dma_start3A_731 = tpu.memref_slice %arg8[%dma_start3A_729, %dma_start3A_730] : memref<800x32xf32, #tpu.memory_space<vmem>> -> memref<16x32xf32, #tpu.memory_space<vmem>>
    tpu.enqueue_dma source(%dma_start3A_731 : memref<16x32xf32, #tpu.memory_space<vmem>>) target(%dma_start3A_728 : memref<16x32xf32, #tpu.memory_space<hbm>>) target_semaphore(%arg9 : memref<!tpu.dma_semaphore, #tpu.memory_space<semaphore_mem>>)
    %mul3A_732 = arith.constant 32 : i32
    %mul3A_733 = arith.muli %add3A, %mul3A_732 : i32
    %dma_start3A_734 = arith.constant 46 : i32
    %dma_start3A_735 = arith.constant 736 : i32
    %dma_start3A_736 = arith.constant 0 : i32
    %dma_start3A_737 = tpu.memref_slice %arg8[%dma_start3A_735, %dma_start3A_736] : memref<800x32xf32, #tpu.memory_space<vmem>> -> memref<16x32xf32, #tpu.memory_space<vmem>>
    %dma_start3A_738 = arith.constant 0 : i32
    %dma_start3A_739 = tpu.memref_slice %arg4[%dma_start3A_734, %dma_start3A_738, %mul3A_733] : memref<50x16x1024xf32, #tpu.memory_space<hbm>> -> memref<1x16x32xf32, #tpu.memory_space<hbm>>
    %dma_start3A_740 = tpu.memref_squeeze %dma_start3A_739 : memref<1x16x32xf32, #tpu.memory_space<hbm>> -> memref<16x32xf32, #tpu.memory_space<hbm>>
    %dma_start3A_741 = arith.constant 0 : i32
    %dma_start3A_742 = tpu.memref_slice %arg4[%dma_start3A_734, %dma_start3A_741, %mul3A_733] : memref<50x16x1024xf32, #tpu.memory_space<hbm>> -> memref<1x16x32xf32, #tpu.memory_space<hbm>>
    %dma_start3A_743 = tpu.memref_squeeze %dma_start3A_742 : memref<1x16x32xf32, #tpu.memory_space<hbm>> -> memref<16x32xf32, #tpu.memory_space<hbm>>
    %dma_start3A_744 = arith.constant 736 : i32
    %dma_start3A_745 = arith.constant 0 : i32
    %dma_start3A_746 = tpu.memref_slice %arg8[%dma_start3A_744, %dma_start3A_745] : memref<800x32xf32, #tpu.memory_space<vmem>> -> memref<16x32xf32, #tpu.memory_space<vmem>>
    tpu.enqueue_dma source(%dma_start3A_746 : memref<16x32xf32, #tpu.memory_space<vmem>>) target(%dma_start3A_743 : memref<16x32xf32, #tpu.memory_space<hbm>>) target_semaphore(%arg9 : memref<!tpu.dma_semaphore, #tpu.memory_space<semaphore_mem>>)
    %mul3A_747 = arith.constant 32 : i32
    %mul3A_748 = arith.muli %add3A, %mul3A_747 : i32
    %dma_start3A_749 = arith.constant 47 : i32
    %dma_start3A_750 = arith.constant 752 : i32
    %dma_start3A_751 = arith.constant 0 : i32
    %dma_start3A_752 = tpu.memref_slice %arg8[%dma_start3A_750, %dma_start3A_751] : memref<800x32xf32, #tpu.memory_space<vmem>> -> memref<16x32xf32, #tpu.memory_space<vmem>>
    %dma_start3A_753 = arith.constant 0 : i32
    %dma_start3A_754 = tpu.memref_slice %arg4[%dma_start3A_749, %dma_start3A_753, %mul3A_748] : memref<50x16x1024xf32, #tpu.memory_space<hbm>> -> memref<1x16x32xf32, #tpu.memory_space<hbm>>
    %dma_start3A_755 = tpu.memref_squeeze %dma_start3A_754 : memref<1x16x32xf32, #tpu.memory_space<hbm>> -> memref<16x32xf32, #tpu.memory_space<hbm>>
    %dma_start3A_756 = arith.constant 0 : i32
    %dma_start3A_757 = tpu.memref_slice %arg4[%dma_start3A_749, %dma_start3A_756, %mul3A_748] : memref<50x16x1024xf32, #tpu.memory_space<hbm>> -> memref<1x16x32xf32, #tpu.memory_space<hbm>>
    %dma_start3A_758 = tpu.memref_squeeze %dma_start3A_757 : memref<1x16x32xf32, #tpu.memory_space<hbm>> -> memref<16x32xf32, #tpu.memory_space<hbm>>
    %dma_start3A_759 = arith.constant 752 : i32
    %dma_start3A_760 = arith.constant 0 : i32
    %dma_start3A_761 = tpu.memref_slice %arg8[%dma_start3A_759, %dma_start3A_760] : memref<800x32xf32, #tpu.memory_space<vmem>> -> memref<16x32xf32, #tpu.memory_space<vmem>>
    tpu.enqueue_dma source(%dma_start3A_761 : memref<16x32xf32, #tpu.memory_space<vmem>>) target(%dma_start3A_758 : memref<16x32xf32, #tpu.memory_space<hbm>>) target_semaphore(%arg9 : memref<!tpu.dma_semaphore, #tpu.memory_space<semaphore_mem>>)
    %mul3A_762 = arith.constant 32 : i32
    %mul3A_763 = arith.muli %add3A, %mul3A_762 : i32
    %dma_start3A_764 = arith.constant 48 : i32
    %dma_start3A_765 = arith.constant 768 : i32
    %dma_start3A_766 = arith.constant 0 : i32
    %dma_start3A_767 = tpu.memref_slice %arg8[%dma_start3A_765, %dma_start3A_766] : memref<800x32xf32, #tpu.memory_space<vmem>> -> memref<16x32xf32, #tpu.memory_space<vmem>>
    %dma_start3A_768 = arith.constant 0 : i32
    %dma_start3A_769 = tpu.memref_slice %arg4[%dma_start3A_764, %dma_start3A_768, %mul3A_763] : memref<50x16x1024xf32, #tpu.memory_space<hbm>> -> memref<1x16x32xf32, #tpu.memory_space<hbm>>
    %dma_start3A_770 = tpu.memref_squeeze %dma_start3A_769 : memref<1x16x32xf32, #tpu.memory_space<hbm>> -> memref<16x32xf32, #tpu.memory_space<hbm>>
    %dma_start3A_771 = arith.constant 0 : i32
    %dma_start3A_772 = tpu.memref_slice %arg4[%dma_start3A_764, %dma_start3A_771, %mul3A_763] : memref<50x16x1024xf32, #tpu.memory_space<hbm>> -> memref<1x16x32xf32, #tpu.memory_space<hbm>>
    %dma_start3A_773 = tpu.memref_squeeze %dma_start3A_772 : memref<1x16x32xf32, #tpu.memory_space<hbm>> -> memref<16x32xf32, #tpu.memory_space<hbm>>
    %dma_start3A_774 = arith.constant 768 : i32
    %dma_start3A_775 = arith.constant 0 : i32
    %dma_start3A_776 = tpu.memref_slice %arg8[%dma_start3A_774, %dma_start3A_775] : memref<800x32xf32, #tpu.memory_space<vmem>> -> memref<16x32xf32, #tpu.memory_space<vmem>>
    tpu.enqueue_dma source(%dma_start3A_776 : memref<16x32xf32, #tpu.memory_space<vmem>>) target(%dma_start3A_773 : memref<16x32xf32, #tpu.memory_space<hbm>>) target_semaphore(%arg9 : memref<!tpu.dma_semaphore, #tpu.memory_space<semaphore_mem>>)
    %mul3A_777 = arith.constant 32 : i32
    %mul3A_778 = arith.muli %add3A, %mul3A_777 : i32
    %dma_start3A_779 = arith.constant 49 : i32
    %dma_start3A_780 = arith.constant 784 : i32
    %dma_start3A_781 = arith.constant 0 : i32
    %dma_start3A_782 = tpu.memref_slice %arg8[%dma_start3A_780, %dma_start3A_781] : memref<800x32xf32, #tpu.memory_space<vmem>> -> memref<16x32xf32, #tpu.memory_space<vmem>>
    %dma_start3A_783 = arith.constant 0 : i32
    %dma_start3A_784 = tpu.memref_slice %arg4[%dma_start3A_779, %dma_start3A_783, %mul3A_778] : memref<50x16x1024xf32, #tpu.memory_space<hbm>> -> memref<1x16x32xf32, #tpu.memory_space<hbm>>
    %dma_start3A_785 = tpu.memref_squeeze %dma_start3A_784 : memref<1x16x32xf32, #tpu.memory_space<hbm>> -> memref<16x32xf32, #tpu.memory_space<hbm>>
    %dma_start3A_786 = arith.constant 0 : i32
    %dma_start3A_787 = tpu.memref_slice %arg4[%dma_start3A_779, %dma_start3A_786, %mul3A_778] : memref<50x16x1024xf32, #tpu.memory_space<hbm>> -> memref<1x16x32xf32, #tpu.memory_space<hbm>>
    %dma_start3A_788 = tpu.memref_squeeze %dma_start3A_787 : memref<1x16x32xf32, #tpu.memory_space<hbm>> -> memref<16x32xf32, #tpu.memory_space<hbm>>
    %dma_start3A_789 = arith.constant 784 : i32
    %dma_start3A_790 = arith.constant 0 : i32
    %dma_start3A_791 = tpu.memref_slice %arg8[%dma_start3A_789, %dma_start3A_790] : memref<800x32xf32, #tpu.memory_space<vmem>> -> memref<16x32xf32, #tpu.memory_space<vmem>>
    tpu.enqueue_dma source(%dma_start3A_791 : memref<16x32xf32, #tpu.memory_space<vmem>>) target(%dma_start3A_788 : memref<16x32xf32, #tpu.memory_space<hbm>>) target_semaphore(%arg9 : memref<!tpu.dma_semaphore, #tpu.memory_space<semaphore_mem>>)
    %dma_wait3A = arith.constant 0 : i32
    %dma_wait3A_792 = arith.constant 0 : i32
    %dma_wait3A_793 = arith.constant 0 : i32
    %dma_wait3A_794 = tpu.memref_slice %arg8[%dma_wait3A_792, %dma_wait3A_793] : memref<800x32xf32, #tpu.memory_space<vmem>> -> memref<16x32xf32, #tpu.memory_space<vmem>>
    %dma_wait3A_795 = arith.constant 0 : i32
    %dma_wait3A_796 = tpu.memref_slice %arg4[%dma_wait3A, %dma_wait3A_795, %mul3A_44] : memref<50x16x1024xf32, #tpu.memory_space<hbm>> -> memref<1x16x32xf32, #tpu.memory_space<hbm>>
    %dma_wait3A_797 = tpu.memref_squeeze %dma_wait3A_796 : memref<1x16x32xf32, #tpu.memory_space<hbm>> -> memref<16x32xf32, #tpu.memory_space<hbm>>
    %dma_wait3A_798 = arith.constant 0 : i32
    %dma_wait3A_799 = tpu.memref_slice %arg4[%dma_wait3A, %dma_wait3A_798, %mul3A_44] : memref<50x16x1024xf32, #tpu.memory_space<hbm>> -> memref<1x16x32xf32, #tpu.memory_space<hbm>>
    %dma_wait3A_800 = tpu.memref_squeeze %dma_wait3A_799 : memref<1x16x32xf32, #tpu.memory_space<hbm>> -> memref<16x32xf32, #tpu.memory_space<hbm>>
    %dma_wait3A_801 = arith.constant 0 : i32
    %dma_wait3A_802 = arith.constant 0 : i32
    %dma_wait3A_803 = tpu.memref_slice %arg8[%dma_wait3A_801, %dma_wait3A_802] : memref<800x32xf32, #tpu.memory_space<vmem>> -> memref<16x32xf32, #tpu.memory_space<vmem>>
    tpu.wait_dma2 semaphore(%arg9 : memref<!tpu.dma_semaphore, #tpu.memory_space<semaphore_mem>>) src(%dma_wait3A_803 : memref<16x32xf32, #tpu.memory_space<vmem>>) dst(%dma_wait3A_800 : memref<16x32xf32, #tpu.memory_space<hbm>>)
    %dma_wait3A_804 = arith.constant 1 : i32
    %dma_wait3A_805 = arith.constant 16 : i32
    %dma_wait3A_806 = arith.constant 0 : i32
    %dma_wait3A_807 = tpu.memref_slice %arg8[%dma_wait3A_805, %dma_wait3A_806] : memref<800x32xf32, #tpu.memory_space<vmem>> -> memref<16x32xf32, #tpu.memory_space<vmem>>
    %dma_wait3A_808 = arith.constant 0 : i32
    %dma_wait3A_809 = tpu.memref_slice %arg4[%dma_wait3A_804, %dma_wait3A_808, %mul3A_58] : memref<50x16x1024xf32, #tpu.memory_space<hbm>> -> memref<1x16x32xf32, #tpu.memory_space<hbm>>
    %dma_wait3A_810 = tpu.memref_squeeze %dma_wait3A_809 : memref<1x16x32xf32, #tpu.memory_space<hbm>> -> memref<16x32xf32, #tpu.memory_space<hbm>>
    %dma_wait3A_811 = arith.constant 0 : i32
    %dma_wait3A_812 = tpu.memref_slice %arg4[%dma_wait3A_804, %dma_wait3A_811, %mul3A_58] : memref<50x16x1024xf32, #tpu.memory_space<hbm>> -> memref<1x16x32xf32, #tpu.memory_space<hbm>>
    %dma_wait3A_813 = tpu.memref_squeeze %dma_wait3A_812 : memref<1x16x32xf32, #tpu.memory_space<hbm>> -> memref<16x32xf32, #tpu.memory_space<hbm>>
    %dma_wait3A_814 = arith.constant 16 : i32
    %dma_wait3A_815 = arith.constant 0 : i32
    %dma_wait3A_816 = tpu.memref_slice %arg8[%dma_wait3A_814, %dma_wait3A_815] : memref<800x32xf32, #tpu.memory_space<vmem>> -> memref<16x32xf32, #tpu.memory_space<vmem>>
    tpu.wait_dma2 semaphore(%arg9 : memref<!tpu.dma_semaphore, #tpu.memory_space<semaphore_mem>>) src(%dma_wait3A_816 : memref<16x32xf32, #tpu.memory_space<vmem>>) dst(%dma_wait3A_813 : memref<16x32xf32, #tpu.memory_space<hbm>>)
    %dma_wait3A_817 = arith.constant 2 : i32
    %dma_wait3A_818 = arith.constant 32 : i32
    %dma_wait3A_819 = arith.constant 0 : i32
    %dma_wait3A_820 = tpu.memref_slice %arg8[%dma_wait3A_818, %dma_wait3A_819] : memref<800x32xf32, #tpu.memory_space<vmem>> -> memref<16x32xf32, #tpu.memory_space<vmem>>
    %dma_wait3A_821 = arith.constant 0 : i32
    %dma_wait3A_822 = tpu.memref_slice %arg4[%dma_wait3A_817, %dma_wait3A_821, %mul3A_73] : memref<50x16x1024xf32, #tpu.memory_space<hbm>> -> memref<1x16x32xf32, #tpu.memory_space<hbm>>
    %dma_wait3A_823 = tpu.memref_squeeze %dma_wait3A_822 : memref<1x16x32xf32, #tpu.memory_space<hbm>> -> memref<16x32xf32, #tpu.memory_space<hbm>>
    %dma_wait3A_824 = arith.constant 0 : i32
    %dma_wait3A_825 = tpu.memref_slice %arg4[%dma_wait3A_817, %dma_wait3A_824, %mul3A_73] : memref<50x16x1024xf32, #tpu.memory_space<hbm>> -> memref<1x16x32xf32, #tpu.memory_space<hbm>>
    %dma_wait3A_826 = tpu.memref_squeeze %dma_wait3A_825 : memref<1x16x32xf32, #tpu.memory_space<hbm>> -> memref<16x32xf32, #tpu.memory_space<hbm>>
    %dma_wait3A_827 = arith.constant 32 : i32
    %dma_wait3A_828 = arith.constant 0 : i32
    %dma_wait3A_829 = tpu.memref_slice %arg8[%dma_wait3A_827, %dma_wait3A_828] : memref<800x32xf32, #tpu.memory_space<vmem>> -> memref<16x32xf32, #tpu.memory_space<vmem>>
    tpu.wait_dma2 semaphore(%arg9 : memref<!tpu.dma_semaphore, #tpu.memory_space<semaphore_mem>>) src(%dma_wait3A_829 : memref<16x32xf32, #tpu.memory_space<vmem>>) dst(%dma_wait3A_826 : memref<16x32xf32, #tpu.memory_space<hbm>>)
    %dma_wait3A_830 = arith.constant 3 : i32
    %dma_wait3A_831 = arith.constant 48 : i32
    %dma_wait3A_832 = arith.constant 0 : i32
    %dma_wait3A_833 = tpu.memref_slice %arg8[%dma_wait3A_831, %dma_wait3A_832] : memref<800x32xf32, #tpu.memory_space<vmem>> -> memref<16x32xf32, #tpu.memory_space<vmem>>
    %dma_wait3A_834 = arith.constant 0 : i32
    %dma_wait3A_835 = tpu.memref_slice %arg4[%dma_wait3A_830, %dma_wait3A_834, %mul3A_88] : memref<50x16x1024xf32, #tpu.memory_space<hbm>> -> memref<1x16x32xf32, #tpu.memory_space<hbm>>
    %dma_wait3A_836 = tpu.memref_squeeze %dma_wait3A_835 : memref<1x16x32xf32, #tpu.memory_space<hbm>> -> memref<16x32xf32, #tpu.memory_space<hbm>>
    %dma_wait3A_837 = arith.constant 0 : i32
    %dma_wait3A_838 = tpu.memref_slice %arg4[%dma_wait3A_830, %dma_wait3A_837, %mul3A_88] : memref<50x16x1024xf32, #tpu.memory_space<hbm>> -> memref<1x16x32xf32, #tpu.memory_space<hbm>>
    %dma_wait3A_839 = tpu.memref_squeeze %dma_wait3A_838 : memref<1x16x32xf32, #tpu.memory_space<hbm>> -> memref<16x32xf32, #tpu.memory_space<hbm>>
    %dma_wait3A_840 = arith.constant 48 : i32
    %dma_wait3A_841 = arith.constant 0 : i32
    %dma_wait3A_842 = tpu.memref_slice %arg8[%dma_wait3A_840, %dma_wait3A_841] : memref<800x32xf32, #tpu.memory_space<vmem>> -> memref<16x32xf32, #tpu.memory_space<vmem>>
    tpu.wait_dma2 semaphore(%arg9 : memref<!tpu.dma_semaphore, #tpu.memory_space<semaphore_mem>>) src(%dma_wait3A_842 : memref<16x32xf32, #tpu.memory_space<vmem>>) dst(%dma_wait3A_839 : memref<16x32xf32, #tpu.memory_space<hbm>>)
    %dma_wait3A_843 = arith.constant 4 : i32
    %dma_wait3A_844 = arith.constant 64 : i32
    %dma_wait3A_845 = arith.constant 0 : i32
    %dma_wait3A_846 = tpu.memref_slice %arg8[%dma_wait3A_844, %dma_wait3A_845] : memref<800x32xf32, #tpu.memory_space<vmem>> -> memref<16x32xf32, #tpu.memory_space<vmem>>
    %dma_wait3A_847 = arith.constant 0 : i32
    %dma_wait3A_848 = tpu.memref_slice %arg4[%dma_wait3A_843, %dma_wait3A_847, %mul3A_103] : memref<50x16x1024xf32, #tpu.memory_space<hbm>> -> memref<1x16x32xf32, #tpu.memory_space<hbm>>
    %dma_wait3A_849 = tpu.memref_squeeze %dma_wait3A_848 : memref<1x16x32xf32, #tpu.memory_space<hbm>> -> memref<16x32xf32, #tpu.memory_space<hbm>>
    %dma_wait3A_850 = arith.constant 0 : i32
    %dma_wait3A_851 = tpu.memref_slice %arg4[%dma_wait3A_843, %dma_wait3A_850, %mul3A_103] : memref<50x16x1024xf32, #tpu.memory_space<hbm>> -> memref<1x16x32xf32, #tpu.memory_space<hbm>>
    %dma_wait3A_852 = tpu.memref_squeeze %dma_wait3A_851 : memref<1x16x32xf32, #tpu.memory_space<hbm>> -> memref<16x32xf32, #tpu.memory_space<hbm>>
    %dma_wait3A_853 = arith.constant 64 : i32
    %dma_wait3A_854 = arith.constant 0 : i32
    %dma_wait3A_855 = tpu.memref_slice %arg8[%dma_wait3A_853, %dma_wait3A_854] : memref<800x32xf32, #tpu.memory_space<vmem>> -> memref<16x32xf32, #tpu.memory_space<vmem>>
    tpu.wait_dma2 semaphore(%arg9 : memref<!tpu.dma_semaphore, #tpu.memory_space<semaphore_mem>>) src(%dma_wait3A_855 : memref<16x32xf32, #tpu.memory_space<vmem>>) dst(%dma_wait3A_852 : memref<16x32xf32, #tpu.memory_space<hbm>>)
    %dma_wait3A_856 = arith.constant 5 : i32
    %dma_wait3A_857 = arith.constant 80 : i32
    %dma_wait3A_858 = arith.constant 0 : i32
    %dma_wait3A_859 = tpu.memref_slice %arg8[%dma_wait3A_857, %dma_wait3A_858] : memref<800x32xf32, #tpu.memory_space<vmem>> -> memref<16x32xf32, #tpu.memory_space<vmem>>
    %dma_wait3A_860 = arith.constant 0 : i32
    %dma_wait3A_861 = tpu.memref_slice %arg4[%dma_wait3A_856, %dma_wait3A_860, %mul3A_118] : memref<50x16x1024xf32, #tpu.memory_space<hbm>> -> memref<1x16x32xf32, #tpu.memory_space<hbm>>
    %dma_wait3A_862 = tpu.memref_squeeze %dma_wait3A_861 : memref<1x16x32xf32, #tpu.memory_space<hbm>> -> memref<16x32xf32, #tpu.memory_space<hbm>>
    %dma_wait3A_863 = arith.constant 0 : i32
    %dma_wait3A_864 = tpu.memref_slice %arg4[%dma_wait3A_856, %dma_wait3A_863, %mul3A_118] : memref<50x16x1024xf32, #tpu.memory_space<hbm>> -> memref<1x16x32xf32, #tpu.memory_space<hbm>>
    %dma_wait3A_865 = tpu.memref_squeeze %dma_wait3A_864 : memref<1x16x32xf32, #tpu.memory_space<hbm>> -> memref<16x32xf32, #tpu.memory_space<hbm>>
    %dma_wait3A_866 = arith.constant 80 : i32
    %dma_wait3A_867 = arith.constant 0 : i32
    %dma_wait3A_868 = tpu.memref_slice %arg8[%dma_wait3A_866, %dma_wait3A_867] : memref<800x32xf32, #tpu.memory_space<vmem>> -> memref<16x32xf32, #tpu.memory_space<vmem>>
    tpu.wait_dma2 semaphore(%arg9 : memref<!tpu.dma_semaphore, #tpu.memory_space<semaphore_mem>>) src(%dma_wait3A_868 : memref<16x32xf32, #tpu.memory_space<vmem>>) dst(%dma_wait3A_865 : memref<16x32xf32, #tpu.memory_space<hbm>>)
    %dma_wait3A_869 = arith.constant 6 : i32
    %dma_wait3A_870 = arith.constant 96 : i32
    %dma_wait3A_871 = arith.constant 0 : i32
    %dma_wait3A_872 = tpu.memref_slice %arg8[%dma_wait3A_870, %dma_wait3A_871] : memref<800x32xf32, #tpu.memory_space<vmem>> -> memref<16x32xf32, #tpu.memory_space<vmem>>
    %dma_wait3A_873 = arith.constant 0 : i32
    %dma_wait3A_874 = tpu.memref_slice %arg4[%dma_wait3A_869, %dma_wait3A_873, %mul3A_133] : memref<50x16x1024xf32, #tpu.memory_space<hbm>> -> memref<1x16x32xf32, #tpu.memory_space<hbm>>
    %dma_wait3A_875 = tpu.memref_squeeze %dma_wait3A_874 : memref<1x16x32xf32, #tpu.memory_space<hbm>> -> memref<16x32xf32, #tpu.memory_space<hbm>>
    %dma_wait3A_876 = arith.constant 0 : i32
    %dma_wait3A_877 = tpu.memref_slice %arg4[%dma_wait3A_869, %dma_wait3A_876, %mul3A_133] : memref<50x16x1024xf32, #tpu.memory_space<hbm>> -> memref<1x16x32xf32, #tpu.memory_space<hbm>>
    %dma_wait3A_878 = tpu.memref_squeeze %dma_wait3A_877 : memref<1x16x32xf32, #tpu.memory_space<hbm>> -> memref<16x32xf32, #tpu.memory_space<hbm>>
    %dma_wait3A_879 = arith.constant 96 : i32
    %dma_wait3A_880 = arith.constant 0 : i32
    %dma_wait3A_881 = tpu.memref_slice %arg8[%dma_wait3A_879, %dma_wait3A_880] : memref<800x32xf32, #tpu.memory_space<vmem>> -> memref<16x32xf32, #tpu.memory_space<vmem>>
    tpu.wait_dma2 semaphore(%arg9 : memref<!tpu.dma_semaphore, #tpu.memory_space<semaphore_mem>>) src(%dma_wait3A_881 : memref<16x32xf32, #tpu.memory_space<vmem>>) dst(%dma_wait3A_878 : memref<16x32xf32, #tpu.memory_space<hbm>>)
    %dma_wait3A_882 = arith.constant 7 : i32
    %dma_wait3A_883 = arith.constant 112 : i32
    %dma_wait3A_884 = arith.constant 0 : i32
    %dma_wait3A_885 = tpu.memref_slice %arg8[%dma_wait3A_883, %dma_wait3A_884] : memref<800x32xf32, #tpu.memory_space<vmem>> -> memref<16x32xf32, #tpu.memory_space<vmem>>
    %dma_wait3A_886 = arith.constant 0 : i32
    %dma_wait3A_887 = tpu.memref_slice %arg4[%dma_wait3A_882, %dma_wait3A_886, %mul3A_148] : memref<50x16x1024xf32, #tpu.memory_space<hbm>> -> memref<1x16x32xf32, #tpu.memory_space<hbm>>
    %dma_wait3A_888 = tpu.memref_squeeze %dma_wait3A_887 : memref<1x16x32xf32, #tpu.memory_space<hbm>> -> memref<16x32xf32, #tpu.memory_space<hbm>>
    %dma_wait3A_889 = arith.constant 0 : i32
    %dma_wait3A_890 = tpu.memref_slice %arg4[%dma_wait3A_882, %dma_wait3A_889, %mul3A_148] : memref<50x16x1024xf32, #tpu.memory_space<hbm>> -> memref<1x16x32xf32, #tpu.memory_space<hbm>>
    %dma_wait3A_891 = tpu.memref_squeeze %dma_wait3A_890 : memref<1x16x32xf32, #tpu.memory_space<hbm>> -> memref<16x32xf32, #tpu.memory_space<hbm>>
    %dma_wait3A_892 = arith.constant 112 : i32
    %dma_wait3A_893 = arith.constant 0 : i32
    %dma_wait3A_894 = tpu.memref_slice %arg8[%dma_wait3A_892, %dma_wait3A_893] : memref<800x32xf32, #tpu.memory_space<vmem>> -> memref<16x32xf32, #tpu.memory_space<vmem>>
    tpu.wait_dma2 semaphore(%arg9 : memref<!tpu.dma_semaphore, #tpu.memory_space<semaphore_mem>>) src(%dma_wait3A_894 : memref<16x32xf32, #tpu.memory_space<vmem>>) dst(%dma_wait3A_891 : memref<16x32xf32, #tpu.memory_space<hbm>>)
    %dma_wait3A_895 = arith.constant 8 : i32
    %dma_wait3A_896 = arith.constant 128 : i32
    %dma_wait3A_897 = arith.constant 0 : i32
    %dma_wait3A_898 = tpu.memref_slice %arg8[%dma_wait3A_896, %dma_wait3A_897] : memref<800x32xf32, #tpu.memory_space<vmem>> -> memref<16x32xf32, #tpu.memory_space<vmem>>
    %dma_wait3A_899 = arith.constant 0 : i32
    %dma_wait3A_900 = tpu.memref_slice %arg4[%dma_wait3A_895, %dma_wait3A_899, %mul3A_163] : memref<50x16x1024xf32, #tpu.memory_space<hbm>> -> memref<1x16x32xf32, #tpu.memory_space<hbm>>
    %dma_wait3A_901 = tpu.memref_squeeze %dma_wait3A_900 : memref<1x16x32xf32, #tpu.memory_space<hbm>> -> memref<16x32xf32, #tpu.memory_space<hbm>>
    %dma_wait3A_902 = arith.constant 0 : i32
    %dma_wait3A_903 = tpu.memref_slice %arg4[%dma_wait3A_895, %dma_wait3A_902, %mul3A_163] : memref<50x16x1024xf32, #tpu.memory_space<hbm>> -> memref<1x16x32xf32, #tpu.memory_space<hbm>>
    %dma_wait3A_904 = tpu.memref_squeeze %dma_wait3A_903 : memref<1x16x32xf32, #tpu.memory_space<hbm>> -> memref<16x32xf32, #tpu.memory_space<hbm>>
    %dma_wait3A_905 = arith.constant 128 : i32
    %dma_wait3A_906 = arith.constant 0 : i32
    %dma_wait3A_907 = tpu.memref_slice %arg8[%dma_wait3A_905, %dma_wait3A_906] : memref<800x32xf32, #tpu.memory_space<vmem>> -> memref<16x32xf32, #tpu.memory_space<vmem>>
    tpu.wait_dma2 semaphore(%arg9 : memref<!tpu.dma_semaphore, #tpu.memory_space<semaphore_mem>>) src(%dma_wait3A_907 : memref<16x32xf32, #tpu.memory_space<vmem>>) dst(%dma_wait3A_904 : memref<16x32xf32, #tpu.memory_space<hbm>>)
    %dma_wait3A_908 = arith.constant 9 : i32
    %dma_wait3A_909 = arith.constant 144 : i32
    %dma_wait3A_910 = arith.constant 0 : i32
    %dma_wait3A_911 = tpu.memref_slice %arg8[%dma_wait3A_909, %dma_wait3A_910] : memref<800x32xf32, #tpu.memory_space<vmem>> -> memref<16x32xf32, #tpu.memory_space<vmem>>
    %dma_wait3A_912 = arith.constant 0 : i32
    %dma_wait3A_913 = tpu.memref_slice %arg4[%dma_wait3A_908, %dma_wait3A_912, %mul3A_178] : memref<50x16x1024xf32, #tpu.memory_space<hbm>> -> memref<1x16x32xf32, #tpu.memory_space<hbm>>
    %dma_wait3A_914 = tpu.memref_squeeze %dma_wait3A_913 : memref<1x16x32xf32, #tpu.memory_space<hbm>> -> memref<16x32xf32, #tpu.memory_space<hbm>>
    %dma_wait3A_915 = arith.constant 0 : i32
    %dma_wait3A_916 = tpu.memref_slice %arg4[%dma_wait3A_908, %dma_wait3A_915, %mul3A_178] : memref<50x16x1024xf32, #tpu.memory_space<hbm>> -> memref<1x16x32xf32, #tpu.memory_space<hbm>>
    %dma_wait3A_917 = tpu.memref_squeeze %dma_wait3A_916 : memref<1x16x32xf32, #tpu.memory_space<hbm>> -> memref<16x32xf32, #tpu.memory_space<hbm>>
    %dma_wait3A_918 = arith.constant 144 : i32
    %dma_wait3A_919 = arith.constant 0 : i32
    %dma_wait3A_920 = tpu.memref_slice %arg8[%dma_wait3A_918, %dma_wait3A_919] : memref<800x32xf32, #tpu.memory_space<vmem>> -> memref<16x32xf32, #tpu.memory_space<vmem>>
    tpu.wait_dma2 semaphore(%arg9 : memref<!tpu.dma_semaphore, #tpu.memory_space<semaphore_mem>>) src(%dma_wait3A_920 : memref<16x32xf32, #tpu.memory_space<vmem>>) dst(%dma_wait3A_917 : memref<16x32xf32, #tpu.memory_space<hbm>>)
    %dma_wait3A_921 = arith.constant 10 : i32
    %dma_wait3A_922 = arith.constant 160 : i32
    %dma_wait3A_923 = arith.constant 0 : i32
    %dma_wait3A_924 = tpu.memref_slice %arg8[%dma_wait3A_922, %dma_wait3A_923] : memref<800x32xf32, #tpu.memory_space<vmem>> -> memref<16x32xf32, #tpu.memory_space<vmem>>
    %dma_wait3A_925 = arith.constant 0 : i32
    %dma_wait3A_926 = tpu.memref_slice %arg4[%dma_wait3A_921, %dma_wait3A_925, %mul3A_193] : memref<50x16x1024xf32, #tpu.memory_space<hbm>> -> memref<1x16x32xf32, #tpu.memory_space<hbm>>
    %dma_wait3A_927 = tpu.memref_squeeze %dma_wait3A_926 : memref<1x16x32xf32, #tpu.memory_space<hbm>> -> memref<16x32xf32, #tpu.memory_space<hbm>>
    %dma_wait3A_928 = arith.constant 0 : i32
    %dma_wait3A_929 = tpu.memref_slice %arg4[%dma_wait3A_921, %dma_wait3A_928, %mul3A_193] : memref<50x16x1024xf32, #tpu.memory_space<hbm>> -> memref<1x16x32xf32, #tpu.memory_space<hbm>>
    %dma_wait3A_930 = tpu.memref_squeeze %dma_wait3A_929 : memref<1x16x32xf32, #tpu.memory_space<hbm>> -> memref<16x32xf32, #tpu.memory_space<hbm>>
    %dma_wait3A_931 = arith.constant 160 : i32
    %dma_wait3A_932 = arith.constant 0 : i32
    %dma_wait3A_933 = tpu.memref_slice %arg8[%dma_wait3A_931, %dma_wait3A_932] : memref<800x32xf32, #tpu.memory_space<vmem>> -> memref<16x32xf32, #tpu.memory_space<vmem>>
    tpu.wait_dma2 semaphore(%arg9 : memref<!tpu.dma_semaphore, #tpu.memory_space<semaphore_mem>>) src(%dma_wait3A_933 : memref<16x32xf32, #tpu.memory_space<vmem>>) dst(%dma_wait3A_930 : memref<16x32xf32, #tpu.memory_space<hbm>>)
    %dma_wait3A_934 = arith.constant 11 : i32
    %dma_wait3A_935 = arith.constant 176 : i32
    %dma_wait3A_936 = arith.constant 0 : i32
    %dma_wait3A_937 = tpu.memref_slice %arg8[%dma_wait3A_935, %dma_wait3A_936] : memref<800x32xf32, #tpu.memory_space<vmem>> -> memref<16x32xf32, #tpu.memory_space<vmem>>
    %dma_wait3A_938 = arith.constant 0 : i32
    %dma_wait3A_939 = tpu.memref_slice %arg4[%dma_wait3A_934, %dma_wait3A_938, %mul3A_208] : memref<50x16x1024xf32, #tpu.memory_space<hbm>> -> memref<1x16x32xf32, #tpu.memory_space<hbm>>
    %dma_wait3A_940 = tpu.memref_squeeze %dma_wait3A_939 : memref<1x16x32xf32, #tpu.memory_space<hbm>> -> memref<16x32xf32, #tpu.memory_space<hbm>>
    %dma_wait3A_941 = arith.constant 0 : i32
    %dma_wait3A_942 = tpu.memref_slice %arg4[%dma_wait3A_934, %dma_wait3A_941, %mul3A_208] : memref<50x16x1024xf32, #tpu.memory_space<hbm>> -> memref<1x16x32xf32, #tpu.memory_space<hbm>>
    %dma_wait3A_943 = tpu.memref_squeeze %dma_wait3A_942 : memref<1x16x32xf32, #tpu.memory_space<hbm>> -> memref<16x32xf32, #tpu.memory_space<hbm>>
    %dma_wait3A_944 = arith.constant 176 : i32
    %dma_wait3A_945 = arith.constant 0 : i32
    %dma_wait3A_946 = tpu.memref_slice %arg8[%dma_wait3A_944, %dma_wait3A_945] : memref<800x32xf32, #tpu.memory_space<vmem>> -> memref<16x32xf32, #tpu.memory_space<vmem>>
    tpu.wait_dma2 semaphore(%arg9 : memref<!tpu.dma_semaphore, #tpu.memory_space<semaphore_mem>>) src(%dma_wait3A_946 : memref<16x32xf32, #tpu.memory_space<vmem>>) dst(%dma_wait3A_943 : memref<16x32xf32, #tpu.memory_space<hbm>>)
    %dma_wait3A_947 = arith.constant 12 : i32
    %dma_wait3A_948 = arith.constant 192 : i32
    %dma_wait3A_949 = arith.constant 0 : i32
    %dma_wait3A_950 = tpu.memref_slice %arg8[%dma_wait3A_948, %dma_wait3A_949] : memref<800x32xf32, #tpu.memory_space<vmem>> -> memref<16x32xf32, #tpu.memory_space<vmem>>
    %dma_wait3A_951 = arith.constant 0 : i32
    %dma_wait3A_952 = tpu.memref_slice %arg4[%dma_wait3A_947, %dma_wait3A_951, %mul3A_223] : memref<50x16x1024xf32, #tpu.memory_space<hbm>> -> memref<1x16x32xf32, #tpu.memory_space<hbm>>
    %dma_wait3A_953 = tpu.memref_squeeze %dma_wait3A_952 : memref<1x16x32xf32, #tpu.memory_space<hbm>> -> memref<16x32xf32, #tpu.memory_space<hbm>>
    %dma_wait3A_954 = arith.constant 0 : i32
    %dma_wait3A_955 = tpu.memref_slice %arg4[%dma_wait3A_947, %dma_wait3A_954, %mul3A_223] : memref<50x16x1024xf32, #tpu.memory_space<hbm>> -> memref<1x16x32xf32, #tpu.memory_space<hbm>>
    %dma_wait3A_956 = tpu.memref_squeeze %dma_wait3A_955 : memref<1x16x32xf32, #tpu.memory_space<hbm>> -> memref<16x32xf32, #tpu.memory_space<hbm>>
    %dma_wait3A_957 = arith.constant 192 : i32
    %dma_wait3A_958 = arith.constant 0 : i32
    %dma_wait3A_959 = tpu.memref_slice %arg8[%dma_wait3A_957, %dma_wait3A_958] : memref<800x32xf32, #tpu.memory_space<vmem>> -> memref<16x32xf32, #tpu.memory_space<vmem>>
    tpu.wait_dma2 semaphore(%arg9 : memref<!tpu.dma_semaphore, #tpu.memory_space<semaphore_mem>>) src(%dma_wait3A_959 : memref<16x32xf32, #tpu.memory_space<vmem>>) dst(%dma_wait3A_956 : memref<16x32xf32, #tpu.memory_space<hbm>>)
    %dma_wait3A_960 = arith.constant 13 : i32
    %dma_wait3A_961 = arith.constant 208 : i32
    %dma_wait3A_962 = arith.constant 0 : i32
    %dma_wait3A_963 = tpu.memref_slice %arg8[%dma_wait3A_961, %dma_wait3A_962] : memref<800x32xf32, #tpu.memory_space<vmem>> -> memref<16x32xf32, #tpu.memory_space<vmem>>
    %dma_wait3A_964 = arith.constant 0 : i32
    %dma_wait3A_965 = tpu.memref_slice %arg4[%dma_wait3A_960, %dma_wait3A_964, %mul3A_238] : memref<50x16x1024xf32, #tpu.memory_space<hbm>> -> memref<1x16x32xf32, #tpu.memory_space<hbm>>
    %dma_wait3A_966 = tpu.memref_squeeze %dma_wait3A_965 : memref<1x16x32xf32, #tpu.memory_space<hbm>> -> memref<16x32xf32, #tpu.memory_space<hbm>>
    %dma_wait3A_967 = arith.constant 0 : i32
    %dma_wait3A_968 = tpu.memref_slice %arg4[%dma_wait3A_960, %dma_wait3A_967, %mul3A_238] : memref<50x16x1024xf32, #tpu.memory_space<hbm>> -> memref<1x16x32xf32, #tpu.memory_space<hbm>>
    %dma_wait3A_969 = tpu.memref_squeeze %dma_wait3A_968 : memref<1x16x32xf32, #tpu.memory_space<hbm>> -> memref<16x32xf32, #tpu.memory_space<hbm>>
    %dma_wait3A_970 = arith.constant 208 : i32
    %dma_wait3A_971 = arith.constant 0 : i32
    %dma_wait3A_972 = tpu.memref_slice %arg8[%dma_wait3A_970, %dma_wait3A_971] : memref<800x32xf32, #tpu.memory_space<vmem>> -> memref<16x32xf32, #tpu.memory_space<vmem>>
    tpu.wait_dma2 semaphore(%arg9 : memref<!tpu.dma_semaphore, #tpu.memory_space<semaphore_mem>>) src(%dma_wait3A_972 : memref<16x32xf32, #tpu.memory_space<vmem>>) dst(%dma_wait3A_969 : memref<16x32xf32, #tpu.memory_space<hbm>>)
    %dma_wait3A_973 = arith.constant 14 : i32
    %dma_wait3A_974 = arith.constant 224 : i32
    %dma_wait3A_975 = arith.constant 0 : i32
    %dma_wait3A_976 = tpu.memref_slice %arg8[%dma_wait3A_974, %dma_wait3A_975] : memref<800x32xf32, #tpu.memory_space<vmem>> -> memref<16x32xf32, #tpu.memory_space<vmem>>
    %dma_wait3A_977 = arith.constant 0 : i32
    %dma_wait3A_978 = tpu.memref_slice %arg4[%dma_wait3A_973, %dma_wait3A_977, %mul3A_253] : memref<50x16x1024xf32, #tpu.memory_space<hbm>> -> memref<1x16x32xf32, #tpu.memory_space<hbm>>
    %dma_wait3A_979 = tpu.memref_squeeze %dma_wait3A_978 : memref<1x16x32xf32, #tpu.memory_space<hbm>> -> memref<16x32xf32, #tpu.memory_space<hbm>>
    %dma_wait3A_980 = arith.constant 0 : i32
    %dma_wait3A_981 = tpu.memref_slice %arg4[%dma_wait3A_973, %dma_wait3A_980, %mul3A_253] : memref<50x16x1024xf32, #tpu.memory_space<hbm>> -> memref<1x16x32xf32, #tpu.memory_space<hbm>>
    %dma_wait3A_982 = tpu.memref_squeeze %dma_wait3A_981 : memref<1x16x32xf32, #tpu.memory_space<hbm>> -> memref<16x32xf32, #tpu.memory_space<hbm>>
    %dma_wait3A_983 = arith.constant 224 : i32
    %dma_wait3A_984 = arith.constant 0 : i32
    %dma_wait3A_985 = tpu.memref_slice %arg8[%dma_wait3A_983, %dma_wait3A_984] : memref<800x32xf32, #tpu.memory_space<vmem>> -> memref<16x32xf32, #tpu.memory_space<vmem>>
    tpu.wait_dma2 semaphore(%arg9 : memref<!tpu.dma_semaphore, #tpu.memory_space<semaphore_mem>>) src(%dma_wait3A_985 : memref<16x32xf32, #tpu.memory_space<vmem>>) dst(%dma_wait3A_982 : memref<16x32xf32, #tpu.memory_space<hbm>>)
    %dma_wait3A_986 = arith.constant 15 : i32
    %dma_wait3A_987 = arith.constant 240 : i32
    %dma_wait3A_988 = arith.constant 0 : i32
    %dma_wait3A_989 = tpu.memref_slice %arg8[%dma_wait3A_987, %dma_wait3A_988] : memref<800x32xf32, #tpu.memory_space<vmem>> -> memref<16x32xf32, #tpu.memory_space<vmem>>
    %dma_wait3A_990 = arith.constant 0 : i32
    %dma_wait3A_991 = tpu.memref_slice %arg4[%dma_wait3A_986, %dma_wait3A_990, %mul3A_268] : memref<50x16x1024xf32, #tpu.memory_space<hbm>> -> memref<1x16x32xf32, #tpu.memory_space<hbm>>
    %dma_wait3A_992 = tpu.memref_squeeze %dma_wait3A_991 : memref<1x16x32xf32, #tpu.memory_space<hbm>> -> memref<16x32xf32, #tpu.memory_space<hbm>>
    %dma_wait3A_993 = arith.constant 0 : i32
    %dma_wait3A_994 = tpu.memref_slice %arg4[%dma_wait3A_986, %dma_wait3A_993, %mul3A_268] : memref<50x16x1024xf32, #tpu.memory_space<hbm>> -> memref<1x16x32xf32, #tpu.memory_space<hbm>>
    %dma_wait3A_995 = tpu.memref_squeeze %dma_wait3A_994 : memref<1x16x32xf32, #tpu.memory_space<hbm>> -> memref<16x32xf32, #tpu.memory_space<hbm>>
    %dma_wait3A_996 = arith.constant 240 : i32
    %dma_wait3A_997 = arith.constant 0 : i32
    %dma_wait3A_998 = tpu.memref_slice %arg8[%dma_wait3A_996, %dma_wait3A_997] : memref<800x32xf32, #tpu.memory_space<vmem>> -> memref<16x32xf32, #tpu.memory_space<vmem>>
    tpu.wait_dma2 semaphore(%arg9 : memref<!tpu.dma_semaphore, #tpu.memory_space<semaphore_mem>>) src(%dma_wait3A_998 : memref<16x32xf32, #tpu.memory_space<vmem>>) dst(%dma_wait3A_995 : memref<16x32xf32, #tpu.memory_space<hbm>>)
    %dma_wait3A_999 = arith.constant 16 : i32
    %dma_wait3A_1000 = arith.constant 256 : i32
    %dma_wait3A_1001 = arith.constant 0 : i32
    %dma_wait3A_1002 = tpu.memref_slice %arg8[%dma_wait3A_1000, %dma_wait3A_1001] : memref<800x32xf32, #tpu.memory_space<vmem>> -> memref<16x32xf32, #tpu.memory_space<vmem>>
    %dma_wait3A_1003 = arith.constant 0 : i32
    %dma_wait3A_1004 = tpu.memref_slice %arg4[%dma_wait3A_999, %dma_wait3A_1003, %mul3A_283] : memref<50x16x1024xf32, #tpu.memory_space<hbm>> -> memref<1x16x32xf32, #tpu.memory_space<hbm>>
    %dma_wait3A_1005 = tpu.memref_squeeze %dma_wait3A_1004 : memref<1x16x32xf32, #tpu.memory_space<hbm>> -> memref<16x32xf32, #tpu.memory_space<hbm>>
    %dma_wait3A_1006 = arith.constant 0 : i32
    %dma_wait3A_1007 = tpu.memref_slice %arg4[%dma_wait3A_999, %dma_wait3A_1006, %mul3A_283] : memref<50x16x1024xf32, #tpu.memory_space<hbm>> -> memref<1x16x32xf32, #tpu.memory_space<hbm>>
    %dma_wait3A_1008 = tpu.memref_squeeze %dma_wait3A_1007 : memref<1x16x32xf32, #tpu.memory_space<hbm>> -> memref<16x32xf32, #tpu.memory_space<hbm>>
    %dma_wait3A_1009 = arith.constant 256 : i32
    %dma_wait3A_1010 = arith.constant 0 : i32
    %dma_wait3A_1011 = tpu.memref_slice %arg8[%dma_wait3A_1009, %dma_wait3A_1010] : memref<800x32xf32, #tpu.memory_space<vmem>> -> memref<16x32xf32, #tpu.memory_space<vmem>>
    tpu.wait_dma2 semaphore(%arg9 : memref<!tpu.dma_semaphore, #tpu.memory_space<semaphore_mem>>) src(%dma_wait3A_1011 : memref<16x32xf32, #tpu.memory_space<vmem>>) dst(%dma_wait3A_1008 : memref<16x32xf32, #tpu.memory_space<hbm>>)
    %dma_wait3A_1012 = arith.constant 17 : i32
    %dma_wait3A_1013 = arith.constant 272 : i32
    %dma_wait3A_1014 = arith.constant 0 : i32
    %dma_wait3A_1015 = tpu.memref_slice %arg8[%dma_wait3A_1013, %dma_wait3A_1014] : memref<800x32xf32, #tpu.memory_space<vmem>> -> memref<16x32xf32, #tpu.memory_space<vmem>>
    %dma_wait3A_1016 = arith.constant 0 : i32
    %dma_wait3A_1017 = tpu.memref_slice %arg4[%dma_wait3A_1012, %dma_wait3A_1016, %mul3A_298] : memref<50x16x1024xf32, #tpu.memory_space<hbm>> -> memref<1x16x32xf32, #tpu.memory_space<hbm>>
    %dma_wait3A_1018 = tpu.memref_squeeze %dma_wait3A_1017 : memref<1x16x32xf32, #tpu.memory_space<hbm>> -> memref<16x32xf32, #tpu.memory_space<hbm>>
    %dma_wait3A_1019 = arith.constant 0 : i32
    %dma_wait3A_1020 = tpu.memref_slice %arg4[%dma_wait3A_1012, %dma_wait3A_1019, %mul3A_298] : memref<50x16x1024xf32, #tpu.memory_space<hbm>> -> memref<1x16x32xf32, #tpu.memory_space<hbm>>
    %dma_wait3A_1021 = tpu.memref_squeeze %dma_wait3A_1020 : memref<1x16x32xf32, #tpu.memory_space<hbm>> -> memref<16x32xf32, #tpu.memory_space<hbm>>
    %dma_wait3A_1022 = arith.constant 272 : i32
    %dma_wait3A_1023 = arith.constant 0 : i32
    %dma_wait3A_1024 = tpu.memref_slice %arg8[%dma_wait3A_1022, %dma_wait3A_1023] : memref<800x32xf32, #tpu.memory_space<vmem>> -> memref<16x32xf32, #tpu.memory_space<vmem>>
    tpu.wait_dma2 semaphore(%arg9 : memref<!tpu.dma_semaphore, #tpu.memory_space<semaphore_mem>>) src(%dma_wait3A_1024 : memref<16x32xf32, #tpu.memory_space<vmem>>) dst(%dma_wait3A_1021 : memref<16x32xf32, #tpu.memory_space<hbm>>)
    %dma_wait3A_1025 = arith.constant 18 : i32
    %dma_wait3A_1026 = arith.constant 288 : i32
    %dma_wait3A_1027 = arith.constant 0 : i32
    %dma_wait3A_1028 = tpu.memref_slice %arg8[%dma_wait3A_1026, %dma_wait3A_1027] : memref<800x32xf32, #tpu.memory_space<vmem>> -> memref<16x32xf32, #tpu.memory_space<vmem>>
    %dma_wait3A_1029 = arith.constant 0 : i32
    %dma_wait3A_1030 = tpu.memref_slice %arg4[%dma_wait3A_1025, %dma_wait3A_1029, %mul3A_313] : memref<50x16x1024xf32, #tpu.memory_space<hbm>> -> memref<1x16x32xf32, #tpu.memory_space<hbm>>
    %dma_wait3A_1031 = tpu.memref_squeeze %dma_wait3A_1030 : memref<1x16x32xf32, #tpu.memory_space<hbm>> -> memref<16x32xf32, #tpu.memory_space<hbm>>
    %dma_wait3A_1032 = arith.constant 0 : i32
    %dma_wait3A_1033 = tpu.memref_slice %arg4[%dma_wait3A_1025, %dma_wait3A_1032, %mul3A_313] : memref<50x16x1024xf32, #tpu.memory_space<hbm>> -> memref<1x16x32xf32, #tpu.memory_space<hbm>>
    %dma_wait3A_1034 = tpu.memref_squeeze %dma_wait3A_1033 : memref<1x16x32xf32, #tpu.memory_space<hbm>> -> memref<16x32xf32, #tpu.memory_space<hbm>>
    %dma_wait3A_1035 = arith.constant 288 : i32
    %dma_wait3A_1036 = arith.constant 0 : i32
    %dma_wait3A_1037 = tpu.memref_slice %arg8[%dma_wait3A_1035, %dma_wait3A_1036] : memref<800x32xf32, #tpu.memory_space<vmem>> -> memref<16x32xf32, #tpu.memory_space<vmem>>
    tpu.wait_dma2 semaphore(%arg9 : memref<!tpu.dma_semaphore, #tpu.memory_space<semaphore_mem>>) src(%dma_wait3A_1037 : memref<16x32xf32, #tpu.memory_space<vmem>>) dst(%dma_wait3A_1034 : memref<16x32xf32, #tpu.memory_space<hbm>>)
    %dma_wait3A_1038 = arith.constant 19 : i32
    %dma_wait3A_1039 = arith.constant 304 : i32
    %dma_wait3A_1040 = arith.constant 0 : i32
    %dma_wait3A_1041 = tpu.memref_slice %arg8[%dma_wait3A_1039, %dma_wait3A_1040] : memref<800x32xf32, #tpu.memory_space<vmem>> -> memref<16x32xf32, #tpu.memory_space<vmem>>
    %dma_wait3A_1042 = arith.constant 0 : i32
    %dma_wait3A_1043 = tpu.memref_slice %arg4[%dma_wait3A_1038, %dma_wait3A_1042, %mul3A_328] : memref<50x16x1024xf32, #tpu.memory_space<hbm>> -> memref<1x16x32xf32, #tpu.memory_space<hbm>>
    %dma_wait3A_1044 = tpu.memref_squeeze %dma_wait3A_1043 : memref<1x16x32xf32, #tpu.memory_space<hbm>> -> memref<16x32xf32, #tpu.memory_space<hbm>>
    %dma_wait3A_1045 = arith.constant 0 : i32
    %dma_wait3A_1046 = tpu.memref_slice %arg4[%dma_wait3A_1038, %dma_wait3A_1045, %mul3A_328] : memref<50x16x1024xf32, #tpu.memory_space<hbm>> -> memref<1x16x32xf32, #tpu.memory_space<hbm>>
    %dma_wait3A_1047 = tpu.memref_squeeze %dma_wait3A_1046 : memref<1x16x32xf32, #tpu.memory_space<hbm>> -> memref<16x32xf32, #tpu.memory_space<hbm>>
    %dma_wait3A_1048 = arith.constant 304 : i32
    %dma_wait3A_1049 = arith.constant 0 : i32
    %dma_wait3A_1050 = tpu.memref_slice %arg8[%dma_wait3A_1048, %dma_wait3A_1049] : memref<800x32xf32, #tpu.memory_space<vmem>> -> memref<16x32xf32, #tpu.memory_space<vmem>>
    tpu.wait_dma2 semaphore(%arg9 : memref<!tpu.dma_semaphore, #tpu.memory_space<semaphore_mem>>) src(%dma_wait3A_1050 : memref<16x32xf32, #tpu.memory_space<vmem>>) dst(%dma_wait3A_1047 : memref<16x32xf32, #tpu.memory_space<hbm>>)
    %dma_wait3A_1051 = arith.constant 20 : i32
    %dma_wait3A_1052 = arith.constant 320 : i32
    %dma_wait3A_1053 = arith.constant 0 : i32
    %dma_wait3A_1054 = tpu.memref_slice %arg8[%dma_wait3A_1052, %dma_wait3A_1053] : memref<800x32xf32, #tpu.memory_space<vmem>> -> memref<16x32xf32, #tpu.memory_space<vmem>>
    %dma_wait3A_1055 = arith.constant 0 : i32
    %dma_wait3A_1056 = tpu.memref_slice %arg4[%dma_wait3A_1051, %dma_wait3A_1055, %mul3A_343] : memref<50x16x1024xf32, #tpu.memory_space<hbm>> -> memref<1x16x32xf32, #tpu.memory_space<hbm>>
    %dma_wait3A_1057 = tpu.memref_squeeze %dma_wait3A_1056 : memref<1x16x32xf32, #tpu.memory_space<hbm>> -> memref<16x32xf32, #tpu.memory_space<hbm>>
    %dma_wait3A_1058 = arith.constant 0 : i32
    %dma_wait3A_1059 = tpu.memref_slice %arg4[%dma_wait3A_1051, %dma_wait3A_1058, %mul3A_343] : memref<50x16x1024xf32, #tpu.memory_space<hbm>> -> memref<1x16x32xf32, #tpu.memory_space<hbm>>
    %dma_wait3A_1060 = tpu.memref_squeeze %dma_wait3A_1059 : memref<1x16x32xf32, #tpu.memory_space<hbm>> -> memref<16x32xf32, #tpu.memory_space<hbm>>
    %dma_wait3A_1061 = arith.constant 320 : i32
    %dma_wait3A_1062 = arith.constant 0 : i32
    %dma_wait3A_1063 = tpu.memref_slice %arg8[%dma_wait3A_1061, %dma_wait3A_1062] : memref<800x32xf32, #tpu.memory_space<vmem>> -> memref<16x32xf32, #tpu.memory_space<vmem>>
    tpu.wait_dma2 semaphore(%arg9 : memref<!tpu.dma_semaphore, #tpu.memory_space<semaphore_mem>>) src(%dma_wait3A_1063 : memref<16x32xf32, #tpu.memory_space<vmem>>) dst(%dma_wait3A_1060 : memref<16x32xf32, #tpu.memory_space<hbm>>)
    %dma_wait3A_1064 = arith.constant 21 : i32
    %dma_wait3A_1065 = arith.constant 336 : i32
    %dma_wait3A_1066 = arith.constant 0 : i32
    %dma_wait3A_1067 = tpu.memref_slice %arg8[%dma_wait3A_1065, %dma_wait3A_1066] : memref<800x32xf32, #tpu.memory_space<vmem>> -> memref<16x32xf32, #tpu.memory_space<vmem>>
    %dma_wait3A_1068 = arith.constant 0 : i32
    %dma_wait3A_1069 = tpu.memref_slice %arg4[%dma_wait3A_1064, %dma_wait3A_1068, %mul3A_358] : memref<50x16x1024xf32, #tpu.memory_space<hbm>> -> memref<1x16x32xf32, #tpu.memory_space<hbm>>
    %dma_wait3A_1070 = tpu.memref_squeeze %dma_wait3A_1069 : memref<1x16x32xf32, #tpu.memory_space<hbm>> -> memref<16x32xf32, #tpu.memory_space<hbm>>
    %dma_wait3A_1071 = arith.constant 0 : i32
    %dma_wait3A_1072 = tpu.memref_slice %arg4[%dma_wait3A_1064, %dma_wait3A_1071, %mul3A_358] : memref<50x16x1024xf32, #tpu.memory_space<hbm>> -> memref<1x16x32xf32, #tpu.memory_space<hbm>>
    %dma_wait3A_1073 = tpu.memref_squeeze %dma_wait3A_1072 : memref<1x16x32xf32, #tpu.memory_space<hbm>> -> memref<16x32xf32, #tpu.memory_space<hbm>>
    %dma_wait3A_1074 = arith.constant 336 : i32
    %dma_wait3A_1075 = arith.constant 0 : i32
    %dma_wait3A_1076 = tpu.memref_slice %arg8[%dma_wait3A_1074, %dma_wait3A_1075] : memref<800x32xf32, #tpu.memory_space<vmem>> -> memref<16x32xf32, #tpu.memory_space<vmem>>
    tpu.wait_dma2 semaphore(%arg9 : memref<!tpu.dma_semaphore, #tpu.memory_space<semaphore_mem>>) src(%dma_wait3A_1076 : memref<16x32xf32, #tpu.memory_space<vmem>>) dst(%dma_wait3A_1073 : memref<16x32xf32, #tpu.memory_space<hbm>>)
    %dma_wait3A_1077 = arith.constant 22 : i32
    %dma_wait3A_1078 = arith.constant 352 : i32
    %dma_wait3A_1079 = arith.constant 0 : i32
    %dma_wait3A_1080 = tpu.memref_slice %arg8[%dma_wait3A_1078, %dma_wait3A_1079] : memref<800x32xf32, #tpu.memory_space<vmem>> -> memref<16x32xf32, #tpu.memory_space<vmem>>
    %dma_wait3A_1081 = arith.constant 0 : i32
    %dma_wait3A_1082 = tpu.memref_slice %arg4[%dma_wait3A_1077, %dma_wait3A_1081, %mul3A_373] : memref<50x16x1024xf32, #tpu.memory_space<hbm>> -> memref<1x16x32xf32, #tpu.memory_space<hbm>>
    %dma_wait3A_1083 = tpu.memref_squeeze %dma_wait3A_1082 : memref<1x16x32xf32, #tpu.memory_space<hbm>> -> memref<16x32xf32, #tpu.memory_space<hbm>>
    %dma_wait3A_1084 = arith.constant 0 : i32
    %dma_wait3A_1085 = tpu.memref_slice %arg4[%dma_wait3A_1077, %dma_wait3A_1084, %mul3A_373] : memref<50x16x1024xf32, #tpu.memory_space<hbm>> -> memref<1x16x32xf32, #tpu.memory_space<hbm>>
    %dma_wait3A_1086 = tpu.memref_squeeze %dma_wait3A_1085 : memref<1x16x32xf32, #tpu.memory_space<hbm>> -> memref<16x32xf32, #tpu.memory_space<hbm>>
    %dma_wait3A_1087 = arith.constant 352 : i32
    %dma_wait3A_1088 = arith.constant 0 : i32
    %dma_wait3A_1089 = tpu.memref_slice %arg8[%dma_wait3A_1087, %dma_wait3A_1088] : memref<800x32xf32, #tpu.memory_space<vmem>> -> memref<16x32xf32, #tpu.memory_space<vmem>>
    tpu.wait_dma2 semaphore(%arg9 : memref<!tpu.dma_semaphore, #tpu.memory_space<semaphore_mem>>) src(%dma_wait3A_1089 : memref<16x32xf32, #tpu.memory_space<vmem>>) dst(%dma_wait3A_1086 : memref<16x32xf32, #tpu.memory_space<hbm>>)
    %dma_wait3A_1090 = arith.constant 23 : i32
    %dma_wait3A_1091 = arith.constant 368 : i32
    %dma_wait3A_1092 = arith.constant 0 : i32
    %dma_wait3A_1093 = tpu.memref_slice %arg8[%dma_wait3A_1091, %dma_wait3A_1092] : memref<800x32xf32, #tpu.memory_space<vmem>> -> memref<16x32xf32, #tpu.memory_space<vmem>>
    %dma_wait3A_1094 = arith.constant 0 : i32
    %dma_wait3A_1095 = tpu.memref_slice %arg4[%dma_wait3A_1090, %dma_wait3A_1094, %mul3A_388] : memref<50x16x1024xf32, #tpu.memory_space<hbm>> -> memref<1x16x32xf32, #tpu.memory_space<hbm>>
    %dma_wait3A_1096 = tpu.memref_squeeze %dma_wait3A_1095 : memref<1x16x32xf32, #tpu.memory_space<hbm>> -> memref<16x32xf32, #tpu.memory_space<hbm>>
    %dma_wait3A_1097 = arith.constant 0 : i32
    %dma_wait3A_1098 = tpu.memref_slice %arg4[%dma_wait3A_1090, %dma_wait3A_1097, %mul3A_388] : memref<50x16x1024xf32, #tpu.memory_space<hbm>> -> memref<1x16x32xf32, #tpu.memory_space<hbm>>
    %dma_wait3A_1099 = tpu.memref_squeeze %dma_wait3A_1098 : memref<1x16x32xf32, #tpu.memory_space<hbm>> -> memref<16x32xf32, #tpu.memory_space<hbm>>
    %dma_wait3A_1100 = arith.constant 368 : i32
    %dma_wait3A_1101 = arith.constant 0 : i32
    %dma_wait3A_1102 = tpu.memref_slice %arg8[%dma_wait3A_1100, %dma_wait3A_1101] : memref<800x32xf32, #tpu.memory_space<vmem>> -> memref<16x32xf32, #tpu.memory_space<vmem>>
    tpu.wait_dma2 semaphore(%arg9 : memref<!tpu.dma_semaphore, #tpu.memory_space<semaphore_mem>>) src(%dma_wait3A_1102 : memref<16x32xf32, #tpu.memory_space<vmem>>) dst(%dma_wait3A_1099 : memref<16x32xf32, #tpu.memory_space<hbm>>)
    %dma_wait3A_1103 = arith.constant 24 : i32
    %dma_wait3A_1104 = arith.constant 384 : i32
    %dma_wait3A_1105 = arith.constant 0 : i32
    %dma_wait3A_1106 = tpu.memref_slice %arg8[%dma_wait3A_1104, %dma_wait3A_1105] : memref<800x32xf32, #tpu.memory_space<vmem>> -> memref<16x32xf32, #tpu.memory_space<vmem>>
    %dma_wait3A_1107 = arith.constant 0 : i32
    %dma_wait3A_1108 = tpu.memref_slice %arg4[%dma_wait3A_1103, %dma_wait3A_1107, %mul3A_403] : memref<50x16x1024xf32, #tpu.memory_space<hbm>> -> memref<1x16x32xf32, #tpu.memory_space<hbm>>
    %dma_wait3A_1109 = tpu.memref_squeeze %dma_wait3A_1108 : memref<1x16x32xf32, #tpu.memory_space<hbm>> -> memref<16x32xf32, #tpu.memory_space<hbm>>
    %dma_wait3A_1110 = arith.constant 0 : i32
    %dma_wait3A_1111 = tpu.memref_slice %arg4[%dma_wait3A_1103, %dma_wait3A_1110, %mul3A_403] : memref<50x16x1024xf32, #tpu.memory_space<hbm>> -> memref<1x16x32xf32, #tpu.memory_space<hbm>>
    %dma_wait3A_1112 = tpu.memref_squeeze %dma_wait3A_1111 : memref<1x16x32xf32, #tpu.memory_space<hbm>> -> memref<16x32xf32, #tpu.memory_space<hbm>>
    %dma_wait3A_1113 = arith.constant 384 : i32
    %dma_wait3A_1114 = arith.constant 0 : i32
    %dma_wait3A_1115 = tpu.memref_slice %arg8[%dma_wait3A_1113, %dma_wait3A_1114] : memref<800x32xf32, #tpu.memory_space<vmem>> -> memref<16x32xf32, #tpu.memory_space<vmem>>
    tpu.wait_dma2 semaphore(%arg9 : memref<!tpu.dma_semaphore, #tpu.memory_space<semaphore_mem>>) src(%dma_wait3A_1115 : memref<16x32xf32, #tpu.memory_space<vmem>>) dst(%dma_wait3A_1112 : memref<16x32xf32, #tpu.memory_space<hbm>>)
    %dma_wait3A_1116 = arith.constant 25 : i32
    %dma_wait3A_1117 = arith.constant 400 : i32
    %dma_wait3A_1118 = arith.constant 0 : i32
    %dma_wait3A_1119 = tpu.memref_slice %arg8[%dma_wait3A_1117, %dma_wait3A_1118] : memref<800x32xf32, #tpu.memory_space<vmem>> -> memref<16x32xf32, #tpu.memory_space<vmem>>
    %dma_wait3A_1120 = arith.constant 0 : i32
    %dma_wait3A_1121 = tpu.memref_slice %arg4[%dma_wait3A_1116, %dma_wait3A_1120, %mul3A_418] : memref<50x16x1024xf32, #tpu.memory_space<hbm>> -> memref<1x16x32xf32, #tpu.memory_space<hbm>>
    %dma_wait3A_1122 = tpu.memref_squeeze %dma_wait3A_1121 : memref<1x16x32xf32, #tpu.memory_space<hbm>> -> memref<16x32xf32, #tpu.memory_space<hbm>>
    %dma_wait3A_1123 = arith.constant 0 : i32
    %dma_wait3A_1124 = tpu.memref_slice %arg4[%dma_wait3A_1116, %dma_wait3A_1123, %mul3A_418] : memref<50x16x1024xf32, #tpu.memory_space<hbm>> -> memref<1x16x32xf32, #tpu.memory_space<hbm>>
    %dma_wait3A_1125 = tpu.memref_squeeze %dma_wait3A_1124 : memref<1x16x32xf32, #tpu.memory_space<hbm>> -> memref<16x32xf32, #tpu.memory_space<hbm>>
    %dma_wait3A_1126 = arith.constant 400 : i32
    %dma_wait3A_1127 = arith.constant 0 : i32
    %dma_wait3A_1128 = tpu.memref_slice %arg8[%dma_wait3A_1126, %dma_wait3A_1127] : memref<800x32xf32, #tpu.memory_space<vmem>> -> memref<16x32xf32, #tpu.memory_space<vmem>>
    tpu.wait_dma2 semaphore(%arg9 : memref<!tpu.dma_semaphore, #tpu.memory_space<semaphore_mem>>) src(%dma_wait3A_1128 : memref<16x32xf32, #tpu.memory_space<vmem>>) dst(%dma_wait3A_1125 : memref<16x32xf32, #tpu.memory_space<hbm>>)
    %dma_wait3A_1129 = arith.constant 26 : i32
    %dma_wait3A_1130 = arith.constant 416 : i32
    %dma_wait3A_1131 = arith.constant 0 : i32
    %dma_wait3A_1132 = tpu.memref_slice %arg8[%dma_wait3A_1130, %dma_wait3A_1131] : memref<800x32xf32, #tpu.memory_space<vmem>> -> memref<16x32xf32, #tpu.memory_space<vmem>>
    %dma_wait3A_1133 = arith.constant 0 : i32
    %dma_wait3A_1134 = tpu.memref_slice %arg4[%dma_wait3A_1129, %dma_wait3A_1133, %mul3A_433] : memref<50x16x1024xf32, #tpu.memory_space<hbm>> -> memref<1x16x32xf32, #tpu.memory_space<hbm>>
    %dma_wait3A_1135 = tpu.memref_squeeze %dma_wait3A_1134 : memref<1x16x32xf32, #tpu.memory_space<hbm>> -> memref<16x32xf32, #tpu.memory_space<hbm>>
    %dma_wait3A_1136 = arith.constant 0 : i32
    %dma_wait3A_1137 = tpu.memref_slice %arg4[%dma_wait3A_1129, %dma_wait3A_1136, %mul3A_433] : memref<50x16x1024xf32, #tpu.memory_space<hbm>> -> memref<1x16x32xf32, #tpu.memory_space<hbm>>
    %dma_wait3A_1138 = tpu.memref_squeeze %dma_wait3A_1137 : memref<1x16x32xf32, #tpu.memory_space<hbm>> -> memref<16x32xf32, #tpu.memory_space<hbm>>
    %dma_wait3A_1139 = arith.constant 416 : i32
    %dma_wait3A_1140 = arith.constant 0 : i32
    %dma_wait3A_1141 = tpu.memref_slice %arg8[%dma_wait3A_1139, %dma_wait3A_1140] : memref<800x32xf32, #tpu.memory_space<vmem>> -> memref<16x32xf32, #tpu.memory_space<vmem>>
    tpu.wait_dma2 semaphore(%arg9 : memref<!tpu.dma_semaphore, #tpu.memory_space<semaphore_mem>>) src(%dma_wait3A_1141 : memref<16x32xf32, #tpu.memory_space<vmem>>) dst(%dma_wait3A_1138 : memref<16x32xf32, #tpu.memory_space<hbm>>)
    %dma_wait3A_1142 = arith.constant 27 : i32
    %dma_wait3A_1143 = arith.constant 432 : i32
    %dma_wait3A_1144 = arith.constant 0 : i32
    %dma_wait3A_1145 = tpu.memref_slice %arg8[%dma_wait3A_1143, %dma_wait3A_1144] : memref<800x32xf32, #tpu.memory_space<vmem>> -> memref<16x32xf32, #tpu.memory_space<vmem>>
    %dma_wait3A_1146 = arith.constant 0 : i32
    %dma_wait3A_1147 = tpu.memref_slice %arg4[%dma_wait3A_1142, %dma_wait3A_1146, %mul3A_448] : memref<50x16x1024xf32, #tpu.memory_space<hbm>> -> memref<1x16x32xf32, #tpu.memory_space<hbm>>
    %dma_wait3A_1148 = tpu.memref_squeeze %dma_wait3A_1147 : memref<1x16x32xf32, #tpu.memory_space<hbm>> -> memref<16x32xf32, #tpu.memory_space<hbm>>
    %dma_wait3A_1149 = arith.constant 0 : i32
    %dma_wait3A_1150 = tpu.memref_slice %arg4[%dma_wait3A_1142, %dma_wait3A_1149, %mul3A_448] : memref<50x16x1024xf32, #tpu.memory_space<hbm>> -> memref<1x16x32xf32, #tpu.memory_space<hbm>>
    %dma_wait3A_1151 = tpu.memref_squeeze %dma_wait3A_1150 : memref<1x16x32xf32, #tpu.memory_space<hbm>> -> memref<16x32xf32, #tpu.memory_space<hbm>>
    %dma_wait3A_1152 = arith.constant 432 : i32
    %dma_wait3A_1153 = arith.constant 0 : i32
    %dma_wait3A_1154 = tpu.memref_slice %arg8[%dma_wait3A_1152, %dma_wait3A_1153] : memref<800x32xf32, #tpu.memory_space<vmem>> -> memref<16x32xf32, #tpu.memory_space<vmem>>
    tpu.wait_dma2 semaphore(%arg9 : memref<!tpu.dma_semaphore, #tpu.memory_space<semaphore_mem>>) src(%dma_wait3A_1154 : memref<16x32xf32, #tpu.memory_space<vmem>>) dst(%dma_wait3A_1151 : memref<16x32xf32, #tpu.memory_space<hbm>>)
    %dma_wait3A_1155 = arith.constant 28 : i32
    %dma_wait3A_1156 = arith.constant 448 : i32
    %dma_wait3A_1157 = arith.constant 0 : i32
    %dma_wait3A_1158 = tpu.memref_slice %arg8[%dma_wait3A_1156, %dma_wait3A_1157] : memref<800x32xf32, #tpu.memory_space<vmem>> -> memref<16x32xf32, #tpu.memory_space<vmem>>
    %dma_wait3A_1159 = arith.constant 0 : i32
    %dma_wait3A_1160 = tpu.memref_slice %arg4[%dma_wait3A_1155, %dma_wait3A_1159, %mul3A_463] : memref<50x16x1024xf32, #tpu.memory_space<hbm>> -> memref<1x16x32xf32, #tpu.memory_space<hbm>>
    %dma_wait3A_1161 = tpu.memref_squeeze %dma_wait3A_1160 : memref<1x16x32xf32, #tpu.memory_space<hbm>> -> memref<16x32xf32, #tpu.memory_space<hbm>>
    %dma_wait3A_1162 = arith.constant 0 : i32
    %dma_wait3A_1163 = tpu.memref_slice %arg4[%dma_wait3A_1155, %dma_wait3A_1162, %mul3A_463] : memref<50x16x1024xf32, #tpu.memory_space<hbm>> -> memref<1x16x32xf32, #tpu.memory_space<hbm>>
    %dma_wait3A_1164 = tpu.memref_squeeze %dma_wait3A_1163 : memref<1x16x32xf32, #tpu.memory_space<hbm>> -> memref<16x32xf32, #tpu.memory_space<hbm>>
    %dma_wait3A_1165 = arith.constant 448 : i32
    %dma_wait3A_1166 = arith.constant 0 : i32
    %dma_wait3A_1167 = tpu.memref_slice %arg8[%dma_wait3A_1165, %dma_wait3A_1166] : memref<800x32xf32, #tpu.memory_space<vmem>> -> memref<16x32xf32, #tpu.memory_space<vmem>>
    tpu.wait_dma2 semaphore(%arg9 : memref<!tpu.dma_semaphore, #tpu.memory_space<semaphore_mem>>) src(%dma_wait3A_1167 : memref<16x32xf32, #tpu.memory_space<vmem>>) dst(%dma_wait3A_1164 : memref<16x32xf32, #tpu.memory_space<hbm>>)
    %dma_wait3A_1168 = arith.constant 29 : i32
    %dma_wait3A_1169 = arith.constant 464 : i32
    %dma_wait3A_1170 = arith.constant 0 : i32
    %dma_wait3A_1171 = tpu.memref_slice %arg8[%dma_wait3A_1169, %dma_wait3A_1170] : memref<800x32xf32, #tpu.memory_space<vmem>> -> memref<16x32xf32, #tpu.memory_space<vmem>>
    %dma_wait3A_1172 = arith.constant 0 : i32
    %dma_wait3A_1173 = tpu.memref_slice %arg4[%dma_wait3A_1168, %dma_wait3A_1172, %mul3A_478] : memref<50x16x1024xf32, #tpu.memory_space<hbm>> -> memref<1x16x32xf32, #tpu.memory_space<hbm>>
    %dma_wait3A_1174 = tpu.memref_squeeze %dma_wait3A_1173 : memref<1x16x32xf32, #tpu.memory_space<hbm>> -> memref<16x32xf32, #tpu.memory_space<hbm>>
    %dma_wait3A_1175 = arith.constant 0 : i32
    %dma_wait3A_1176 = tpu.memref_slice %arg4[%dma_wait3A_1168, %dma_wait3A_1175, %mul3A_478] : memref<50x16x1024xf32, #tpu.memory_space<hbm>> -> memref<1x16x32xf32, #tpu.memory_space<hbm>>
    %dma_wait3A_1177 = tpu.memref_squeeze %dma_wait3A_1176 : memref<1x16x32xf32, #tpu.memory_space<hbm>> -> memref<16x32xf32, #tpu.memory_space<hbm>>
    %dma_wait3A_1178 = arith.constant 464 : i32
    %dma_wait3A_1179 = arith.constant 0 : i32
    %dma_wait3A_1180 = tpu.memref_slice %arg8[%dma_wait3A_1178, %dma_wait3A_1179] : memref<800x32xf32, #tpu.memory_space<vmem>> -> memref<16x32xf32, #tpu.memory_space<vmem>>
    tpu.wait_dma2 semaphore(%arg9 : memref<!tpu.dma_semaphore, #tpu.memory_space<semaphore_mem>>) src(%dma_wait3A_1180 : memref<16x32xf32, #tpu.memory_space<vmem>>) dst(%dma_wait3A_1177 : memref<16x32xf32, #tpu.memory_space<hbm>>)
    %dma_wait3A_1181 = arith.constant 30 : i32
    %dma_wait3A_1182 = arith.constant 480 : i32
    %dma_wait3A_1183 = arith.constant 0 : i32
    %dma_wait3A_1184 = tpu.memref_slice %arg8[%dma_wait3A_1182, %dma_wait3A_1183] : memref<800x32xf32, #tpu.memory_space<vmem>> -> memref<16x32xf32, #tpu.memory_space<vmem>>
    %dma_wait3A_1185 = arith.constant 0 : i32
    %dma_wait3A_1186 = tpu.memref_slice %arg4[%dma_wait3A_1181, %dma_wait3A_1185, %mul3A_493] : memref<50x16x1024xf32, #tpu.memory_space<hbm>> -> memref<1x16x32xf32, #tpu.memory_space<hbm>>
    %dma_wait3A_1187 = tpu.memref_squeeze %dma_wait3A_1186 : memref<1x16x32xf32, #tpu.memory_space<hbm>> -> memref<16x32xf32, #tpu.memory_space<hbm>>
    %dma_wait3A_1188 = arith.constant 0 : i32
    %dma_wait3A_1189 = tpu.memref_slice %arg4[%dma_wait3A_1181, %dma_wait3A_1188, %mul3A_493] : memref<50x16x1024xf32, #tpu.memory_space<hbm>> -> memref<1x16x32xf32, #tpu.memory_space<hbm>>
    %dma_wait3A_1190 = tpu.memref_squeeze %dma_wait3A_1189 : memref<1x16x32xf32, #tpu.memory_space<hbm>> -> memref<16x32xf32, #tpu.memory_space<hbm>>
    %dma_wait3A_1191 = arith.constant 480 : i32
    %dma_wait3A_1192 = arith.constant 0 : i32
    %dma_wait3A_1193 = tpu.memref_slice %arg8[%dma_wait3A_1191, %dma_wait3A_1192] : memref<800x32xf32, #tpu.memory_space<vmem>> -> memref<16x32xf32, #tpu.memory_space<vmem>>
    tpu.wait_dma2 semaphore(%arg9 : memref<!tpu.dma_semaphore, #tpu.memory_space<semaphore_mem>>) src(%dma_wait3A_1193 : memref<16x32xf32, #tpu.memory_space<vmem>>) dst(%dma_wait3A_1190 : memref<16x32xf32, #tpu.memory_space<hbm>>)
    %dma_wait3A_1194 = arith.constant 31 : i32
    %dma_wait3A_1195 = arith.constant 496 : i32
    %dma_wait3A_1196 = arith.constant 0 : i32
    %dma_wait3A_1197 = tpu.memref_slice %arg8[%dma_wait3A_1195, %dma_wait3A_1196] : memref<800x32xf32, #tpu.memory_space<vmem>> -> memref<16x32xf32, #tpu.memory_space<vmem>>
    %dma_wait3A_1198 = arith.constant 0 : i32
    %dma_wait3A_1199 = tpu.memref_slice %arg4[%dma_wait3A_1194, %dma_wait3A_1198, %mul3A_508] : memref<50x16x1024xf32, #tpu.memory_space<hbm>> -> memref<1x16x32xf32, #tpu.memory_space<hbm>>
    %dma_wait3A_1200 = tpu.memref_squeeze %dma_wait3A_1199 : memref<1x16x32xf32, #tpu.memory_space<hbm>> -> memref<16x32xf32, #tpu.memory_space<hbm>>
    %dma_wait3A_1201 = arith.constant 0 : i32
    %dma_wait3A_1202 = tpu.memref_slice %arg4[%dma_wait3A_1194, %dma_wait3A_1201, %mul3A_508] : memref<50x16x1024xf32, #tpu.memory_space<hbm>> -> memref<1x16x32xf32, #tpu.memory_space<hbm>>
    %dma_wait3A_1203 = tpu.memref_squeeze %dma_wait3A_1202 : memref<1x16x32xf32, #tpu.memory_space<hbm>> -> memref<16x32xf32, #tpu.memory_space<hbm>>
    %dma_wait3A_1204 = arith.constant 496 : i32
    %dma_wait3A_1205 = arith.constant 0 : i32
    %dma_wait3A_1206 = tpu.memref_slice %arg8[%dma_wait3A_1204, %dma_wait3A_1205] : memref<800x32xf32, #tpu.memory_space<vmem>> -> memref<16x32xf32, #tpu.memory_space<vmem>>
    tpu.wait_dma2 semaphore(%arg9 : memref<!tpu.dma_semaphore, #tpu.memory_space<semaphore_mem>>) src(%dma_wait3A_1206 : memref<16x32xf32, #tpu.memory_space<vmem>>) dst(%dma_wait3A_1203 : memref<16x32xf32, #tpu.memory_space<hbm>>)
    %dma_wait3A_1207 = arith.constant 32 : i32
    %dma_wait3A_1208 = arith.constant 512 : i32
    %dma_wait3A_1209 = arith.constant 0 : i32
    %dma_wait3A_1210 = tpu.memref_slice %arg8[%dma_wait3A_1208, %dma_wait3A_1209] : memref<800x32xf32, #tpu.memory_space<vmem>> -> memref<16x32xf32, #tpu.memory_space<vmem>>
    %dma_wait3A_1211 = arith.constant 0 : i32
    %dma_wait3A_1212 = tpu.memref_slice %arg4[%dma_wait3A_1207, %dma_wait3A_1211, %mul3A_523] : memref<50x16x1024xf32, #tpu.memory_space<hbm>> -> memref<1x16x32xf32, #tpu.memory_space<hbm>>
    %dma_wait3A_1213 = tpu.memref_squeeze %dma_wait3A_1212 : memref<1x16x32xf32, #tpu.memory_space<hbm>> -> memref<16x32xf32, #tpu.memory_space<hbm>>
    %dma_wait3A_1214 = arith.constant 0 : i32
    %dma_wait3A_1215 = tpu.memref_slice %arg4[%dma_wait3A_1207, %dma_wait3A_1214, %mul3A_523] : memref<50x16x1024xf32, #tpu.memory_space<hbm>> -> memref<1x16x32xf32, #tpu.memory_space<hbm>>
    %dma_wait3A_1216 = tpu.memref_squeeze %dma_wait3A_1215 : memref<1x16x32xf32, #tpu.memory_space<hbm>> -> memref<16x32xf32, #tpu.memory_space<hbm>>
    %dma_wait3A_1217 = arith.constant 512 : i32
    %dma_wait3A_1218 = arith.constant 0 : i32
    %dma_wait3A_1219 = tpu.memref_slice %arg8[%dma_wait3A_1217, %dma_wait3A_1218] : memref<800x32xf32, #tpu.memory_space<vmem>> -> memref<16x32xf32, #tpu.memory_space<vmem>>
    tpu.wait_dma2 semaphore(%arg9 : memref<!tpu.dma_semaphore, #tpu.memory_space<semaphore_mem>>) src(%dma_wait3A_1219 : memref<16x32xf32, #tpu.memory_space<vmem>>) dst(%dma_wait3A_1216 : memref<16x32xf32, #tpu.memory_space<hbm>>)
    %dma_wait3A_1220 = arith.constant 33 : i32
    %dma_wait3A_1221 = arith.constant 528 : i32
    %dma_wait3A_1222 = arith.constant 0 : i32
    %dma_wait3A_1223 = tpu.memref_slice %arg8[%dma_wait3A_1221, %dma_wait3A_1222] : memref<800x32xf32, #tpu.memory_space<vmem>> -> memref<16x32xf32, #tpu.memory_space<vmem>>
    %dma_wait3A_1224 = arith.constant 0 : i32
    %dma_wait3A_1225 = tpu.memref_slice %arg4[%dma_wait3A_1220, %dma_wait3A_1224, %mul3A_538] : memref<50x16x1024xf32, #tpu.memory_space<hbm>> -> memref<1x16x32xf32, #tpu.memory_space<hbm>>
    %dma_wait3A_1226 = tpu.memref_squeeze %dma_wait3A_1225 : memref<1x16x32xf32, #tpu.memory_space<hbm>> -> memref<16x32xf32, #tpu.memory_space<hbm>>
    %dma_wait3A_1227 = arith.constant 0 : i32
    %dma_wait3A_1228 = tpu.memref_slice %arg4[%dma_wait3A_1220, %dma_wait3A_1227, %mul3A_538] : memref<50x16x1024xf32, #tpu.memory_space<hbm>> -> memref<1x16x32xf32, #tpu.memory_space<hbm>>
    %dma_wait3A_1229 = tpu.memref_squeeze %dma_wait3A_1228 : memref<1x16x32xf32, #tpu.memory_space<hbm>> -> memref<16x32xf32, #tpu.memory_space<hbm>>
    %dma_wait3A_1230 = arith.constant 528 : i32
    %dma_wait3A_1231 = arith.constant 0 : i32
    %dma_wait3A_1232 = tpu.memref_slice %arg8[%dma_wait3A_1230, %dma_wait3A_1231] : memref<800x32xf32, #tpu.memory_space<vmem>> -> memref<16x32xf32, #tpu.memory_space<vmem>>
    tpu.wait_dma2 semaphore(%arg9 : memref<!tpu.dma_semaphore, #tpu.memory_space<semaphore_mem>>) src(%dma_wait3A_1232 : memref<16x32xf32, #tpu.memory_space<vmem>>) dst(%dma_wait3A_1229 : memref<16x32xf32, #tpu.memory_space<hbm>>)
    %dma_wait3A_1233 = arith.constant 34 : i32
    %dma_wait3A_1234 = arith.constant 544 : i32
    %dma_wait3A_1235 = arith.constant 0 : i32
    %dma_wait3A_1236 = tpu.memref_slice %arg8[%dma_wait3A_1234, %dma_wait3A_1235] : memref<800x32xf32, #tpu.memory_space<vmem>> -> memref<16x32xf32, #tpu.memory_space<vmem>>
    %dma_wait3A_1237 = arith.constant 0 : i32
    %dma_wait3A_1238 = tpu.memref_slice %arg4[%dma_wait3A_1233, %dma_wait3A_1237, %mul3A_553] : memref<50x16x1024xf32, #tpu.memory_space<hbm>> -> memref<1x16x32xf32, #tpu.memory_space<hbm>>
    %dma_wait3A_1239 = tpu.memref_squeeze %dma_wait3A_1238 : memref<1x16x32xf32, #tpu.memory_space<hbm>> -> memref<16x32xf32, #tpu.memory_space<hbm>>
    %dma_wait3A_1240 = arith.constant 0 : i32
    %dma_wait3A_1241 = tpu.memref_slice %arg4[%dma_wait3A_1233, %dma_wait3A_1240, %mul3A_553] : memref<50x16x1024xf32, #tpu.memory_space<hbm>> -> memref<1x16x32xf32, #tpu.memory_space<hbm>>
    %dma_wait3A_1242 = tpu.memref_squeeze %dma_wait3A_1241 : memref<1x16x32xf32, #tpu.memory_space<hbm>> -> memref<16x32xf32, #tpu.memory_space<hbm>>
    %dma_wait3A_1243 = arith.constant 544 : i32
    %dma_wait3A_1244 = arith.constant 0 : i32
    %dma_wait3A_1245 = tpu.memref_slice %arg8[%dma_wait3A_1243, %dma_wait3A_1244] : memref<800x32xf32, #tpu.memory_space<vmem>> -> memref<16x32xf32, #tpu.memory_space<vmem>>
    tpu.wait_dma2 semaphore(%arg9 : memref<!tpu.dma_semaphore, #tpu.memory_space<semaphore_mem>>) src(%dma_wait3A_1245 : memref<16x32xf32, #tpu.memory_space<vmem>>) dst(%dma_wait3A_1242 : memref<16x32xf32, #tpu.memory_space<hbm>>)
    %dma_wait3A_1246 = arith.constant 35 : i32
    %dma_wait3A_1247 = arith.constant 560 : i32
    %dma_wait3A_1248 = arith.constant 0 : i32
    %dma_wait3A_1249 = tpu.memref_slice %arg8[%dma_wait3A_1247, %dma_wait3A_1248] : memref<800x32xf32, #tpu.memory_space<vmem>> -> memref<16x32xf32, #tpu.memory_space<vmem>>
    %dma_wait3A_1250 = arith.constant 0 : i32
    %dma_wait3A_1251 = tpu.memref_slice %arg4[%dma_wait3A_1246, %dma_wait3A_1250, %mul3A_568] : memref<50x16x1024xf32, #tpu.memory_space<hbm>> -> memref<1x16x32xf32, #tpu.memory_space<hbm>>
    %dma_wait3A_1252 = tpu.memref_squeeze %dma_wait3A_1251 : memref<1x16x32xf32, #tpu.memory_space<hbm>> -> memref<16x32xf32, #tpu.memory_space<hbm>>
    %dma_wait3A_1253 = arith.constant 0 : i32
    %dma_wait3A_1254 = tpu.memref_slice %arg4[%dma_wait3A_1246, %dma_wait3A_1253, %mul3A_568] : memref<50x16x1024xf32, #tpu.memory_space<hbm>> -> memref<1x16x32xf32, #tpu.memory_space<hbm>>
    %dma_wait3A_1255 = tpu.memref_squeeze %dma_wait3A_1254 : memref<1x16x32xf32, #tpu.memory_space<hbm>> -> memref<16x32xf32, #tpu.memory_space<hbm>>
    %dma_wait3A_1256 = arith.constant 560 : i32
    %dma_wait3A_1257 = arith.constant 0 : i32
    %dma_wait3A_1258 = tpu.memref_slice %arg8[%dma_wait3A_1256, %dma_wait3A_1257] : memref<800x32xf32, #tpu.memory_space<vmem>> -> memref<16x32xf32, #tpu.memory_space<vmem>>
    tpu.wait_dma2 semaphore(%arg9 : memref<!tpu.dma_semaphore, #tpu.memory_space<semaphore_mem>>) src(%dma_wait3A_1258 : memref<16x32xf32, #tpu.memory_space<vmem>>) dst(%dma_wait3A_1255 : memref<16x32xf32, #tpu.memory_space<hbm>>)
    %dma_wait3A_1259 = arith.constant 36 : i32
    %dma_wait3A_1260 = arith.constant 576 : i32
    %dma_wait3A_1261 = arith.constant 0 : i32
    %dma_wait3A_1262 = tpu.memref_slice %arg8[%dma_wait3A_1260, %dma_wait3A_1261] : memref<800x32xf32, #tpu.memory_space<vmem>> -> memref<16x32xf32, #tpu.memory_space<vmem>>
    %dma_wait3A_1263 = arith.constant 0 : i32
    %dma_wait3A_1264 = tpu.memref_slice %arg4[%dma_wait3A_1259, %dma_wait3A_1263, %mul3A_583] : memref<50x16x1024xf32, #tpu.memory_space<hbm>> -> memref<1x16x32xf32, #tpu.memory_space<hbm>>
    %dma_wait3A_1265 = tpu.memref_squeeze %dma_wait3A_1264 : memref<1x16x32xf32, #tpu.memory_space<hbm>> -> memref<16x32xf32, #tpu.memory_space<hbm>>
    %dma_wait3A_1266 = arith.constant 0 : i32
    %dma_wait3A_1267 = tpu.memref_slice %arg4[%dma_wait3A_1259, %dma_wait3A_1266, %mul3A_583] : memref<50x16x1024xf32, #tpu.memory_space<hbm>> -> memref<1x16x32xf32, #tpu.memory_space<hbm>>
    %dma_wait3A_1268 = tpu.memref_squeeze %dma_wait3A_1267 : memref<1x16x32xf32, #tpu.memory_space<hbm>> -> memref<16x32xf32, #tpu.memory_space<hbm>>
    %dma_wait3A_1269 = arith.constant 576 : i32
    %dma_wait3A_1270 = arith.constant 0 : i32
    %dma_wait3A_1271 = tpu.memref_slice %arg8[%dma_wait3A_1269, %dma_wait3A_1270] : memref<800x32xf32, #tpu.memory_space<vmem>> -> memref<16x32xf32, #tpu.memory_space<vmem>>
    tpu.wait_dma2 semaphore(%arg9 : memref<!tpu.dma_semaphore, #tpu.memory_space<semaphore_mem>>) src(%dma_wait3A_1271 : memref<16x32xf32, #tpu.memory_space<vmem>>) dst(%dma_wait3A_1268 : memref<16x32xf32, #tpu.memory_space<hbm>>)
    %dma_wait3A_1272 = arith.constant 37 : i32
    %dma_wait3A_1273 = arith.constant 592 : i32
    %dma_wait3A_1274 = arith.constant 0 : i32
    %dma_wait3A_1275 = tpu.memref_slice %arg8[%dma_wait3A_1273, %dma_wait3A_1274] : memref<800x32xf32, #tpu.memory_space<vmem>> -> memref<16x32xf32, #tpu.memory_space<vmem>>
    %dma_wait3A_1276 = arith.constant 0 : i32
    %dma_wait3A_1277 = tpu.memref_slice %arg4[%dma_wait3A_1272, %dma_wait3A_1276, %mul3A_598] : memref<50x16x1024xf32, #tpu.memory_space<hbm>> -> memref<1x16x32xf32, #tpu.memory_space<hbm>>
    %dma_wait3A_1278 = tpu.memref_squeeze %dma_wait3A_1277 : memref<1x16x32xf32, #tpu.memory_space<hbm>> -> memref<16x32xf32, #tpu.memory_space<hbm>>
    %dma_wait3A_1279 = arith.constant 0 : i32
    %dma_wait3A_1280 = tpu.memref_slice %arg4[%dma_wait3A_1272, %dma_wait3A_1279, %mul3A_598] : memref<50x16x1024xf32, #tpu.memory_space<hbm>> -> memref<1x16x32xf32, #tpu.memory_space<hbm>>
    %dma_wait3A_1281 = tpu.memref_squeeze %dma_wait3A_1280 : memref<1x16x32xf32, #tpu.memory_space<hbm>> -> memref<16x32xf32, #tpu.memory_space<hbm>>
    %dma_wait3A_1282 = arith.constant 592 : i32
    %dma_wait3A_1283 = arith.constant 0 : i32
    %dma_wait3A_1284 = tpu.memref_slice %arg8[%dma_wait3A_1282, %dma_wait3A_1283] : memref<800x32xf32, #tpu.memory_space<vmem>> -> memref<16x32xf32, #tpu.memory_space<vmem>>
    tpu.wait_dma2 semaphore(%arg9 : memref<!tpu.dma_semaphore, #tpu.memory_space<semaphore_mem>>) src(%dma_wait3A_1284 : memref<16x32xf32, #tpu.memory_space<vmem>>) dst(%dma_wait3A_1281 : memref<16x32xf32, #tpu.memory_space<hbm>>)
    %dma_wait3A_1285 = arith.constant 38 : i32
    %dma_wait3A_1286 = arith.constant 608 : i32
    %dma_wait3A_1287 = arith.constant 0 : i32
    %dma_wait3A_1288 = tpu.memref_slice %arg8[%dma_wait3A_1286, %dma_wait3A_1287] : memref<800x32xf32, #tpu.memory_space<vmem>> -> memref<16x32xf32, #tpu.memory_space<vmem>>
    %dma_wait3A_1289 = arith.constant 0 : i32
    %dma_wait3A_1290 = tpu.memref_slice %arg4[%dma_wait3A_1285, %dma_wait3A_1289, %mul3A_613] : memref<50x16x1024xf32, #tpu.memory_space<hbm>> -> memref<1x16x32xf32, #tpu.memory_space<hbm>>
    %dma_wait3A_1291 = tpu.memref_squeeze %dma_wait3A_1290 : memref<1x16x32xf32, #tpu.memory_space<hbm>> -> memref<16x32xf32, #tpu.memory_space<hbm>>
    %dma_wait3A_1292 = arith.constant 0 : i32
    %dma_wait3A_1293 = tpu.memref_slice %arg4[%dma_wait3A_1285, %dma_wait3A_1292, %mul3A_613] : memref<50x16x1024xf32, #tpu.memory_space<hbm>> -> memref<1x16x32xf32, #tpu.memory_space<hbm>>
    %dma_wait3A_1294 = tpu.memref_squeeze %dma_wait3A_1293 : memref<1x16x32xf32, #tpu.memory_space<hbm>> -> memref<16x32xf32, #tpu.memory_space<hbm>>
    %dma_wait3A_1295 = arith.constant 608 : i32
    %dma_wait3A_1296 = arith.constant 0 : i32
    %dma_wait3A_1297 = tpu.memref_slice %arg8[%dma_wait3A_1295, %dma_wait3A_1296] : memref<800x32xf32, #tpu.memory_space<vmem>> -> memref<16x32xf32, #tpu.memory_space<vmem>>
    tpu.wait_dma2 semaphore(%arg9 : memref<!tpu.dma_semaphore, #tpu.memory_space<semaphore_mem>>) src(%dma_wait3A_1297 : memref<16x32xf32, #tpu.memory_space<vmem>>) dst(%dma_wait3A_1294 : memref<16x32xf32, #tpu.memory_space<hbm>>)
    %dma_wait3A_1298 = arith.constant 39 : i32
    %dma_wait3A_1299 = arith.constant 624 : i32
    %dma_wait3A_1300 = arith.constant 0 : i32
    %dma_wait3A_1301 = tpu.memref_slice %arg8[%dma_wait3A_1299, %dma_wait3A_1300] : memref<800x32xf32, #tpu.memory_space<vmem>> -> memref<16x32xf32, #tpu.memory_space<vmem>>
    %dma_wait3A_1302 = arith.constant 0 : i32
    %dma_wait3A_1303 = tpu.memref_slice %arg4[%dma_wait3A_1298, %dma_wait3A_1302, %mul3A_628] : memref<50x16x1024xf32, #tpu.memory_space<hbm>> -> memref<1x16x32xf32, #tpu.memory_space<hbm>>
    %dma_wait3A_1304 = tpu.memref_squeeze %dma_wait3A_1303 : memref<1x16x32xf32, #tpu.memory_space<hbm>> -> memref<16x32xf32, #tpu.memory_space<hbm>>
    %dma_wait3A_1305 = arith.constant 0 : i32
    %dma_wait3A_1306 = tpu.memref_slice %arg4[%dma_wait3A_1298, %dma_wait3A_1305, %mul3A_628] : memref<50x16x1024xf32, #tpu.memory_space<hbm>> -> memref<1x16x32xf32, #tpu.memory_space<hbm>>
    %dma_wait3A_1307 = tpu.memref_squeeze %dma_wait3A_1306 : memref<1x16x32xf32, #tpu.memory_space<hbm>> -> memref<16x32xf32, #tpu.memory_space<hbm>>
    %dma_wait3A_1308 = arith.constant 624 : i32
    %dma_wait3A_1309 = arith.constant 0 : i32
    %dma_wait3A_1310 = tpu.memref_slice %arg8[%dma_wait3A_1308, %dma_wait3A_1309] : memref<800x32xf32, #tpu.memory_space<vmem>> -> memref<16x32xf32, #tpu.memory_space<vmem>>
    tpu.wait_dma2 semaphore(%arg9 : memref<!tpu.dma_semaphore, #tpu.memory_space<semaphore_mem>>) src(%dma_wait3A_1310 : memref<16x32xf32, #tpu.memory_space<vmem>>) dst(%dma_wait3A_1307 : memref<16x32xf32, #tpu.memory_space<hbm>>)
    %dma_wait3A_1311 = arith.constant 40 : i32
    %dma_wait3A_1312 = arith.constant 640 : i32
    %dma_wait3A_1313 = arith.constant 0 : i32
    %dma_wait3A_1314 = tpu.memref_slice %arg8[%dma_wait3A_1312, %dma_wait3A_1313] : memref<800x32xf32, #tpu.memory_space<vmem>> -> memref<16x32xf32, #tpu.memory_space<vmem>>
    %dma_wait3A_1315 = arith.constant 0 : i32
    %dma_wait3A_1316 = tpu.memref_slice %arg4[%dma_wait3A_1311, %dma_wait3A_1315, %mul3A_643] : memref<50x16x1024xf32, #tpu.memory_space<hbm>> -> memref<1x16x32xf32, #tpu.memory_space<hbm>>
    %dma_wait3A_1317 = tpu.memref_squeeze %dma_wait3A_1316 : memref<1x16x32xf32, #tpu.memory_space<hbm>> -> memref<16x32xf32, #tpu.memory_space<hbm>>
    %dma_wait3A_1318 = arith.constant 0 : i32
    %dma_wait3A_1319 = tpu.memref_slice %arg4[%dma_wait3A_1311, %dma_wait3A_1318, %mul3A_643] : memref<50x16x1024xf32, #tpu.memory_space<hbm>> -> memref<1x16x32xf32, #tpu.memory_space<hbm>>
    %dma_wait3A_1320 = tpu.memref_squeeze %dma_wait3A_1319 : memref<1x16x32xf32, #tpu.memory_space<hbm>> -> memref<16x32xf32, #tpu.memory_space<hbm>>
    %dma_wait3A_1321 = arith.constant 640 : i32
    %dma_wait3A_1322 = arith.constant 0 : i32
    %dma_wait3A_1323 = tpu.memref_slice %arg8[%dma_wait3A_1321, %dma_wait3A_1322] : memref<800x32xf32, #tpu.memory_space<vmem>> -> memref<16x32xf32, #tpu.memory_space<vmem>>
    tpu.wait_dma2 semaphore(%arg9 : memref<!tpu.dma_semaphore, #tpu.memory_space<semaphore_mem>>) src(%dma_wait3A_1323 : memref<16x32xf32, #tpu.memory_space<vmem>>) dst(%dma_wait3A_1320 : memref<16x32xf32, #tpu.memory_space<hbm>>)
    %dma_wait3A_1324 = arith.constant 41 : i32
    %dma_wait3A_1325 = arith.constant 656 : i32
    %dma_wait3A_1326 = arith.constant 0 : i32
    %dma_wait3A_1327 = tpu.memref_slice %arg8[%dma_wait3A_1325, %dma_wait3A_1326] : memref<800x32xf32, #tpu.memory_space<vmem>> -> memref<16x32xf32, #tpu.memory_space<vmem>>
    %dma_wait3A_1328 = arith.constant 0 : i32
    %dma_wait3A_1329 = tpu.memref_slice %arg4[%dma_wait3A_1324, %dma_wait3A_1328, %mul3A_658] : memref<50x16x1024xf32, #tpu.memory_space<hbm>> -> memref<1x16x32xf32, #tpu.memory_space<hbm>>
    %dma_wait3A_1330 = tpu.memref_squeeze %dma_wait3A_1329 : memref<1x16x32xf32, #tpu.memory_space<hbm>> -> memref<16x32xf32, #tpu.memory_space<hbm>>
    %dma_wait3A_1331 = arith.constant 0 : i32
    %dma_wait3A_1332 = tpu.memref_slice %arg4[%dma_wait3A_1324, %dma_wait3A_1331, %mul3A_658] : memref<50x16x1024xf32, #tpu.memory_space<hbm>> -> memref<1x16x32xf32, #tpu.memory_space<hbm>>
    %dma_wait3A_1333 = tpu.memref_squeeze %dma_wait3A_1332 : memref<1x16x32xf32, #tpu.memory_space<hbm>> -> memref<16x32xf32, #tpu.memory_space<hbm>>
    %dma_wait3A_1334 = arith.constant 656 : i32
    %dma_wait3A_1335 = arith.constant 0 : i32
    %dma_wait3A_1336 = tpu.memref_slice %arg8[%dma_wait3A_1334, %dma_wait3A_1335] : memref<800x32xf32, #tpu.memory_space<vmem>> -> memref<16x32xf32, #tpu.memory_space<vmem>>
    tpu.wait_dma2 semaphore(%arg9 : memref<!tpu.dma_semaphore, #tpu.memory_space<semaphore_mem>>) src(%dma_wait3A_1336 : memref<16x32xf32, #tpu.memory_space<vmem>>) dst(%dma_wait3A_1333 : memref<16x32xf32, #tpu.memory_space<hbm>>)
    %dma_wait3A_1337 = arith.constant 42 : i32
    %dma_wait3A_1338 = arith.constant 672 : i32
    %dma_wait3A_1339 = arith.constant 0 : i32
    %dma_wait3A_1340 = tpu.memref_slice %arg8[%dma_wait3A_1338, %dma_wait3A_1339] : memref<800x32xf32, #tpu.memory_space<vmem>> -> memref<16x32xf32, #tpu.memory_space<vmem>>
    %dma_wait3A_1341 = arith.constant 0 : i32
    %dma_wait3A_1342 = tpu.memref_slice %arg4[%dma_wait3A_1337, %dma_wait3A_1341, %mul3A_673] : memref<50x16x1024xf32, #tpu.memory_space<hbm>> -> memref<1x16x32xf32, #tpu.memory_space<hbm>>
    %dma_wait3A_1343 = tpu.memref_squeeze %dma_wait3A_1342 : memref<1x16x32xf32, #tpu.memory_space<hbm>> -> memref<16x32xf32, #tpu.memory_space<hbm>>
    %dma_wait3A_1344 = arith.constant 0 : i32
    %dma_wait3A_1345 = tpu.memref_slice %arg4[%dma_wait3A_1337, %dma_wait3A_1344, %mul3A_673] : memref<50x16x1024xf32, #tpu.memory_space<hbm>> -> memref<1x16x32xf32, #tpu.memory_space<hbm>>
    %dma_wait3A_1346 = tpu.memref_squeeze %dma_wait3A_1345 : memref<1x16x32xf32, #tpu.memory_space<hbm>> -> memref<16x32xf32, #tpu.memory_space<hbm>>
    %dma_wait3A_1347 = arith.constant 672 : i32
    %dma_wait3A_1348 = arith.constant 0 : i32
    %dma_wait3A_1349 = tpu.memref_slice %arg8[%dma_wait3A_1347, %dma_wait3A_1348] : memref<800x32xf32, #tpu.memory_space<vmem>> -> memref<16x32xf32, #tpu.memory_space<vmem>>
    tpu.wait_dma2 semaphore(%arg9 : memref<!tpu.dma_semaphore, #tpu.memory_space<semaphore_mem>>) src(%dma_wait3A_1349 : memref<16x32xf32, #tpu.memory_space<vmem>>) dst(%dma_wait3A_1346 : memref<16x32xf32, #tpu.memory_space<hbm>>)
    %dma_wait3A_1350 = arith.constant 43 : i32
    %dma_wait3A_1351 = arith.constant 688 : i32
    %dma_wait3A_1352 = arith.constant 0 : i32
    %dma_wait3A_1353 = tpu.memref_slice %arg8[%dma_wait3A_1351, %dma_wait3A_1352] : memref<800x32xf32, #tpu.memory_space<vmem>> -> memref<16x32xf32, #tpu.memory_space<vmem>>
    %dma_wait3A_1354 = arith.constant 0 : i32
    %dma_wait3A_1355 = tpu.memref_slice %arg4[%dma_wait3A_1350, %dma_wait3A_1354, %mul3A_688] : memref<50x16x1024xf32, #tpu.memory_space<hbm>> -> memref<1x16x32xf32, #tpu.memory_space<hbm>>
    %dma_wait3A_1356 = tpu.memref_squeeze %dma_wait3A_1355 : memref<1x16x32xf32, #tpu.memory_space<hbm>> -> memref<16x32xf32, #tpu.memory_space<hbm>>
    %dma_wait3A_1357 = arith.constant 0 : i32
    %dma_wait3A_1358 = tpu.memref_slice %arg4[%dma_wait3A_1350, %dma_wait3A_1357, %mul3A_688] : memref<50x16x1024xf32, #tpu.memory_space<hbm>> -> memref<1x16x32xf32, #tpu.memory_space<hbm>>
    %dma_wait3A_1359 = tpu.memref_squeeze %dma_wait3A_1358 : memref<1x16x32xf32, #tpu.memory_space<hbm>> -> memref<16x32xf32, #tpu.memory_space<hbm>>
    %dma_wait3A_1360 = arith.constant 688 : i32
    %dma_wait3A_1361 = arith.constant 0 : i32
    %dma_wait3A_1362 = tpu.memref_slice %arg8[%dma_wait3A_1360, %dma_wait3A_1361] : memref<800x32xf32, #tpu.memory_space<vmem>> -> memref<16x32xf32, #tpu.memory_space<vmem>>
    tpu.wait_dma2 semaphore(%arg9 : memref<!tpu.dma_semaphore, #tpu.memory_space<semaphore_mem>>) src(%dma_wait3A_1362 : memref<16x32xf32, #tpu.memory_space<vmem>>) dst(%dma_wait3A_1359 : memref<16x32xf32, #tpu.memory_space<hbm>>)
    %dma_wait3A_1363 = arith.constant 44 : i32
    %dma_wait3A_1364 = arith.constant 704 : i32
    %dma_wait3A_1365 = arith.constant 0 : i32
    %dma_wait3A_1366 = tpu.memref_slice %arg8[%dma_wait3A_1364, %dma_wait3A_1365] : memref<800x32xf32, #tpu.memory_space<vmem>> -> memref<16x32xf32, #tpu.memory_space<vmem>>
    %dma_wait3A_1367 = arith.constant 0 : i32
    %dma_wait3A_1368 = tpu.memref_slice %arg4[%dma_wait3A_1363, %dma_wait3A_1367, %mul3A_703] : memref<50x16x1024xf32, #tpu.memory_space<hbm>> -> memref<1x16x32xf32, #tpu.memory_space<hbm>>
    %dma_wait3A_1369 = tpu.memref_squeeze %dma_wait3A_1368 : memref<1x16x32xf32, #tpu.memory_space<hbm>> -> memref<16x32xf32, #tpu.memory_space<hbm>>
    %dma_wait3A_1370 = arith.constant 0 : i32
    %dma_wait3A_1371 = tpu.memref_slice %arg4[%dma_wait3A_1363, %dma_wait3A_1370, %mul3A_703] : memref<50x16x1024xf32, #tpu.memory_space<hbm>> -> memref<1x16x32xf32, #tpu.memory_space<hbm>>
    %dma_wait3A_1372 = tpu.memref_squeeze %dma_wait3A_1371 : memref<1x16x32xf32, #tpu.memory_space<hbm>> -> memref<16x32xf32, #tpu.memory_space<hbm>>
    %dma_wait3A_1373 = arith.constant 704 : i32
    %dma_wait3A_1374 = arith.constant 0 : i32
    %dma_wait3A_1375 = tpu.memref_slice %arg8[%dma_wait3A_1373, %dma_wait3A_1374] : memref<800x32xf32, #tpu.memory_space<vmem>> -> memref<16x32xf32, #tpu.memory_space<vmem>>
    tpu.wait_dma2 semaphore(%arg9 : memref<!tpu.dma_semaphore, #tpu.memory_space<semaphore_mem>>) src(%dma_wait3A_1375 : memref<16x32xf32, #tpu.memory_space<vmem>>) dst(%dma_wait3A_1372 : memref<16x32xf32, #tpu.memory_space<hbm>>)
    %dma_wait3A_1376 = arith.constant 45 : i32
    %dma_wait3A_1377 = arith.constant 720 : i32
    %dma_wait3A_1378 = arith.constant 0 : i32
    %dma_wait3A_1379 = tpu.memref_slice %arg8[%dma_wait3A_1377, %dma_wait3A_1378] : memref<800x32xf32, #tpu.memory_space<vmem>> -> memref<16x32xf32, #tpu.memory_space<vmem>>
    %dma_wait3A_1380 = arith.constant 0 : i32
    %dma_wait3A_1381 = tpu.memref_slice %arg4[%dma_wait3A_1376, %dma_wait3A_1380, %mul3A_718] : memref<50x16x1024xf32, #tpu.memory_space<hbm>> -> memref<1x16x32xf32, #tpu.memory_space<hbm>>
    %dma_wait3A_1382 = tpu.memref_squeeze %dma_wait3A_1381 : memref<1x16x32xf32, #tpu.memory_space<hbm>> -> memref<16x32xf32, #tpu.memory_space<hbm>>
    %dma_wait3A_1383 = arith.constant 0 : i32
    %dma_wait3A_1384 = tpu.memref_slice %arg4[%dma_wait3A_1376, %dma_wait3A_1383, %mul3A_718] : memref<50x16x1024xf32, #tpu.memory_space<hbm>> -> memref<1x16x32xf32, #tpu.memory_space<hbm>>
    %dma_wait3A_1385 = tpu.memref_squeeze %dma_wait3A_1384 : memref<1x16x32xf32, #tpu.memory_space<hbm>> -> memref<16x32xf32, #tpu.memory_space<hbm>>
    %dma_wait3A_1386 = arith.constant 720 : i32
    %dma_wait3A_1387 = arith.constant 0 : i32
    %dma_wait3A_1388 = tpu.memref_slice %arg8[%dma_wait3A_1386, %dma_wait3A_1387] : memref<800x32xf32, #tpu.memory_space<vmem>> -> memref<16x32xf32, #tpu.memory_space<vmem>>
    tpu.wait_dma2 semaphore(%arg9 : memref<!tpu.dma_semaphore, #tpu.memory_space<semaphore_mem>>) src(%dma_wait3A_1388 : memref<16x32xf32, #tpu.memory_space<vmem>>) dst(%dma_wait3A_1385 : memref<16x32xf32, #tpu.memory_space<hbm>>)
    %dma_wait3A_1389 = arith.constant 46 : i32
    %dma_wait3A_1390 = arith.constant 736 : i32
    %dma_wait3A_1391 = arith.constant 0 : i32
    %dma_wait3A_1392 = tpu.memref_slice %arg8[%dma_wait3A_1390, %dma_wait3A_1391] : memref<800x32xf32, #tpu.memory_space<vmem>> -> memref<16x32xf32, #tpu.memory_space<vmem>>
    %dma_wait3A_1393 = arith.constant 0 : i32
    %dma_wait3A_1394 = tpu.memref_slice %arg4[%dma_wait3A_1389, %dma_wait3A_1393, %mul3A_733] : memref<50x16x1024xf32, #tpu.memory_space<hbm>> -> memref<1x16x32xf32, #tpu.memory_space<hbm>>
    %dma_wait3A_1395 = tpu.memref_squeeze %dma_wait3A_1394 : memref<1x16x32xf32, #tpu.memory_space<hbm>> -> memref<16x32xf32, #tpu.memory_space<hbm>>
    %dma_wait3A_1396 = arith.constant 0 : i32
    %dma_wait3A_1397 = tpu.memref_slice %arg4[%dma_wait3A_1389, %dma_wait3A_1396, %mul3A_733] : memref<50x16x1024xf32, #tpu.memory_space<hbm>> -> memref<1x16x32xf32, #tpu.memory_space<hbm>>
    %dma_wait3A_1398 = tpu.memref_squeeze %dma_wait3A_1397 : memref<1x16x32xf32, #tpu.memory_space<hbm>> -> memref<16x32xf32, #tpu.memory_space<hbm>>
    %dma_wait3A_1399 = arith.constant 736 : i32
    %dma_wait3A_1400 = arith.constant 0 : i32
    %dma_wait3A_1401 = tpu.memref_slice %arg8[%dma_wait3A_1399, %dma_wait3A_1400] : memref<800x32xf32, #tpu.memory_space<vmem>> -> memref<16x32xf32, #tpu.memory_space<vmem>>
    tpu.wait_dma2 semaphore(%arg9 : memref<!tpu.dma_semaphore, #tpu.memory_space<semaphore_mem>>) src(%dma_wait3A_1401 : memref<16x32xf32, #tpu.memory_space<vmem>>) dst(%dma_wait3A_1398 : memref<16x32xf32, #tpu.memory_space<hbm>>)
    %dma_wait3A_1402 = arith.constant 47 : i32
    %dma_wait3A_1403 = arith.constant 752 : i32
    %dma_wait3A_1404 = arith.constant 0 : i32
    %dma_wait3A_1405 = tpu.memref_slice %arg8[%dma_wait3A_1403, %dma_wait3A_1404] : memref<800x32xf32, #tpu.memory_space<vmem>> -> memref<16x32xf32, #tpu.memory_space<vmem>>
    %dma_wait3A_1406 = arith.constant 0 : i32
    %dma_wait3A_1407 = tpu.memref_slice %arg4[%dma_wait3A_1402, %dma_wait3A_1406, %mul3A_748] : memref<50x16x1024xf32, #tpu.memory_space<hbm>> -> memref<1x16x32xf32, #tpu.memory_space<hbm>>
    %dma_wait3A_1408 = tpu.memref_squeeze %dma_wait3A_1407 : memref<1x16x32xf32, #tpu.memory_space<hbm>> -> memref<16x32xf32, #tpu.memory_space<hbm>>
    %dma_wait3A_1409 = arith.constant 0 : i32
    %dma_wait3A_1410 = tpu.memref_slice %arg4[%dma_wait3A_1402, %dma_wait3A_1409, %mul3A_748] : memref<50x16x1024xf32, #tpu.memory_space<hbm>> -> memref<1x16x32xf32, #tpu.memory_space<hbm>>
    %dma_wait3A_1411 = tpu.memref_squeeze %dma_wait3A_1410 : memref<1x16x32xf32, #tpu.memory_space<hbm>> -> memref<16x32xf32, #tpu.memory_space<hbm>>
    %dma_wait3A_1412 = arith.constant 752 : i32
    %dma_wait3A_1413 = arith.constant 0 : i32
    %dma_wait3A_1414 = tpu.memref_slice %arg8[%dma_wait3A_1412, %dma_wait3A_1413] : memref<800x32xf32, #tpu.memory_space<vmem>> -> memref<16x32xf32, #tpu.memory_space<vmem>>
    tpu.wait_dma2 semaphore(%arg9 : memref<!tpu.dma_semaphore, #tpu.memory_space<semaphore_mem>>) src(%dma_wait3A_1414 : memref<16x32xf32, #tpu.memory_space<vmem>>) dst(%dma_wait3A_1411 : memref<16x32xf32, #tpu.memory_space<hbm>>)
    %dma_wait3A_1415 = arith.constant 48 : i32
    %dma_wait3A_1416 = arith.constant 768 : i32
    %dma_wait3A_1417 = arith.constant 0 : i32
    %dma_wait3A_1418 = tpu.memref_slice %arg8[%dma_wait3A_1416, %dma_wait3A_1417] : memref<800x32xf32, #tpu.memory_space<vmem>> -> memref<16x32xf32, #tpu.memory_space<vmem>>
    %dma_wait3A_1419 = arith.constant 0 : i32
    %dma_wait3A_1420 = tpu.memref_slice %arg4[%dma_wait3A_1415, %dma_wait3A_1419, %mul3A_763] : memref<50x16x1024xf32, #tpu.memory_space<hbm>> -> memref<1x16x32xf32, #tpu.memory_space<hbm>>
    %dma_wait3A_1421 = tpu.memref_squeeze %dma_wait3A_1420 : memref<1x16x32xf32, #tpu.memory_space<hbm>> -> memref<16x32xf32, #tpu.memory_space<hbm>>
    %dma_wait3A_1422 = arith.constant 0 : i32
    %dma_wait3A_1423 = tpu.memref_slice %arg4[%dma_wait3A_1415, %dma_wait3A_1422, %mul3A_763] : memref<50x16x1024xf32, #tpu.memory_space<hbm>> -> memref<1x16x32xf32, #tpu.memory_space<hbm>>
    %dma_wait3A_1424 = tpu.memref_squeeze %dma_wait3A_1423 : memref<1x16x32xf32, #tpu.memory_space<hbm>> -> memref<16x32xf32, #tpu.memory_space<hbm>>
    %dma_wait3A_1425 = arith.constant 768 : i32
    %dma_wait3A_1426 = arith.constant 0 : i32
    %dma_wait3A_1427 = tpu.memref_slice %arg8[%dma_wait3A_1425, %dma_wait3A_1426] : memref<800x32xf32, #tpu.memory_space<vmem>> -> memref<16x32xf32, #tpu.memory_space<vmem>>
    tpu.wait_dma2 semaphore(%arg9 : memref<!tpu.dma_semaphore, #tpu.memory_space<semaphore_mem>>) src(%dma_wait3A_1427 : memref<16x32xf32, #tpu.memory_space<vmem>>) dst(%dma_wait3A_1424 : memref<16x32xf32, #tpu.memory_space<hbm>>)
    %dma_wait3A_1428 = arith.constant 49 : i32
    %dma_wait3A_1429 = arith.constant 784 : i32
    %dma_wait3A_1430 = arith.constant 0 : i32
    %dma_wait3A_1431 = tpu.memref_slice %arg8[%dma_wait3A_1429, %dma_wait3A_1430] : memref<800x32xf32, #tpu.memory_space<vmem>> -> memref<16x32xf32, #tpu.memory_space<vmem>>
    %dma_wait3A_1432 = arith.constant 0 : i32
    %dma_wait3A_1433 = tpu.memref_slice %arg4[%dma_wait3A_1428, %dma_wait3A_1432, %mul3A_778] : memref<50x16x1024xf32, #tpu.memory_space<hbm>> -> memref<1x16x32xf32, #tpu.memory_space<hbm>>
    %dma_wait3A_1434 = tpu.memref_squeeze %dma_wait3A_1433 : memref<1x16x32xf32, #tpu.memory_space<hbm>> -> memref<16x32xf32, #tpu.memory_space<hbm>>
    %dma_wait3A_1435 = arith.constant 0 : i32
    %dma_wait3A_1436 = tpu.memref_slice %arg4[%dma_wait3A_1428, %dma_wait3A_1435, %mul3A_778] : memref<50x16x1024xf32, #tpu.memory_space<hbm>> -> memref<1x16x32xf32, #tpu.memory_space<hbm>>
    %dma_wait3A_1437 = tpu.memref_squeeze %dma_wait3A_1436 : memref<1x16x32xf32, #tpu.memory_space<hbm>> -> memref<16x32xf32, #tpu.memory_space<hbm>>
    %dma_wait3A_1438 = arith.constant 784 : i32
    %dma_wait3A_1439 = arith.constant 0 : i32
    %dma_wait3A_1440 = tpu.memref_slice %arg8[%dma_wait3A_1438, %dma_wait3A_1439] : memref<800x32xf32, #tpu.memory_space<vmem>> -> memref<16x32xf32, #tpu.memory_space<vmem>>
    tpu.wait_dma2 semaphore(%arg9 : memref<!tpu.dma_semaphore, #tpu.memory_space<semaphore_mem>>) src(%dma_wait3A_1440 : memref<16x32xf32, #tpu.memory_space<vmem>>) dst(%dma_wait3A_1437 : memref<16x32xf32, #tpu.memory_space<hbm>>)
    return
  }
}

module attributes {stable_mosaic.version = 14 : i64} {
  func.func @mm_body(%arg0: i32, %arg1: memref<2x16x1024xf32, #tpu.memory_space<vmem>>, %arg2: memref<16x1000xf32, #tpu.memory_space<vmem>>, %arg3: memref<1000x8xf32, #tpu.memory_space<vmem>>, %arg4: memref<2x1000x1024xf32, #tpu.memory_space<vmem>>) attributes {dimension_semantics = [#tpu.dimension_semantics<arbitrary>], iteration_bounds = array<i64: 25>, scalar_prefetch = 0 : i64, scratch_operands = 0 : i64, tpu.core_type = #tpu.core_type<tc>, window_params = [{transform_indices = @transform_0, window_bounds = array<i64: 2, 16, 1024>}, {pipeline_mode = #tpu.pipeline_mode<synchronous>, transform_indices = @transform_1, window_bounds = array<i64: 16, 1000>}, {pipeline_mode = #tpu.pipeline_mode<synchronous>, transform_indices = @transform_2, window_bounds = array<i64: 1000, 8>}, {transform_indices = @transform_3, window_bounds = array<i64: 2, 1000, 1024>}]} {
    %get3A = arith.constant 0 : index
    %get3A_0 = arith.constant 0 : index
    %get3A_1 = vector.load %arg2[%get3A, %get3A_0] : memref<16x1000xf32, #tpu.memory_space<vmem>>, vector<16x1000xf32>
    %get3A_2 = arith.constant 0 : index
    %get3A_3 = arith.constant 0 : index
    %get3A_4 = vector.load %arg3[%get3A_2, %get3A_3] : memref<1000x8xf32, #tpu.memory_space<vmem>>, vector<1000x8xf32>
    %slice3A = vector.extract_strided_slice %get3A_4 {offsets = [0, 0], sizes = [1000, 1], strides = [1, 1]} : vector<1000x8xf32> to vector<1000x1xf32>
    %get3A_5 = arith.constant 0 : index
    %get3A_6 = arith.constant 0 : index
    %get3A_7 = arith.constant 0 : index
    %get3A_8 = vector.load %arg1[%get3A_5, %get3A_6, %get3A_7] : memref<2x16x1024xf32, #tpu.memory_space<vmem>>, vector<1x16x1024xf32>
    %get3A_9 = vector.shape_cast %get3A_8 : vector<1x16x1024xf32> to vector<16x1024xf32>
    %dot_general3A = arith.constant dense<0.000000e+00> : vector<1000x1024xf32>
    %dot_general3A_10 = tpu.matmul %get3A_1, %get3A_9, %dot_general3A {dimension_numbers = #tpu.dot_dimension_numbers<[0], [0], [1], [1], [0, 1, 1, 1], [], []>, transpose_lhs_hint = false} : vector<16x1000xf32>, vector<16x1024xf32>, vector<1000x1024xf32> -> vector<1000x1024xf32>
    %add3A = vector.broadcast %slice3A : vector<1000x1xf32> to vector<1000x1024xf32>
    %add3A_11 = arith.addf %dot_general3A_10, %add3A : vector<1000x1024xf32>
    %swap3A = arith.constant 0 : index
    %swap3A_12 = arith.constant 0 : index
    %swap3A_13 = arith.constant 0 : index
    %swap3A_14 = vector.load %arg4[%swap3A, %swap3A_12, %swap3A_13] : memref<2x1000x1024xf32, #tpu.memory_space<vmem>>, vector<1x1000x1024xf32>
    %swap3A_15 = vector.shape_cast %swap3A_14 : vector<1x1000x1024xf32> to vector<1000x1024xf32>
    %swap3A_16 = vector.shape_cast %add3A_11 : vector<1000x1024xf32> to vector<1x1000x1024xf32>
    tpu.vector_store %arg4[%swap3A, %swap3A_12, %swap3A_13], %swap3A_16 {strides = array<i32>} : memref<2x1000x1024xf32, #tpu.memory_space<vmem>>, vector<1x1000x1024xf32>,
    %get3A_17 = arith.constant 1 : index
    %get3A_18 = arith.constant 0 : index
    %get3A_19 = arith.constant 0 : index
    %get3A_20 = vector.load %arg1[%get3A_17, %get3A_18, %get3A_19] : memref<2x16x1024xf32, #tpu.memory_space<vmem>>, vector<1x16x1024xf32>
    %get3A_21 = vector.shape_cast %get3A_20 : vector<1x16x1024xf32> to vector<16x1024xf32>
    %dot_general3A_22 = arith.constant dense<0.000000e+00> : vector<1000x1024xf32>
    %dot_general3A_23 = tpu.matmul %get3A_1, %get3A_21, %dot_general3A_22 {dimension_numbers = #tpu.dot_dimension_numbers<[0], [0], [1], [1], [0, 1, 1, 1], [], []>, transpose_lhs_hint = false} : vector<16x1000xf32>, vector<16x1024xf32>, vector<1000x1024xf32> -> vector<1000x1024xf32>
    %add3A_24 = vector.broadcast %slice3A : vector<1000x1xf32> to vector<1000x1024xf32>
    %add3A_25 = arith.addf %dot_general3A_23, %add3A_24 : vector<1000x1024xf32>
    %swap3A_26 = arith.constant 1 : index
    %swap3A_27 = arith.constant 0 : index
    %swap3A_28 = arith.constant 0 : index
    %swap3A_29 = vector.load %arg4[%swap3A_26, %swap3A_27, %swap3A_28] : memref<2x1000x1024xf32, #tpu.memory_space<vmem>>, vector<1x1000x1024xf32>
    %swap3A_30 = vector.shape_cast %swap3A_29 : vector<1x1000x1024xf32> to vector<1000x1024xf32>
    %swap3A_31 = vector.shape_cast %add3A_25 : vector<1000x1024xf32> to vector<1x1000x1024xf32>
    tpu.vector_store %arg4[%swap3A_26, %swap3A_27, %swap3A_28], %swap3A_31 {strides = array<i32>} : memref<2x1000x1024xf32, #tpu.memory_space<vmem>>, vector<1x1000x1024xf32>,
    return
  }
  func.func @transform_0(%arg0: i32) -> (i32, i32, i32) {
    %c0_i32 = arith.constant 0 : i32
    %c0_i32_0 = arith.constant 0 : i32
    %c0_i32_1 = arith.constant 0 : i32
    return %arg0, %c0_i32, %c0_i32_0 : i32, i32, i32
  }
  func.func @transform_1(%arg0: i32) -> (i32, i32) {
    %c0_i32 = arith.constant 0 : i32
    %c0_i32_0 = arith.constant 0 : i32
    %c0_i32_1 = arith.constant 0 : i32
    return %c0_i32, %c0_i32_0 : i32, i32
  }
  func.func @transform_2(%arg0: i32) -> (i32, i32) {
    %c0_i32 = arith.constant 0 : i32
    %c0_i32_0 = arith.constant 0 : i32
    %c0_i32_1 = arith.constant 0 : i32
    return %c0_i32, %c0_i32_0 : i32, i32
  }
  func.func @transform_3(%arg0: i32) -> (i32, i32, i32) {
    %c0_i32 = arith.constant 0 : i32
    %c0_i32_0 = arith.constant 0 : i32
    %c0_i32_1 = arith.constant 0 : i32
    return %arg0, %c0_i32, %c0_i32_0 : i32, i32, i32
  }
}

module attributes {stable_mosaic.version = 14 : i64} {
  func.func @prep_body(%arg0: memref<50x1024xi32, #tpu.memory_space<vmem>>, %arg1: memref<16x1000xf32, #tpu.memory_space<vmem>>, %arg2: memref<1000xf32, #tpu.memory_space<vmem>>, %arg3: memref<1024x128xi32, #tpu.memory_space<vmem>>, %arg4: memref<1000x128xf32, #tpu.memory_space<vmem>>, %arg5: memref<1000x8xf32, #tpu.memory_space<vmem>>) attributes {dimension_semantics = [], scalar_prefetch = 0 : i64, scratch_operands = 0 : i64, tpu.core_type = #tpu.core_type<tc>} {
    %get3A = arith.constant 0 : index
    %get3A_0 = arith.constant 0 : index
    %get3A_1 = vector.load %arg0[%get3A, %get3A_0] : memref<50x1024xi32, #tpu.memory_space<vmem>>, vector<50x1024xi32>
    %transpose3A = tpu.transpose %get3A_1, [1, 0] : vector<50x1024xi32> -> vector<1024x50xi32>
    %broadcast_in_dim3A = arith.constant 0 : i32
    %broadcast_in_dim3A_2 = vector.broadcast %broadcast_in_dim3A : i32 to vector<1024x78xi32>
    %concatenate3A = tpu.concatenate %transpose3A, %broadcast_in_dim3A_2 in 1 : vector<1024x50xi32>, vector<1024x78xi32> -> vector<1024x128xi32>
    %swap3A = arith.constant 0 : index
    %swap3A_3 = arith.constant 0 : index
    %swap3A_4 = vector.load %arg3[%swap3A, %swap3A_3] : memref<1024x128xi32, #tpu.memory_space<vmem>>, vector<1024x128xi32>
    tpu.vector_store %arg3[%swap3A, %swap3A_3], %concatenate3A {strides = array<i32>} : memref<1024x128xi32, #tpu.memory_space<vmem>>, vector<1024x128xi32>,
    %get3A_5 = arith.constant 0 : index
    %get3A_6 = arith.constant 0 : index
    %get3A_7 = vector.load %arg1[%get3A_5, %get3A_6] : memref<16x1000xf32, #tpu.memory_space<vmem>>, vector<16x1000xf32>
    %transpose3A_8 = tpu.transpose %get3A_7, [1, 0] : vector<16x1000xf32> -> vector<1000x16xf32>
    %broadcast_in_dim3A_9 = arith.constant 0.000000e+00 : f32
    %broadcast_in_dim3A_10 = vector.broadcast %broadcast_in_dim3A_9 : f32 to vector<1000x112xf32>
    %concatenate3A_11 = tpu.concatenate %transpose3A_8, %broadcast_in_dim3A_10 in 1 : vector<1000x16xf32>, vector<1000x112xf32> -> vector<1000x128xf32>
    %swap3A_12 = arith.constant 0 : index
    %swap3A_13 = arith.constant 0 : index
    %swap3A_14 = vector.load %arg4[%swap3A_12, %swap3A_13] : memref<1000x128xf32, #tpu.memory_space<vmem>>, vector<1000x128xf32>
    tpu.vector_store %arg4[%swap3A_12, %swap3A_13], %concatenate3A_11 {strides = array<i32>} : memref<1000x128xf32, #tpu.memory_space<vmem>>, vector<1000x128xf32>,
    %get3A_15 = arith.constant 0 : index
    %get3A_16 = vector.load %arg2[%get3A_15] : memref<1000xf32, #tpu.memory_space<vmem>>, vector<1000xf32>
    %reshape3A = vector.shape_cast %get3A_16 : vector<1000xf32> to vector<1x1000xf32>
    %broadcast_in_dim3A_17 = vector.shape_cast %reshape3A : vector<1x1000xf32> to vector<1x1000xf32>
    %broadcast_in_dim3A_18 = vector.broadcast %broadcast_in_dim3A_17 : vector<1x1000xf32> to vector<8x1000xf32>
    %transpose3A_19 = tpu.transpose %broadcast_in_dim3A_18, [1, 0] : vector<8x1000xf32> -> vector<1000x8xf32>
    %swap3A_20 = arith.constant 0 : index
    %swap3A_21 = arith.constant 0 : index
    %swap3A_22 = vector.load %arg5[%swap3A_20, %swap3A_21] : memref<1000x8xf32, #tpu.memory_space<vmem>>, vector<1000x8xf32>
    tpu.vector_store %arg5[%swap3A_20, %swap3A_21], %transpose3A_19 {strides = array<i32>} : memref<1000x8xf32, #tpu.memory_space<vmem>>, vector<1000x8xf32>,
    return
  }
}

</mosaic_0001>

<sc_bundles>
// kernel: kernel.5.cloned.1.call-start
scs
__scs_entry_jumppad:
0x0: {  	(pc) =	sbr.rel $0x88, $3  }
0x1: {  	(tag) =	ssettag $0x0;
	lr =	simm.s32 $0x1  }
0x2: {  	[smem:$0x3F9D] =	sst lr;
	_ =	strace $0xD0000000  }
0x3: {  	_ = 	snop  }
0x4: {  	_ = 	snop  }
0x5: {  	_ = 	snop  }
0x6: {  	_ = 	snop  }
0x7: {  	_ = 	snop  }
__scs_overlays_trampoline_lowered:
0x8: {  	[smem:$0x3FAC] =	sst s0  }
0x9: {  	[smem:$0x3FAD] =	sst s1  }
0xa: {  	[smem:$0x3FAE] =	sst s2  }
0xb: {  	[smem:$0x3FAF] =	sst s3  }
0xc: {  	[smem:$0x3FB0] =	sst s4  }
0xd: {  	[smem:$0x3FB1] =	sst s5  }
0xe: {  	[smem:$0x3FB2] =	sst s6  }
0xf: {  	[smem:$0x3FB3] =	sst s7  }
0x10: {  	[smem:$0x3FB4] =	sst s8  }
0x11: {  	[smem:$0x3FB5] =	sst s9;
	s0 =	simm.s32 @!p0 $0x0  }
0x12: {  	s1 =	sld [smem:$0x3F9B];
	s0 =	simm.s32 @p0 $0x1  }
0x13: {  	[smem:$0x3FB6] =	sst s0;
	s0 =	simm.s32 @!p1 $0x0  }
0x14: {  	s2 =	sld [smem:$0x3F9A];
	s0 =	simm.s32 @p1 $0x1  }
0x15: {  	[smem:$0x3FB7] =	sst s0;
	s0 =	simm.s32 @!p2 $0x0  }
0x16: {  	s3 =	sld [smem:$0x3FDB];
	s0 =	simm.s32 @p2 $0x1  }
0x17: {  	s4 =	simm.s32 $0x1BF5;
	[smem:$0x3FB9] =	sst s0  }
0x18: {  	s0 =	sld [smem:$0x3F9C];
	_ =	swait.ge [sflag:s4], $0x0  }
0x19: {  	s7 =	sld [smem:$0x3F9D]  }
0x1a: {  	s8 =	sadd.s32 $0xFFFFE003, lr  }
0x1b: {  	s9 =	sadd.s32 $0xFFFFFEF7, lr;
	s5 =	simm.s32 $0xFFFFFFFF;
	p2 =	slt.u32 s8, $0xFFFFF086  }
0x1c: {  	p1 =	slt.u32 s9, $0xF7A;
	s5 =	simm.s32 @!p2 $0x0  }
0x1d: {  	s5 =	simm.s32 @p1 $0x1;
	p0 =	seq.s32 s7, s2  }
0x1e: {  	s7 =	smul.u32 @!p0 $0xF7A, s2;
	p2 =	seq.s32 @!p0 s5, $0x0  }
0x1f: {  	s9 =	smul.u32 $0xF7A, s1;
	s8 =	simm.s32 @!p0 $0x1BF5;
	p2 =	por !p2, p0  }
0x20: {  	[sflag:s8] =	ssyncset.s32 @!p0 $0xFFFFF086;
	s6 =	sadd.s32 @!p0 s3, s7;
	s7 =	simm.s32 @!p0 $0x108  }
0x21: {  	s3 =	sadd.s32 s3, s9;
	s6 =	sadd.s32 @!p0 $0x88, s6;
	s7 =	simm.s32 @p2 $0x1082  }
0x22: {  	[simem:s7], [sflag:s8] =	dma.local @!p0 [hbm:s6], $0xF7A  }
0x23: {  	s9 =	sor.u32 $0xD0000000, s2;
	s6 =	simm.s32 $0x108;
	_ =	swait.ge @!p0 [sflag:s8], $0x0  }
0x24: {  	s3 =	sadd.s32 $0x88, s3;
	s6 =	simm.s32 @!p1 $0x1082;
	[sflag:s4] =	ssyncset.s32 $0xFFFFF086  }
0x25: {  	[simem:s6], [sflag:s4] =	dma.local [hbm:s3], $0xF7A  }
0x26: {  	[smem:$0x3F9D] =	sst s1;
	(tag) =	ssettag s2;
	_ =	strace s9  }
0x27: {  	s1 =	sld [smem:$0x3FAD]  }
0x28: {  	s2 =	sld [smem:$0x3FAE]  }
0x29: {  	s4 =	sld [smem:$0x3FB0]  }
0x2a: {  	p0 =	seq.s32 s5, $0x0;
	s5 =	sld [smem:$0x3FB1]  }
0x2b: {  	s6 =	sld [smem:$0x3FB2]  }
0x2c: {  	s7 =	sld [smem:$0x3FB3]  }
0x2d: {  	s3 =	simm.s32 $0x108;
	s8 =	sld [smem:$0x3FB4]  }
0x2e: {  	s3 =	simm.s32 @!p0 $0x1082;
	s9 =	sld [smem:$0x3FB5]  }
0x2f: {  	lr =	sadd.s32 s0, s3;
	s0 =	sld [smem:$0x3FAC]  }
0x30: {  	s3 =	sld [smem:$0x3FAF]  }
0x31: {  	[smem:$0x3FB8] =	sst s10  }
0x32: {  	s10 =	sld [smem:$0x3FB6];
	_ =	sdelay $0x3  }
0x33: {  	p0 =	seq.s32 s10, $0x1;
	s10 =	sld [smem:$0x3FB8];
	_ =	sdelay $0x3  }
0x34: {  	[smem:$0x3FB8] =	sst s10  }
0x35: {  	s10 =	sld [smem:$0x3FB7];
	_ =	sdelay $0x3  }
0x36: {  	p1 =	seq.s32 s10, $0x1;
	s10 =	sld [smem:$0x3FB8];
	_ =	sdelay $0x3  }
0x37: {  	[smem:$0x3FB8] =	sst s10  }
0x38: {  	s10 =	sld [smem:$0x3FB9]  }
0x39: {  	_ = 	snop;
	(pc) =	sbr.ind lr, $3  }
0x3a: {  	_ = 	snop  }
0x3b: {  	_ = 	snop  }
0x3c: {  	p2 =	seq.s32 s10, $0x1;
	s10 =	sld [smem:$0x3FB8]  }
0x3d: {  	_ =	shalt  }
0x3e: {  	_ =	shalt  }
0x3f: {  	_ =	shalt  }
0x40: {  	_ =	shalt  }
0x41: {  	_ =	shalt  }
0x42: {  	_ =	shalt  }
0x43: {  	_ =	shalt  }
0x44: {  	_ =	shalt  }
0x45: {  	_ =	shalt  }
0x46: {  	_ =	shalt  }
0x47: {  	_ =	shalt  }
0x48: {  	_ =	shalt  }
0x49: {  	_ =	shalt  }
0x4a: {  	_ =	shalt  }
0x4b: {  	_ =	shalt  }
0x4c: {  	_ =	shalt  }
0x4d: {  	_ =	shalt  }
0x4e: {  	_ =	shalt  }
0x4f: {  	_ =	shalt  }
0x50: {  	_ =	shalt  }
0x51: {  	_ =	shalt  }
0x52: {  	_ =	shalt  }
0x53: {  	_ =	shalt  }
0x54: {  	_ =	shalt  }
0x55: {  	_ =	shalt  }
0x56: {  	_ =	shalt  }
0x57: {  	_ =	shalt  }
0x58: {  	_ =	shalt  }
0x59: {  	_ =	shalt  }
0x5a: {  	_ =	shalt  }
0x5b: {  	_ =	shalt  }
0x5c: {  	_ =	shalt  }
0x5d: {  	_ =	shalt  }
0x5e: {  	_ =	shalt  }
0x5f: {  	_ =	shalt  }
0x60: {  	_ =	shalt  }
0x61: {  	_ =	shalt  }
0x62: {  	_ =	shalt  }
0x63: {  	_ =	shalt  }
0x64: {  	_ =	shalt  }
0x65: {  	_ =	shalt  }
0x66: {  	_ =	shalt  }
0x67: {  	_ =	shalt  }
0x68: {  	_ =	shalt  }
0x69: {  	_ =	shalt  }
0x6a: {  	_ =	shalt  }
0x6b: {  	_ =	shalt  }
0x6c: {  	_ =	shalt  }
0x6d: {  	_ =	shalt  }
0x6e: {  	_ =	shalt  }
0x6f: {  	_ =	shalt  }
0x70: {  	_ =	shalt  }
0x71: {  	_ =	shalt  }
0x72: {  	_ =	shalt  }
0x73: {  	_ =	shalt  }
0x74: {  	_ =	shalt  }
0x75: {  	_ =	shalt  }
0x76: {  	_ =	shalt  }
0x77: {  	_ =	shalt  }
0x78: {  	_ =	shalt  }
0x79: {  	_ =	shalt  }
0x7a: {  	_ =	shalt  }
0x7b: {  	_ =	shalt  }
0x7c: {  	_ =	shalt  }
0x7d: {  	_ =	shalt  }
0x7e: {  	_ =	shalt  }
0x7f: {  	_ =	shalt  }
0x80: {  	_ =	shalt  }
0x81: {  	_ =	shalt  }
0x82: {  	_ =	shalt  }
0x83: {  	_ =	shalt  }
0x84: {  	_ =	shalt  }
0x85: {  	_ =	shalt  }
0x86: {  	_ =	shalt  }
0x87: {  	_ =	shalt  }
.Lfunc_end0:
.L_simem_size_0:
called_computation_lowered:
.L_overlay_start_0:
0x88: {  	s2 =	sld [smem:$0x3FD9]  }
0x89: {  	s3 =	sld [smem:$0x3FFE];
	_ =	sdelay $0x1  }
0x8a: {  	s1 =	srdreg.scid  }
0x8b: {  	s0 =	sand.u32 $0x1, s1  }
0x8c: {  	s17 =	sshll.u32 s0, $0xA;
	s2 =	sadd.s32 s3, s2  }
0x8d: {  	s2 =	sadd.s32 s2, s17  }
0x8e: {  	[smem:$0x3FC4] =	sst s2  }
0x8f: {  	_ = 	snop  }
0x90: {  	s2 =	sld [smem:$0x3FD0];
	(tm) =	ssettm $0x1  }
0x91: {  	s18 =	sld [smem:$0x3FFB];
	_ =	sdelay $0x3  }
0x92: {  	_ =	strace s18  }
0x93: {  	s3 =	sld [smem:$0x3FFC];
	_ =	sdelay $0x3  }
0x94: {  	_ =	strace s3  }
0x95: {  	s3 =	sld [smem:$0x3FFD];
	_ =	sdelay $0x3  }
0x96: {  	_ =	strace s3  }
0x97: {  	_ =	strace $0x8FFFFFFF  }
0x98: {  	s19 =	sld [smem:$0x3FDB];
	_ =	sdelay $0x1  }
0x99: {  	s4 =	simm.s32 $_scs_section_size  }
0x9a: {  	s5 =	simm.s32 $_size__tile_overlayer_lowered;
	s6 =	simm.s32 $_tile_overlayer_lowered  }
0x9b: {  	s22 =	simm.s32 $0x1BFF;
	s21 =	sshll.u32 s6, $0x1;
	s3 =	sadd.s32 s4, s19  }
0x9c: {  	s7 =	simm.s32 $0x0;
	s20 =	sshll.u32 s5, $0x1;
	s5 =	sadd.s32 s21, s3  }
0x9d: {  	[timem:s7], [sflag:s22] =	dma.local [hbm:s5], s20  }
0x9e: {  	_ =	swait.ge [sflag:s22], s20  }
0x9f: {  	s4 =	ssub.s32 $0x0, s20;
	[sflag:s22] =	ssyncset.done $0x0  }
0xa0: {  	[sflag:s22] =	ssyncadd.s32 s4;
	_ =	sdelay $0x1  }
0xa1: {  	s23 =	simm.s32 $0x1B8B  }
0xa2: {  	_ =	swait.ge [sflag:s23], $0x1  }
0xa3: {  	[sflag:s23] =	ssyncset.done $0x0  }
0xa4: {  	s25 =	simm.s32 $0x1B8E;
	s24 =	sld [smem:$0x3FFE];
	[sflag:s23] =	ssyncadd.s32 $0xFFFFFFFF  }
0xa5: {  	s26 =	simm.s32 $execute0_lowered;
	[smem:$0x3FD2] =	sst s25  }
0xa6: {  	s5 =	sshll.u32 s26, $0x1;
	_ =	strace $0x80000046;
	[dreg:$0x1] =	wrdreg $0xFFFFFFFF  }
0xa7: {  	s28 =	simm.s32 $_size_execute0_lowered;
	s3 =	sadd.s32 s3, s5;
	[dreg:$0x0] =	wrdreg $0x0  }
0xa8: {  	s5 =	sshll.u32 s28, $0x1;
	[dreg:$0x2] =	wrdreg s3  }
0xa9: {  	[dreg:$0x3] =	wrdreg s5  }
0xaa: {  	[dreg:$0x4] =	wrdreg $0xC0  }
0xab: {  	_ =	task [dreg:s7], $0x5FFFF  }
0xac: {  	[dreg:$0x1] =	wrdreg $0xFFFFFFFF  }
0xad: {  	[dreg:$0x0] =	wrdreg $0x60  }
0xae: {  	[dreg:$0x2] =	wrdreg s24  }
0xaf: {  	[dreg:$0x3] =	wrdreg s2  }
0xb0: {  	[dreg:$0x4] =	wrdreg $0x9  }
0xb1: {  	_ =	task.clear_ibuf [dreg:s7], $0x5FFFF;
	_ =	strace $0x90000046  }
0xb2: {  	s29 =	simm.s32 $0x9;
	_ =	strace $0x80000048  }
0xb3: {  	_ =	swait.ge [sflag:s29], $0x1  }
0xb4: {  	[sflag:s29] =	ssyncadd.s32 $0xFFFFFFFF  }
0xb5: {  	_ =	strace $0x90000048  }
0xb6: {  	_ =	sfence  }
0xb7: {  	s30 =	sld [smem:$0x0];
	_ =	sdelay $0x2  }
0xb8: {  	s31 =	sshll.u32 s1, $0xD;
	s1 =	sshrl.u32 s1, $0x2  }
0xb9: {  	s3 =	sand.u32 $0x4000, s31;
	s1 =	sadd.s32 s1, s30  }
0xba: {  	s0 =	sor.u32 s3, s0;
	s1 =	sshll.u32 s1, $0x11  }
0xbb: {  	s0 =	sor.u32 s1, s0  }
0xbc: {  	s0 =	sadd.s32 $0x8F2B, s0  }
0xbd: {  	[sflag:s0] =	ssyncadd.remote.s32 $0x1  }
0xbe: {  	_ =	sfence.sel $0xFFFF  }
0xbf: {  	[dreg:$0x0] =	wrdreg $0xFFFFFFFF;
	(pc) =	sbr.abs _section_cstart, $3  }
0xc0: {  	[dreg:$0x1] =	wrdreg $0xFFFFFFFF  }
0xc1: {  	_ =	task.clear_ibuf [dreg:s7], $0x2FFFF;
	_ =	strace $0x9FFFFFFF  }
0xc2: {  	(tm) =	ssettm $0x7FFFFFFF  }
0xc3: {  	_ =	shalt  }
tec
execute0_lowered:
.L_overlay_start_1:
0x0: {  	(tag) =	ssettag $0x1  }
0x1: {  	s2 =	srdreg.scid  }
0x2: {  	s0 =	rddreg [dreg:$0x0];
	s3 =	stileid.u32;
	s2 =	sand.u32 $0x1, s2  }
0x3: {  	s5 =	simm.s32 $0x0;
	s3 =	sshll.u32 s3, $0x6;
	s4 =	sshll.u32 s2, $0x5  }
0x4: {  	[smem:$0x7FF] =	sst s5;
	s3 =	sor.u32 s4, s3  }
0x5: {  	s1 =	rddreg [dreg:$0x1];
	_ =	strace $0x80000047;
	s4 =	sshll.u32 s3, $0x4  }
0x6: {  	s3 =	sshrl.u32 s3, $0x3;
	s16 =	sadd.s32 s4, s0;
	s0 =	sadd.s32 $0x5200, s0  }
0x7: {  	v1 =	vlaneseq.u32;
	s4 =	sadd.s32 s1, s3;
	[dreg:$0x3] =	wrdreg s0;
	s18 =	sadd.s32 $0x1200, s16  }
0x8: {  	v0 =	vmul.u32 $0x20, v1;
	s19 =	sadd.s32 $0x800, s4;
	[dreg:$0x4] =	wrdreg s18  }
0x9: {  	s20 =	sadd.s32 $0x1000, s4;
	[dreg:$0x5] =	wrdreg s19  }
0xa: {  	v2 =	vor.u32 $0xE00, v0;
	[tilespmem:$0x1FFE0] =	vst v0;
	s21 =	sadd.s32 $0x1800, s4;
	[dreg:$0x6] =	wrdreg s20  }
0xb: {  	v35 =	vmul.u32 $0x10, v1;
	v1 =	vor.u32 $0x6200, v0;
	[tilespmem:$0x1FDD0] =	vst v2;
	s22 =	sadd.s32 $0x2000, s4;
	[dreg:$0x7] =	wrdreg s21  }
0xc: {  	v2 =	vor.u32 $0x1000, v0;
	[tilespmem:$0x1FFF0] =	vst v1;
	s23 =	sadd.s32 $0x2800, s4;
	[dreg:$0x8] =	wrdreg s22  }
0xd: {  	[tilespmem:$0x1FDE0] =	vst v2;
	v2 =	vor.u32 $0x1200, v0;
	s24 =	sadd.s32 $0x3000, s4;
	[dreg:$0x9] =	wrdreg s23  }
0xe: {  	s2 =	ssub.s32 $0x2, s2;
	s25 =	sadd.s32 $0x3800, s4;
	[tilespmem:$0x1FDF0] =	vst v2;
	v2 =	vor.u32 $0x1400, v0;
	[dreg:$0xa] =	wrdreg s24  }
0xf: {  	s17 =	sshrl.u32 s2, $0x1;
	s26 =	sadd.s32 $0x4000, s4;
	[dreg:$0xb] =	wrdreg s25;
	[tilespmem:$0x1FE00] =	vst v2;
	v2 =	vor.u32 $0x1600, v0  }
0x10: {  	s0 =	ssub.s32 s2, s17;
	s2 =	sadd.s32 $0x4800, s4;
	[dreg:$0xc] =	wrdreg s26;
	[tilespmem:$0x1FE10] =	vst v2;
	v2 =	vor.u32 $0x1800, v0  }
0x11: {  	s3 =	sadd.s32 $0x5000, s4;
	[dreg:$0xd] =	wrdreg s2;
	[tilespmem:$0x1FE20] =	vst v2;
	v2 =	vor.u32 $0x1A00, v0  }
0x12: {  	s5 =	sadd.s32 $0x5800, s4;
	[dreg:$0xe] =	wrdreg s3;
	[tilespmem:$0x1FE30] =	vst v2;
	v2 =	vor.u32 $0x1C00, v0  }
0x13: {  	s6 =	sadd.s32 $0x6000, s4;
	[dreg:$0xf] =	wrdreg s5;
	[tilespmem:$0x1FE40] =	vst v2;
	v2 =	vor.u32 $0x1E00, v0  }
0x14: {  	s7 =	sadd.s32 $0x6800, s4;
	[dreg:$0x10] =	wrdreg s6;
	[tilespmem:$0x1FE50] =	vst v2;
	v2 =	vor.u32 $0x2000, v0  }
0x15: {  	s8 =	sadd.s32 $0x7000, s4;
	[dreg:$0x11] =	wrdreg s7;
	[tilespmem:$0x1FE60] =	vst v2;
	v2 =	vor.u32 $0x2200, v0  }
0x16: {  	s9 =	sadd.s32 $0x7800, s4;
	[dreg:$0x12] =	wrdreg s8;
	[tilespmem:$0x1FE70] =	vst v2;
	v2 =	vor.u32 $0x2400, v0  }
0x17: {  	s10 =	sadd.s32 $0x8000, s4;
	[dreg:$0x13] =	wrdreg s9;
	[tilespmem:$0x1FE80] =	vst v2;
	v2 =	vor.u32 $0x2600, v0  }
0x18: {  	s11 =	sadd.s32 $0x8800, s4;
	[dreg:$0x14] =	wrdreg s10;
	[tilespmem:$0x1FE90] =	vst v2;
	v2 =	vor.u32 $0x2800, v0  }
0x19: {  	s12 =	sadd.s32 $0x9000, s4;
	[dreg:$0x15] =	wrdreg s11;
	[tilespmem:$0x1FEA0] =	vst v2;
	v2 =	vor.u32 $0x2A00, v0  }
0x1a: {  	s13 =	sadd.s32 $0x9800, s4;
	[dreg:$0x16] =	wrdreg s12;
	[tilespmem:$0x1FEB0] =	vst v2;
	v2 =	vor.u32 $0x2C00, v0  }
0x1b: {  	s28 =	simm.s32 $0x1000;
	s14 =	sadd.s32 $0xA000, s4;
	[dreg:$0x17] =	wrdreg s13;
	[tilespmem:$0x1FEC0] =	vst v2;
	v2 =	vor.u32 $0x2E00, v0  }
0x1c: {  	s29 =	simm.s32 $0x4E80;
	s15 =	sadd.s32 $0xA800, s4;
	[dreg:$0x19] =	wrdreg s14;
	[tilespmem:$0x1FED0] =	vst v2;
	v2 =	vor.u32 $0x3000, v0  }
0x1d: {  	s30 =	simm.s32 $0xB280;
	s16 =	sadd.s32 $0xB000, s4;
	[dreg:$0x1a] =	wrdreg s15;
	[tilespmem:$0x1FEE0] =	vst v2;
	v2 =	vor.u32 $0x3200, v0  }
0x1e: {  	s31 =	simm.s32 $0x20;
	s17 =	sadd.s32 $0xB800, s4;
	[dreg:$0x1b] =	wrdreg s16;
	[tilespmem:$0x1FEF0] =	vst v2;
	v2 =	vor.u32 $0x3400, v0  }
0x1f: {  	s1 =	simm.s32 $0x1;
	s0 =	smax.u32 s0, $0x1;
	[dreg:$0x1c] =	wrdreg s17;
	[tilespmem:$0x1FF00] =	vst v2;
	v2 =	vor.u32 $0x3600, v0  }
0x20: {  	s18 =	sadd.s32 $0xC000, s4;
	s19 =	sadd.s32 $0xC800, s4;
	[dreg:$0x18] =	wrdreg s0;
	[tilespmem:$0x1FF10] =	vst v2;
	v2 =	vor.u32 $0x3800, v0  }
0x21: {  	s20 =	sadd.s32 $0xD000, s4;
	s21 =	sadd.s32 $0xD800, s4;
	[dreg:$0x1d] =	wrdreg s18;
	[tilespmem:$0x1FF20] =	vst v2;
	v2 =	vor.u32 $0x3A00, v0  }
0x22: {  	v36 =	vor.u32 $0x200, v0;
	s22 =	sadd.s32 $0xE000, s4;
	s23 =	sadd.s32 $0xE800, s4;
	[dreg:$0x1e] =	wrdreg s19;
	[tilespmem:$0x1FF30] =	vst v2;
	v2 =	vor.u32 $0x3C00, v0  }
0x23: {  	v37 =	vor.u32 $0x400, v0;
	v38 =	vor.u32 $0x600, v0;
	s24 =	sadd.s32 $0xF000, s4;
	s25 =	sadd.s32 $0xF800, s4;
	[dreg:$0x1f] =	wrdreg s20;
	[tilespmem:$0x1FF40] =	vst v2;
	v2 =	vor.u32 $0x3E00, v0  }
0x24: {  	v39 =	vor.u32 $0x800, v0;
	s26 =	sadd.s32 $0x10000, s4;
	s9 =	sadd.s32 $0x10800, s4;
	[smem:$0x7F8] =	sst s21;
	[tilespmem:$0x1FF50] =	vst v2;
	v2 =	vor.u32 $0x4000, v0  }
0x25: {  	v40 =	vor.u32 $0xA00, v0;
	s10 =	sadd.s32 $0x11000, s4;
	s11 =	sadd.s32 $0x11800, s4;
	[smem:$0x7F9] =	sst s22;
	[tilespmem:$0x1FF60] =	vst v2;
	v2 =	vor.u32 $0x4200, v0  }
0x26: {  	v34 =	vor.u32 $0xC00, v0;
	s12 =	sadd.s32 $0x12000, s4;
	s13 =	sadd.s32 $0x12800, s4;
	[smem:$0x7FA] =	sst s23;
	[tilespmem:$0x1FF70] =	vst v2;
	v2 =	vor.u32 $0x4400, v0  }
0x27: {  	v48 =	vor.u32 $0x5000, v0;
	s14 =	sadd.s32 $0x13000, s4;
	s15 =	sadd.s32 $0x13800, s4;
	[smem:$0x7FB] =	sst s24;
	[tilespmem:$0x1FF80] =	vst v2;
	v2 =	vor.u32 $0x4600, v0  }
0x28: {  	v49 =	vor.u32 $0x5200, v0;
	s16 =	sadd.s32 $0x14000, s4;
	s17 =	sadd.s32 $0x14800, s4;
	[smem:$0x7FC] =	sst s25;
	[tilespmem:$0x1FF90] =	vst v2;
	v2 =	vor.u32 $0x4800, v0  }
0x29: {  	v50 =	vor.u32 $0x5400, v0;
	v42 =	vor.u32 $0x5600, v0;
	s2 =	simm.s32 $0x0;
	[smem:$0x7FD] =	sst s26;
	s18 =	sadd.s32 $0x15000, s4;
	[tilespmem:$0x1FFA0] =	vst v2;
	v2 =	vor.u32 $0x4A00, v0  }
0x2a: {  	v43 =	vor.u32 $0x5800, v0;
	s19 =	sadd.s32 $0x15800, s4;
	s20 =	sadd.s32 $0x16000, s4;
	s21 =	sadd.s32 $0x16800, s4;
	[tilespmem:$0x1FFB0] =	vst v2;
	v2 =	vor.u32 $0x4C00, v0  }
0x2b: {  	v44 =	vor.u32 $0x5A00, v0;
	s22 =	sadd.s32 $0x17000, s4;
	s23 =	sadd.s32 $0x17800, s4;
	s24 =	sadd.s32 $0x18000, s4;
	[tilespmem:$0x1FFC0] =	vst v2;
	v2 =	vor.u32 $0x4E00, v0  }
0x2c: {  	v45 =	vor.u32 $0x5C00, v0;
	v46 =	vor.u32 $0x5E00, v0;
	v47 =	vor.u32 $0x6000, v0;
	s25 =	sadd.s32 $0x18800, s4;
	s26 =	simm.s32 $0x2;
	s0 =	simm.s32 $0x400;
	[tilespmem:$0x1FFD0] =	vst v2  }
.LBB2_1:
0x2d: {  	s3 =	simm.s32 $0x0;
	s5 =	rddreg [dreg:$0x4]  }
0x2e: {  	[tilespmem:s3], [sflag:$0x2] =	stream.linear.gather [hbm4b:s5+s3], $0x1000, $0x38;
	[tilespmem:$0x11680] =	vst v63  }
0x2f: {  	_ =	swait.ge [sflag:s26], $0x1000  }
0x30: {  	s8 =	simm.s32 $0x10;
	[sflag:s26] =	ssyncset.done $0x0  }
0x31: {  	s6 =	simm.s32 $0x80;
	s7 =	rddreg [dreg:$0x3];
	[sflag:s26] =	ssyncadd.s32 $0xFFFFF000  }
0x32: {  	[tilespmem:s28], [sflag:$0x2] =	stream.strided.gather [hbm4b:s7+s8], $0x3E80, s6, s8, $0x38;
	[tilespmem:$0x11680] =	vst v63  }
0x33: {  	_ =	swait.ge [sflag:s26], $0x3E80  }
0x34: {  	s3 =	simm.s32 $0xA2;
	s5 =	simm.s32 $0x51A0;
	[sflag:s26] =	ssyncset.done $0x0  }
0x35: {  	s6 =	simm.s32 $0x0;
	s7 =	simm.s32 $0x0;
	[sflag:s26] =	ssyncadd.s32 $0xFFFFC180  }
.LBB2_2:
0x36: {  	v51 =	vld [tilespmem:s3+$0xFFFFFF5E];
	_ =	sdelay $0x4  }
0x37: {  	v51 =	vshll.u32 v51, $0x4  }
0x38: {  	v52 =	vor.u32 $0x1, v51  }
0x39: {  	v53 =	vor.u32 $0x2, v51  }
0x3a: {  	v54 =	vor.u32 $0x3, v51  }
0x3b: {  	v55 =	vor.u32 $0x4, v51  }
0x3c: {  	v57 =	vor.u32 $0x5, v51;
	v56 =	vld.idx.msk [tilespmem:v51+s28+$0x0], $0xffff  }
0x3d: {  	v58 =	vor.u32 $0x6, v51;
	v52 =	vld.idx.msk [tilespmem:v52+s28+$0x0], $0xffff  }
0x3e: {  	v59 =	vor.u32 $0x7, v51;
	v53 =	vld.idx.msk [tilespmem:v53+s28+$0x0], $0xffff  }
0x3f: {  	v60 =	vor.u32 $0x8, v51;
	v54 =	vld.idx.msk [tilespmem:v54+s28+$0x0], $0xffff  }
0x40: {  	v61 =	vor.u32 $0x9, v51;
	v55 =	vld.idx.msk [tilespmem:v55+s28+$0x0], $0xffff  }
0x41: {  	v62 =	vor.u32 $0xA, v51;
	v57 =	vld.idx.msk [tilespmem:v57+s28+$0x0], $0xffff  }
0x42: {  	v63 =	vor.u32 $0xB, v51;
	v58 =	vld.idx.msk [tilespmem:v58+s28+$0x0], $0xffff  }
0x43: {  	v2 =	vor.u32 $0xC, v51;
	v59 =	vld.idx.msk [tilespmem:v59+s28+$0x0], $0xffff  }
0x44: {  	v4 =	vmov s7;
	v3 =	vor.u32 $0xD, v51;
	v60 =	vld.idx.msk [tilespmem:v60+s28+$0x0], $0xffff  }
0x45: {  	v4 =	vshll.u32 v4, $0x4;
	v5 =	vor.u32 $0xE, v51;
	v61 =	vld.idx.msk [tilespmem:v61+s28+$0x0], $0xffff  }
0x46: {  	v4 =	vadd.s32 v35, v4;
	v51 =	vor.u32 $0xF, v51;
	v62 =	vld.idx.msk [tilespmem:v62+s28+$0x0], $0xffff  }
0x47: {  	v6 =	vor.u32 $0x1, v4;
	v63 =	vld.idx.msk [tilespmem:v63+s28+$0x0], $0xffff  }
0x48: {  	v7 =	vor.u32 $0x2, v4;
	v2 =	vld.idx.msk [tilespmem:v2+s28+$0x0], $0xffff  }
0x49: {  	v8 =	vor.u32 $0x3, v4;
	v3 =	vld.idx.msk [tilespmem:v3+s28+$0x0], $0xffff  }
0x4a: {  	v9 =	vor.u32 $0x4, v4;
	v5 =	vld.idx.msk [tilespmem:v5+s28+$0x0], $0xffff  }
0x4b: {  	v30 =	vor.u32 $0x5, v4;
	v51 =	vld.idx.msk [tilespmem:v51+s28+$0x0], $0xffff;
	[tilespmem:v4+s29+$0x0] =	vst.idx.msk $0xffff, v56  }
0x4c: {  	v31 =	vor.u32 $0x6, v4;
	[tilespmem:v6+s29+$0x0] =	vst.idx.msk $0xffff, v52  }
0x4d: {  	v32 =	vor.u32 $0x7, v4;
	[tilespmem:v7+s29+$0x0] =	vst.idx.msk $0xffff, v53  }
0x4e: {  	v33 =	vor.u32 $0x8, v4;
	[tilespmem:v8+s29+$0x0] =	vst.idx.msk $0xffff, v54  }
0x4f: {  	v41 =	vor.u32 $0x9, v4;
	[tilespmem:v9+s29+$0x0] =	vst.idx.msk $0xffff, v55  }
0x50: {  	[tilespmem:v30+s29+$0x0] =	vst.idx.msk $0xffff, v57;
	v57 =	vor.u32 $0xA, v4  }
0x51: {  	v12 =	vor.u32 $0xB, v4;
	[tilespmem:v31+s29+$0x0] =	vst.idx.msk $0xffff, v58  }
0x52: {  	v13 =	vor.u32 $0xC, v4;
	[tilespmem:v32+s29+$0x0] =	vst.idx.msk $0xffff, v59  }
0x53: {  	v14 =	vor.u32 $0xD, v4;
	[tilespmem:v33+s29+$0x0] =	vst.idx.msk $0xffff, v60  }
0x54: {  	v15 =	vor.u32 $0xE, v4;
	[tilespmem:v41+s29+$0x0] =	vst.idx.msk $0xffff, v61  }
0x55: {  	v4 =	vor.u32 $0xF, v4;
	[tilespmem:v57+s29+$0x0] =	vst.idx.msk $0xffff, v62  }
0x56: {  	[tilespmem:v12+s29+$0x0] =	vst.idx.msk $0xffff, v63  }
0x57: {  	[tilespmem:v13+s29+$0x0] =	vst.idx.msk $0xffff, v2  }
0x58: {  	[tilespmem:v14+s29+$0x0] =	vst.idx.msk $0xffff, v3  }
0x59: {  	[tilespmem:v15+s29+$0x0] =	vst.idx.msk $0xffff, v5  }
0x5a: {  	[tilespmem:v4+s29+$0x0] =	vst.idx.msk $0xffff, v51  }
0x5b: {  	v2 =	vld [tilespmem:s3+$0xFFFFFF6E];
	_ =	sdelay $0x4  }
0x5c: {  	v2 =	vshll.u32 v2, $0x4  }
0x5d: {  	v3 =	vor.u32 $0x1, v2  }
0x5e: {  	v16 =	vor.u32 $0x2, v2  }
0x5f: {  	v17 =	vor.u32 $0x3, v2  }
0x60: {  	v18 =	vor.u32 $0x4, v2  }
0x61: {  	v19 =	vor.u32 $0x5, v2;
	v7 =	vld.idx.msk [tilespmem:v2+s28+$0x0], $0xffff  }
0x62: {  	v20 =	vor.u32 $0x6, v2;
	v3 =	vld.idx.msk [tilespmem:v3+s28+$0x0], $0xffff  }
0x63: {  	v21 =	vor.u32 $0x7, v2;
	v4 =	vld.idx.msk [tilespmem:v16+s28+$0x0], $0xffff  }
0x64: {  	v22 =	vor.u32 $0x8, v2;
	v5 =	vld.idx.msk [tilespmem:v17+s28+$0x0], $0xffff  }
0x65: {  	v23 =	vor.u32 $0x9, v2;
	v6 =	vld.idx.msk [tilespmem:v18+s28+$0x0], $0xffff  }
0x66: {  	v24 =	vor.u32 $0xA, v2;
	v8 =	vld.idx.msk [tilespmem:v19+s28+$0x0], $0xffff  }
0x67: {  	v25 =	vor.u32 $0xB, v2;
	v9 =	vld.idx.msk [tilespmem:v20+s28+$0x0], $0xffff  }
0x68: {  	s8 =	sadd.s32 $0x10, s7;
	v26 =	vor.u32 $0xC, v2;
	v51 =	vld.idx.msk [tilespmem:v21+s28+$0x0], $0xffff  }
0x69: {  	v28 =	vmov s8;
	v27 =	vor.u32 $0xD, v2;
	v52 =	vld.idx.msk [tilespmem:v22+s28+$0x0], $0xffff  }
0x6a: {  	v58 =	vshll.u32 v28, $0x4;
	v29 =	vor.u32 $0xE, v2;
	v53 =	vld.idx.msk [tilespmem:v23+s28+$0x0], $0xffff  }
0x6b: {  	v58 =	vadd.s32 v35, v58;
	v2 =	vor.u32 $0xF, v2;
	v54 =	vld.idx.msk [tilespmem:v24+s28+$0x0], $0xffff  }
0x6c: {  	v30 =	vor.u32 $0x1, v58;
	v55 =	vld.idx.msk [tilespmem:v25+s28+$0x0], $0xffff  }
0x6d: {  	v31 =	vor.u32 $0x2, v58;
	v56 =	vld.idx.msk [tilespmem:v26+s28+$0x0], $0xffff  }
0x6e: {  	v32 =	vor.u32 $0x3, v58;
	v57 =	vld.idx.msk [tilespmem:v27+s28+$0x0], $0xffff  }
0x6f: {  	v33 =	vor.u32 $0x4, v58;
	v59 =	vld.idx.msk [tilespmem:v29+s28+$0x0], $0xffff  }
0x70: {  	v41 =	vor.u32 $0x5, v58;
	v2 =	vld.idx.msk [tilespmem:v2+s28+$0x0], $0xffff;
	[tilespmem:v58+s29+$0x0] =	vst.idx.msk $0xffff, v7  }
0x71: {  	[tilespmem:v30+s29+$0x0] =	vst.idx.msk $0xffff, v3;
	v3 =	vor.u32 $0x6, v58  }
0x72: {  	v61 =	vor.u32 $0x7, v58;
	[tilespmem:v31+s29+$0x0] =	vst.idx.msk $0xffff, v4  }
0x73: {  	v62 =	vor.u32 $0x8, v58;
	[tilespmem:v32+s29+$0x0] =	vst.idx.msk $0xffff, v5  }
0x74: {  	v10 =	vor.u32 $0x9, v58;
	[tilespmem:v33+s29+$0x0] =	vst.idx.msk $0xffff, v6  }
0x75: {  	v11 =	vor.u32 $0xA, v58;
	[tilespmem:v41+s29+$0x0] =	vst.idx.msk $0xffff, v8  }
0x76: {  	[tilespmem:v3+s29+$0x0] =	vst.idx.msk $0xffff, v9;
	v3 =	vor.u32 $0xB, v58  }
0x77: {  	v12 =	vor.u32 $0xC, v58;
	[tilespmem:v61+s29+$0x0] =	vst.idx.msk $0xffff, v51  }
0x78: {  	v13 =	vor.u32 $0xD, v58;
	[tilespmem:v62+s29+$0x0] =	vst.idx.msk $0xffff, v52  }
0x79: {  	v14 =	vor.u32 $0xE, v58;
	[tilespmem:v10+s29+$0x0] =	vst.idx.msk $0xffff, v53  }
0x7a: {  	v15 =	vor.u32 $0xF, v58;
	[tilespmem:v11+s29+$0x0] =	vst.idx.msk $0xffff, v54  }
0x7b: {  	[tilespmem:v3+s29+$0x0] =	vst.idx.msk $0xffff, v55  }
0x7c: {  	[tilespmem:v12+s29+$0x0] =	vst.idx.msk $0xffff, v56  }
0x7d: {  	[tilespmem:v13+s29+$0x0] =	vst.idx.msk $0xffff, v57  }
0x7e: {  	[tilespmem:v14+s29+$0x0] =	vst.idx.msk $0xffff, v59  }
0x7f: {  	[tilespmem:v15+s29+$0x0] =	vst.idx.msk $0xffff, v2  }
0x80: {  	v2 =	vld [tilespmem:s3+$0xFFFFFF7E];
	_ =	sdelay $0x4  }
0x81: {  	v2 =	vshll.u32 v2, $0x4  }
0x82: {  	v3 =	vor.u32 $0x1, v2  }
0x83: {  	v16 =	vor.u32 $0x2, v2  }
0x84: {  	v17 =	vor.u32 $0x3, v2  }
0x85: {  	v18 =	vor.u32 $0x4, v2  }
0x86: {  	v19 =	vor.u32 $0x5, v2;
	v7 =	vld.idx.msk [tilespmem:v2+s28+$0x0], $0xffff  }
0x87: {  	v20 =	vor.u32 $0x6, v2;
	v3 =	vld.idx.msk [tilespmem:v3+s28+$0x0], $0xffff  }
0x88: {  	v21 =	vor.u32 $0x7, v2;
	v4 =	vld.idx.msk [tilespmem:v16+s28+$0x0], $0xffff  }
0x89: {  	v22 =	vor.u32 $0x8, v2;
	v5 =	vld.idx.msk [tilespmem:v17+s28+$0x0], $0xffff  }
0x8a: {  	v23 =	vor.u32 $0x9, v2;
	v6 =	vld.idx.msk [tilespmem:v18+s28+$0x0], $0xffff  }
0x8b: {  	v24 =	vor.u32 $0xA, v2;
	v8 =	vld.idx.msk [tilespmem:v19+s28+$0x0], $0xffff  }
0x8c: {  	v25 =	vor.u32 $0xB, v2;
	v9 =	vld.idx.msk [tilespmem:v20+s28+$0x0], $0xffff  }
0x8d: {  	s8 =	sadd.s32 $0x20, s7;
	v26 =	vor.u32 $0xC, v2;
	v51 =	vld.idx.msk [tilespmem:v21+s28+$0x0], $0xffff  }
0x8e: {  	v28 =	vmov s8;
	v27 =	vor.u32 $0xD, v2;
	v52 =	vld.idx.msk [tilespmem:v22+s28+$0x0], $0xffff  }
0x8f: {  	v58 =	vshll.u32 v28, $0x4;
	v29 =	vor.u32 $0xE, v2;
	v53 =	vld.idx.msk [tilespmem:v23+s28+$0x0], $0xffff  }
0x90: {  	v58 =	vadd.s32 v35, v58;
	v2 =	vor.u32 $0xF, v2;
	v54 =	vld.idx.msk [tilespmem:v24+s28+$0x0], $0xffff  }
0x91: {  	v30 =	vor.u32 $0x1, v58;
	v55 =	vld.idx.msk [tilespmem:v25+s28+$0x0], $0xffff  }
0x92: {  	v31 =	vor.u32 $0x2, v58;
	v56 =	vld.idx.msk [tilespmem:v26+s28+$0x0], $0xffff  }
0x93: {  	v32 =	vor.u32 $0x3, v58;
	v57 =	vld.idx.msk [tilespmem:v27+s28+$0x0], $0xffff  }
0x94: {  	v33 =	vor.u32 $0x4, v58;
	v59 =	vld.idx.msk [tilespmem:v29+s28+$0x0], $0xffff  }
0x95: {  	v41 =	vor.u32 $0x5, v58;
	v2 =	vld.idx.msk [tilespmem:v2+s28+$0x0], $0xffff;
	[tilespmem:v58+s29+$0x0] =	vst.idx.msk $0xffff, v7  }
0x96: {  	[tilespmem:v30+s29+$0x0] =	vst.idx.msk $0xffff, v3;
	v3 =	vor.u32 $0x6, v58  }
0x97: {  	v61 =	vor.u32 $0x7, v58;
	[tilespmem:v31+s29+$0x0] =	vst.idx.msk $0xffff, v4  }
0x98: {  	v62 =	vor.u32 $0x8, v58;
	[tilespmem:v32+s29+$0x0] =	vst.idx.msk $0xffff, v5  }
0x99: {  	v10 =	vor.u32 $0x9, v58;
	[tilespmem:v33+s29+$0x0] =	vst.idx.msk $0xffff, v6  }
0x9a: {  	v11 =	vor.u32 $0xA, v58;
	[tilespmem:v41+s29+$0x0] =	vst.idx.msk $0xffff, v8  }
0x9b: {  	[tilespmem:v3+s29+$0x0] =	vst.idx.msk $0xffff, v9;
	v3 =	vor.u32 $0xB, v58  }
0x9c: {  	v12 =	vor.u32 $0xC, v58;
	[tilespmem:v61+s29+$0x0] =	vst.idx.msk $0xffff, v51  }
0x9d: {  	v13 =	vor.u32 $0xD, v58;
	[tilespmem:v62+s29+$0x0] =	vst.idx.msk $0xffff, v52  }
0x9e: {  	v14 =	vor.u32 $0xE, v58;
	[tilespmem:v10+s29+$0x0] =	vst.idx.msk $0xffff, v53  }
0x9f: {  	v15 =	vor.u32 $0xF, v58;
	[tilespmem:v11+s29+$0x0] =	vst.idx.msk $0xffff, v54  }
0xa0: {  	[tilespmem:v3+s29+$0x0] =	vst.idx.msk $0xffff, v55  }
0xa1: {  	[tilespmem:v12+s29+$0x0] =	vst.idx.msk $0xffff, v56  }
0xa2: {  	[tilespmem:v13+s29+$0x0] =	vst.idx.msk $0xffff, v57  }
0xa3: {  	[tilespmem:v14+s29+$0x0] =	vst.idx.msk $0xffff, v59  }
0xa4: {  	[tilespmem:v15+s29+$0x0] =	vst.idx.msk $0xffff, v2  }
0xa5: {  	v2 =	vld [tilespmem:s3+$0xFFFFFF80];
	_ =	sdelay $0x4  }
0xa6: {  	v2 =	vshll.u32 v2, $0x4  }
0xa7: {  	v3 =	vor.u32 $0x1, v2  }
0xa8: {  	v16 =	vor.u32 $0x2, v2  }
0xa9: {  	v17 =	vor.u32 $0x3, v2  }
0xaa: {  	v18 =	vor.u32 $0x4, v2  }
0xab: {  	v19 =	vor.u32 $0x5, v2;
	v7 =	vld.idx.msk [tilespmem:v2+s28+$0x0], $0xffff  }
0xac: {  	v20 =	vor.u32 $0x6, v2;
	v3 =	vld.idx.msk [tilespmem:v3+s28+$0x0], $0xffff  }
0xad: {  	v21 =	vor.u32 $0x7, v2;
	v4 =	vld.idx.msk [tilespmem:v16+s28+$0x0], $0xffff  }
0xae: {  	v22 =	vor.u32 $0x8, v2;
	v5 =	vld.idx.msk [tilespmem:v17+s28+$0x0], $0xffff  }
0xaf: {  	v23 =	vor.u32 $0x9, v2;
	v6 =	vld.idx.msk [tilespmem:v18+s28+$0x0], $0xffff  }
0xb0: {  	v24 =	vor.u32 $0xA, v2;
	v8 =	vld.idx.msk [tilespmem:v19+s28+$0x0], $0xffff  }
0xb1: {  	v25 =	vor.u32 $0xB, v2;
	v9 =	vld.idx.msk [tilespmem:v20+s28+$0x0], $0xffff  }
0xb2: {  	s8 =	sadd.s32 $0x22, s7;
	v26 =	vor.u32 $0xC, v2;
	v51 =	vld.idx.msk [tilespmem:v21+s28+$0x0], $0xffff  }
0xb3: {  	v28 =	vmov s8;
	v27 =	vor.u32 $0xD, v2;
	v52 =	vld.idx.msk [tilespmem:v22+s28+$0x0], $0xffff  }
0xb4: {  	v58 =	vshll.u32 v28, $0x4;
	v29 =	vor.u32 $0xE, v2;
	v53 =	vld.idx.msk [tilespmem:v23+s28+$0x0], $0xffff  }
0xb5: {  	v58 =	vadd.s32 v35, v58;
	v2 =	vor.u32 $0xF, v2;
	v54 =	vld.idx.msk [tilespmem:v24+s28+$0x0], $0xffff  }
0xb6: {  	v30 =	vor.u32 $0x1, v58;
	v55 =	vld.idx.msk [tilespmem:v25+s28+$0x0], $0xffff  }
0xb7: {  	v31 =	vor.u32 $0x2, v58;
	v56 =	vld.idx.msk [tilespmem:v26+s28+$0x0], $0xffff  }
0xb8: {  	v32 =	vor.u32 $0x3, v58;
	v57 =	vld.idx.msk [tilespmem:v27+s28+$0x0], $0xffff  }
0xb9: {  	v33 =	vor.u32 $0x4, v58;
	v59 =	vld.idx.msk [tilespmem:v29+s28+$0x0], $0xffff  }
0xba: {  	v41 =	vor.u32 $0x5, v58;
	v2 =	vld.idx.msk [tilespmem:v2+s28+$0x0], $0xffff;
	[tilespmem:v58+s29+$0x0] =	vst.idx.msk $0xffff, v7  }
0xbb: {  	[tilespmem:v30+s29+$0x0] =	vst.idx.msk $0xffff, v3;
	v3 =	vor.u32 $0x6, v58  }
0xbc: {  	v61 =	vor.u32 $0x7, v58;
	[tilespmem:v31+s29+$0x0] =	vst.idx.msk $0xffff, v4  }
0xbd: {  	v10 =	vor.u32 $0x8, v58;
	[tilespmem:v32+s29+$0x0] =	vst.idx.msk $0xffff, v5  }
0xbe: {  	v11 =	vor.u32 $0x9, v58;
	[tilespmem:v33+s29+$0x0] =	vst.idx.msk $0xffff, v6  }
0xbf: {  	v12 =	vor.u32 $0xA, v58;
	[tilespmem:v41+s29+$0x0] =	vst.idx.msk $0xffff, v8  }
0xc0: {  	[tilespmem:v3+s29+$0x0] =	vst.idx.msk $0xffff, v9;
	v3 =	vor.u32 $0xB, v58  }
0xc1: {  	v13 =	vor.u32 $0xC, v58;
	[tilespmem:v61+s29+$0x0] =	vst.idx.msk $0xffff, v51  }
0xc2: {  	v14 =	vor.u32 $0xD, v58;
	[tilespmem:v10+s29+$0x0] =	vst.idx.msk $0xffff, v52  }
0xc3: {  	v15 =	vor.u32 $0xE, v58;
	[tilespmem:v11+s29+$0x0] =	vst.idx.msk $0xffff, v53  }
0xc4: {  	v16 =	vor.u32 $0xF, v58;
	[tilespmem:v12+s29+$0x0] =	vst.idx.msk $0xffff, v54  }
0xc5: {  	[tilespmem:v3+s29+$0x0] =	vst.idx.msk $0xffff, v55  }
0xc6: {  	[tilespmem:v13+s29+$0x0] =	vst.idx.msk $0xffff, v56  }
0xc7: {  	[tilespmem:v14+s29+$0x0] =	vst.idx.msk $0xffff, v57  }
0xc8: {  	[tilespmem:v15+s29+$0x0] =	vst.idx.msk $0xffff, v59  }
0xc9: {  	[tilespmem:v16+s29+$0x0] =	vst.idx.msk $0xffff, v2  }
0xca: {  	v2 =	vld [tilespmem:s3+$0xFFFFFFDE];
	_ =	sdelay $0x4  }
0xcb: {  	v2 =	vshll.u32 v2, $0x4  }
0xcc: {  	v3 =	vor.u32 $0x1, v2  }
0xcd: {  	v17 =	vor.u32 $0x2, v2  }
0xce: {  	v18 =	vor.u32 $0x3, v2  }
0xcf: {  	v19 =	vor.u32 $0x4, v2  }
0xd0: {  	v20 =	vor.u32 $0x5, v2;
	v7 =	vld.idx.msk [tilespmem:v2+s28+$0x0], $0xffff  }
0xd1: {  	v21 =	vor.u32 $0x6, v2;
	v3 =	vld.idx.msk [tilespmem:v3+s28+$0x0], $0xffff  }
0xd2: {  	v22 =	vor.u32 $0x7, v2;
	v4 =	vld.idx.msk [tilespmem:v17+s28+$0x0], $0xffff  }
0xd3: {  	v23 =	vor.u32 $0x8, v2;
	v5 =	vld.idx.msk [tilespmem:v18+s28+$0x0], $0xffff  }
0xd4: {  	v24 =	vor.u32 $0x9, v2;
	v6 =	vld.idx.msk [tilespmem:v19+s28+$0x0], $0xffff  }
0xd5: {  	v25 =	vor.u32 $0xA, v2;
	v8 =	vld.idx.msk [tilespmem:v20+s28+$0x0], $0xffff  }
0xd6: {  	v26 =	vor.u32 $0xB, v2;
	v9 =	vld.idx.msk [tilespmem:v21+s28+$0x0], $0xffff  }
0xd7: {  	s8 =	sadd.s32 $0x32, s7;
	v27 =	vor.u32 $0xC, v2;
	v51 =	vld.idx.msk [tilespmem:v22+s28+$0x0], $0xffff  }
0xd8: {  	v29 =	vmov s8;
	v28 =	vor.u32 $0xD, v2;
	v52 =	vld.idx.msk [tilespmem:v23+s28+$0x0], $0xffff  }
0xd9: {  	v58 =	vshll.u32 v29, $0x4;
	v30 =	vor.u32 $0xE, v2;
	v53 =	vld.idx.msk [tilespmem:v24+s28+$0x0], $0xffff  }
0xda: {  	v58 =	vadd.s32 v35, v58;
	v2 =	vor.u32 $0xF, v2;
	v54 =	vld.idx.msk [tilespmem:v25+s28+$0x0], $0xffff  }
0xdb: {  	v31 =	vor.u32 $0x1, v58;
	v55 =	vld.idx.msk [tilespmem:v26+s28+$0x0], $0xffff  }
0xdc: {  	v32 =	vor.u32 $0x2, v58;
	v56 =	vld.idx.msk [tilespmem:v27+s28+$0x0], $0xffff  }
0xdd: {  	v33 =	vor.u32 $0x3, v58;
	v57 =	vld.idx.msk [tilespmem:v28+s28+$0x0], $0xffff  }
0xde: {  	v41 =	vor.u32 $0x4, v58;
	v59 =	vld.idx.msk [tilespmem:v30+s28+$0x0], $0xffff  }
0xdf: {  	v10 =	vor.u32 $0x5, v58;
	v2 =	vld.idx.msk [tilespmem:v2+s28+$0x0], $0xffff;
	[tilespmem:v58+s29+$0x0] =	vst.idx.msk $0xffff, v7  }
0xe0: {  	[tilespmem:v31+s29+$0x0] =	vst.idx.msk $0xffff, v3;
	v3 =	vor.u32 $0x6, v58  }
0xe1: {  	v11 =	vor.u32 $0x7, v58;
	[tilespmem:v32+s29+$0x0] =	vst.idx.msk $0xffff, v4  }
0xe2: {  	v12 =	vor.u32 $0x8, v58;
	[tilespmem:v33+s29+$0x0] =	vst.idx.msk $0xffff, v5  }
0xe3: {  	v13 =	vor.u32 $0x9, v58;
	[tilespmem:v41+s29+$0x0] =	vst.idx.msk $0xffff, v6  }
0xe4: {  	v14 =	vor.u32 $0xA, v58;
	[tilespmem:v10+s29+$0x0] =	vst.idx.msk $0xffff, v8  }
0xe5: {  	[tilespmem:v3+s29+$0x0] =	vst.idx.msk $0xffff, v9;
	v3 =	vor.u32 $0xB, v58  }
0xe6: {  	v15 =	vor.u32 $0xC, v58;
	[tilespmem:v11+s29+$0x0] =	vst.idx.msk $0xffff, v51  }
0xe7: {  	v16 =	vor.u32 $0xD, v58;
	[tilespmem:v12+s29+$0x0] =	vst.idx.msk $0xffff, v52  }
0xe8: {  	v17 =	vor.u32 $0xE, v58;
	[tilespmem:v13+s29+$0x0] =	vst.idx.msk $0xffff, v53  }
0xe9: {  	v18 =	vor.u32 $0xF, v58;
	[tilespmem:v14+s29+$0x0] =	vst.idx.msk $0xffff, v54  }
0xea: {  	[tilespmem:v3+s29+$0x0] =	vst.idx.msk $0xffff, v55  }
0xeb: {  	[tilespmem:v15+s29+$0x0] =	vst.idx.msk $0xffff, v56  }
0xec: {  	[tilespmem:v16+s29+$0x0] =	vst.idx.msk $0xffff, v57  }
0xed: {  	[tilespmem:v17+s29+$0x0] =	vst.idx.msk $0xffff, v59  }
0xee: {  	[tilespmem:v18+s29+$0x0] =	vst.idx.msk $0xffff, v2  }
0xef: {  	v2 =	vld [tilespmem:s3+$0xFFFFFFEE];
	_ =	sdelay $0x4  }
0xf0: {  	v2 =	vshll.u32 v2, $0x4  }
0xf1: {  	v3 =	vor.u32 $0x1, v2  }
0xf2: {  	v19 =	vor.u32 $0x2, v2  }
0xf3: {  	v20 =	vor.u32 $0x3, v2  }
0xf4: {  	v21 =	vor.u32 $0x4, v2  }
0xf5: {  	v22 =	vor.u32 $0x5, v2;
	v7 =	vld.idx.msk [tilespmem:v2+s28+$0x0], $0xffff  }
0xf6: {  	v23 =	vor.u32 $0x6, v2;
	v3 =	vld.idx.msk [tilespmem:v3+s28+$0x0], $0xffff  }
0xf7: {  	v24 =	vor.u32 $0x7, v2;
	v4 =	vld.idx.msk [tilespmem:v19+s28+$0x0], $0xffff  }
0xf8: {  	v25 =	vor.u32 $0x8, v2;
	v5 =	vld.idx.msk [tilespmem:v20+s28+$0x0], $0xffff  }
0xf9: {  	v26 =	vor.u32 $0x9, v2;
	v6 =	vld.idx.msk [tilespmem:v21+s28+$0x0], $0xffff  }
0xfa: {  	v27 =	vor.u32 $0xA, v2;
	v8 =	vld.idx.msk [tilespmem:v22+s28+$0x0], $0xffff  }
0xfb: {  	v28 =	vor.u32 $0xB, v2;
	v9 =	vld.idx.msk [tilespmem:v23+s28+$0x0], $0xffff  }
0xfc: {  	s8 =	sadd.s32 $0x42, s7;
	v29 =	vor.u32 $0xC, v2;
	v51 =	vld.idx.msk [tilespmem:v24+s28+$0x0], $0xffff  }
0xfd: {  	v31 =	vmov s8;
	v30 =	vor.u32 $0xD, v2;
	v52 =	vld.idx.msk [tilespmem:v25+s28+$0x0], $0xffff  }
0xfe: {  	v58 =	vshll.u32 v31, $0x4;
	v32 =	vor.u32 $0xE, v2;
	v53 =	vld.idx.msk [tilespmem:v26+s28+$0x0], $0xffff  }
0xff: {  	v58 =	vadd.s32 v35, v58;
	v2 =	vor.u32 $0xF, v2;
	v54 =	vld.idx.msk [tilespmem:v27+s28+$0x0], $0xffff  }
0x100: {  	v33 =	vor.u32 $0x1, v58;
	v55 =	vld.idx.msk [tilespmem:v28+s28+$0x0], $0xffff  }
0x101: {  	v41 =	vor.u32 $0x2, v58;
	v56 =	vld.idx.msk [tilespmem:v29+s28+$0x0], $0xffff  }
0x102: {  	v10 =	vor.u32 $0x3, v58;
	v57 =	vld.idx.msk [tilespmem:v30+s28+$0x0], $0xffff  }
0x103: {  	v11 =	vor.u32 $0x4, v58;
	v59 =	vld.idx.msk [tilespmem:v32+s28+$0x0], $0xffff  }
0x104: {  	v12 =	vor.u32 $0x5, v58;
	v2 =	vld.idx.msk [tilespmem:v2+s28+$0x0], $0xffff;
	[tilespmem:v58+s29+$0x0] =	vst.idx.msk $0xffff, v7  }
0x105: {  	[tilespmem:v33+s29+$0x0] =	vst.idx.msk $0xffff, v3;
	v3 =	vor.u32 $0x6, v58  }
0x106: {  	v13 =	vor.u32 $0x7, v58;
	[tilespmem:v41+s29+$0x0] =	vst.idx.msk $0xffff, v4  }
0x107: {  	v14 =	vor.u32 $0x8, v58;
	[tilespmem:v10+s29+$0x0] =	vst.idx.msk $0xffff, v5  }
0x108: {  	v15 =	vor.u32 $0x9, v58;
	[tilespmem:v11+s29+$0x0] =	vst.idx.msk $0xffff, v6  }
0x109: {  	v16 =	vor.u32 $0xA, v58;
	[tilespmem:v12+s29+$0x0] =	vst.idx.msk $0xffff, v8  }
0x10a: {  	[tilespmem:v3+s29+$0x0] =	vst.idx.msk $0xffff, v9;
	v3 =	vor.u32 $0xB, v58  }
0x10b: {  	v17 =	vor.u32 $0xC, v58;
	[tilespmem:v13+s29+$0x0] =	vst.idx.msk $0xffff, v51  }
0x10c: {  	v18 =	vor.u32 $0xD, v58;
	[tilespmem:v14+s29+$0x0] =	vst.idx.msk $0xffff, v52  }
0x10d: {  	v19 =	vor.u32 $0xE, v58;
	[tilespmem:v15+s29+$0x0] =	vst.idx.msk $0xffff, v53  }
0x10e: {  	v20 =	vor.u32 $0xF, v58;
	[tilespmem:v16+s29+$0x0] =	vst.idx.msk $0xffff, v54  }
0x10f: {  	[tilespmem:v3+s29+$0x0] =	vst.idx.msk $0xffff, v55  }
0x110: {  	[tilespmem:v17+s29+$0x0] =	vst.idx.msk $0xffff, v56  }
0x111: {  	[tilespmem:v18+s29+$0x0] =	vst.idx.msk $0xffff, v57  }
0x112: {  	[tilespmem:v19+s29+$0x0] =	vst.idx.msk $0xffff, v59  }
0x113: {  	[tilespmem:v20+s29+$0x0] =	vst.idx.msk $0xffff, v2  }
0x114: {  	v2 =	vld [tilespmem:s3+$0xFFFFFFFE];
	_ =	sdelay $0x4  }
0x115: {  	v2 =	vshll.u32 v2, $0x4  }
0x116: {  	v3 =	vor.u32 $0x1, v2  }
0x117: {  	v21 =	vor.u32 $0x2, v2  }
0x118: {  	v22 =	vor.u32 $0x3, v2  }
0x119: {  	v23 =	vor.u32 $0x4, v2  }
0x11a: {  	v24 =	vor.u32 $0x5, v2;
	v7 =	vld.idx.msk [tilespmem:v2+s28+$0x0], $0xffff  }
0x11b: {  	v25 =	vor.u32 $0x6, v2;
	v3 =	vld.idx.msk [tilespmem:v3+s28+$0x0], $0xffff  }
0x11c: {  	v26 =	vor.u32 $0x7, v2;
	v4 =	vld.idx.msk [tilespmem:v21+s28+$0x0], $0xffff  }
0x11d: {  	v27 =	vor.u32 $0x8, v2;
	v5 =	vld.idx.msk [tilespmem:v22+s28+$0x0], $0xffff  }
0x11e: {  	v28 =	vor.u32 $0x9, v2;
	v6 =	vld.idx.msk [tilespmem:v23+s28+$0x0], $0xffff  }
0x11f: {  	v29 =	vor.u32 $0xA, v2;
	v8 =	vld.idx.msk [tilespmem:v24+s28+$0x0], $0xffff  }
0x120: {  	v30 =	vor.u32 $0xB, v2;
	v9 =	vld.idx.msk [tilespmem:v25+s28+$0x0], $0xffff  }
0x121: {  	s8 =	sadd.s32 $0x52, s7;
	v31 =	vor.u32 $0xC, v2;
	v51 =	vld.idx.msk [tilespmem:v26+s28+$0x0], $0xffff  }
0x122: {  	v33 =	vmov s8;
	v32 =	vor.u32 $0xD, v2;
	v52 =	vld.idx.msk [tilespmem:v27+s28+$0x0], $0xffff  }
0x123: {  	v58 =	vshll.u32 v33, $0x4;
	v41 =	vor.u32 $0xE, v2;
	v53 =	vld.idx.msk [tilespmem:v28+s28+$0x0], $0xffff  }
0x124: {  	v58 =	vadd.s32 v35, v58;
	v2 =	vor.u32 $0xF, v2;
	v54 =	vld.idx.msk [tilespmem:v29+s28+$0x0], $0xffff  }
0x125: {  	v10 =	vor.u32 $0x1, v58;
	v55 =	vld.idx.msk [tilespmem:v30+s28+$0x0], $0xffff  }
0x126: {  	v11 =	vor.u32 $0x2, v58;
	v56 =	vld.idx.msk [tilespmem:v31+s28+$0x0], $0xffff  }
0x127: {  	v12 =	vor.u32 $0x3, v58;
	v57 =	vld.idx.msk [tilespmem:v32+s28+$0x0], $0xffff  }
0x128: {  	v13 =	vor.u32 $0x4, v58;
	v59 =	vld.idx.msk [tilespmem:v41+s28+$0x0], $0xffff  }
0x129: {  	v14 =	vor.u32 $0x5, v58;
	v2 =	vld.idx.msk [tilespmem:v2+s28+$0x0], $0xffff;
	[tilespmem:v58+s29+$0x0] =	vst.idx.msk $0xffff, v7  }
0x12a: {  	[tilespmem:v10+s29+$0x0] =	vst.idx.msk $0xffff, v3;
	v3 =	vor.u32 $0x6, v58  }
0x12b: {  	v15 =	vor.u32 $0x7, v58;
	[tilespmem:v11+s29+$0x0] =	vst.idx.msk $0xffff, v4  }
0x12c: {  	v16 =	vor.u32 $0x8, v58;
	[tilespmem:v12+s29+$0x0] =	vst.idx.msk $0xffff, v5  }
0x12d: {  	v17 =	vor.u32 $0x9, v58;
	[tilespmem:v13+s29+$0x0] =	vst.idx.msk $0xffff, v6  }
0x12e: {  	v18 =	vor.u32 $0xA, v58;
	[tilespmem:v14+s29+$0x0] =	vst.idx.msk $0xffff, v8  }
0x12f: {  	[tilespmem:v3+s29+$0x0] =	vst.idx.msk $0xffff, v9;
	v3 =	vor.u32 $0xB, v58  }
0x130: {  	v19 =	vor.u32 $0xC, v58;
	[tilespmem:v15+s29+$0x0] =	vst.idx.msk $0xffff, v51  }
0x131: {  	v20 =	vor.u32 $0xD, v58;
	[tilespmem:v16+s29+$0x0] =	vst.idx.msk $0xffff, v52  }
0x132: {  	v21 =	vor.u32 $0xE, v58;
	[tilespmem:v17+s29+$0x0] =	vst.idx.msk $0xffff, v53  }
0x133: {  	v22 =	vor.u32 $0xF, v58;
	[tilespmem:v18+s29+$0x0] =	vst.idx.msk $0xffff, v54  }
0x134: {  	[tilespmem:v3+s29+$0x0] =	vst.idx.msk $0xffff, v55  }
0x135: {  	[tilespmem:v19+s29+$0x0] =	vst.idx.msk $0xffff, v56  }
0x136: {  	[tilespmem:v20+s29+$0x0] =	vst.idx.msk $0xffff, v57  }
0x137: {  	[tilespmem:v21+s29+$0x0] =	vst.idx.msk $0xffff, v59  }
0x138: {  	[tilespmem:v22+s29+$0x0] =	vst.idx.msk $0xffff, v2  }
0x139: {  	v2 =	vld [tilespmem:s3+$0x0];
	_ =	sdelay $0x4  }
0x13a: {  	v2 =	vshll.u32 v2, $0x4  }
0x13b: {  	v3 =	vor.u32 $0x1, v2  }
0x13c: {  	v23 =	vor.u32 $0x2, v2  }
0x13d: {  	v24 =	vor.u32 $0x3, v2  }
0x13e: {  	v25 =	vor.u32 $0x4, v2  }
0x13f: {  	v26 =	vor.u32 $0x5, v2;
	v7 =	vld.idx.msk [tilespmem:v2+s28+$0x0], $0xffff  }
0x140: {  	v27 =	vor.u32 $0x6, v2;
	v3 =	vld.idx.msk [tilespmem:v3+s28+$0x0], $0xffff  }
0x141: {  	v28 =	vor.u32 $0x7, v2;
	v4 =	vld.idx.msk [tilespmem:v23+s28+$0x0], $0xffff  }
0x142: {  	v29 =	vor.u32 $0x8, v2;
	v5 =	vld.idx.msk [tilespmem:v24+s28+$0x0], $0xffff  }
0x143: {  	v30 =	vor.u32 $0x9, v2;
	v6 =	vld.idx.msk [tilespmem:v25+s28+$0x0], $0xffff  }
0x144: {  	v31 =	vor.u32 $0xA, v2;
	v8 =	vld.idx.msk [tilespmem:v26+s28+$0x0], $0xffff  }
0x145: {  	v32 =	vor.u32 $0xB, v2;
	v9 =	vld.idx.msk [tilespmem:v27+s28+$0x0], $0xffff  }
0x146: {  	s8 =	sadd.s32 $0x54, s7;
	v33 =	vor.u32 $0xC, v2;
	v51 =	vld.idx.msk [tilespmem:v28+s28+$0x0], $0xffff  }
0x147: {  	v63 =	vmov s8;
	v41 =	vor.u32 $0xD, v2;
	v52 =	vld.idx.msk [tilespmem:v29+s28+$0x0], $0xffff  }
0x148: {  	v58 =	vshll.u32 v63, $0x4;
	v10 =	vor.u32 $0xE, v2;
	v53 =	vld.idx.msk [tilespmem:v30+s28+$0x0], $0xffff  }
0x149: {  	v58 =	vadd.s32 v35, v58;
	v2 =	vor.u32 $0xF, v2;
	v54 =	vld.idx.msk [tilespmem:v31+s28+$0x0], $0xffff  }
0x14a: {  	v11 =	vor.u32 $0x1, v58;
	v55 =	vld.idx.msk [tilespmem:v32+s28+$0x0], $0xffff  }
0x14b: {  	v12 =	vor.u32 $0x2, v58;
	v56 =	vld.idx.msk [tilespmem:v33+s28+$0x0], $0xffff  }
0x14c: {  	v13 =	vor.u32 $0x3, v58;
	v57 =	vld.idx.msk [tilespmem:v41+s28+$0x0], $0xffff  }
0x14d: {  	v14 =	vor.u32 $0x4, v58;
	v59 =	vld.idx.msk [tilespmem:v10+s28+$0x0], $0xffff  }
0x14e: {  	v15 =	vor.u32 $0x5, v58;
	v2 =	vld.idx.msk [tilespmem:v2+s28+$0x0], $0xffff;
	[tilespmem:v58+s29+$0x0] =	vst.idx.msk $0xffff, v7  }
0x14f: {  	[tilespmem:v11+s29+$0x0] =	vst.idx.msk $0xffff, v3;
	v3 =	vor.u32 $0x6, v58  }
0x150: {  	v16 =	vor.u32 $0x7, v58;
	[tilespmem:v12+s29+$0x0] =	vst.idx.msk $0xffff, v4  }
0x151: {  	v17 =	vor.u32 $0x8, v58;
	[tilespmem:v13+s29+$0x0] =	vst.idx.msk $0xffff, v5  }
0x152: {  	v18 =	vor.u32 $0x9, v58;
	[tilespmem:v14+s29+$0x0] =	vst.idx.msk $0xffff, v6  }
0x153: {  	v19 =	vor.u32 $0xA, v58;
	[tilespmem:v15+s29+$0x0] =	vst.idx.msk $0xffff, v8  }
0x154: {  	[tilespmem:v3+s29+$0x0] =	vst.idx.msk $0xffff, v9;
	v3 =	vor.u32 $0xB, v58  }
0x155: {  	v20 =	vor.u32 $0xC, v58;
	[tilespmem:v16+s29+$0x0] =	vst.idx.msk $0xffff, v51  }
0x156: {  	v21 =	vor.u32 $0xD, v58;
	[tilespmem:v17+s29+$0x0] =	vst.idx.msk $0xffff, v52  }
0x157: {  	v22 =	vor.u32 $0xE, v58;
	[tilespmem:v18+s29+$0x0] =	vst.idx.msk $0xffff, v53  }
0x158: {  	v23 =	vor.u32 $0xF, v58;
	[tilespmem:v19+s29+$0x0] =	vst.idx.msk $0xffff, v54  }
0x159: {  	[tilespmem:v3+s29+$0x0] =	vst.idx.msk $0xffff, v55  }
0x15a: {  	[tilespmem:v20+s29+$0x0] =	vst.idx.msk $0xffff, v56  }
0x15b: {  	[tilespmem:v21+s29+$0x0] =	vst.idx.msk $0xffff, v57  }
0x15c: {  	[tilespmem:v22+s29+$0x0] =	vst.idx.msk $0xffff, v59  }
0x15d: {  	[tilespmem:v23+s29+$0x0] =	vst.idx.msk $0xffff, v2  }
0x15e: {  	v2 =	vld [tilespmem:s5+$0xFFFFFCE0]  }
0x15f: {  	v3 =	vld [tilespmem:s5+$0x0]  }
0x160: {  	v4 =	vld [tilespmem:s5+$0xFFFFFCF0]  }
0x161: {  	v5 =	vld [tilespmem:s5+$0x10]  }
0x162: {  	v6 =	vld [tilespmem:s5+$0xFFFFFD00]  }
0x163: {  	v7 =	vld [tilespmem:s5+$0x20]  }
0x164: {  	v8 =	vld [tilespmem:s5+$0xFFFFFD10]  }
0x165: {  	v9 =	vld [tilespmem:s5+$0x30];
	v2 =	vadd.f32 $0.0e+00, v2  }
0x166: {  	v53 =	vld [tilespmem:s5+$0xFFFFFD20];
	v3 =	vadd.f32 $0.0e+00, v3  }
0x167: {  	v54 =	vld [tilespmem:s5+$0x40];
	v4 =	vadd.f32 v4, v2  }
0x168: {  	s8 =	sadd.s32 $0x1, s6;
	v24 =	vmov s6;
	v55 =	vld [tilespmem:s5+$0xFFFFFD30];
	v5 =	vadd.f32 v5, v3  }
0x169: {  	v25 =	vmov s8;
	v51 =	vand.u32 $0x1E, v24;
	v56 =	vld [tilespmem:s5+$0x50];
	v6 =	vadd.f32 v6, v4  }
0x16a: {  	v51 =	vbroadcast v51, $0x0;
	v52 =	vand.u32 $0x1F, v25;
	v57 =	vld [tilespmem:s5+$0xFFFFFD40];
	v7 =	vadd.f32 v7, v5  }
0x16b: {  	v52 =	vbroadcast v52, $0x0;
	v58 =	vld [tilespmem:s5+$0x60];
	v8 =	vadd.f32 v8, v6  }
0x16c: {  	v26 =	vor.u32 v0, v51;
	v59 =	vld [tilespmem:s5+$0xFFFFFD50];
	v9 =	vadd.f32 v9, v7  }
0x16d: {  	v27 =	vor.u32 v0, v52;
	v60 =	vld [tilespmem:s5+$0x70];
	v53 =	vadd.f32 v53, v8  }
0x16e: {  	v62 =	vld [tilespmem:s5+$0xFFFFFD60];
	v54 =	vadd.f32 v54, v9  }
0x16f: {  	v0 =	vor.u32 v36, v51;
	v10 =	vld [tilespmem:s5+$0x80];
	v12 =	vsub.f32 v53, v2  }
0x170: {  	v11 =	vld [tilespmem:s5+$0xFFFFFD70];
	v14 =	vsub.f32 v54, v3;
	v15 =	vadd.f32 v55, v53  }
0x171: {  	v28 =	vor.u32 v36, v52;
	v13 =	vld [tilespmem:s5+$0x90];
	v61 =	vadd.f32 v56, v54;
	[tilespmem:v26+s30+$0x0] =	vst.idx.msk $0xffff, v12  }
0x172: {  	v29 =	vsub.f32 v15, v2;
	[tilespmem:v27+s30+$0x0] =	vst.idx.msk $0xffff, v14  }
0x173: {  	v18 =	vor.u32 v37, v51;
	v17 =	vsub.f32 v61, v3;
	v14 =	vld [tilespmem:s5+$0xFFFFFD80]  }
0x174: {  	v19 =	vadd.f32 v57, v15;
	v16 =	vld [tilespmem:s5+$0xA0];
	[tilespmem:v0+s30+$0x0] =	vst.idx.msk $0xffff, v29;
	v0 =	vor.u32 v37, v52  }
0x175: {  	v63 =	vadd.f32 v58, v61  }
0x176: {  	v22 =	vor.u32 v38, v51;
	v30 =	vsub.f32 v19, v2;
	[tilespmem:v28+s30+$0x0] =	vst.idx.msk $0xffff, v17  }
0x177: {  	v31 =	vor.u32 v38, v52;
	v21 =	vsub.f32 v63, v3;
	v23 =	vadd.f32 v59, v19;
	v12 =	vld [tilespmem:s5+$0xFFFFFD90]  }
0x178: {  	v20 =	vld [tilespmem:s5+$0xB0];
	[tilespmem:v18+s30+$0x0] =	vst.idx.msk $0xffff, v30;
	v18 =	vadd.f32 v60, v63  }
0x179: {  	v26 =	vor.u32 v39, v51;
	v32 =	vsub.f32 v23, v2;
	[tilespmem:v0+s30+$0x0] =	vst.idx.msk $0xffff, v21  }
0x17a: {  	v33 =	vor.u32 v39, v52;
	v27 =	vadd.f32 v62, v23;
	v25 =	vsub.f32 v18, v3;
	v0 =	vld [tilespmem:s5+$0xFFFFFDA0]  }
0x17b: {  	v24 =	vld [tilespmem:s5+$0xC0];
	[tilespmem:v22+s30+$0x0] =	vst.idx.msk $0xffff, v32;
	v22 =	vadd.f32 v10, v18  }
0x17c: {  	v30 =	vor.u32 v40, v51;
	v41 =	vsub.f32 v27, v2;
	[tilespmem:v31+s30+$0x0] =	vst.idx.msk $0xffff, v25  }
0x17d: {  	v31 =	vadd.f32 v11, v27;
	v25 =	vor.u32 v40, v52;
	v17 =	vld [tilespmem:s5+$0xFFFFFDB0];
	v29 =	vsub.f32 v22, v3  }
0x17e: {  	v28 =	vld [tilespmem:s5+$0xD0];
	[tilespmem:v26+s30+$0x0] =	vst.idx.msk $0xffff, v41;
	v26 =	vadd.f32 v13, v22  }
0x17f: {  	v1 =	vld [tilespmem:$0x1FDD0];
	v21 =	vadd.f32 v14, v31;
	v55 =	vsub.f32 v31, v55;
	[tilespmem:v33+s30+$0x0] =	vst.idx.msk $0xffff, v29  }
0x180: {  	v41 =	vmovc v34;
	v34 =	vor.u32 v34, v51;
	v32 =	vadd.f32 v16, v26;
	v56 =	vsub.f32 v26, v56;
	v29 =	vld [tilespmem:s5+$0xFFFFFDC0]  }
0x181: {  	v33 =	vld [tilespmem:s5+$0xE0];
	[tilespmem:v30+s30+$0x0] =	vst.idx.msk $0xffff, v55;
	v2 =	vsub.f32 v21, v2  }
0x182: {  	v30 =	vor.u32 v41, v52;
	[tilespmem:v25+s30+$0x0] =	vst.idx.msk $0xffff, v56;
	v3 =	vsub.f32 v32, v3  }
0x183: {  	v25 =	vadd.f32 v12, v21;
	v55 =	vld [tilespmem:s5+$0xFFFFFDD0];
	v2 =	vsub.f32 v2, v57  }
0x184: {  	v56 =	vadd.f32 v20, v32;
	v57 =	vld [tilespmem:s5+$0xF0];
	v3 =	vsub.f32 v3, v58;
	v58 =	vor.u32 v1, v51  }
0x185: {  	[tilespmem:v34+s30+$0x0] =	vst.idx.msk $0xffff, v2;
	v2 =	vsub.f32 v25, v4;
	v4 =	vor.u32 v1, v52;
	v1 =	vld [tilespmem:$0x1FDE0];
	_ =	sdelay $0x1  }
0x186: {  	[tilespmem:v30+s30+$0x0] =	vst.idx.msk $0xffff, v3;
	v3 =	vsub.f32 v56, v5;
	v2 =	vsub.f32 v2, v59  }
0x187: {  	v5 =	vadd.f32 v0, v25;
	v30 =	vld [tilespmem:s5+$0xFFFFFDE0]  }
0x188: {  	v59 =	vld [tilespmem:s5+$0x100];
	v3 =	vsub.f32 v3, v60;
	[tilespmem:v58+s30+$0x0] =	vst.idx.msk $0xffff, v2  }
0x189: {  	v2 =	vsub.f32 v5, v6;
	v60 =	vor.u32 v1, v51;
	v6 =	vor.u32 v1, v52;
	v1 =	vld [tilespmem:$0x1FDF0]  }
0x18a: {  	v34 =	vadd.f32 v24, v56;
	_ =	sdelay $0x1  }
0x18b: {  	[tilespmem:v4+s30+$0x0] =	vst.idx.msk $0xffff, v3;
	v3 =	vsub.f32 v34, v7  }
0x18c: {  	v4 =	vadd.f32 v17, v5;
	v7 =	vld [tilespmem:s5+$0xFFFFFDF0];
	v2 =	vsub.f32 v2, v62  }
0x18d: {  	v58 =	vadd.f32 v28, v34;
	v62 =	vld [tilespmem:s5+$0x110];
	v3 =	vsub.f32 v3, v10;
	v10 =	vor.u32 v1, v51  }
0x18e: {  	[tilespmem:v60+s30+$0x0] =	vst.idx.msk $0xffff, v2;
	v2 =	vsub.f32 v4, v8;
	v8 =	vor.u32 v1, v52;
	v1 =	vld [tilespmem:$0x1FE00];
	_ =	sdelay $0x1  }
0x18f: {  	[tilespmem:v6+s30+$0x0] =	vst.idx.msk $0xffff, v3;
	v3 =	vsub.f32 v58, v9  }
0x190: {  	v6 =	vadd.f32 v29, v4;
	v9 =	vld [tilespmem:s5+$0xFFFFFE00];
	v2 =	vsub.f32 v2, v11  }
0x191: {  	v11 =	vadd.f32 v33, v58;
	v60 =	vld [tilespmem:s5+$0x120];
	v3 =	vsub.f32 v3, v13  }
0x192: {  	v13 =	vor.u32 v1, v51;
	[tilespmem:v10+s30+$0x0] =	vst.idx.msk $0xffff, v2;
	v10 =	vor.u32 v1, v52;
	v1 =	vld [tilespmem:$0x1FE10]  }
0x193: {  	v2 =	vsub.f32 v6, v53  }
0x194: {  	[tilespmem:v8+s30+$0x0] =	vst.idx.msk $0xffff, v3;
	v3 =	vsub.f32 v11, v54  }
0x195: {  	v8 =	vadd.f32 v55, v6;
	v53 =	vld [tilespmem:s5+$0xFFFFFE10];
	v2 =	vsub.f32 v2, v14  }
0x196: {  	v14 =	vadd.f32 v57, v11;
	v54 =	vld [tilespmem:s5+$0x130];
	v3 =	vsub.f32 v3, v16  }
0x197: {  	v16 =	vor.u32 v1, v51;
	[tilespmem:v13+s30+$0x0] =	vst.idx.msk $0xffff, v2;
	v13 =	vor.u32 v1, v52;
	v1 =	vld [tilespmem:$0x1FE20]  }
0x198: {  	v2 =	vsub.f32 v8, v15  }
0x199: {  	[tilespmem:v10+s30+$0x0] =	vst.idx.msk $0xffff, v3;
	v3 =	vsub.f32 v14, v61  }
0x19a: {  	v10 =	vadd.f32 v30, v8;
	v15 =	vld [tilespmem:s5+$0xFFFFFE20];
	v2 =	vsub.f32 v2, v12  }
0x19b: {  	v12 =	vadd.f32 v59, v14;
	v61 =	vld [tilespmem:s5+$0x140];
	v3 =	vsub.f32 v3, v20  }
0x19c: {  	v20 =	vor.u32 v1, v51;
	[tilespmem:v16+s30+$0x0] =	vst.idx.msk $0xffff, v2;
	v16 =	vor.u32 v1, v52;
	v1 =	vld [tilespmem:$0x1FE30]  }
0x19d: {  	v2 =	vsub.f32 v10, v19  }
0x19e: {  	[tilespmem:v13+s30+$0x0] =	vst.idx.msk $0xffff, v3;
	v3 =	vsub.f32 v12, v63  }
0x19f: {  	v13 =	vadd.f32 v7, v10;
	v19 =	vld [tilespmem:s5+$0xFFFFFE30];
	v0 =	vsub.f32 v2, v0  }
0x1a0: {  	v2 =	vadd.f32 v62, v12;
	v63 =	vld [tilespmem:s5+$0x150];
	v3 =	vsub.f32 v3, v24  }
0x1a1: {  	v24 =	vor.u32 v1, v51;
	[tilespmem:v20+s30+$0x0] =	vst.idx.msk $0xffff, v0;
	v20 =	vor.u32 v1, v52;
	v1 =	vld [tilespmem:$0x1FE40]  }
0x1a2: {  	v0 =	vsub.f32 v13, v23  }
0x1a3: {  	[tilespmem:v16+s30+$0x0] =	vst.idx.msk $0xffff, v3;
	v3 =	vsub.f32 v2, v18  }
0x1a4: {  	v16 =	vadd.f32 v9, v13;
	v18 =	vld [tilespmem:s5+$0xFFFFFE40];
	v0 =	vsub.f32 v0, v17  }
0x1a5: {  	v17 =	vadd.f32 v60, v2;
	v23 =	vld [tilespmem:s5+$0x160];
	v3 =	vsub.f32 v3, v28  }
0x1a6: {  	v28 =	vor.u32 v1, v51;
	[tilespmem:v24+s30+$0x0] =	vst.idx.msk $0xffff, v0;
	v24 =	vor.u32 v1, v52;
	v1 =	vld [tilespmem:$0x1FE50]  }
0x1a7: {  	v0 =	vsub.f32 v16, v27  }
0x1a8: {  	[tilespmem:v20+s30+$0x0] =	vst.idx.msk $0xffff, v3;
	v3 =	vsub.f32 v17, v22  }
0x1a9: {  	v22 =	vld [tilespmem:s5+$0xFFFFFE50];
	v0 =	vsub.f32 v0, v29  }
0x1aa: {  	v20 =	vadd.f32 v53, v16;
	v29 =	vld [tilespmem:s5+$0x170];
	v3 =	vsub.f32 v3, v33  }
0x1ab: {  	v33 =	vor.u32 v1, v51;
	[tilespmem:v28+s30+$0x0] =	vst.idx.msk $0xffff, v0;
	v28 =	vor.u32 v1, v52;
	v1 =	vld [tilespmem:$0x1FE60]  }
0x1ac: {  	v27 =	vadd.f32 v54, v17  }
0x1ad: {  	v0 =	vsub.f32 v20, v31  }
0x1ae: {  	[tilespmem:v24+s30+$0x0] =	vst.idx.msk $0xffff, v3;
	v3 =	vsub.f32 v27, v26  }
0x1af: {  	v24 =	vadd.f32 v15, v20;
	v26 =	vld [tilespmem:s5+$0xFFFFFE60];
	v0 =	vsub.f32 v0, v55  }
0x1b0: {  	v55 =	vld [tilespmem:s5+$0x180];
	v3 =	vsub.f32 v3, v57;
	v57 =	vor.u32 v1, v51  }
0x1b1: {  	[tilespmem:v33+s30+$0x0] =	vst.idx.msk $0xffff, v0;
	v0 =	vsub.f32 v24, v21;
	v21 =	vor.u32 v1, v52;
	v1 =	vld [tilespmem:$0x1FE70]  }
0x1b2: {  	v31 =	vadd.f32 v61, v27;
	_ =	sdelay $0x1  }
0x1b3: {  	[tilespmem:v28+s30+$0x0] =	vst.idx.msk $0xffff, v3;
	v3 =	vsub.f32 v31, v32  }
0x1b4: {  	v28 =	vadd.f32 v19, v24;
	v32 =	vld [tilespmem:s5+$0xFFFFFE70];
	v0 =	vsub.f32 v0, v30  }
0x1b5: {  	v33 =	vld [tilespmem:s5+$0x190];
	v3 =	vsub.f32 v3, v59;
	v59 =	vor.u32 v1, v51  }
0x1b6: {  	[tilespmem:v57+s30+$0x0] =	vst.idx.msk $0xffff, v0;
	v0 =	vsub.f32 v28, v25;
	v25 =	vor.u32 v1, v52;
	v1 =	vld [tilespmem:$0x1FE80]  }
0x1b7: {  	v30 =	vadd.f32 v63, v31;
	_ =	sdelay $0x1  }
0x1b8: {  	[tilespmem:v21+s30+$0x0] =	vst.idx.msk $0xffff, v3;
	v3 =	vsub.f32 v30, v56  }
0x1b9: {  	v21 =	vadd.f32 v18, v28;
	v56 =	vld [tilespmem:s5+$0xFFFFFE80];
	v0 =	vsub.f32 v0, v7  }
0x1ba: {  	v57 =	vld [tilespmem:s5+$0x1A0];
	v3 =	vsub.f32 v3, v62;
	v62 =	vor.u32 v1, v51  }
0x1bb: {  	[tilespmem:v59+s30+$0x0] =	vst.idx.msk $0xffff, v0;
	v0 =	vsub.f32 v21, v5;
	v5 =	vor.u32 v1, v52;
	v1 =	vld [tilespmem:$0x1FE90]  }
0x1bc: {  	v7 =	vadd.f32 v23, v30;
	_ =	sdelay $0x1  }
0x1bd: {  	[tilespmem:v25+s30+$0x0] =	vst.idx.msk $0xffff, v3;
	v3 =	vsub.f32 v7, v34  }
0x1be: {  	v25 =	vadd.f32 v22, v21;
	v34 =	vld [tilespmem:s5+$0xFFFFFE90];
	v0 =	vsub.f32 v0, v9  }
0x1bf: {  	v59 =	vld [tilespmem:s5+$0x1B0];
	v3 =	vsub.f32 v3, v60;
	v60 =	vor.u32 v1, v51  }
0x1c0: {  	[tilespmem:v62+s30+$0x0] =	vst.idx.msk $0xffff, v0;
	v0 =	vsub.f32 v25, v4;
	v4 =	vor.u32 v1, v52;
	v1 =	vld [tilespmem:$0x1FEA0]  }
0x1c1: {  	v9 =	vadd.f32 v29, v7;
	_ =	sdelay $0x1  }
0x1c2: {  	[tilespmem:v5+s30+$0x0] =	vst.idx.msk $0xffff, v3;
	v3 =	vsub.f32 v9, v58  }
0x1c3: {  	v5 =	vadd.f32 v26, v25;
	v58 =	vld [tilespmem:s5+$0xFFFFFEA0];
	v0 =	vsub.f32 v0, v53  }
0x1c4: {  	v62 =	vld [tilespmem:s5+$0x1C0];
	v3 =	vsub.f32 v3, v54;
	v54 =	vor.u32 v1, v51  }
0x1c5: {  	[tilespmem:v60+s30+$0x0] =	vst.idx.msk $0xffff, v0;
	v0 =	vsub.f32 v5, v6;
	v6 =	vor.u32 v1, v52;
	v1 =	vld [tilespmem:$0x1FEB0]  }
0x1c6: {  	v53 =	vadd.f32 v55, v9;
	_ =	sdelay $0x1  }
0x1c7: {  	[tilespmem:v4+s30+$0x0] =	vst.idx.msk $0xffff, v3;
	v3 =	vsub.f32 v53, v11  }
0x1c8: {  	v4 =	vadd.f32 v32, v5;
	v11 =	vld [tilespmem:s5+$0xFFFFFEB0];
	v0 =	vsub.f32 v0, v15  }
0x1c9: {  	v60 =	vld [tilespmem:s5+$0x1D0];
	v3 =	vsub.f32 v3, v61;
	v61 =	vor.u32 v1, v51  }
0x1ca: {  	[tilespmem:v54+s30+$0x0] =	vst.idx.msk $0xffff, v0;
	v0 =	vsub.f32 v4, v8;
	v8 =	vor.u32 v1, v52;
	v1 =	vld [tilespmem:$0x1FEC0]  }
0x1cb: {  	v15 =	vadd.f32 v33, v53;
	_ =	sdelay $0x1  }
0x1cc: {  	[tilespmem:v6+s30+$0x0] =	vst.idx.msk $0xffff, v3;
	v3 =	vsub.f32 v15, v14  }
0x1cd: {  	v6 =	vadd.f32 v56, v4;
	v14 =	vld [tilespmem:s5+$0xFFFFFEC0];
	v0 =	vsub.f32 v0, v19  }
0x1ce: {  	v54 =	vld [tilespmem:s5+$0x1E0];
	v3 =	vsub.f32 v3, v63;
	v63 =	vor.u32 v1, v51  }
0x1cf: {  	[tilespmem:v61+s30+$0x0] =	vst.idx.msk $0xffff, v0;
	v0 =	vsub.f32 v6, v10;
	v10 =	vor.u32 v1, v52;
	v1 =	vld [tilespmem:$0x1FED0]  }
0x1d0: {  	v19 =	vadd.f32 v57, v15;
	_ =	sdelay $0x1  }
0x1d1: {  	[tilespmem:v8+s30+$0x0] =	vst.idx.msk $0xffff, v3;
	v3 =	vsub.f32 v19, v12  }
0x1d2: {  	v8 =	vadd.f32 v34, v6;
	v12 =	vld [tilespmem:s5+$0xFFFFFED0];
	v0 =	vsub.f32 v0, v18  }
0x1d3: {  	v61 =	vld [tilespmem:s5+$0x1F0];
	v3 =	vsub.f32 v3, v23;
	v23 =	vor.u32 v1, v51  }
0x1d4: {  	[tilespmem:v63+s30+$0x0] =	vst.idx.msk $0xffff, v0;
	v0 =	vsub.f32 v8, v13;
	v13 =	vor.u32 v1, v52;
	v1 =	vld [tilespmem:$0x1FEE0]  }
0x1d5: {  	v18 =	vadd.f32 v59, v19;
	_ =	sdelay $0x1  }
0x1d6: {  	v2 =	vsub.f32 v18, v2;
	[tilespmem:v10+s30+$0x0] =	vst.idx.msk $0xffff, v3  }
0x1d7: {  	v3 =	vadd.f32 v58, v8;
	v10 =	vld [tilespmem:s5+$0xFFFFFEE0];
	v0 =	vsub.f32 v0, v22  }
0x1d8: {  	v2 =	vsub.f32 v2, v29;
	v63 =	vld [tilespmem:s5+$0x200];
	v29 =	vor.u32 v1, v51  }
0x1d9: {  	[tilespmem:v23+s30+$0x0] =	vst.idx.msk $0xffff, v0;
	v0 =	vsub.f32 v3, v16;
	v16 =	vor.u32 v1, v52;
	v1 =	vld [tilespmem:$0x1FEF0]  }
0x1da: {  	v22 =	vadd.f32 v62, v18;
	_ =	sdelay $0x1  }
0x1db: {  	[tilespmem:v13+s30+$0x0] =	vst.idx.msk $0xffff, v2;
	v2 =	vsub.f32 v22, v17  }
0x1dc: {  	v13 =	vadd.f32 v11, v3;
	v17 =	vld [tilespmem:s5+$0xFFFFFEF0];
	v0 =	vsub.f32 v0, v26  }
0x1dd: {  	v26 =	vld [tilespmem:s5+$0x210];
	v2 =	vsub.f32 v2, v55;
	v55 =	vor.u32 v1, v51  }
0x1de: {  	[tilespmem:v29+s30+$0x0] =	vst.idx.msk $0xffff, v0;
	v0 =	vsub.f32 v13, v20;
	v20 =	vor.u32 v1, v52;
	v1 =	vld [tilespmem:$0x1FF00]  }
0x1df: {  	v23 =	vadd.f32 v60, v22;
	_ =	sdelay $0x1  }
0x1e0: {  	[tilespmem:v16+s30+$0x0] =	vst.idx.msk $0xffff, v2;
	v2 =	vsub.f32 v23, v27  }
0x1e1: {  	v16 =	vadd.f32 v14, v13;
	v27 =	vld [tilespmem:s5+$0xFFFFFF00];
	v0 =	vsub.f32 v0, v32  }
0x1e2: {  	v32 =	vld [tilespmem:s5+$0x220];
	v2 =	vsub.f32 v2, v33;
	v33 =	vor.u32 v1, v51  }
0x1e3: {  	[tilespmem:v55+s30+$0x0] =	vst.idx.msk $0xffff, v0;
	v0 =	vsub.f32 v16, v24;
	v24 =	vor.u32 v1, v52;
	v1 =	vld [tilespmem:$0x1FF10]  }
0x1e4: {  	v29 =	vadd.f32 v54, v23;
	_ =	sdelay $0x1  }
0x1e5: {  	[tilespmem:v20+s30+$0x0] =	vst.idx.msk $0xffff, v2;
	v2 =	vsub.f32 v29, v31  }
0x1e6: {  	v20 =	vadd.f32 v12, v16;
	v31 =	vld [tilespmem:s5+$0xFFFFFF10];
	v0 =	vsub.f32 v0, v56  }
0x1e7: {  	v56 =	vld [tilespmem:s5+$0x230];
	v2 =	vsub.f32 v2, v57;
	v57 =	vor.u32 v1, v51  }
0x1e8: {  	[tilespmem:v33+s30+$0x0] =	vst.idx.msk $0xffff, v0;
	v0 =	vsub.f32 v20, v28;
	v28 =	vor.u32 v1, v52;
	v1 =	vld [tilespmem:$0x1FF20]  }
0x1e9: {  	v55 =	vadd.f32 v61, v29;
	_ =	sdelay $0x1  }
0x1ea: {  	[tilespmem:v24+s30+$0x0] =	vst.idx.msk $0xffff, v2;
	v2 =	vsub.f32 v55, v30  }
0x1eb: {  	v24 =	vadd.f32 v10, v20;
	v30 =	vld [tilespmem:s5+$0xFFFFFF20];
	v0 =	vsub.f32 v0, v34  }
0x1ec: {  	v34 =	vld [tilespmem:s5+$0x240];
	v2 =	vsub.f32 v2, v59;
	v59 =	vor.u32 v1, v51  }
0x1ed: {  	[tilespmem:v57+s30+$0x0] =	vst.idx.msk $0xffff, v0;
	v0 =	vsub.f32 v24, v21;
	v21 =	vor.u32 v1, v52;
	v1 =	vld [tilespmem:$0x1FF30]  }
0x1ee: {  	v33 =	vadd.f32 v63, v55;
	_ =	sdelay $0x1  }
0x1ef: {  	[tilespmem:v28+s30+$0x0] =	vst.idx.msk $0xffff, v2;
	v2 =	vsub.f32 v33, v7  }
0x1f0: {  	v7 =	vadd.f32 v17, v24;
	v28 =	vld [tilespmem:s5+$0xFFFFFF30];
	v0 =	vsub.f32 v0, v58  }
0x1f1: {  	v58 =	vld [tilespmem:s5+$0x250];
	v2 =	vsub.f32 v2, v62;
	v62 =	vor.u32 v1, v51  }
0x1f2: {  	[tilespmem:v59+s30+$0x0] =	vst.idx.msk $0xffff, v0;
	v0 =	vsub.f32 v7, v25;
	v25 =	vor.u32 v1, v52;
	v1 =	vld [tilespmem:$0x1FF40]  }
0x1f3: {  	v57 =	vadd.f32 v26, v33;
	_ =	sdelay $0x1  }
0x1f4: {  	[tilespmem:v21+s30+$0x0] =	vst.idx.msk $0xffff, v2;
	v2 =	vsub.f32 v57, v9  }
0x1f5: {  	v9 =	vadd.f32 v27, v7;
	v21 =	vld [tilespmem:s5+$0xFFFFFF40];
	v0 =	vsub.f32 v0, v11  }
0x1f6: {  	v59 =	vld [tilespmem:s5+$0x260];
	v2 =	vsub.f32 v2, v60;
	v60 =	vor.u32 v1, v51  }
0x1f7: {  	[tilespmem:v62+s30+$0x0] =	vst.idx.msk $0xffff, v0;
	v0 =	vsub.f32 v9, v5;
	v5 =	vor.u32 v1, v52;
	v1 =	vld [tilespmem:$0x1FF50]  }
0x1f8: {  	v11 =	vadd.f32 v32, v57;
	_ =	sdelay $0x1  }
0x1f9: {  	[tilespmem:v25+s30+$0x0] =	vst.idx.msk $0xffff, v2;
	v2 =	vsub.f32 v11, v53  }
0x1fa: {  	v25 =	vadd.f32 v31, v9;
	v53 =	vld [tilespmem:s5+$0xFFFFFF50];
	v0 =	vsub.f32 v0, v14  }
0x1fb: {  	v62 =	vld [tilespmem:s5+$0x270];
	v2 =	vsub.f32 v2, v54;
	v54 =	vor.u32 v1, v51  }
0x1fc: {  	[tilespmem:v60+s30+$0x0] =	vst.idx.msk $0xffff, v0;
	v0 =	vsub.f32 v25, v4;
	v4 =	vor.u32 v1, v52;
	v1 =	vld [tilespmem:$0x1FF60]  }
0x1fd: {  	v14 =	vadd.f32 v56, v11;
	_ =	sdelay $0x1  }
0x1fe: {  	[tilespmem:v5+s30+$0x0] =	vst.idx.msk $0xffff, v2;
	v2 =	vsub.f32 v14, v15  }
0x1ff: {  	v5 =	vadd.f32 v30, v25;
	v15 =	vld [tilespmem:s5+$0xFFFFFF60];
	v0 =	vsub.f32 v0, v12  }
0x200: {  	v60 =	vld [tilespmem:s5+$0x280];
	v2 =	vsub.f32 v2, v61;
	v61 =	vor.u32 v1, v51  }
0x201: {  	[tilespmem:v54+s30+$0x0] =	vst.idx.msk $0xffff, v0;
	v0 =	vsub.f32 v5, v6;
	v6 =	vor.u32 v1, v52;
	v1 =	vld [tilespmem:$0x1FF70]  }
0x202: {  	v12 =	vadd.f32 v34, v14;
	_ =	sdelay $0x1  }
0x203: {  	[tilespmem:v4+s30+$0x0] =	vst.idx.msk $0xffff, v2;
	v2 =	vsub.f32 v12, v19  }
0x204: {  	v4 =	vadd.f32 v28, v5;
	v19 =	vld [tilespmem:s5+$0xFFFFFF70];
	v0 =	vsub.f32 v0, v10  }
0x205: {  	v54 =	vld [tilespmem:s5+$0x290];
	v2 =	vsub.f32 v2, v63;
	v63 =	vor.u32 v1, v51  }
0x206: {  	[tilespmem:v61+s30+$0x0] =	vst.idx.msk $0xffff, v0;
	v0 =	vsub.f32 v4, v8;
	v8 =	vor.u32 v1, v52;
	v1 =	vld [tilespmem:$0x1FF80]  }
0x207: {  	v10 =	vadd.f32 v58, v12;
	_ =	sdelay $0x1  }
0x208: {  	[tilespmem:v6+s30+$0x0] =	vst.idx.msk $0xffff, v2;
	v2 =	vsub.f32 v10, v18  }
0x209: {  	v6 =	vadd.f32 v21, v4;
	v18 =	vld [tilespmem:s5+$0xFFFFFF80];
	v0 =	vsub.f32 v0, v17  }
0x20a: {  	v61 =	vld [tilespmem:s5+$0x2A0];
	v2 =	vsub.f32 v2, v26;
	v26 =	vor.u32 v1, v51  }
0x20b: {  	[tilespmem:v63+s30+$0x0] =	vst.idx.msk $0xffff, v0;
	v0 =	vsub.f32 v6, v3;
	v3 =	vor.u32 v1, v52;
	v1 =	vld [tilespmem:$0x1FF90]  }
0x20c: {  	v17 =	vadd.f32 v59, v10;
	_ =	sdelay $0x1  }
0x20d: {  	[tilespmem:v8+s30+$0x0] =	vst.idx.msk $0xffff, v2;
	v2 =	vsub.f32 v17, v22  }
0x20e: {  	v8 =	vadd.f32 v53, v6;
	v22 =	vld [tilespmem:s5+$0xFFFFFF90];
	v0 =	vsub.f32 v0, v27  }
0x20f: {  	v63 =	vld [tilespmem:s5+$0x2B0];
	v2 =	vsub.f32 v2, v32;
	v32 =	vor.u32 v1, v51  }
0x210: {  	[tilespmem:v26+s30+$0x0] =	vst.idx.msk $0xffff, v0;
	v0 =	vsub.f32 v8, v13;
	v13 =	vor.u32 v1, v52;
	v1 =	vld [tilespmem:$0x1FFA0]  }
0x211: {  	v27 =	vadd.f32 v62, v17;
	_ =	sdelay $0x1  }
0x212: {  	[tilespmem:v3+s30+$0x0] =	vst.idx.msk $0xffff, v2;
	v2 =	vsub.f32 v27, v23  }
0x213: {  	v3 =	vadd.f32 v15, v8;
	v23 =	vld [tilespmem:s5+$0xFFFFFFA0];
	v0 =	vsub.f32 v0, v31  }
0x214: {  	v31 =	vld [tilespmem:s5+$0x2C0];
	v2 =	vsub.f32 v2, v56;
	v56 =	vor.u32 v1, v51  }
0x215: {  	[tilespmem:v32+s30+$0x0] =	vst.idx.msk $0xffff, v0;
	v0 =	vsub.f32 v3, v16;
	v16 =	vor.u32 v1, v52;
	v1 =	vld [tilespmem:$0x1FFB0]  }
0x216: {  	v26 =	vadd.f32 v60, v27;
	_ =	sdelay $0x1  }
0x217: {  	[tilespmem:v13+s30+$0x0] =	vst.idx.msk $0xffff, v2;
	v2 =	vsub.f32 v26, v29  }
0x218: {  	v13 =	vadd.f32 v19, v3;
	v29 =	vld [tilespmem:s5+$0xFFFFFFB0];
	v0 =	vsub.f32 v0, v30  }
0x219: {  	v32 =	vld [tilespmem:s5+$0x2D0];
	v2 =	vsub.f32 v2, v34;
	v34 =	vor.u32 v1, v51  }
0x21a: {  	[tilespmem:v56+s30+$0x0] =	vst.idx.msk $0xffff, v0;
	v0 =	vsub.f32 v13, v20;
	v20 =	vor.u32 v1, v52;
	v1 =	vld [tilespmem:$0x1FFC0]  }
0x21b: {  	v30 =	vadd.f32 v54, v26;
	_ =	sdelay $0x1  }
0x21c: {  	[tilespmem:v16+s30+$0x0] =	vst.idx.msk $0xffff, v2;
	v2 =	vsub.f32 v30, v55  }
0x21d: {  	v16 =	vadd.f32 v18, v13;
	v55 =	vld [tilespmem:s5+$0xFFFFFFC0];
	v0 =	vsub.f32 v0, v28  }
0x21e: {  	v56 =	vld [tilespmem:s5+$0x2E0];
	v2 =	vsub.f32 v2, v58;
	v58 =	vor.u32 v1, v51  }
0x21f: {  	[tilespmem:v34+s30+$0x0] =	vst.idx.msk $0xffff, v0;
	v0 =	vsub.f32 v16, v24;
	v24 =	vor.u32 v1, v52;
	v1 =	vld [tilespmem:$0x1FFD0]  }
0x220: {  	v28 =	vadd.f32 v61, v30;
	_ =	sdelay $0x1  }
0x221: {  	[tilespmem:v20+s30+$0x0] =	vst.idx.msk $0xffff, v2;
	v2 =	vsub.f32 v28, v33  }
0x222: {  	v20 =	vadd.f32 v22, v16;
	v0 =	vsub.f32 v0, v21  }
0x223: {  	v33 =	vld [tilespmem:s5+$0xFFFFFFD0];
	v21 =	vadd.f32 v63, v28;
	v2 =	vsub.f32 v2, v59;
	v59 =	vor.u32 v1, v51  }
0x224: {  	v34 =	vld [tilespmem:s5+$0x2F0];
	[tilespmem:v58+s30+$0x0] =	vst.idx.msk $0xffff, v0;
	v0 =	vsub.f32 v20, v7;
	v7 =	vor.u32 v1, v52  }
0x225: {  	[tilespmem:v24+s30+$0x0] =	vst.idx.msk $0xffff, v2;
	v2 =	vsub.f32 v21, v57  }
0x226: {  	v24 =	vadd.f32 v23, v20;
	v0 =	vsub.f32 v0, v53  }
0x227: {  	v57 =	vld [tilespmem:s5+$0xFFFFFFE0];
	v53 =	vadd.f32 v31, v21;
	v2 =	vsub.f32 v2, v62;
	v62 =	vor.u32 v48, v51  }
0x228: {  	v58 =	vld [tilespmem:s5+$0x300];
	[tilespmem:v59+s30+$0x0] =	vst.idx.msk $0xffff, v0;
	v0 =	vsub.f32 v24, v9  }
0x229: {  	v59 =	vor.u32 v48, v52;
	[tilespmem:v7+s30+$0x0] =	vst.idx.msk $0xffff, v2;
	v2 =	vsub.f32 v53, v11  }
0x22a: {  	v0 =	vsub.f32 v0, v15  }
0x22b: {  	v7 =	vld [tilespmem:s5+$0xFFFFFFF0];
	v2 =	vsub.f32 v2, v60  }
0x22c: {  	v11 =	vld [tilespmem:s5+$0x310];
	[tilespmem:v62+s30+$0x0] =	vst.idx.msk $0xffff, v0;
	v0 =	vadd.f32 v29, v24;
	v24 =	vadd.f32 v32, v53  }
0x22d: {  	v9 =	vor.u32 v49, v51  }
0x22e: {  	[tilespmem:v59+s30+$0x0] =	vst.idx.msk $0xffff, v2;
	v2 =	vsub.f32 v0, v25;
	v14 =	vsub.f32 v24, v14  }
0x22f: {  	v53 =	vor.u32 v49, v52;
	v0 =	vadd.f32 v55, v0;
	v15 =	vadd.f32 v56, v24  }
0x230: {  	v55 =	vor.u32 v50, v51;
	v2 =	vsub.f32 v2, v19;
	v14 =	vsub.f32 v14, v54  }
0x231: {  	v59 =	vor.u32 v50, v52;
	v56 =	vadd.f32 v33, v0;
	v0 =	vsub.f32 v0, v5  }
0x232: {  	v62 =	vor.u32 v42, v51;
	v60 =	vadd.f32 v34, v15;
	v12 =	vsub.f32 v15, v12  }
0x233: {  	[tilespmem:v9+s30+$0x0] =	vst.idx.msk $0xffff, v2;
	v0 =	vsub.f32 v0, v18;
	v2 =	vsub.f32 v56, v4  }
0x234: {  	v12 =	vsub.f32 v12, v61;
	[tilespmem:v53+s30+$0x0] =	vst.idx.msk $0xffff, v14;
	v14 =	vor.u32 v42, v52  }
0x235: {  	[tilespmem:v55+s30+$0x0] =	vst.idx.msk $0xffff, v0;
	v0 =	vsub.f32 v2, v22;
	v2 =	vsub.f32 v60, v10  }
0x236: {  	[tilespmem:v59+s30+$0x0] =	vst.idx.msk $0xffff, v12  }
0x237: {  	v18 =	vadd.f32 v57, v56;
	[tilespmem:v62+s30+$0x0] =	vst.idx.msk $0xffff, v0;
	v0 =	vsub.f32 v2, v63  }
0x238: {  	v24 =	vor.u32 v43, v52;
	v22 =	vor.u32 v43, v51;
	v2 =	vadd.f32 v58, v60  }
0x239: {  	v19 =	vadd.f32 v7, v18;
	[tilespmem:v14+s30+$0x0] =	vst.idx.msk $0xffff, v0;
	v0 =	vsub.f32 v18, v6  }
0x23a: {  	v34 =	vmovc v41;
	v41 =	vor.u32 v44, v51;
	v25 =	vadd.f32 v11, v2;
	v33 =	vsub.f32 v2, v17  }
0x23b: {  	v53 =	vor.u32 v44, v52;
	v5 =	vsub.f32 v19, v8;
	v0 =	vsub.f32 v0, v23  }
0x23c: {  	v54 =	vor.u32 v45, v51;
	v10 =	vsub.f32 v33, v31;
	v9 =	vsub.f32 v25, v27  }
0x23d: {  	v1 =	vld [tilespmem:$0x1FFF0];
	v55 =	vor.u32 v45, v52;
	[tilespmem:v22+s30+$0x0] =	vst.idx.msk $0xffff, v0;
	v0 =	vsub.f32 v5, v29  }
0x23e: {  	v57 =	vor.u32 v46, v51;
	v56 =	vsub.f32 v9, v32;
	[tilespmem:v24+s30+$0x0] =	vst.idx.msk $0xffff, v10  }
0x23f: {  	[tilespmem:v41+s30+$0x0] =	vst.idx.msk $0xffff, v0;
	v0 =	vsub.f32 v18, v3;
	v3 =	vor.u32 v46, v52  }
0x240: {  	v59 =	vor.u32 v47, v51;
	v58 =	vsub.f32 v2, v26;
	[tilespmem:v53+s30+$0x0] =	vst.idx.msk $0xffff, v56  }
0x241: {  	v60 =	vor.u32 v47, v52;
	[tilespmem:v54+s30+$0x0] =	vst.idx.msk $0xffff, v0;
	v0 =	vsub.f32 v18, v13  }
0x242: {  	v62 =	vor.u32 v1, v51;
	v61 =	vsub.f32 v2, v30;
	[tilespmem:v55+s30+$0x0] =	vst.idx.msk $0xffff, v58  }
0x243: {  	p0 =	sne.s32 s7, $0x5DC;
	v63 =	vor.u32 v1, v52;
	[tilespmem:v57+s30+$0x0] =	vst.idx.msk $0xffff, v0;
	v0 =	vsub.f32 v18, v16  }
.Ltmp0:
0x244: {  	[tilespmem:v3+s30+$0x0] =	vst.idx.msk $0xffff, v61;
	v3 =	vsub.f32 v2, v28;
	(pc) =	sbr.rel @p0 .LBB2_2-.Ltmp0, $4  }
0x245: {  	[tilespmem:v59+s30+$0x0] =	vst.idx.msk $0xffff, v0;
	v0 =	vsub.f32 v18, v20  }
0x246: {  	v2 =	vsub.f32 v2, v21;
	[tilespmem:v60+s30+$0x0] =	vst.idx.msk $0xffff, v3  }
0x247: {  	s7 =	sadd.s32 $0x64, s7;
	[tilespmem:v62+s30+$0x0] =	vst.idx.msk $0xffff, v0  }
0x248: {  	s3 =	sadd.s32 $0x100, s3;
	s6 =	sadd.s32 $0x2, s6;
	s5 =	sadd.s32 $0x640, s5;
	v0 =	vld [tilespmem:$0x1FFE0];
	[tilespmem:v63+s30+$0x0] =	vst.idx.msk $0xffff, v2  }
0x249: {  	[hbm4b:s4+s31] =	stream.strided.scatter [tilespmem:s30], [sflag:$0x1], $0x200, s0, s31, $0x38;
	[tilespmem:$0x11680] =	vst v63  }
0x24a: {  	s3 =	rddreg [dreg:$0x5]  }
0x24b: {  	s5 =	simm.s32 $0xB480;
	s7 =	rddreg [dreg:$0x7]  }
0x24c: {  	[hbm4b:s3+s31] =	stream.strided.scatter [tilespmem:s5], [sflag:$0x1], $0x200, s0, s31, $0x38;
	[tilespmem:$0x11680] =	vst v63  }
0x24d: {  	s6 =	simm.s32 $0xB680;
	s5 =	rddreg [dreg:$0x6]  }
0x24e: {  	[hbm4b:s5+s31] =	stream.strided.scatter [tilespmem:s6], [sflag:$0x1], $0x200, s0, s31, $0x38;
	[tilespmem:$0x11680] =	vst v63  }
0x24f: {  	s8 =	simm.s32 $0xB880;
	s5 =	rddreg [dreg:$0x8]  }
0x250: {  	[hbm4b:s7+s31] =	stream.strided.scatter [tilespmem:s8], [sflag:$0x1], $0x200, s0, s31, $0x38;
	[tilespmem:$0x11680] =	vst v63  }
0x251: {  	s6 =	simm.s32 $0xBA80;
	s7 =	rddreg [dreg:$0x9]  }
0x252: {  	[hbm4b:s5+s31] =	stream.strided.scatter [tilespmem:s6], [sflag:$0x1], $0x200, s0, s31, $0x38;
	[tilespmem:$0x11680] =	vst v63  }
0x253: {  	s8 =	simm.s32 $0xBC80;
	s5 =	rddreg [dreg:$0xa]  }
0x254: {  	[hbm4b:s7+s31] =	stream.strided.scatter [tilespmem:s8], [sflag:$0x1], $0x200, s0, s31, $0x38;
	[tilespmem:$0x11680] =	vst v63  }
0x255: {  	s6 =	simm.s32 $0xBE80;
	s7 =	rddreg [dreg:$0xb]  }
0x256: {  	[hbm4b:s5+s31] =	stream.strided.scatter [tilespmem:s6], [sflag:$0x1], $0x200, s0, s31, $0x38;
	[tilespmem:$0x11680] =	vst v63  }
0x257: {  	s8 =	simm.s32 $0xC080;
	s5 =	rddreg [dreg:$0xc]  }
0x258: {  	[hbm4b:s7+s31] =	stream.strided.scatter [tilespmem:s8], [sflag:$0x1], $0x200, s0, s31, $0x38;
	[tilespmem:$0x11680] =	vst v63  }
0x259: {  	s6 =	simm.s32 $0xC280;
	s7 =	rddreg [dreg:$0xd]  }
0x25a: {  	[hbm4b:s5+s31] =	stream.strided.scatter [tilespmem:s6], [sflag:$0x1], $0x200, s0, s31, $0x38;
	[tilespmem:$0x11680] =	vst v63  }
0x25b: {  	s8 =	simm.s32 $0xC480;
	s5 =	rddreg [dreg:$0xe]  }
0x25c: {  	[hbm4b:s7+s31] =	stream.strided.scatter [tilespmem:s8], [sflag:$0x1], $0x200, s0, s31, $0x38;
	[tilespmem:$0x11680] =	vst v63  }
0x25d: {  	s6 =	simm.s32 $0xC680;
	s7 =	rddreg [dreg:$0xf]  }
0x25e: {  	[hbm4b:s5+s31] =	stream.strided.scatter [tilespmem:s6], [sflag:$0x1], $0x200, s0, s31, $0x38;
	[tilespmem:$0x11680] =	vst v63  }
0x25f: {  	s8 =	simm.s32 $0xC880;
	s5 =	rddreg [dreg:$0x10]  }
0x260: {  	[hbm4b:s7+s31] =	stream.strided.scatter [tilespmem:s8], [sflag:$0x1], $0x200, s0, s31, $0x38;
	[tilespmem:$0x11680] =	vst v63  }
0x261: {  	s6 =	simm.s32 $0xCA80;
	s7 =	rddreg [dreg:$0x11]  }
0x262: {  	[hbm4b:s5+s31] =	stream.strided.scatter [tilespmem:s6], [sflag:$0x1], $0x200, s0, s31, $0x38;
	[tilespmem:$0x11680] =	vst v63  }
0x263: {  	s8 =	simm.s32 $0xCC80;
	s5 =	rddreg [dreg:$0x12]  }
0x264: {  	[hbm4b:s7+s31] =	stream.strided.scatter [tilespmem:s8], [sflag:$0x1], $0x200, s0, s31, $0x38;
	[tilespmem:$0x11680] =	vst v63  }
0x265: {  	s6 =	simm.s32 $0xCE80;
	s7 =	rddreg [dreg:$0x13]  }
0x266: {  	[hbm4b:s5+s31] =	stream.strided.scatter [tilespmem:s6], [sflag:$0x1], $0x200, s0, s31, $0x38;
	[tilespmem:$0x11680] =	vst v63  }
0x267: {  	s8 =	simm.s32 $0xD080;
	s5 =	rddreg [dreg:$0x14]  }
0x268: {  	[hbm4b:s7+s31] =	stream.strided.scatter [tilespmem:s8], [sflag:$0x1], $0x200, s0, s31, $0x38;
	[tilespmem:$0x11680] =	vst v63  }
0x269: {  	s6 =	simm.s32 $0xD280;
	s7 =	rddreg [dreg:$0x15]  }
0x26a: {  	[hbm4b:s5+s31] =	stream.strided.scatter [tilespmem:s6], [sflag:$0x1], $0x200, s0, s31, $0x38;
	[tilespmem:$0x11680] =	vst v63  }
0x26b: {  	s8 =	simm.s32 $0xD480;
	s5 =	rddreg [dreg:$0x16]  }
0x26c: {  	[hbm4b:s7+s31] =	stream.strided.scatter [tilespmem:s8], [sflag:$0x1], $0x200, s0, s31, $0x38;
	[tilespmem:$0x11680] =	vst v63  }
0x26d: {  	s6 =	simm.s32 $0xD680;
	s7 =	rddreg [dreg:$0x17]  }
0x26e: {  	[hbm4b:s5+s31] =	stream.strided.scatter [tilespmem:s6], [sflag:$0x1], $0x200, s0, s31, $0x38;
	[tilespmem:$0x11680] =	vst v63  }
0x26f: {  	s8 =	simm.s32 $0xD880;
	s5 =	rddreg [dreg:$0x19]  }
0x270: {  	[hbm4b:s7+s31] =	stream.strided.scatter [tilespmem:s8], [sflag:$0x1], $0x200, s0, s31, $0x38;
	[tilespmem:$0x11680] =	vst v63  }
0x271: {  	s6 =	simm.s32 $0xDA80;
	s7 =	rddreg [dreg:$0x1a]  }
0x272: {  	[hbm4b:s5+s31] =	stream.strided.scatter [tilespmem:s6], [sflag:$0x1], $0x200, s0, s31, $0x38;
	[tilespmem:$0x11680] =	vst v63  }
0x273: {  	s8 =	simm.s32 $0xDC80;
	s5 =	rddreg [dreg:$0x1b]  }
0x274: {  	[hbm4b:s7+s31] =	stream.strided.scatter [tilespmem:s8], [sflag:$0x1], $0x200, s0, s31, $0x38;
	[tilespmem:$0x11680] =	vst v63  }
0x275: {  	s6 =	simm.s32 $0xDE80;
	s7 =	rddreg [dreg:$0x1c]  }
0x276: {  	[hbm4b:s5+s31] =	stream.strided.scatter [tilespmem:s6], [sflag:$0x1], $0x200, s0, s31, $0x38;
	[tilespmem:$0x11680] =	vst v63  }
0x277: {  	s8 =	simm.s32 $0xE080;
	s5 =	rddreg [dreg:$0x1d]  }
0x278: {  	[hbm4b:s7+s31] =	stream.strided.scatter [tilespmem:s8], [sflag:$0x1], $0x200, s0, s31, $0x38;
	[tilespmem:$0x11680] =	vst v63  }
0x279: {  	s6 =	simm.s32 $0xE280;
	s7 =	rddreg [dreg:$0x1e]  }
0x27a: {  	[hbm4b:s5+s31] =	stream.strided.scatter [tilespmem:s6], [sflag:$0x1], $0x200, s0, s31, $0x38;
	[tilespmem:$0x11680] =	vst v63  }
0x27b: {  	s8 =	simm.s32 $0xE480;
	s5 =	rddreg [dreg:$0x1f]  }
0x27c: {  	[hbm4b:s7+s31] =	stream.strided.scatter [tilespmem:s8], [sflag:$0x1], $0x200, s0, s31, $0x38;
	[tilespmem:$0x11680] =	vst v63  }
0x27d: {  	s6 =	simm.s32 $0xE680;
	s7 =	sld [smem:$0x7F8]  }
0x27e: {  	[hbm4b:s5+s31] =	stream.strided.scatter [tilespmem:s6], [sflag:$0x1], $0x200, s0, s31, $0x38;
	[tilespmem:$0x11680] =	vst v63  }
0x27f: {  	s8 =	simm.s32 $0xE880;
	s5 =	sld [smem:$0x7F9]  }
0x280: {  	[hbm4b:s7+s31] =	stream.strided.scatter [tilespmem:s8], [sflag:$0x1], $0x200, s0, s31, $0x38;
	[tilespmem:$0x11680] =	vst v63  }
0x281: {  	s6 =	simm.s32 $0xEA80;
	s7 =	sld [smem:$0x7FA]  }
0x282: {  	[hbm4b:s5+s31] =	stream.strided.scatter [tilespmem:s6], [sflag:$0x1], $0x200, s0, s31, $0x38;
	[tilespmem:$0x11680] =	vst v63  }
0x283: {  	s8 =	simm.s32 $0xEC80;
	s5 =	sld [smem:$0x7FB]  }
0x284: {  	[hbm4b:s7+s31] =	stream.strided.scatter [tilespmem:s8], [sflag:$0x1], $0x200, s0, s31, $0x38;
	[tilespmem:$0x11680] =	vst v63  }
0x285: {  	s6 =	simm.s32 $0xEE80;
	s7 =	sld [smem:$0x7FC]  }
0x286: {  	[hbm4b:s5+s31] =	stream.strided.scatter [tilespmem:s6], [sflag:$0x1], $0x200, s0, s31, $0x38;
	[tilespmem:$0x11680] =	vst v63  }
0x287: {  	s8 =	simm.s32 $0xF080;
	s5 =	sld [smem:$0x7FD]  }
0x288: {  	[hbm4b:s7+s31] =	stream.strided.scatter [tilespmem:s8], [sflag:$0x1], $0x200, s0, s31, $0x38;
	[tilespmem:$0x11680] =	vst v63  }
0x289: {  	s6 =	simm.s32 $0xF280  }
0x28a: {  	[hbm4b:s5+s31] =	stream.strided.scatter [tilespmem:s6], [sflag:$0x1], $0x200, s0, s31, $0x38;
	[tilespmem:$0x11680] =	vst v63  }
0x28b: {  	s7 =	simm.s32 $0xF480  }
0x28c: {  	[hbm4b:s9+s31] =	stream.strided.scatter [tilespmem:s7], [sflag:$0x1], $0x200, s0, s31, $0x38;
	[tilespmem:$0x11680] =	vst v63  }
0x28d: {  	s8 =	simm.s32 $0xF680  }
0x28e: {  	[hbm4b:s10+s31] =	stream.strided.scatter [tilespmem:s8], [sflag:$0x1], $0x200, s0, s31, $0x38;
	[tilespmem:$0x11680] =	vst v63  }
0x28f: {  	s5 =	simm.s32 $0xF880  }
0x290: {  	[hbm4b:s11+s31] =	stream.strided.scatter [tilespmem:s5], [sflag:$0x1], $0x200, s0, s31, $0x38;
	[tilespmem:$0x11680] =	vst v63  }
0x291: {  	s6 =	simm.s32 $0xFA80  }
0x292: {  	[hbm4b:s12+s31] =	stream.strided.scatter [tilespmem:s6], [sflag:$0x1], $0x200, s0, s31, $0x38;
	[tilespmem:$0x11680] =	vst v63  }
0x293: {  	s7 =	simm.s32 $0xFC80  }
0x294: {  	[hbm4b:s13+s31] =	stream.strided.scatter [tilespmem:s7], [sflag:$0x1], $0x200, s0, s31, $0x38;
	[tilespmem:$0x11680] =	vst v63  }
0x295: {  	s8 =	simm.s32 $0xFE80  }
0x296: {  	[hbm4b:s14+s31] =	stream.strided.scatter [tilespmem:s8], [sflag:$0x1], $0x200, s0, s31, $0x38;
	[tilespmem:$0x11680] =	vst v63  }
0x297: {  	s5 =	simm.s32 $0x10080  }
0x298: {  	[hbm4b:s15+s31] =	stream.strided.scatter [tilespmem:s5], [sflag:$0x1], $0x200, s0, s31, $0x38;
	[tilespmem:$0x11680] =	vst v63  }
0x299: {  	s6 =	simm.s32 $0x10280  }
0x29a: {  	[hbm4b:s16+s31] =	stream.strided.scatter [tilespmem:s6], [sflag:$0x1], $0x200, s0, s31, $0x38;
	[tilespmem:$0x11680] =	vst v63  }
0x29b: {  	s7 =	simm.s32 $0x10480  }
0x29c: {  	[hbm4b:s17+s31] =	stream.strided.scatter [tilespmem:s7], [sflag:$0x1], $0x200, s0, s31, $0x38;
	[tilespmem:$0x11680] =	vst v63  }
0x29d: {  	s8 =	simm.s32 $0x10680  }
0x29e: {  	[hbm4b:s18+s31] =	stream.strided.scatter [tilespmem:s8], [sflag:$0x1], $0x200, s0, s31, $0x38;
	[tilespmem:$0x11680] =	vst v63  }
0x29f: {  	s5 =	simm.s32 $0x10880  }
0x2a0: {  	[hbm4b:s19+s31] =	stream.strided.scatter [tilespmem:s5], [sflag:$0x1], $0x200, s0, s31, $0x38;
	[tilespmem:$0x11680] =	vst v63  }
0x2a1: {  	s6 =	simm.s32 $0x10A80  }
0x2a2: {  	[hbm4b:s20+s31] =	stream.strided.scatter [tilespmem:s6], [sflag:$0x1], $0x200, s0, s31, $0x38;
	[tilespmem:$0x11680] =	vst v63  }
0x2a3: {  	s7 =	simm.s32 $0x10C80  }
0x2a4: {  	[hbm4b:s21+s31] =	stream.strided.scatter [tilespmem:s7], [sflag:$0x1], $0x200, s0, s31, $0x38;
	[tilespmem:$0x11680] =	vst v63  }
0x2a5: {  	s8 =	simm.s32 $0x10E80  }
0x2a6: {  	[hbm4b:s22+s31] =	stream.strided.scatter [tilespmem:s8], [sflag:$0x1], $0x200, s0, s31, $0x38;
	[tilespmem:$0x11680] =	vst v63  }
0x2a7: {  	s5 =	simm.s32 $0x11080  }
0x2a8: {  	[hbm4b:s23+s31] =	stream.strided.scatter [tilespmem:s5], [sflag:$0x1], $0x200, s0, s31, $0x38;
	[tilespmem:$0x11680] =	vst v63  }
0x2a9: {  	s6 =	simm.s32 $0x11280  }
0x2aa: {  	[hbm4b:s24+s31] =	stream.strided.scatter [tilespmem:s6], [sflag:$0x1], $0x200, s0, s31, $0x38;
	[tilespmem:$0x11680] =	vst v63  }
0x2ab: {  	s7 =	simm.s32 $0x11480  }
0x2ac: {  	[hbm4b:s25+s31] =	stream.strided.scatter [tilespmem:s7], [sflag:$0x1], $0x200, s0, s31, $0x38;
	[tilespmem:$0x11680] =	vst v63  }
0x2ad: {  	_ =	swait.ge [sflag:s1], $0x200  }
0x2ae: {  	[sflag:s1] =	ssyncset.done $0x0  }
0x2af: {  	[sflag:s1] =	ssyncadd.s32 $0xFFFFFE00  }
0x2b0: {  	_ =	swait.ge [sflag:s1], $0x200  }
0x2b1: {  	[sflag:s1] =	ssyncset.done $0x0  }
0x2b2: {  	[sflag:s1] =	ssyncadd.s32 $0xFFFFFE00  }
0x2b3: {  	_ =	swait.ge [sflag:s1], $0x200  }
0x2b4: {  	[sflag:s1] =	ssyncset.done $0x0  }
0x2b5: {  	[sflag:s1] =	ssyncadd.s32 $0xFFFFFE00  }
0x2b6: {  	_ =	swait.ge [sflag:s1], $0x200  }
0x2b7: {  	[sflag:s1] =	ssyncset.done $0x0  }
0x2b8: {  	[sflag:s1] =	ssyncadd.s32 $0xFFFFFE00  }
0x2b9: {  	_ =	swait.ge [sflag:s1], $0x200  }
0x2ba: {  	[sflag:s1] =	ssyncset.done $0x0  }
0x2bb: {  	[sflag:s1] =	ssyncadd.s32 $0xFFFFFE00  }
0x2bc: {  	_ =	swait.ge [sflag:s1], $0x200  }
0x2bd: {  	[sflag:s1] =	ssyncset.done $0x0  }
0x2be: {  	[sflag:s1] =	ssyncadd.s32 $0xFFFFFE00  }
0x2bf: {  	_ =	swait.ge [sflag:s1], $0x200  }
0x2c0: {  	[sflag:s1] =	ssyncset.done $0x0  }
0x2c1: {  	[sflag:s1] =	ssyncadd.s32 $0xFFFFFE00  }
0x2c2: {  	_ =	swait.ge [sflag:s1], $0x200  }
0x2c3: {  	[sflag:s1] =	ssyncset.done $0x0  }
0x2c4: {  	[sflag:s1] =	ssyncadd.s32 $0xFFFFFE00  }
0x2c5: {  	_ =	swait.ge [sflag:s1], $0x200  }
0x2c6: {  	[sflag:s1] =	ssyncset.done $0x0  }
0x2c7: {  	[sflag:s1] =	ssyncadd.s32 $0xFFFFFE00  }
0x2c8: {  	_ =	swait.ge [sflag:s1], $0x200  }
0x2c9: {  	[sflag:s1] =	ssyncset.done $0x0  }
0x2ca: {  	[sflag:s1] =	ssyncadd.s32 $0xFFFFFE00  }
0x2cb: {  	_ =	swait.ge [sflag:s1], $0x200  }
0x2cc: {  	[sflag:s1] =	ssyncset.done $0x0  }
0x2cd: {  	[sflag:s1] =	ssyncadd.s32 $0xFFFFFE00  }
0x2ce: {  	_ =	swait.ge [sflag:s1], $0x200  }
0x2cf: {  	[sflag:s1] =	ssyncset.done $0x0  }
0x2d0: {  	[sflag:s1] =	ssyncadd.s32 $0xFFFFFE00  }
0x2d1: {  	_ =	swait.ge [sflag:s1], $0x200  }
0x2d2: {  	[sflag:s1] =	ssyncset.done $0x0  }
0x2d3: {  	[sflag:s1] =	ssyncadd.s32 $0xFFFFFE00  }
0x2d4: {  	_ =	swait.ge [sflag:s1], $0x200  }
0x2d5: {  	[sflag:s1] =	ssyncset.done $0x0  }
0x2d6: {  	[sflag:s1] =	ssyncadd.s32 $0xFFFFFE00  }
0x2d7: {  	_ =	swait.ge [sflag:s1], $0x200  }
0x2d8: {  	[sflag:s1] =	ssyncset.done $0x0  }
0x2d9: {  	[sflag:s1] =	ssyncadd.s32 $0xFFFFFE00  }
0x2da: {  	_ =	swait.ge [sflag:s1], $0x200  }
0x2db: {  	[sflag:s1] =	ssyncset.done $0x0  }
0x2dc: {  	[sflag:s1] =	ssyncadd.s32 $0xFFFFFE00  }
0x2dd: {  	_ =	swait.ge [sflag:s1], $0x200  }
0x2de: {  	[sflag:s1] =	ssyncset.done $0x0  }
0x2df: {  	[sflag:s1] =	ssyncadd.s32 $0xFFFFFE00  }
0x2e0: {  	_ =	swait.ge [sflag:s1], $0x200  }
0x2e1: {  	[sflag:s1] =	ssyncset.done $0x0  }
0x2e2: {  	[sflag:s1] =	ssyncadd.s32 $0xFFFFFE00  }
0x2e3: {  	_ =	swait.ge [sflag:s1], $0x200  }
0x2e4: {  	[sflag:s1] =	ssyncset.done $0x0  }
0x2e5: {  	[sflag:s1] =	ssyncadd.s32 $0xFFFFFE00  }
0x2e6: {  	_ =	swait.ge [sflag:s1], $0x200  }
0x2e7: {  	[sflag:s1] =	ssyncset.done $0x0  }
0x2e8: {  	[sflag:s1] =	ssyncadd.s32 $0xFFFFFE00  }
0x2e9: {  	_ =	swait.ge [sflag:s1], $0x200  }
0x2ea: {  	[sflag:s1] =	ssyncset.done $0x0  }
0x2eb: {  	[sflag:s1] =	ssyncadd.s32 $0xFFFFFE00  }
0x2ec: {  	_ =	swait.ge [sflag:s1], $0x200  }
0x2ed: {  	[sflag:s1] =	ssyncset.done $0x0  }
0x2ee: {  	[sflag:s1] =	ssyncadd.s32 $0xFFFFFE00  }
0x2ef: {  	_ =	swait.ge [sflag:s1], $0x200  }
0x2f0: {  	[sflag:s1] =	ssyncset.done $0x0  }
0x2f1: {  	[sflag:s1] =	ssyncadd.s32 $0xFFFFFE00  }
0x2f2: {  	_ =	swait.ge [sflag:s1], $0x200  }
0x2f3: {  	[sflag:s1] =	ssyncset.done $0x0  }
0x2f4: {  	[sflag:s1] =	ssyncadd.s32 $0xFFFFFE00  }
0x2f5: {  	_ =	swait.ge [sflag:s1], $0x200  }
0x2f6: {  	[sflag:s1] =	ssyncset.done $0x0  }
0x2f7: {  	[sflag:s1] =	ssyncadd.s32 $0xFFFFFE00  }
0x2f8: {  	_ =	swait.ge [sflag:s1], $0x200  }
0x2f9: {  	[sflag:s1] =	ssyncset.done $0x0  }
0x2fa: {  	[sflag:s1] =	ssyncadd.s32 $0xFFFFFE00  }
0x2fb: {  	_ =	swait.ge [sflag:s1], $0x200  }
0x2fc: {  	[sflag:s1] =	ssyncset.done $0x0  }
0x2fd: {  	[sflag:s1] =	ssyncadd.s32 $0xFFFFFE00  }
0x2fe: {  	_ =	swait.ge [sflag:s1], $0x200  }
0x2ff: {  	[sflag:s1] =	ssyncset.done $0x0  }
0x300: {  	[sflag:s1] =	ssyncadd.s32 $0xFFFFFE00  }
0x301: {  	_ =	swait.ge [sflag:s1], $0x200  }
0x302: {  	[sflag:s1] =	ssyncset.done $0x0  }
0x303: {  	[sflag:s1] =	ssyncadd.s32 $0xFFFFFE00  }
0x304: {  	_ =	swait.ge [sflag:s1], $0x200  }
0x305: {  	[sflag:s1] =	ssyncset.done $0x0  }
0x306: {  	[sflag:s1] =	ssyncadd.s32 $0xFFFFFE00  }
0x307: {  	_ =	swait.ge [sflag:s1], $0x200  }
0x308: {  	[sflag:s1] =	ssyncset.done $0x0  }
0x309: {  	[sflag:s1] =	ssyncadd.s32 $0xFFFFFE00  }
0x30a: {  	_ =	swait.ge [sflag:s1], $0x200  }
0x30b: {  	[sflag:s1] =	ssyncset.done $0x0  }
0x30c: {  	[sflag:s1] =	ssyncadd.s32 $0xFFFFFE00  }
0x30d: {  	_ =	swait.ge [sflag:s1], $0x200  }
0x30e: {  	[sflag:s1] =	ssyncset.done $0x0  }
0x30f: {  	[sflag:s1] =	ssyncadd.s32 $0xFFFFFE00  }
0x310: {  	_ =	swait.ge [sflag:s1], $0x200  }
0x311: {  	[sflag:s1] =	ssyncset.done $0x0  }
0x312: {  	[sflag:s1] =	ssyncadd.s32 $0xFFFFFE00  }
0x313: {  	_ =	swait.ge [sflag:s1], $0x200  }
0x314: {  	[sflag:s1] =	ssyncset.done $0x0  }
0x315: {  	[sflag:s1] =	ssyncadd.s32 $0xFFFFFE00  }
0x316: {  	_ =	swait.ge [sflag:s1], $0x200  }
0x317: {  	[sflag:s1] =	ssyncset.done $0x0  }
0x318: {  	[sflag:s1] =	ssyncadd.s32 $0xFFFFFE00  }
0x319: {  	_ =	swait.ge [sflag:s1], $0x200  }
0x31a: {  	[sflag:s1] =	ssyncset.done $0x0  }
0x31b: {  	[sflag:s1] =	ssyncadd.s32 $0xFFFFFE00  }
0x31c: {  	_ =	swait.ge [sflag:s1], $0x200  }
0x31d: {  	[sflag:s1] =	ssyncset.done $0x0  }
0x31e: {  	[sflag:s1] =	ssyncadd.s32 $0xFFFFFE00  }
0x31f: {  	_ =	swait.ge [sflag:s1], $0x200  }
0x320: {  	[sflag:s1] =	ssyncset.done $0x0  }
0x321: {  	[sflag:s1] =	ssyncadd.s32 $0xFFFFFE00  }
0x322: {  	_ =	swait.ge [sflag:s1], $0x200  }
0x323: {  	[sflag:s1] =	ssyncset.done $0x0  }
0x324: {  	[sflag:s1] =	ssyncadd.s32 $0xFFFFFE00  }
0x325: {  	_ =	swait.ge [sflag:s1], $0x200  }
0x326: {  	[sflag:s1] =	ssyncset.done $0x0  }
0x327: {  	[sflag:s1] =	ssyncadd.s32 $0xFFFFFE00  }
0x328: {  	_ =	swait.ge [sflag:s1], $0x200  }
0x329: {  	[sflag:s1] =	ssyncset.done $0x0  }
0x32a: {  	[sflag:s1] =	ssyncadd.s32 $0xFFFFFE00  }
0x32b: {  	_ =	swait.ge [sflag:s1], $0x200  }
0x32c: {  	[sflag:s1] =	ssyncset.done $0x0  }
0x32d: {  	[sflag:s1] =	ssyncadd.s32 $0xFFFFFE00  }
0x32e: {  	_ =	swait.ge [sflag:s1], $0x200  }
0x32f: {  	[sflag:s1] =	ssyncset.done $0x0  }
0x330: {  	[sflag:s1] =	ssyncadd.s32 $0xFFFFFE00  }
0x331: {  	_ =	swait.ge [sflag:s1], $0x200  }
0x332: {  	[sflag:s1] =	ssyncset.done $0x0  }
0x333: {  	[sflag:s1] =	ssyncadd.s32 $0xFFFFFE00  }
0x334: {  	_ =	swait.ge [sflag:s1], $0x200  }
0x335: {  	[sflag:s1] =	ssyncset.done $0x0  }
0x336: {  	[sflag:s1] =	ssyncadd.s32 $0xFFFFFE00  }
0x337: {  	_ =	swait.ge [sflag:s1], $0x200  }
0x338: {  	[sflag:s1] =	ssyncset.done $0x0  }
0x339: {  	[sflag:s1] =	ssyncadd.s32 $0xFFFFFE00  }
0x33a: {  	_ =	swait.ge [sflag:s1], $0x200  }
0x33b: {  	[sflag:s1] =	ssyncset.done $0x0  }
0x33c: {  	[sflag:s1] =	ssyncadd.s32 $0xFFFFFE00  }
0x33d: {  	_ =	swait.ge [sflag:s1], $0x200  }
0x33e: {  	[sflag:s1] =	ssyncset.done $0x0  }
0x33f: {  	[sflag:s1] =	ssyncadd.s32 $0xFFFFFE00  }
0x340: {  	_ =	swait.ge [sflag:s1], $0x200  }
0x341: {  	s2 =	sadd.s32 $0x1, s2;
	s8 =	rddreg [dreg:$0x18]  }
0x342: {  	p0 =	sne.s32 s2, s8  }
.Ltmp1:
0x343: {  	_ = 	snop;
	(pc) =	sbr.rel @p0 .LBB2_1-.Ltmp1, $3  }
0x344: {  	_ =	sdelay $0x1  }
0x345: {  	[sflag:s1] =	ssyncset.done $0x0  }
0x346: {  	[sflag:s1] =	ssyncadd.s32 $0xFFFFFE00  }
0x347: {  	_ =	sfence.sel $0x180000  }
0x348: {  	[bflag:$0x0] =	sbarrier.arrive $0xFFFF  }
0x349: {  	_ =	strace $0x90000047  }
0x34a: {  	s0 =	stileid.u32;
	[bflag:$0x2] =	sbarrier.arrive $0xFFFF  }
0x34b: {  	p0 =	sne.s32 s0, $0x0;
	s0 =	rddreg [dreg:$0x2]  }
0x34c: {  	s0 =	sadd.s32 @!p0 $0x100000, s0  }
0x34d: {  	[sflag:s0] =	ssyncadd.tile.s32 @!p0 $0x1;
	_ =	shalt  }
.Lfunc_end2:
_tile_overlayer_lowered:
.L_overlay_start_2:
0x34e: {  	(tag) =	ssettag $0x2  }
0x34f: {  	s0 =	rddreg [dreg:$0x0];
	s2 =	stileid.u32  }
0x350: {  	s1 =	rddreg [dreg:$0x1];
	p0 =	sne.s32 s2, $0x0  }
0x351: {  	s3 =	rddreg [dreg:$0x2];
	[bflag:$0x3] =	sbarrier.arrive $0xFFFF;
	s2 =	simm.s32 @!p0 $0x1C02  }
0x352: {  	[timem:s3], [sflag:s2] =	dma.local @!p0 [hbm:s0], s1  }
0x353: {  	s0 =	simm.s32 @!p0 $0x2  }
0x354: {  	_ =	swait.ge @!p0 [sflag:s0], s1  }
0x355: {  	s1 =	ssub.s32 @!p0 $0x0, s1;
	[sflag:s0] =	ssyncset.done @!p0 $0x0  }
0x356: {  	[sflag:s0] =	ssyncadd.s32 @!p0 s1  }
0x357: {  	[bflag:$0x3] =	sbarrier.arrive $0xFFFF  }
0x358: {  	_ =	shalt  }

</sc_bundles>
